<compile_context>
chip_gen: v7x
topology: tpu7x:2x2x1
jax: 0.10.2.dev20260603
libtpu: 0.0.44.dev20260713+nightly
codegen_flags: <defaults>
</compile_context>

<pallas_src>
import functools

import jax
import jax.numpy as jnp
from jax import lax
from jax.experimental import pallas as pl
from jax.experimental.pallas import tpu as pltpu
from jax.experimental.pallas import tpu_sc as plsc

_MAX_LEN = 2048
_NUM_HEADS = 16
_SEQ = 2048
_ROW = 4096
_NSHIFT = 8
_NW = 32
_ROWS_PER_W = _NUM_HEADS * _SEQ // _NW
_LANE = 128
_NT = _SEQ // _LANE


def _sc_expand(ext_flat):
    mesh = plsc.VectorSubcoreMesh(core_axis_name="c", subcore_axis_name="s")

    @functools.partial(
        pl.kernel,
        mesh=mesh,
        out_type=jax.ShapeDtypeStruct((_NUM_HEADS * _SEQ * _SEQ,), jnp.float32),
        scratch_types=[
            pltpu.VMEM((_NSHIFT * _ROW,), jnp.float32),
            pltpu.SemaphoreType.DMA,
        ],
    )
    def k(ext_hbm, out_hbm, ext_v, sem):
        wid = lax.axis_index("s") * 2 + lax.axis_index("c")
        head = wid // 2
        mbase = (wid % 2) * (_ROWS_PER_W // _NSHIFT)
        pltpu.sync_copy(
            ext_hbm.at[pl.ds(head * (_NSHIFT * _ROW), _NSHIFT * _ROW)], ext_v)

        def fire(g):
            m = mbase + g
            src0 = (_SEQ - _NSHIFT) - _NSHIFT * m
            dst0 = head * (_SEQ * _SEQ) + m * (_NSHIFT * _SEQ)
            for t in range(_NT):
                for s in range(_NSHIFT):
                    pltpu.async_copy(
                        ext_v.at[pl.ds(s * _ROW + src0 + _LANE * t, _LANE)],
                        out_hbm.at[pl.ds(dst0 + t * (_NSHIFT * _LANE)
                                         + s * _LANE, _LANE)],
                        sem,
                    )

        def drain_one_group():
            pltpu.make_async_copy(
                ext_hbm.at[pl.ds(0, _NSHIFT * _SEQ)],
                ext_v.at[pl.ds(0, _NSHIFT * _SEQ)],
                sem,
            ).wait()

        fire(0)

        def body(g, carry):
            fire(g)
            drain_one_group()
            return carry

        lax.fori_loop(1, _ROWS_PER_W // _NSHIFT, body, 0)
        drain_one_group()

    return k(ext_flat)


def kernel(seqlen, bias):
    del seqlen
    bias_pad = jnp.pad(bias, ((0, 0), (0, _ROW + _NSHIFT - bias.shape[1])))
    ext = jnp.stack(
        [bias_pad[:, 7 - p : 7 - p + _ROW] for p in range(_NSHIFT)], axis=1
    )
    y = _sc_expand(ext.reshape(-1))
    y = y.reshape(_NUM_HEADS, _SEQ // _NSHIFT, _NT, _NSHIFT, _LANE)
    y = y.transpose(0, 1, 3, 2, 4)
    return y.reshape(_NUM_HEADS, _SEQ, _SEQ)

# --- scband reference (transcript-rebuilt; emitter-appended) ---
"""Pipeline reference for scband-relative-bias-23407571764078 (READ-ONLY COPY).

The authoritative reference and input builder live on the scoring server;
editing this copy changes nothing except your own understanding.
"""

import jax, jax.numpy as jnp
import numpy as np

MAX_LEN = 2048
NUM_HEADS = 16

def setup_inputs(seed: int = 0) -> dict:
    key = jax.random.key(seed)
    size = 2 * MAX_LEN - 1
    bias = jax.random.normal(key, (NUM_HEADS, size), dtype=jnp.float32) * 0.02
    return {"seqlen": 2048, "bias": bias}

def reference(seqlen, bias):
    static_len = (bias.shape[1] + 1) // 2
    idx = jnp.arange(static_len) + seqlen * 0
    rel = idx[None, :] - idx[:, None]
    rel = rel + (MAX_LEN - 1)
    rel = jnp.clip(rel, 0, 2 * MAX_LEN - 2)
    # gather: bias[:, rel] -> [num_heads, seqlen, seqlen]
    out = jnp.take(bias, rel, axis=1)
    return out

if __name__ == "__main__":
    import jax
    _d = setup_inputs()
    print(jax.jit(kernel)(*tuple(_d.values())))

</pallas_src>

<mosaic_0001>
#map = affine_map<(d0, d1) -> (0)>
module attributes {stable_mosaic.version = 14 : i64} {
  func.func @k(%arg0: i32, %arg1: i32, %arg2: memref<524288xf32, #tpu.memory_space<hbm>>, %arg3: memref<67108864xf32, #tpu.memory_space<hbm>>, %arg4: memref<32768xf32, #tpu.memory_space<vmem>>, %arg5: memref<!tpu.dma_semaphore, #tpu.memory_space<semaphore_mem>>) attributes {dimension_semantics = [#tpu.dimension_semantics<core_parallel>, #tpu.dimension_semantics<subcore_parallel>], iteration_bounds = array<i64: 2, 16>, scalar_prefetch = 0 : i64, scratch_operands = 2 : i64, tpu.core_type = #tpu.core_type<sc_vector_subcore>, window_params = [{transform_indices = #map}, {transform_indices = #map}]} {
    %mul3A = arith.constant 2 : i32
    %mul3A_0 = arith.muli %arg1, %mul3A : i32
    %add3A = arith.addi %mul3A_0, %arg0 : i32
    %jit3A = arith.constant 2 : i32
    %div3A = arith.divsi %add3A, %jit3A : i32
    %sign3A = arith.constant 0 : i32
    %sign3A_1 = arith.cmpi sgt, %add3A, %sign3A : i32
    %sign3A_2 = arith.extui %sign3A_1 : i1 to i32
    %sign3A_3 = arith.constant 0 : i32
    %sign3A_4 = arith.cmpi slt, %add3A, %sign3A_3 : i32
    %sign3A_5 = arith.extui %sign3A_4 : i1 to i32
    %sign3A_6 = arith.subi %sign3A_2, %sign3A_5 : i32
    %sign3A_7 = arith.constant 0 : i32
    %sign3A_8 = arith.cmpi sgt, %jit3A, %sign3A_7 : i32
    %sign3A_9 = arith.extui %sign3A_8 : i1 to i32
    %sign3A_10 = arith.constant 0 : i32
    %sign3A_11 = arith.cmpi slt, %jit3A, %sign3A_10 : i32
    %sign3A_12 = arith.extui %sign3A_11 : i1 to i32
    %sign3A_13 = arith.subi %sign3A_9, %sign3A_12 : i32
    %ne3A = arith.cmpi ne, %sign3A_6, %sign3A_13 : i32
    %rem3A = arith.remsi %add3A, %jit3A : i32
    %ne3A_14 = arith.constant 0 : i32
    %ne3A_15 = arith.cmpi ne, %rem3A, %ne3A_14 : i32
    %and3A = arith.andi %ne3A, %ne3A_15 : i1
    %sub3A = arith.constant 1 : i32
    %sub3A_16 = arith.subi %div3A, %sub3A : i32
    %select_n3A = arith.select %and3A, %sub3A_16, %div3A : i32
    %jit3A_17 = arith.constant 2 : i32
    %eq3A = arith.constant 0 : i32
    %eq3A_18 = arith.cmpi eq, %jit3A_17, %eq3A : i32
    %jit3A_19 = arith.constant 1 : i32
    %select_n3A_20 = arith.select %eq3A_18, %jit3A_19, %jit3A_17 : i32
    %rem3A_21 = arith.remsi %add3A, %select_n3A_20 : i32
    %ne3A_22 = arith.constant 0 : i32
    %ne3A_23 = arith.cmpi ne, %rem3A_21, %ne3A_22 : i32
    %lt3A = arith.constant 0 : i32
    %lt3A_24 = arith.cmpi slt, %rem3A_21, %lt3A : i32
    %lt3A_25 = arith.constant 0 : i32
    %lt3A_26 = arith.cmpi slt, %select_n3A_20, %lt3A_25 : i32
    %ne3A_27 = arith.xori %lt3A_24, %lt3A_26 : i1
    %and3A_28 = arith.andi %ne3A_27, %ne3A_23 : i1
    %add3A_29 = arith.addi %rem3A_21, %select_n3A_20 : i32
    %select_n3A_30 = arith.select %and3A_28, %add3A_29, %rem3A_21 : i32
    %mul3A_31 = arith.constant 128 : i32
    %mul3A_32 = arith.muli %select_n3A_30, %mul3A_31 : i32
    %mul3A_33 = arith.constant 32768 : i32
    %mul3A_34 = arith.muli %select_n3A, %mul3A_33 : i32
    "tpu.region"() ({
      %run_scoped3A = tpu.sem_alloc : memref<!tpu.dma_semaphore, #tpu.memory_space<semaphore_mem>>
      %dma_start3A_1593 = tpu.memref_slice %arg2[%mul3A_34] : memref<524288xf32, #tpu.memory_space<hbm>> -> memref<32768xf32, #tpu.memory_space<hbm>>
      %dma_start3A_1594 = tpu.memref_slice %arg2[%mul3A_34] : memref<524288xf32, #tpu.memory_space<hbm>> -> memref<32768xf32, #tpu.memory_space<hbm>>
      tpu.enqueue_dma source(%dma_start3A_1594 : memref<32768xf32, #tpu.memory_space<hbm>>) target(%arg4 : memref<32768xf32, #tpu.memory_space<vmem>>) target_semaphore(%run_scoped3A : memref<!tpu.dma_semaphore, #tpu.memory_space<semaphore_mem>>)
      %dma_wait3A_1595 = tpu.memref_slice %arg2[%mul3A_34] : memref<524288xf32, #tpu.memory_space<hbm>> -> memref<32768xf32, #tpu.memory_space<hbm>>
      %dma_wait3A_1596 = tpu.memref_slice %arg2[%mul3A_34] : memref<524288xf32, #tpu.memory_space<hbm>> -> memref<32768xf32, #tpu.memory_space<hbm>>
      tpu.wait_dma2 semaphore(%run_scoped3A : memref<!tpu.dma_semaphore, #tpu.memory_space<semaphore_mem>>) src(%dma_wait3A_1596 : memref<32768xf32, #tpu.memory_space<hbm>>) dst(%arg4 : memref<32768xf32, #tpu.memory_space<vmem>>)
      tpu.yield
    }) : () -> ()
    %add3A_35 = arith.constant 0 : i32
    %add3A_36 = arith.addi %mul3A_32, %add3A_35 : i32
    %mul3A_37 = arith.constant 8 : i32
    %mul3A_38 = arith.muli %mul3A_37, %add3A_36 : i32
    %sub3A_39 = arith.constant 2040 : i32
    %sub3A_40 = arith.subi %sub3A_39, %mul3A_38 : i32
    %mul3A_41 = arith.constant 4194304 : i32
    %mul3A_42 = arith.muli %select_n3A, %mul3A_41 : i32
    %mul3A_43 = arith.constant 16384 : i32
    %mul3A_44 = arith.muli %add3A_36, %mul3A_43 : i32
    %add3A_45 = arith.addi %mul3A_42, %mul3A_44 : i32
    %add3A_46 = arith.constant 0 : i32
    %add3A_47 = arith.addi %add3A_46, %sub3A_40 : i32
    %add3A_48 = arith.constant 0 : i32
    %add3A_49 = arith.addi %add3A_47, %add3A_48 : i32
    %add3A_50 = arith.constant 0 : i32
    %add3A_51 = arith.addi %add3A_45, %add3A_50 : i32
    %add3A_52 = arith.constant 0 : i32
    %add3A_53 = arith.addi %add3A_51, %add3A_52 : i32
    %dma_start3A = tpu.memref_slice %arg4[%add3A_49] : memref<32768xf32, #tpu.memory_space<vmem>> -> memref<128xf32, #tpu.memory_space<vmem>>
    %dma_start3A_54 = tpu.memref_slice %arg3[%add3A_53] : memref<67108864xf32, #tpu.memory_space<hbm>> -> memref<128xf32, #tpu.memory_space<hbm>>
    %dma_start3A_55 = tpu.memref_slice %arg3[%add3A_53] : memref<67108864xf32, #tpu.memory_space<hbm>> -> memref<128xf32, #tpu.memory_space<hbm>>
    %dma_start3A_56 = tpu.memref_slice %arg4[%add3A_49] : memref<32768xf32, #tpu.memory_space<vmem>> -> memref<128xf32, #tpu.memory_space<vmem>>
    tpu.enqueue_dma source(%dma_start3A_56 : memref<128xf32, #tpu.memory_space<vmem>>) target(%dma_start3A_55 : memref<128xf32, #tpu.memory_space<hbm>>) target_semaphore(%arg5 : memref<!tpu.dma_semaphore, #tpu.memory_space<semaphore_mem>>)
    %add3A_57 = arith.constant 4096 : i32
    %add3A_58 = arith.addi %add3A_57, %sub3A_40 : i32
    %add3A_59 = arith.constant 0 : i32
    %add3A_60 = arith.addi %add3A_58, %add3A_59 : i32
    %add3A_61 = arith.constant 0 : i32
    %add3A_62 = arith.addi %add3A_45, %add3A_61 : i32
    %add3A_63 = arith.constant 128 : i32
    %add3A_64 = arith.addi %add3A_62, %add3A_63 : i32
    %dma_start3A_65 = tpu.memref_slice %arg4[%add3A_60] : memref<32768xf32, #tpu.memory_space<vmem>> -> memref<128xf32, #tpu.memory_space<vmem>>
    %dma_start3A_66 = tpu.memref_slice %arg3[%add3A_64] : memref<67108864xf32, #tpu.memory_space<hbm>> -> memref<128xf32, #tpu.memory_space<hbm>>
    %dma_start3A_67 = tpu.memref_slice %arg3[%add3A_64] : memref<67108864xf32, #tpu.memory_space<hbm>> -> memref<128xf32, #tpu.memory_space<hbm>>
    %dma_start3A_68 = tpu.memref_slice %arg4[%add3A_60] : memref<32768xf32, #tpu.memory_space<vmem>> -> memref<128xf32, #tpu.memory_space<vmem>>
    tpu.enqueue_dma source(%dma_start3A_68 : memref<128xf32, #tpu.memory_space<vmem>>) target(%dma_start3A_67 : memref<128xf32, #tpu.memory_space<hbm>>) target_semaphore(%arg5 : memref<!tpu.dma_semaphore, #tpu.memory_space<semaphore_mem>>)
    %add3A_69 = arith.constant 8192 : i32
    %add3A_70 = arith.addi %add3A_69, %sub3A_40 : i32
    %add3A_71 = arith.constant 0 : i32
    %add3A_72 = arith.addi %add3A_70, %add3A_71 : i32
    %add3A_73 = arith.constant 0 : i32
    %add3A_74 = arith.addi %add3A_45, %add3A_73 : i32
    %add3A_75 = arith.constant 256 : i32
    %add3A_76 = arith.addi %add3A_74, %add3A_75 : i32
    %dma_start3A_77 = tpu.memref_slice %arg4[%add3A_72] : memref<32768xf32, #tpu.memory_space<vmem>> -> memref<128xf32, #tpu.memory_space<vmem>>
    %dma_start3A_78 = tpu.memref_slice %arg3[%add3A_76] : memref<67108864xf32, #tpu.memory_space<hbm>> -> memref<128xf32, #tpu.memory_space<hbm>>
    %dma_start3A_79 = tpu.memref_slice %arg3[%add3A_76] : memref<67108864xf32, #tpu.memory_space<hbm>> -> memref<128xf32, #tpu.memory_space<hbm>>
    %dma_start3A_80 = tpu.memref_slice %arg4[%add3A_72] : memref<32768xf32, #tpu.memory_space<vmem>> -> memref<128xf32, #tpu.memory_space<vmem>>
    tpu.enqueue_dma source(%dma_start3A_80 : memref<128xf32, #tpu.memory_space<vmem>>) target(%dma_start3A_79 : memref<128xf32, #tpu.memory_space<hbm>>) target_semaphore(%arg5 : memref<!tpu.dma_semaphore, #tpu.memory_space<semaphore_mem>>)
    %add3A_81 = arith.constant 12288 : i32
    %add3A_82 = arith.addi %add3A_81, %sub3A_40 : i32
    %add3A_83 = arith.constant 0 : i32
    %add3A_84 = arith.addi %add3A_82, %add3A_83 : i32
    %add3A_85 = arith.constant 0 : i32
    %add3A_86 = arith.addi %add3A_45, %add3A_85 : i32
    %add3A_87 = arith.constant 384 : i32
    %add3A_88 = arith.addi %add3A_86, %add3A_87 : i32
    %dma_start3A_89 = tpu.memref_slice %arg4[%add3A_84] : memref<32768xf32, #tpu.memory_space<vmem>> -> memref<128xf32, #tpu.memory_space<vmem>>
    %dma_start3A_90 = tpu.memref_slice %arg3[%add3A_88] : memref<67108864xf32, #tpu.memory_space<hbm>> -> memref<128xf32, #tpu.memory_space<hbm>>
    %dma_start3A_91 = tpu.memref_slice %arg3[%add3A_88] : memref<67108864xf32, #tpu.memory_space<hbm>> -> memref<128xf32, #tpu.memory_space<hbm>>
    %dma_start3A_92 = tpu.memref_slice %arg4[%add3A_84] : memref<32768xf32, #tpu.memory_space<vmem>> -> memref<128xf32, #tpu.memory_space<vmem>>
    tpu.enqueue_dma source(%dma_start3A_92 : memref<128xf32, #tpu.memory_space<vmem>>) target(%dma_start3A_91 : memref<128xf32, #tpu.memory_space<hbm>>) target_semaphore(%arg5 : memref<!tpu.dma_semaphore, #tpu.memory_space<semaphore_mem>>)
    %add3A_93 = arith.constant 16384 : i32
    %add3A_94 = arith.addi %add3A_93, %sub3A_40 : i32
    %add3A_95 = arith.constant 0 : i32
    %add3A_96 = arith.addi %add3A_94, %add3A_95 : i32
    %add3A_97 = arith.constant 0 : i32
    %add3A_98 = arith.addi %add3A_45, %add3A_97 : i32
    %add3A_99 = arith.constant 512 : i32
    %add3A_100 = arith.addi %add3A_98, %add3A_99 : i32
    %dma_start3A_101 = tpu.memref_slice %arg4[%add3A_96] : memref<32768xf32, #tpu.memory_space<vmem>> -> memref<128xf32, #tpu.memory_space<vmem>>
    %dma_start3A_102 = tpu.memref_slice %arg3[%add3A_100] : memref<67108864xf32, #tpu.memory_space<hbm>> -> memref<128xf32, #tpu.memory_space<hbm>>
    %dma_start3A_103 = tpu.memref_slice %arg3[%add3A_100] : memref<67108864xf32, #tpu.memory_space<hbm>> -> memref<128xf32, #tpu.memory_space<hbm>>
    %dma_start3A_104 = tpu.memref_slice %arg4[%add3A_96] : memref<32768xf32, #tpu.memory_space<vmem>> -> memref<128xf32, #tpu.memory_space<vmem>>
    tpu.enqueue_dma source(%dma_start3A_104 : memref<128xf32, #tpu.memory_space<vmem>>) target(%dma_start3A_103 : memref<128xf32, #tpu.memory_space<hbm>>) target_semaphore(%arg5 : memref<!tpu.dma_semaphore, #tpu.memory_space<semaphore_mem>>)
    %add3A_105 = arith.constant 20480 : i32
    %add3A_106 = arith.addi %add3A_105, %sub3A_40 : i32
    %add3A_107 = arith.constant 0 : i32
    %add3A_108 = arith.addi %add3A_106, %add3A_107 : i32
    %add3A_109 = arith.constant 0 : i32
    %add3A_110 = arith.addi %add3A_45, %add3A_109 : i32
    %add3A_111 = arith.constant 640 : i32
    %add3A_112 = arith.addi %add3A_110, %add3A_111 : i32
    %dma_start3A_113 = tpu.memref_slice %arg4[%add3A_108] : memref<32768xf32, #tpu.memory_space<vmem>> -> memref<128xf32, #tpu.memory_space<vmem>>
    %dma_start3A_114 = tpu.memref_slice %arg3[%add3A_112] : memref<67108864xf32, #tpu.memory_space<hbm>> -> memref<128xf32, #tpu.memory_space<hbm>>
    %dma_start3A_115 = tpu.memref_slice %arg3[%add3A_112] : memref<67108864xf32, #tpu.memory_space<hbm>> -> memref<128xf32, #tpu.memory_space<hbm>>
    %dma_start3A_116 = tpu.memref_slice %arg4[%add3A_108] : memref<32768xf32, #tpu.memory_space<vmem>> -> memref<128xf32, #tpu.memory_space<vmem>>
    tpu.enqueue_dma source(%dma_start3A_116 : memref<128xf32, #tpu.memory_space<vmem>>) target(%dma_start3A_115 : memref<128xf32, #tpu.memory_space<hbm>>) target_semaphore(%arg5 : memref<!tpu.dma_semaphore, #tpu.memory_space<semaphore_mem>>)
    %add3A_117 = arith.constant 24576 : i32
    %add3A_118 = arith.addi %add3A_117, %sub3A_40 : i32
    %add3A_119 = arith.constant 0 : i32
    %add3A_120 = arith.addi %add3A_118, %add3A_119 : i32
    %add3A_121 = arith.constant 0 : i32
    %add3A_122 = arith.addi %add3A_45, %add3A_121 : i32
    %add3A_123 = arith.constant 768 : i32
    %add3A_124 = arith.addi %add3A_122, %add3A_123 : i32
    %dma_start3A_125 = tpu.memref_slice %arg4[%add3A_120] : memref<32768xf32, #tpu.memory_space<vmem>> -> memref<128xf32, #tpu.memory_space<vmem>>
    %dma_start3A_126 = tpu.memref_slice %arg3[%add3A_124] : memref<67108864xf32, #tpu.memory_space<hbm>> -> memref<128xf32, #tpu.memory_space<hbm>>
    %dma_start3A_127 = tpu.memref_slice %arg3[%add3A_124] : memref<67108864xf32, #tpu.memory_space<hbm>> -> memref<128xf32, #tpu.memory_space<hbm>>
    %dma_start3A_128 = tpu.memref_slice %arg4[%add3A_120] : memref<32768xf32, #tpu.memory_space<vmem>> -> memref<128xf32, #tpu.memory_space<vmem>>
    tpu.enqueue_dma source(%dma_start3A_128 : memref<128xf32, #tpu.memory_space<vmem>>) target(%dma_start3A_127 : memref<128xf32, #tpu.memory_space<hbm>>) target_semaphore(%arg5 : memref<!tpu.dma_semaphore, #tpu.memory_space<semaphore_mem>>)
    %add3A_129 = arith.constant 28672 : i32
    %add3A_130 = arith.addi %add3A_129, %sub3A_40 : i32
    %add3A_131 = arith.constant 0 : i32
    %add3A_132 = arith.addi %add3A_130, %add3A_131 : i32
    %add3A_133 = arith.constant 0 : i32
    %add3A_134 = arith.addi %add3A_45, %add3A_133 : i32
    %add3A_135 = arith.constant 896 : i32
    %add3A_136 = arith.addi %add3A_134, %add3A_135 : i32
    %dma_start3A_137 = tpu.memref_slice %arg4[%add3A_132] : memref<32768xf32, #tpu.memory_space<vmem>> -> memref<128xf32, #tpu.memory_space<vmem>>
    %dma_start3A_138 = tpu.memref_slice %arg3[%add3A_136] : memref<67108864xf32, #tpu.memory_space<hbm>> -> memref<128xf32, #tpu.memory_space<hbm>>
    %dma_start3A_139 = tpu.memref_slice %arg3[%add3A_136] : memref<67108864xf32, #tpu.memory_space<hbm>> -> memref<128xf32, #tpu.memory_space<hbm>>
    %dma_start3A_140 = tpu.memref_slice %arg4[%add3A_132] : memref<32768xf32, #tpu.memory_space<vmem>> -> memref<128xf32, #tpu.memory_space<vmem>>
    tpu.enqueue_dma source(%dma_start3A_140 : memref<128xf32, #tpu.memory_space<vmem>>) target(%dma_start3A_139 : memref<128xf32, #tpu.memory_space<hbm>>) target_semaphore(%arg5 : memref<!tpu.dma_semaphore, #tpu.memory_space<semaphore_mem>>)
    %add3A_141 = arith.constant 0 : i32
    %add3A_142 = arith.addi %add3A_141, %sub3A_40 : i32
    %add3A_143 = arith.constant 128 : i32
    %add3A_144 = arith.addi %add3A_142, %add3A_143 : i32
    %add3A_145 = arith.constant 1024 : i32
    %add3A_146 = arith.addi %add3A_45, %add3A_145 : i32
    %add3A_147 = arith.constant 0 : i32
    %add3A_148 = arith.addi %add3A_146, %add3A_147 : i32
    %dma_start3A_149 = tpu.memref_slice %arg4[%add3A_144] : memref<32768xf32, #tpu.memory_space<vmem>> -> memref<128xf32, #tpu.memory_space<vmem>>
    %dma_start3A_150 = tpu.memref_slice %arg3[%add3A_148] : memref<67108864xf32, #tpu.memory_space<hbm>> -> memref<128xf32, #tpu.memory_space<hbm>>
    %dma_start3A_151 = tpu.memref_slice %arg3[%add3A_148] : memref<67108864xf32, #tpu.memory_space<hbm>> -> memref<128xf32, #tpu.memory_space<hbm>>
    %dma_start3A_152 = tpu.memref_slice %arg4[%add3A_144] : memref<32768xf32, #tpu.memory_space<vmem>> -> memref<128xf32, #tpu.memory_space<vmem>>
    tpu.enqueue_dma source(%dma_start3A_152 : memref<128xf32, #tpu.memory_space<vmem>>) target(%dma_start3A_151 : memref<128xf32, #tpu.memory_space<hbm>>) target_semaphore(%arg5 : memref<!tpu.dma_semaphore, #tpu.memory_space<semaphore_mem>>)
    %add3A_153 = arith.constant 4096 : i32
    %add3A_154 = arith.addi %add3A_153, %sub3A_40 : i32
    %add3A_155 = arith.constant 128 : i32
    %add3A_156 = arith.addi %add3A_154, %add3A_155 : i32
    %add3A_157 = arith.constant 1024 : i32
    %add3A_158 = arith.addi %add3A_45, %add3A_157 : i32
    %add3A_159 = arith.constant 128 : i32
    %add3A_160 = arith.addi %add3A_158, %add3A_159 : i32
    %dma_start3A_161 = tpu.memref_slice %arg4[%add3A_156] : memref<32768xf32, #tpu.memory_space<vmem>> -> memref<128xf32, #tpu.memory_space<vmem>>
    %dma_start3A_162 = tpu.memref_slice %arg3[%add3A_160] : memref<67108864xf32, #tpu.memory_space<hbm>> -> memref<128xf32, #tpu.memory_space<hbm>>
    %dma_start3A_163 = tpu.memref_slice %arg3[%add3A_160] : memref<67108864xf32, #tpu.memory_space<hbm>> -> memref<128xf32, #tpu.memory_space<hbm>>
    %dma_start3A_164 = tpu.memref_slice %arg4[%add3A_156] : memref<32768xf32, #tpu.memory_space<vmem>> -> memref<128xf32, #tpu.memory_space<vmem>>
    tpu.enqueue_dma source(%dma_start3A_164 : memref<128xf32, #tpu.memory_space<vmem>>) target(%dma_start3A_163 : memref<128xf32, #tpu.memory_space<hbm>>) target_semaphore(%arg5 : memref<!tpu.dma_semaphore, #tpu.memory_space<semaphore_mem>>)
    %add3A_165 = arith.constant 8192 : i32
    %add3A_166 = arith.addi %add3A_165, %sub3A_40 : i32
    %add3A_167 = arith.constant 128 : i32
    %add3A_168 = arith.addi %add3A_166, %add3A_167 : i32
    %add3A_169 = arith.constant 1024 : i32
    %add3A_170 = arith.addi %add3A_45, %add3A_169 : i32
    %add3A_171 = arith.constant 256 : i32
    %add3A_172 = arith.addi %add3A_170, %add3A_171 : i32
    %dma_start3A_173 = tpu.memref_slice %arg4[%add3A_168] : memref<32768xf32, #tpu.memory_space<vmem>> -> memref<128xf32, #tpu.memory_space<vmem>>
    %dma_start3A_174 = tpu.memref_slice %arg3[%add3A_172] : memref<67108864xf32, #tpu.memory_space<hbm>> -> memref<128xf32, #tpu.memory_space<hbm>>
    %dma_start3A_175 = tpu.memref_slice %arg3[%add3A_172] : memref<67108864xf32, #tpu.memory_space<hbm>> -> memref<128xf32, #tpu.memory_space<hbm>>
    %dma_start3A_176 = tpu.memref_slice %arg4[%add3A_168] : memref<32768xf32, #tpu.memory_space<vmem>> -> memref<128xf32, #tpu.memory_space<vmem>>
    tpu.enqueue_dma source(%dma_start3A_176 : memref<128xf32, #tpu.memory_space<vmem>>) target(%dma_start3A_175 : memref<128xf32, #tpu.memory_space<hbm>>) target_semaphore(%arg5 : memref<!tpu.dma_semaphore, #tpu.memory_space<semaphore_mem>>)
    %add3A_177 = arith.constant 12288 : i32
    %add3A_178 = arith.addi %add3A_177, %sub3A_40 : i32
    %add3A_179 = arith.constant 128 : i32
    %add3A_180 = arith.addi %add3A_178, %add3A_179 : i32
    %add3A_181 = arith.constant 1024 : i32
    %add3A_182 = arith.addi %add3A_45, %add3A_181 : i32
    %add3A_183 = arith.constant 384 : i32
    %add3A_184 = arith.addi %add3A_182, %add3A_183 : i32
    %dma_start3A_185 = tpu.memref_slice %arg4[%add3A_180] : memref<32768xf32, #tpu.memory_space<vmem>> -> memref<128xf32, #tpu.memory_space<vmem>>
    %dma_start3A_186 = tpu.memref_slice %arg3[%add3A_184] : memref<67108864xf32, #tpu.memory_space<hbm>> -> memref<128xf32, #tpu.memory_space<hbm>>
    %dma_start3A_187 = tpu.memref_slice %arg3[%add3A_184] : memref<67108864xf32, #tpu.memory_space<hbm>> -> memref<128xf32, #tpu.memory_space<hbm>>
    %dma_start3A_188 = tpu.memref_slice %arg4[%add3A_180] : memref<32768xf32, #tpu.memory_space<vmem>> -> memref<128xf32, #tpu.memory_space<vmem>>
    tpu.enqueue_dma source(%dma_start3A_188 : memref<128xf32, #tpu.memory_space<vmem>>) target(%dma_start3A_187 : memref<128xf32, #tpu.memory_space<hbm>>) target_semaphore(%arg5 : memref<!tpu.dma_semaphore, #tpu.memory_space<semaphore_mem>>)
    %add3A_189 = arith.constant 16384 : i32
    %add3A_190 = arith.addi %add3A_189, %sub3A_40 : i32
    %add3A_191 = arith.constant 128 : i32
    %add3A_192 = arith.addi %add3A_190, %add3A_191 : i32
    %add3A_193 = arith.constant 1024 : i32
    %add3A_194 = arith.addi %add3A_45, %add3A_193 : i32
    %add3A_195 = arith.constant 512 : i32
    %add3A_196 = arith.addi %add3A_194, %add3A_195 : i32
    %dma_start3A_197 = tpu.memref_slice %arg4[%add3A_192] : memref<32768xf32, #tpu.memory_space<vmem>> -> memref<128xf32, #tpu.memory_space<vmem>>
    %dma_start3A_198 = tpu.memref_slice %arg3[%add3A_196] : memref<67108864xf32, #tpu.memory_space<hbm>> -> memref<128xf32, #tpu.memory_space<hbm>>
    %dma_start3A_199 = tpu.memref_slice %arg3[%add3A_196] : memref<67108864xf32, #tpu.memory_space<hbm>> -> memref<128xf32, #tpu.memory_space<hbm>>
    %dma_start3A_200 = tpu.memref_slice %arg4[%add3A_192] : memref<32768xf32, #tpu.memory_space<vmem>> -> memref<128xf32, #tpu.memory_space<vmem>>
    tpu.enqueue_dma source(%dma_start3A_200 : memref<128xf32, #tpu.memory_space<vmem>>) target(%dma_start3A_199 : memref<128xf32, #tpu.memory_space<hbm>>) target_semaphore(%arg5 : memref<!tpu.dma_semaphore, #tpu.memory_space<semaphore_mem>>)
    %add3A_201 = arith.constant 20480 : i32
    %add3A_202 = arith.addi %add3A_201, %sub3A_40 : i32
    %add3A_203 = arith.constant 128 : i32
    %add3A_204 = arith.addi %add3A_202, %add3A_203 : i32
    %add3A_205 = arith.constant 1024 : i32
    %add3A_206 = arith.addi %add3A_45, %add3A_205 : i32
    %add3A_207 = arith.constant 640 : i32
    %add3A_208 = arith.addi %add3A_206, %add3A_207 : i32
    %dma_start3A_209 = tpu.memref_slice %arg4[%add3A_204] : memref<32768xf32, #tpu.memory_space<vmem>> -> memref<128xf32, #tpu.memory_space<vmem>>
    %dma_start3A_210 = tpu.memref_slice %arg3[%add3A_208] : memref<67108864xf32, #tpu.memory_space<hbm>> -> memref<128xf32, #tpu.memory_space<hbm>>
    %dma_start3A_211 = tpu.memref_slice %arg3[%add3A_208] : memref<67108864xf32, #tpu.memory_space<hbm>> -> memref<128xf32, #tpu.memory_space<hbm>>
    %dma_start3A_212 = tpu.memref_slice %arg4[%add3A_204] : memref<32768xf32, #tpu.memory_space<vmem>> -> memref<128xf32, #tpu.memory_space<vmem>>
    tpu.enqueue_dma source(%dma_start3A_212 : memref<128xf32, #tpu.memory_space<vmem>>) target(%dma_start3A_211 : memref<128xf32, #tpu.memory_space<hbm>>) target_semaphore(%arg5 : memref<!tpu.dma_semaphore, #tpu.memory_space<semaphore_mem>>)
    %add3A_213 = arith.constant 24576 : i32
    %add3A_214 = arith.addi %add3A_213, %sub3A_40 : i32
    %add3A_215 = arith.constant 128 : i32
    %add3A_216 = arith.addi %add3A_214, %add3A_215 : i32
    %add3A_217 = arith.constant 1024 : i32
    %add3A_218 = arith.addi %add3A_45, %add3A_217 : i32
    %add3A_219 = arith.constant 768 : i32
    %add3A_220 = arith.addi %add3A_218, %add3A_219 : i32
    %dma_start3A_221 = tpu.memref_slice %arg4[%add3A_216] : memref<32768xf32, #tpu.memory_space<vmem>> -> memref<128xf32, #tpu.memory_space<vmem>>
    %dma_start3A_222 = tpu.memref_slice %arg3[%add3A_220] : memref<67108864xf32, #tpu.memory_space<hbm>> -> memref<128xf32, #tpu.memory_space<hbm>>
    %dma_start3A_223 = tpu.memref_slice %arg3[%add3A_220] : memref<67108864xf32, #tpu.memory_space<hbm>> -> memref<128xf32, #tpu.memory_space<hbm>>
    %dma_start3A_224 = tpu.memref_slice %arg4[%add3A_216] : memref<32768xf32, #tpu.memory_space<vmem>> -> memref<128xf32, #tpu.memory_space<vmem>>
    tpu.enqueue_dma source(%dma_start3A_224 : memref<128xf32, #tpu.memory_space<vmem>>) target(%dma_start3A_223 : memref<128xf32, #tpu.memory_space<hbm>>) target_semaphore(%arg5 : memref<!tpu.dma_semaphore, #tpu.memory_space<semaphore_mem>>)
    %add3A_225 = arith.constant 28672 : i32
    %add3A_226 = arith.addi %add3A_225, %sub3A_40 : i32
    %add3A_227 = arith.constant 128 : i32
    %add3A_228 = arith.addi %add3A_226, %add3A_227 : i32
    %add3A_229 = arith.constant 1024 : i32
    %add3A_230 = arith.addi %add3A_45, %add3A_229 : i32
    %add3A_231 = arith.constant 896 : i32
    %add3A_232 = arith.addi %add3A_230, %add3A_231 : i32
    %dma_start3A_233 = tpu.memref_slice %arg4[%add3A_228] : memref<32768xf32, #tpu.memory_space<vmem>> -> memref<128xf32, #tpu.memory_space<vmem>>
    %dma_start3A_234 = tpu.memref_slice %arg3[%add3A_232] : memref<67108864xf32, #tpu.memory_space<hbm>> -> memref<128xf32, #tpu.memory_space<hbm>>
    %dma_start3A_235 = tpu.memref_slice %arg3[%add3A_232] : memref<67108864xf32, #tpu.memory_space<hbm>> -> memref<128xf32, #tpu.memory_space<hbm>>
    %dma_start3A_236 = tpu.memref_slice %arg4[%add3A_228] : memref<32768xf32, #tpu.memory_space<vmem>> -> memref<128xf32, #tpu.memory_space<vmem>>
    tpu.enqueue_dma source(%dma_start3A_236 : memref<128xf32, #tpu.memory_space<vmem>>) target(%dma_start3A_235 : memref<128xf32, #tpu.memory_space<hbm>>) target_semaphore(%arg5 : memref<!tpu.dma_semaphore, #tpu.memory_space<semaphore_mem>>)
    %add3A_237 = arith.constant 0 : i32
    %add3A_238 = arith.addi %add3A_237, %sub3A_40 : i32
    %add3A_239 = arith.constant 256 : i32
    %add3A_240 = arith.addi %add3A_238, %add3A_239 : i32
    %add3A_241 = arith.constant 2048 : i32
    %add3A_242 = arith.addi %add3A_45, %add3A_241 : i32
    %add3A_243 = arith.constant 0 : i32
    %add3A_244 = arith.addi %add3A_242, %add3A_243 : i32
    %dma_start3A_245 = tpu.memref_slice %arg4[%add3A_240] : memref<32768xf32, #tpu.memory_space<vmem>> -> memref<128xf32, #tpu.memory_space<vmem>>
    %dma_start3A_246 = tpu.memref_slice %arg3[%add3A_244] : memref<67108864xf32, #tpu.memory_space<hbm>> -> memref<128xf32, #tpu.memory_space<hbm>>
    %dma_start3A_247 = tpu.memref_slice %arg3[%add3A_244] : memref<67108864xf32, #tpu.memory_space<hbm>> -> memref<128xf32, #tpu.memory_space<hbm>>
    %dma_start3A_248 = tpu.memref_slice %arg4[%add3A_240] : memref<32768xf32, #tpu.memory_space<vmem>> -> memref<128xf32, #tpu.memory_space<vmem>>
    tpu.enqueue_dma source(%dma_start3A_248 : memref<128xf32, #tpu.memory_space<vmem>>) target(%dma_start3A_247 : memref<128xf32, #tpu.memory_space<hbm>>) target_semaphore(%arg5 : memref<!tpu.dma_semaphore, #tpu.memory_space<semaphore_mem>>)
    %add3A_249 = arith.constant 4096 : i32
    %add3A_250 = arith.addi %add3A_249, %sub3A_40 : i32
    %add3A_251 = arith.constant 256 : i32
    %add3A_252 = arith.addi %add3A_250, %add3A_251 : i32
    %add3A_253 = arith.constant 2048 : i32
    %add3A_254 = arith.addi %add3A_45, %add3A_253 : i32
    %add3A_255 = arith.constant 128 : i32
    %add3A_256 = arith.addi %add3A_254, %add3A_255 : i32
    %dma_start3A_257 = tpu.memref_slice %arg4[%add3A_252] : memref<32768xf32, #tpu.memory_space<vmem>> -> memref<128xf32, #tpu.memory_space<vmem>>
    %dma_start3A_258 = tpu.memref_slice %arg3[%add3A_256] : memref<67108864xf32, #tpu.memory_space<hbm>> -> memref<128xf32, #tpu.memory_space<hbm>>
    %dma_start3A_259 = tpu.memref_slice %arg3[%add3A_256] : memref<67108864xf32, #tpu.memory_space<hbm>> -> memref<128xf32, #tpu.memory_space<hbm>>
    %dma_start3A_260 = tpu.memref_slice %arg4[%add3A_252] : memref<32768xf32, #tpu.memory_space<vmem>> -> memref<128xf32, #tpu.memory_space<vmem>>
    tpu.enqueue_dma source(%dma_start3A_260 : memref<128xf32, #tpu.memory_space<vmem>>) target(%dma_start3A_259 : memref<128xf32, #tpu.memory_space<hbm>>) target_semaphore(%arg5 : memref<!tpu.dma_semaphore, #tpu.memory_space<semaphore_mem>>)
    %add3A_261 = arith.constant 8192 : i32
    %add3A_262 = arith.addi %add3A_261, %sub3A_40 : i32
    %add3A_263 = arith.constant 256 : i32
    %add3A_264 = arith.addi %add3A_262, %add3A_263 : i32
    %add3A_265 = arith.constant 2048 : i32
    %add3A_266 = arith.addi %add3A_45, %add3A_265 : i32
    %add3A_267 = arith.constant 256 : i32
    %add3A_268 = arith.addi %add3A_266, %add3A_267 : i32
    %dma_start3A_269 = tpu.memref_slice %arg4[%add3A_264] : memref<32768xf32, #tpu.memory_space<vmem>> -> memref<128xf32, #tpu.memory_space<vmem>>
    %dma_start3A_270 = tpu.memref_slice %arg3[%add3A_268] : memref<67108864xf32, #tpu.memory_space<hbm>> -> memref<128xf32, #tpu.memory_space<hbm>>
    %dma_start3A_271 = tpu.memref_slice %arg3[%add3A_268] : memref<67108864xf32, #tpu.memory_space<hbm>> -> memref<128xf32, #tpu.memory_space<hbm>>
    %dma_start3A_272 = tpu.memref_slice %arg4[%add3A_264] : memref<32768xf32, #tpu.memory_space<vmem>> -> memref<128xf32, #tpu.memory_space<vmem>>
    tpu.enqueue_dma source(%dma_start3A_272 : memref<128xf32, #tpu.memory_space<vmem>>) target(%dma_start3A_271 : memref<128xf32, #tpu.memory_space<hbm>>) target_semaphore(%arg5 : memref<!tpu.dma_semaphore, #tpu.memory_space<semaphore_mem>>)
    %add3A_273 = arith.constant 12288 : i32
    %add3A_274 = arith.addi %add3A_273, %sub3A_40 : i32
    %add3A_275 = arith.constant 256 : i32
    %add3A_276 = arith.addi %add3A_274, %add3A_275 : i32
    %add3A_277 = arith.constant 2048 : i32
    %add3A_278 = arith.addi %add3A_45, %add3A_277 : i32
    %add3A_279 = arith.constant 384 : i32
    %add3A_280 = arith.addi %add3A_278, %add3A_279 : i32
    %dma_start3A_281 = tpu.memref_slice %arg4[%add3A_276] : memref<32768xf32, #tpu.memory_space<vmem>> -> memref<128xf32, #tpu.memory_space<vmem>>
    %dma_start3A_282 = tpu.memref_slice %arg3[%add3A_280] : memref<67108864xf32, #tpu.memory_space<hbm>> -> memref<128xf32, #tpu.memory_space<hbm>>
    %dma_start3A_283 = tpu.memref_slice %arg3[%add3A_280] : memref<67108864xf32, #tpu.memory_space<hbm>> -> memref<128xf32, #tpu.memory_space<hbm>>
    %dma_start3A_284 = tpu.memref_slice %arg4[%add3A_276] : memref<32768xf32, #tpu.memory_space<vmem>> -> memref<128xf32, #tpu.memory_space<vmem>>
    tpu.enqueue_dma source(%dma_start3A_284 : memref<128xf32, #tpu.memory_space<vmem>>) target(%dma_start3A_283 : memref<128xf32, #tpu.memory_space<hbm>>) target_semaphore(%arg5 : memref<!tpu.dma_semaphore, #tpu.memory_space<semaphore_mem>>)
    %add3A_285 = arith.constant 16384 : i32
    %add3A_286 = arith.addi %add3A_285, %sub3A_40 : i32
    %add3A_287 = arith.constant 256 : i32
    %add3A_288 = arith.addi %add3A_286, %add3A_287 : i32
    %add3A_289 = arith.constant 2048 : i32
    %add3A_290 = arith.addi %add3A_45, %add3A_289 : i32
    %add3A_291 = arith.constant 512 : i32
    %add3A_292 = arith.addi %add3A_290, %add3A_291 : i32
    %dma_start3A_293 = tpu.memref_slice %arg4[%add3A_288] : memref<32768xf32, #tpu.memory_space<vmem>> -> memref<128xf32, #tpu.memory_space<vmem>>
    %dma_start3A_294 = tpu.memref_slice %arg3[%add3A_292] : memref<67108864xf32, #tpu.memory_space<hbm>> -> memref<128xf32, #tpu.memory_space<hbm>>
    %dma_start3A_295 = tpu.memref_slice %arg3[%add3A_292] : memref<67108864xf32, #tpu.memory_space<hbm>> -> memref<128xf32, #tpu.memory_space<hbm>>
    %dma_start3A_296 = tpu.memref_slice %arg4[%add3A_288] : memref<32768xf32, #tpu.memory_space<vmem>> -> memref<128xf32, #tpu.memory_space<vmem>>
    tpu.enqueue_dma source(%dma_start3A_296 : memref<128xf32, #tpu.memory_space<vmem>>) target(%dma_start3A_295 : memref<128xf32, #tpu.memory_space<hbm>>) target_semaphore(%arg5 : memref<!tpu.dma_semaphore, #tpu.memory_space<semaphore_mem>>)
    %add3A_297 = arith.constant 20480 : i32
    %add3A_298 = arith.addi %add3A_297, %sub3A_40 : i32
    %add3A_299 = arith.constant 256 : i32
    %add3A_300 = arith.addi %add3A_298, %add3A_299 : i32
    %add3A_301 = arith.constant 2048 : i32
    %add3A_302 = arith.addi %add3A_45, %add3A_301 : i32
    %add3A_303 = arith.constant 640 : i32
    %add3A_304 = arith.addi %add3A_302, %add3A_303 : i32
    %dma_start3A_305 = tpu.memref_slice %arg4[%add3A_300] : memref<32768xf32, #tpu.memory_space<vmem>> -> memref<128xf32, #tpu.memory_space<vmem>>
    %dma_start3A_306 = tpu.memref_slice %arg3[%add3A_304] : memref<67108864xf32, #tpu.memory_space<hbm>> -> memref<128xf32, #tpu.memory_space<hbm>>
    %dma_start3A_307 = tpu.memref_slice %arg3[%add3A_304] : memref<67108864xf32, #tpu.memory_space<hbm>> -> memref<128xf32, #tpu.memory_space<hbm>>
    %dma_start3A_308 = tpu.memref_slice %arg4[%add3A_300] : memref<32768xf32, #tpu.memory_space<vmem>> -> memref<128xf32, #tpu.memory_space<vmem>>
    tpu.enqueue_dma source(%dma_start3A_308 : memref<128xf32, #tpu.memory_space<vmem>>) target(%dma_start3A_307 : memref<128xf32, #tpu.memory_space<hbm>>) target_semaphore(%arg5 : memref<!tpu.dma_semaphore, #tpu.memory_space<semaphore_mem>>)
    %add3A_309 = arith.constant 24576 : i32
    %add3A_310 = arith.addi %add3A_309, %sub3A_40 : i32
    %add3A_311 = arith.constant 256 : i32
    %add3A_312 = arith.addi %add3A_310, %add3A_311 : i32
    %add3A_313 = arith.constant 2048 : i32
    %add3A_314 = arith.addi %add3A_45, %add3A_313 : i32
    %add3A_315 = arith.constant 768 : i32
    %add3A_316 = arith.addi %add3A_314, %add3A_315 : i32
    %dma_start3A_317 = tpu.memref_slice %arg4[%add3A_312] : memref<32768xf32, #tpu.memory_space<vmem>> -> memref<128xf32, #tpu.memory_space<vmem>>
    %dma_start3A_318 = tpu.memref_slice %arg3[%add3A_316] : memref<67108864xf32, #tpu.memory_space<hbm>> -> memref<128xf32, #tpu.memory_space<hbm>>
    %dma_start3A_319 = tpu.memref_slice %arg3[%add3A_316] : memref<67108864xf32, #tpu.memory_space<hbm>> -> memref<128xf32, #tpu.memory_space<hbm>>
    %dma_start3A_320 = tpu.memref_slice %arg4[%add3A_312] : memref<32768xf32, #tpu.memory_space<vmem>> -> memref<128xf32, #tpu.memory_space<vmem>>
    tpu.enqueue_dma source(%dma_start3A_320 : memref<128xf32, #tpu.memory_space<vmem>>) target(%dma_start3A_319 : memref<128xf32, #tpu.memory_space<hbm>>) target_semaphore(%arg5 : memref<!tpu.dma_semaphore, #tpu.memory_space<semaphore_mem>>)
    %add3A_321 = arith.constant 28672 : i32
    %add3A_322 = arith.addi %add3A_321, %sub3A_40 : i32
    %add3A_323 = arith.constant 256 : i32
    %add3A_324 = arith.addi %add3A_322, %add3A_323 : i32
    %add3A_325 = arith.constant 2048 : i32
    %add3A_326 = arith.addi %add3A_45, %add3A_325 : i32
    %add3A_327 = arith.constant 896 : i32
    %add3A_328 = arith.addi %add3A_326, %add3A_327 : i32
    %dma_start3A_329 = tpu.memref_slice %arg4[%add3A_324] : memref<32768xf32, #tpu.memory_space<vmem>> -> memref<128xf32, #tpu.memory_space<vmem>>
    %dma_start3A_330 = tpu.memref_slice %arg3[%add3A_328] : memref<67108864xf32, #tpu.memory_space<hbm>> -> memref<128xf32, #tpu.memory_space<hbm>>
    %dma_start3A_331 = tpu.memref_slice %arg3[%add3A_328] : memref<67108864xf32, #tpu.memory_space<hbm>> -> memref<128xf32, #tpu.memory_space<hbm>>
    %dma_start3A_332 = tpu.memref_slice %arg4[%add3A_324] : memref<32768xf32, #tpu.memory_space<vmem>> -> memref<128xf32, #tpu.memory_space<vmem>>
    tpu.enqueue_dma source(%dma_start3A_332 : memref<128xf32, #tpu.memory_space<vmem>>) target(%dma_start3A_331 : memref<128xf32, #tpu.memory_space<hbm>>) target_semaphore(%arg5 : memref<!tpu.dma_semaphore, #tpu.memory_space<semaphore_mem>>)
    %add3A_333 = arith.constant 0 : i32
    %add3A_334 = arith.addi %add3A_333, %sub3A_40 : i32
    %add3A_335 = arith.constant 384 : i32
    %add3A_336 = arith.addi %add3A_334, %add3A_335 : i32
    %add3A_337 = arith.constant 3072 : i32
    %add3A_338 = arith.addi %add3A_45, %add3A_337 : i32
    %add3A_339 = arith.constant 0 : i32
    %add3A_340 = arith.addi %add3A_338, %add3A_339 : i32
    %dma_start3A_341 = tpu.memref_slice %arg4[%add3A_336] : memref<32768xf32, #tpu.memory_space<vmem>> -> memref<128xf32, #tpu.memory_space<vmem>>
    %dma_start3A_342 = tpu.memref_slice %arg3[%add3A_340] : memref<67108864xf32, #tpu.memory_space<hbm>> -> memref<128xf32, #tpu.memory_space<hbm>>
    %dma_start3A_343 = tpu.memref_slice %arg3[%add3A_340] : memref<67108864xf32, #tpu.memory_space<hbm>> -> memref<128xf32, #tpu.memory_space<hbm>>
    %dma_start3A_344 = tpu.memref_slice %arg4[%add3A_336] : memref<32768xf32, #tpu.memory_space<vmem>> -> memref<128xf32, #tpu.memory_space<vmem>>
    tpu.enqueue_dma source(%dma_start3A_344 : memref<128xf32, #tpu.memory_space<vmem>>) target(%dma_start3A_343 : memref<128xf32, #tpu.memory_space<hbm>>) target_semaphore(%arg5 : memref<!tpu.dma_semaphore, #tpu.memory_space<semaphore_mem>>)
    %add3A_345 = arith.constant 4096 : i32
    %add3A_346 = arith.addi %add3A_345, %sub3A_40 : i32
    %add3A_347 = arith.constant 384 : i32
    %add3A_348 = arith.addi %add3A_346, %add3A_347 : i32
    %add3A_349 = arith.constant 3072 : i32
    %add3A_350 = arith.addi %add3A_45, %add3A_349 : i32
    %add3A_351 = arith.constant 128 : i32
    %add3A_352 = arith.addi %add3A_350, %add3A_351 : i32
    %dma_start3A_353 = tpu.memref_slice %arg4[%add3A_348] : memref<32768xf32, #tpu.memory_space<vmem>> -> memref<128xf32, #tpu.memory_space<vmem>>
    %dma_start3A_354 = tpu.memref_slice %arg3[%add3A_352] : memref<67108864xf32, #tpu.memory_space<hbm>> -> memref<128xf32, #tpu.memory_space<hbm>>
    %dma_start3A_355 = tpu.memref_slice %arg3[%add3A_352] : memref<67108864xf32, #tpu.memory_space<hbm>> -> memref<128xf32, #tpu.memory_space<hbm>>
    %dma_start3A_356 = tpu.memref_slice %arg4[%add3A_348] : memref<32768xf32, #tpu.memory_space<vmem>> -> memref<128xf32, #tpu.memory_space<vmem>>
    tpu.enqueue_dma source(%dma_start3A_356 : memref<128xf32, #tpu.memory_space<vmem>>) target(%dma_start3A_355 : memref<128xf32, #tpu.memory_space<hbm>>) target_semaphore(%arg5 : memref<!tpu.dma_semaphore, #tpu.memory_space<semaphore_mem>>)
    %add3A_357 = arith.constant 8192 : i32
    %add3A_358 = arith.addi %add3A_357, %sub3A_40 : i32
    %add3A_359 = arith.constant 384 : i32
    %add3A_360 = arith.addi %add3A_358, %add3A_359 : i32
    %add3A_361 = arith.constant 3072 : i32
    %add3A_362 = arith.addi %add3A_45, %add3A_361 : i32
    %add3A_363 = arith.constant 256 : i32
    %add3A_364 = arith.addi %add3A_362, %add3A_363 : i32
    %dma_start3A_365 = tpu.memref_slice %arg4[%add3A_360] : memref<32768xf32, #tpu.memory_space<vmem>> -> memref<128xf32, #tpu.memory_space<vmem>>
    %dma_start3A_366 = tpu.memref_slice %arg3[%add3A_364] : memref<67108864xf32, #tpu.memory_space<hbm>> -> memref<128xf32, #tpu.memory_space<hbm>>
    %dma_start3A_367 = tpu.memref_slice %arg3[%add3A_364] : memref<67108864xf32, #tpu.memory_space<hbm>> -> memref<128xf32, #tpu.memory_space<hbm>>
    %dma_start3A_368 = tpu.memref_slice %arg4[%add3A_360] : memref<32768xf32, #tpu.memory_space<vmem>> -> memref<128xf32, #tpu.memory_space<vmem>>
    tpu.enqueue_dma source(%dma_start3A_368 : memref<128xf32, #tpu.memory_space<vmem>>) target(%dma_start3A_367 : memref<128xf32, #tpu.memory_space<hbm>>) target_semaphore(%arg5 : memref<!tpu.dma_semaphore, #tpu.memory_space<semaphore_mem>>)
    %add3A_369 = arith.constant 12288 : i32
    %add3A_370 = arith.addi %add3A_369, %sub3A_40 : i32
    %add3A_371 = arith.constant 384 : i32
    %add3A_372 = arith.addi %add3A_370, %add3A_371 : i32
    %add3A_373 = arith.constant 3072 : i32
    %add3A_374 = arith.addi %add3A_45, %add3A_373 : i32
    %add3A_375 = arith.constant 384 : i32
    %add3A_376 = arith.addi %add3A_374, %add3A_375 : i32
    %dma_start3A_377 = tpu.memref_slice %arg4[%add3A_372] : memref<32768xf32, #tpu.memory_space<vmem>> -> memref<128xf32, #tpu.memory_space<vmem>>
    %dma_start3A_378 = tpu.memref_slice %arg3[%add3A_376] : memref<67108864xf32, #tpu.memory_space<hbm>> -> memref<128xf32, #tpu.memory_space<hbm>>
    %dma_start3A_379 = tpu.memref_slice %arg3[%add3A_376] : memref<67108864xf32, #tpu.memory_space<hbm>> -> memref<128xf32, #tpu.memory_space<hbm>>
    %dma_start3A_380 = tpu.memref_slice %arg4[%add3A_372] : memref<32768xf32, #tpu.memory_space<vmem>> -> memref<128xf32, #tpu.memory_space<vmem>>
    tpu.enqueue_dma source(%dma_start3A_380 : memref<128xf32, #tpu.memory_space<vmem>>) target(%dma_start3A_379 : memref<128xf32, #tpu.memory_space<hbm>>) target_semaphore(%arg5 : memref<!tpu.dma_semaphore, #tpu.memory_space<semaphore_mem>>)
    %add3A_381 = arith.constant 16384 : i32
    %add3A_382 = arith.addi %add3A_381, %sub3A_40 : i32
    %add3A_383 = arith.constant 384 : i32
    %add3A_384 = arith.addi %add3A_382, %add3A_383 : i32
    %add3A_385 = arith.constant 3072 : i32
    %add3A_386 = arith.addi %add3A_45, %add3A_385 : i32
    %add3A_387 = arith.constant 512 : i32
    %add3A_388 = arith.addi %add3A_386, %add3A_387 : i32
    %dma_start3A_389 = tpu.memref_slice %arg4[%add3A_384] : memref<32768xf32, #tpu.memory_space<vmem>> -> memref<128xf32, #tpu.memory_space<vmem>>
    %dma_start3A_390 = tpu.memref_slice %arg3[%add3A_388] : memref<67108864xf32, #tpu.memory_space<hbm>> -> memref<128xf32, #tpu.memory_space<hbm>>
    %dma_start3A_391 = tpu.memref_slice %arg3[%add3A_388] : memref<67108864xf32, #tpu.memory_space<hbm>> -> memref<128xf32, #tpu.memory_space<hbm>>
    %dma_start3A_392 = tpu.memref_slice %arg4[%add3A_384] : memref<32768xf32, #tpu.memory_space<vmem>> -> memref<128xf32, #tpu.memory_space<vmem>>
    tpu.enqueue_dma source(%dma_start3A_392 : memref<128xf32, #tpu.memory_space<vmem>>) target(%dma_start3A_391 : memref<128xf32, #tpu.memory_space<hbm>>) target_semaphore(%arg5 : memref<!tpu.dma_semaphore, #tpu.memory_space<semaphore_mem>>)
    %add3A_393 = arith.constant 20480 : i32
    %add3A_394 = arith.addi %add3A_393, %sub3A_40 : i32
    %add3A_395 = arith.constant 384 : i32
    %add3A_396 = arith.addi %add3A_394, %add3A_395 : i32
    %add3A_397 = arith.constant 3072 : i32
    %add3A_398 = arith.addi %add3A_45, %add3A_397 : i32
    %add3A_399 = arith.constant 640 : i32
    %add3A_400 = arith.addi %add3A_398, %add3A_399 : i32
    %dma_start3A_401 = tpu.memref_slice %arg4[%add3A_396] : memref<32768xf32, #tpu.memory_space<vmem>> -> memref<128xf32, #tpu.memory_space<vmem>>
    %dma_start3A_402 = tpu.memref_slice %arg3[%add3A_400] : memref<67108864xf32, #tpu.memory_space<hbm>> -> memref<128xf32, #tpu.memory_space<hbm>>
    %dma_start3A_403 = tpu.memref_slice %arg3[%add3A_400] : memref<67108864xf32, #tpu.memory_space<hbm>> -> memref<128xf32, #tpu.memory_space<hbm>>
    %dma_start3A_404 = tpu.memref_slice %arg4[%add3A_396] : memref<32768xf32, #tpu.memory_space<vmem>> -> memref<128xf32, #tpu.memory_space<vmem>>
    tpu.enqueue_dma source(%dma_start3A_404 : memref<128xf32, #tpu.memory_space<vmem>>) target(%dma_start3A_403 : memref<128xf32, #tpu.memory_space<hbm>>) target_semaphore(%arg5 : memref<!tpu.dma_semaphore, #tpu.memory_space<semaphore_mem>>)
    %add3A_405 = arith.constant 24576 : i32
    %add3A_406 = arith.addi %add3A_405, %sub3A_40 : i32
    %add3A_407 = arith.constant 384 : i32
    %add3A_408 = arith.addi %add3A_406, %add3A_407 : i32
    %add3A_409 = arith.constant 3072 : i32
    %add3A_410 = arith.addi %add3A_45, %add3A_409 : i32
    %add3A_411 = arith.constant 768 : i32
    %add3A_412 = arith.addi %add3A_410, %add3A_411 : i32
    %dma_start3A_413 = tpu.memref_slice %arg4[%add3A_408] : memref<32768xf32, #tpu.memory_space<vmem>> -> memref<128xf32, #tpu.memory_space<vmem>>
    %dma_start3A_414 = tpu.memref_slice %arg3[%add3A_412] : memref<67108864xf32, #tpu.memory_space<hbm>> -> memref<128xf32, #tpu.memory_space<hbm>>
    %dma_start3A_415 = tpu.memref_slice %arg3[%add3A_412] : memref<67108864xf32, #tpu.memory_space<hbm>> -> memref<128xf32, #tpu.memory_space<hbm>>
    %dma_start3A_416 = tpu.memref_slice %arg4[%add3A_408] : memref<32768xf32, #tpu.memory_space<vmem>> -> memref<128xf32, #tpu.memory_space<vmem>>
    tpu.enqueue_dma source(%dma_start3A_416 : memref<128xf32, #tpu.memory_space<vmem>>) target(%dma_start3A_415 : memref<128xf32, #tpu.memory_space<hbm>>) target_semaphore(%arg5 : memref<!tpu.dma_semaphore, #tpu.memory_space<semaphore_mem>>)
    %add3A_417 = arith.constant 28672 : i32
    %add3A_418 = arith.addi %add3A_417, %sub3A_40 : i32
    %add3A_419 = arith.constant 384 : i32
    %add3A_420 = arith.addi %add3A_418, %add3A_419 : i32
    %add3A_421 = arith.constant 3072 : i32
    %add3A_422 = arith.addi %add3A_45, %add3A_421 : i32
    %add3A_423 = arith.constant 896 : i32
    %add3A_424 = arith.addi %add3A_422, %add3A_423 : i32
    %dma_start3A_425 = tpu.memref_slice %arg4[%add3A_420] : memref<32768xf32, #tpu.memory_space<vmem>> -> memref<128xf32, #tpu.memory_space<vmem>>
    %dma_start3A_426 = tpu.memref_slice %arg3[%add3A_424] : memref<67108864xf32, #tpu.memory_space<hbm>> -> memref<128xf32, #tpu.memory_space<hbm>>
    %dma_start3A_427 = tpu.memref_slice %arg3[%add3A_424] : memref<67108864xf32, #tpu.memory_space<hbm>> -> memref<128xf32, #tpu.memory_space<hbm>>
    %dma_start3A_428 = tpu.memref_slice %arg4[%add3A_420] : memref<32768xf32, #tpu.memory_space<vmem>> -> memref<128xf32, #tpu.memory_space<vmem>>
    tpu.enqueue_dma source(%dma_start3A_428 : memref<128xf32, #tpu.memory_space<vmem>>) target(%dma_start3A_427 : memref<128xf32, #tpu.memory_space<hbm>>) target_semaphore(%arg5 : memref<!tpu.dma_semaphore, #tpu.memory_space<semaphore_mem>>)
    %add3A_429 = arith.constant 0 : i32
    %add3A_430 = arith.addi %add3A_429, %sub3A_40 : i32
    %add3A_431 = arith.constant 512 : i32
    %add3A_432 = arith.addi %add3A_430, %add3A_431 : i32
    %add3A_433 = arith.constant 4096 : i32
    %add3A_434 = arith.addi %add3A_45, %add3A_433 : i32
    %add3A_435 = arith.constant 0 : i32
    %add3A_436 = arith.addi %add3A_434, %add3A_435 : i32
    %dma_start3A_437 = tpu.memref_slice %arg4[%add3A_432] : memref<32768xf32, #tpu.memory_space<vmem>> -> memref<128xf32, #tpu.memory_space<vmem>>
    %dma_start3A_438 = tpu.memref_slice %arg3[%add3A_436] : memref<67108864xf32, #tpu.memory_space<hbm>> -> memref<128xf32, #tpu.memory_space<hbm>>
    %dma_start3A_439 = tpu.memref_slice %arg3[%add3A_436] : memref<67108864xf32, #tpu.memory_space<hbm>> -> memref<128xf32, #tpu.memory_space<hbm>>
    %dma_start3A_440 = tpu.memref_slice %arg4[%add3A_432] : memref<32768xf32, #tpu.memory_space<vmem>> -> memref<128xf32, #tpu.memory_space<vmem>>
    tpu.enqueue_dma source(%dma_start3A_440 : memref<128xf32, #tpu.memory_space<vmem>>) target(%dma_start3A_439 : memref<128xf32, #tpu.memory_space<hbm>>) target_semaphore(%arg5 : memref<!tpu.dma_semaphore, #tpu.memory_space<semaphore_mem>>)
    %add3A_441 = arith.constant 4096 : i32
    %add3A_442 = arith.addi %add3A_441, %sub3A_40 : i32
    %add3A_443 = arith.constant 512 : i32
    %add3A_444 = arith.addi %add3A_442, %add3A_443 : i32
    %add3A_445 = arith.constant 4096 : i32
    %add3A_446 = arith.addi %add3A_45, %add3A_445 : i32
    %add3A_447 = arith.constant 128 : i32
    %add3A_448 = arith.addi %add3A_446, %add3A_447 : i32
    %dma_start3A_449 = tpu.memref_slice %arg4[%add3A_444] : memref<32768xf32, #tpu.memory_space<vmem>> -> memref<128xf32, #tpu.memory_space<vmem>>
    %dma_start3A_450 = tpu.memref_slice %arg3[%add3A_448] : memref<67108864xf32, #tpu.memory_space<hbm>> -> memref<128xf32, #tpu.memory_space<hbm>>
    %dma_start3A_451 = tpu.memref_slice %arg3[%add3A_448] : memref<67108864xf32, #tpu.memory_space<hbm>> -> memref<128xf32, #tpu.memory_space<hbm>>
    %dma_start3A_452 = tpu.memref_slice %arg4[%add3A_444] : memref<32768xf32, #tpu.memory_space<vmem>> -> memref<128xf32, #tpu.memory_space<vmem>>
    tpu.enqueue_dma source(%dma_start3A_452 : memref<128xf32, #tpu.memory_space<vmem>>) target(%dma_start3A_451 : memref<128xf32, #tpu.memory_space<hbm>>) target_semaphore(%arg5 : memref<!tpu.dma_semaphore, #tpu.memory_space<semaphore_mem>>)
    %add3A_453 = arith.constant 8192 : i32
    %add3A_454 = arith.addi %add3A_453, %sub3A_40 : i32
    %add3A_455 = arith.constant 512 : i32
    %add3A_456 = arith.addi %add3A_454, %add3A_455 : i32
    %add3A_457 = arith.constant 4096 : i32
    %add3A_458 = arith.addi %add3A_45, %add3A_457 : i32
    %add3A_459 = arith.constant 256 : i32
    %add3A_460 = arith.addi %add3A_458, %add3A_459 : i32
    %dma_start3A_461 = tpu.memref_slice %arg4[%add3A_456] : memref<32768xf32, #tpu.memory_space<vmem>> -> memref<128xf32, #tpu.memory_space<vmem>>
    %dma_start3A_462 = tpu.memref_slice %arg3[%add3A_460] : memref<67108864xf32, #tpu.memory_space<hbm>> -> memref<128xf32, #tpu.memory_space<hbm>>
    %dma_start3A_463 = tpu.memref_slice %arg3[%add3A_460] : memref<67108864xf32, #tpu.memory_space<hbm>> -> memref<128xf32, #tpu.memory_space<hbm>>
    %dma_start3A_464 = tpu.memref_slice %arg4[%add3A_456] : memref<32768xf32, #tpu.memory_space<vmem>> -> memref<128xf32, #tpu.memory_space<vmem>>
    tpu.enqueue_dma source(%dma_start3A_464 : memref<128xf32, #tpu.memory_space<vmem>>) target(%dma_start3A_463 : memref<128xf32, #tpu.memory_space<hbm>>) target_semaphore(%arg5 : memref<!tpu.dma_semaphore, #tpu.memory_space<semaphore_mem>>)
    %add3A_465 = arith.constant 12288 : i32
    %add3A_466 = arith.addi %add3A_465, %sub3A_40 : i32
    %add3A_467 = arith.constant 512 : i32
    %add3A_468 = arith.addi %add3A_466, %add3A_467 : i32
    %add3A_469 = arith.constant 4096 : i32
    %add3A_470 = arith.addi %add3A_45, %add3A_469 : i32
    %add3A_471 = arith.constant 384 : i32
    %add3A_472 = arith.addi %add3A_470, %add3A_471 : i32
    %dma_start3A_473 = tpu.memref_slice %arg4[%add3A_468] : memref<32768xf32, #tpu.memory_space<vmem>> -> memref<128xf32, #tpu.memory_space<vmem>>
    %dma_start3A_474 = tpu.memref_slice %arg3[%add3A_472] : memref<67108864xf32, #tpu.memory_space<hbm>> -> memref<128xf32, #tpu.memory_space<hbm>>
    %dma_start3A_475 = tpu.memref_slice %arg3[%add3A_472] : memref<67108864xf32, #tpu.memory_space<hbm>> -> memref<128xf32, #tpu.memory_space<hbm>>
    %dma_start3A_476 = tpu.memref_slice %arg4[%add3A_468] : memref<32768xf32, #tpu.memory_space<vmem>> -> memref<128xf32, #tpu.memory_space<vmem>>
    tpu.enqueue_dma source(%dma_start3A_476 : memref<128xf32, #tpu.memory_space<vmem>>) target(%dma_start3A_475 : memref<128xf32, #tpu.memory_space<hbm>>) target_semaphore(%arg5 : memref<!tpu.dma_semaphore, #tpu.memory_space<semaphore_mem>>)
    %add3A_477 = arith.constant 16384 : i32
    %add3A_478 = arith.addi %add3A_477, %sub3A_40 : i32
    %add3A_479 = arith.constant 512 : i32
    %add3A_480 = arith.addi %add3A_478, %add3A_479 : i32
    %add3A_481 = arith.constant 4096 : i32
    %add3A_482 = arith.addi %add3A_45, %add3A_481 : i32
    %add3A_483 = arith.constant 512 : i32
    %add3A_484 = arith.addi %add3A_482, %add3A_483 : i32
    %dma_start3A_485 = tpu.memref_slice %arg4[%add3A_480] : memref<32768xf32, #tpu.memory_space<vmem>> -> memref<128xf32, #tpu.memory_space<vmem>>
    %dma_start3A_486 = tpu.memref_slice %arg3[%add3A_484] : memref<67108864xf32, #tpu.memory_space<hbm>> -> memref<128xf32, #tpu.memory_space<hbm>>
    %dma_start3A_487 = tpu.memref_slice %arg3[%add3A_484] : memref<67108864xf32, #tpu.memory_space<hbm>> -> memref<128xf32, #tpu.memory_space<hbm>>
    %dma_start3A_488 = tpu.memref_slice %arg4[%add3A_480] : memref<32768xf32, #tpu.memory_space<vmem>> -> memref<128xf32, #tpu.memory_space<vmem>>
    tpu.enqueue_dma source(%dma_start3A_488 : memref<128xf32, #tpu.memory_space<vmem>>) target(%dma_start3A_487 : memref<128xf32, #tpu.memory_space<hbm>>) target_semaphore(%arg5 : memref<!tpu.dma_semaphore, #tpu.memory_space<semaphore_mem>>)
    %add3A_489 = arith.constant 20480 : i32
    %add3A_490 = arith.addi %add3A_489, %sub3A_40 : i32
    %add3A_491 = arith.constant 512 : i32
    %add3A_492 = arith.addi %add3A_490, %add3A_491 : i32
    %add3A_493 = arith.constant 4096 : i32
    %add3A_494 = arith.addi %add3A_45, %add3A_493 : i32
    %add3A_495 = arith.constant 640 : i32
    %add3A_496 = arith.addi %add3A_494, %add3A_495 : i32
    %dma_start3A_497 = tpu.memref_slice %arg4[%add3A_492] : memref<32768xf32, #tpu.memory_space<vmem>> -> memref<128xf32, #tpu.memory_space<vmem>>
    %dma_start3A_498 = tpu.memref_slice %arg3[%add3A_496] : memref<67108864xf32, #tpu.memory_space<hbm>> -> memref<128xf32, #tpu.memory_space<hbm>>
    %dma_start3A_499 = tpu.memref_slice %arg3[%add3A_496] : memref<67108864xf32, #tpu.memory_space<hbm>> -> memref<128xf32, #tpu.memory_space<hbm>>
    %dma_start3A_500 = tpu.memref_slice %arg4[%add3A_492] : memref<32768xf32, #tpu.memory_space<vmem>> -> memref<128xf32, #tpu.memory_space<vmem>>
    tpu.enqueue_dma source(%dma_start3A_500 : memref<128xf32, #tpu.memory_space<vmem>>) target(%dma_start3A_499 : memref<128xf32, #tpu.memory_space<hbm>>) target_semaphore(%arg5 : memref<!tpu.dma_semaphore, #tpu.memory_space<semaphore_mem>>)
    %add3A_501 = arith.constant 24576 : i32
    %add3A_502 = arith.addi %add3A_501, %sub3A_40 : i32
    %add3A_503 = arith.constant 512 : i32
    %add3A_504 = arith.addi %add3A_502, %add3A_503 : i32
    %add3A_505 = arith.constant 4096 : i32
    %add3A_506 = arith.addi %add3A_45, %add3A_505 : i32
    %add3A_507 = arith.constant 768 : i32
    %add3A_508 = arith.addi %add3A_506, %add3A_507 : i32
    %dma_start3A_509 = tpu.memref_slice %arg4[%add3A_504] : memref<32768xf32, #tpu.memory_space<vmem>> -> memref<128xf32, #tpu.memory_space<vmem>>
    %dma_start3A_510 = tpu.memref_slice %arg3[%add3A_508] : memref<67108864xf32, #tpu.memory_space<hbm>> -> memref<128xf32, #tpu.memory_space<hbm>>
    %dma_start3A_511 = tpu.memref_slice %arg3[%add3A_508] : memref<67108864xf32, #tpu.memory_space<hbm>> -> memref<128xf32, #tpu.memory_space<hbm>>
    %dma_start3A_512 = tpu.memref_slice %arg4[%add3A_504] : memref<32768xf32, #tpu.memory_space<vmem>> -> memref<128xf32, #tpu.memory_space<vmem>>
    tpu.enqueue_dma source(%dma_start3A_512 : memref<128xf32, #tpu.memory_space<vmem>>) target(%dma_start3A_511 : memref<128xf32, #tpu.memory_space<hbm>>) target_semaphore(%arg5 : memref<!tpu.dma_semaphore, #tpu.memory_space<semaphore_mem>>)
    %add3A_513 = arith.constant 28672 : i32
    %add3A_514 = arith.addi %add3A_513, %sub3A_40 : i32
    %add3A_515 = arith.constant 512 : i32
    %add3A_516 = arith.addi %add3A_514, %add3A_515 : i32
    %add3A_517 = arith.constant 4096 : i32
    %add3A_518 = arith.addi %add3A_45, %add3A_517 : i32
    %add3A_519 = arith.constant 896 : i32
    %add3A_520 = arith.addi %add3A_518, %add3A_519 : i32
    %dma_start3A_521 = tpu.memref_slice %arg4[%add3A_516] : memref<32768xf32, #tpu.memory_space<vmem>> -> memref<128xf32, #tpu.memory_space<vmem>>
    %dma_start3A_522 = tpu.memref_slice %arg3[%add3A_520] : memref<67108864xf32, #tpu.memory_space<hbm>> -> memref<128xf32, #tpu.memory_space<hbm>>
    %dma_start3A_523 = tpu.memref_slice %arg3[%add3A_520] : memref<67108864xf32, #tpu.memory_space<hbm>> -> memref<128xf32, #tpu.memory_space<hbm>>
    %dma_start3A_524 = tpu.memref_slice %arg4[%add3A_516] : memref<32768xf32, #tpu.memory_space<vmem>> -> memref<128xf32, #tpu.memory_space<vmem>>
    tpu.enqueue_dma source(%dma_start3A_524 : memref<128xf32, #tpu.memory_space<vmem>>) target(%dma_start3A_523 : memref<128xf32, #tpu.memory_space<hbm>>) target_semaphore(%arg5 : memref<!tpu.dma_semaphore, #tpu.memory_space<semaphore_mem>>)
    %add3A_525 = arith.constant 0 : i32
    %add3A_526 = arith.addi %add3A_525, %sub3A_40 : i32
    %add3A_527 = arith.constant 640 : i32
    %add3A_528 = arith.addi %add3A_526, %add3A_527 : i32
    %add3A_529 = arith.constant 5120 : i32
    %add3A_530 = arith.addi %add3A_45, %add3A_529 : i32
    %add3A_531 = arith.constant 0 : i32
    %add3A_532 = arith.addi %add3A_530, %add3A_531 : i32
    %dma_start3A_533 = tpu.memref_slice %arg4[%add3A_528] : memref<32768xf32, #tpu.memory_space<vmem>> -> memref<128xf32, #tpu.memory_space<vmem>>
    %dma_start3A_534 = tpu.memref_slice %arg3[%add3A_532] : memref<67108864xf32, #tpu.memory_space<hbm>> -> memref<128xf32, #tpu.memory_space<hbm>>
    %dma_start3A_535 = tpu.memref_slice %arg3[%add3A_532] : memref<67108864xf32, #tpu.memory_space<hbm>> -> memref<128xf32, #tpu.memory_space<hbm>>
    %dma_start3A_536 = tpu.memref_slice %arg4[%add3A_528] : memref<32768xf32, #tpu.memory_space<vmem>> -> memref<128xf32, #tpu.memory_space<vmem>>
    tpu.enqueue_dma source(%dma_start3A_536 : memref<128xf32, #tpu.memory_space<vmem>>) target(%dma_start3A_535 : memref<128xf32, #tpu.memory_space<hbm>>) target_semaphore(%arg5 : memref<!tpu.dma_semaphore, #tpu.memory_space<semaphore_mem>>)
    %add3A_537 = arith.constant 4096 : i32
    %add3A_538 = arith.addi %add3A_537, %sub3A_40 : i32
    %add3A_539 = arith.constant 640 : i32
    %add3A_540 = arith.addi %add3A_538, %add3A_539 : i32
    %add3A_541 = arith.constant 5120 : i32
    %add3A_542 = arith.addi %add3A_45, %add3A_541 : i32
    %add3A_543 = arith.constant 128 : i32
    %add3A_544 = arith.addi %add3A_542, %add3A_543 : i32
    %dma_start3A_545 = tpu.memref_slice %arg4[%add3A_540] : memref<32768xf32, #tpu.memory_space<vmem>> -> memref<128xf32, #tpu.memory_space<vmem>>
    %dma_start3A_546 = tpu.memref_slice %arg3[%add3A_544] : memref<67108864xf32, #tpu.memory_space<hbm>> -> memref<128xf32, #tpu.memory_space<hbm>>
    %dma_start3A_547 = tpu.memref_slice %arg3[%add3A_544] : memref<67108864xf32, #tpu.memory_space<hbm>> -> memref<128xf32, #tpu.memory_space<hbm>>
    %dma_start3A_548 = tpu.memref_slice %arg4[%add3A_540] : memref<32768xf32, #tpu.memory_space<vmem>> -> memref<128xf32, #tpu.memory_space<vmem>>
    tpu.enqueue_dma source(%dma_start3A_548 : memref<128xf32, #tpu.memory_space<vmem>>) target(%dma_start3A_547 : memref<128xf32, #tpu.memory_space<hbm>>) target_semaphore(%arg5 : memref<!tpu.dma_semaphore, #tpu.memory_space<semaphore_mem>>)
    %add3A_549 = arith.constant 8192 : i32
    %add3A_550 = arith.addi %add3A_549, %sub3A_40 : i32
    %add3A_551 = arith.constant 640 : i32
    %add3A_552 = arith.addi %add3A_550, %add3A_551 : i32
    %add3A_553 = arith.constant 5120 : i32
    %add3A_554 = arith.addi %add3A_45, %add3A_553 : i32
    %add3A_555 = arith.constant 256 : i32
    %add3A_556 = arith.addi %add3A_554, %add3A_555 : i32
    %dma_start3A_557 = tpu.memref_slice %arg4[%add3A_552] : memref<32768xf32, #tpu.memory_space<vmem>> -> memref<128xf32, #tpu.memory_space<vmem>>
    %dma_start3A_558 = tpu.memref_slice %arg3[%add3A_556] : memref<67108864xf32, #tpu.memory_space<hbm>> -> memref<128xf32, #tpu.memory_space<hbm>>
    %dma_start3A_559 = tpu.memref_slice %arg3[%add3A_556] : memref<67108864xf32, #tpu.memory_space<hbm>> -> memref<128xf32, #tpu.memory_space<hbm>>
    %dma_start3A_560 = tpu.memref_slice %arg4[%add3A_552] : memref<32768xf32, #tpu.memory_space<vmem>> -> memref<128xf32, #tpu.memory_space<vmem>>
    tpu.enqueue_dma source(%dma_start3A_560 : memref<128xf32, #tpu.memory_space<vmem>>) target(%dma_start3A_559 : memref<128xf32, #tpu.memory_space<hbm>>) target_semaphore(%arg5 : memref<!tpu.dma_semaphore, #tpu.memory_space<semaphore_mem>>)
    %add3A_561 = arith.constant 12288 : i32
    %add3A_562 = arith.addi %add3A_561, %sub3A_40 : i32
    %add3A_563 = arith.constant 640 : i32
    %add3A_564 = arith.addi %add3A_562, %add3A_563 : i32
    %add3A_565 = arith.constant 5120 : i32
    %add3A_566 = arith.addi %add3A_45, %add3A_565 : i32
    %add3A_567 = arith.constant 384 : i32
    %add3A_568 = arith.addi %add3A_566, %add3A_567 : i32
    %dma_start3A_569 = tpu.memref_slice %arg4[%add3A_564] : memref<32768xf32, #tpu.memory_space<vmem>> -> memref<128xf32, #tpu.memory_space<vmem>>
    %dma_start3A_570 = tpu.memref_slice %arg3[%add3A_568] : memref<67108864xf32, #tpu.memory_space<hbm>> -> memref<128xf32, #tpu.memory_space<hbm>>
    %dma_start3A_571 = tpu.memref_slice %arg3[%add3A_568] : memref<67108864xf32, #tpu.memory_space<hbm>> -> memref<128xf32, #tpu.memory_space<hbm>>
    %dma_start3A_572 = tpu.memref_slice %arg4[%add3A_564] : memref<32768xf32, #tpu.memory_space<vmem>> -> memref<128xf32, #tpu.memory_space<vmem>>
    tpu.enqueue_dma source(%dma_start3A_572 : memref<128xf32, #tpu.memory_space<vmem>>) target(%dma_start3A_571 : memref<128xf32, #tpu.memory_space<hbm>>) target_semaphore(%arg5 : memref<!tpu.dma_semaphore, #tpu.memory_space<semaphore_mem>>)
    %add3A_573 = arith.constant 16384 : i32
    %add3A_574 = arith.addi %add3A_573, %sub3A_40 : i32
    %add3A_575 = arith.constant 640 : i32
    %add3A_576 = arith.addi %add3A_574, %add3A_575 : i32
    %add3A_577 = arith.constant 5120 : i32
    %add3A_578 = arith.addi %add3A_45, %add3A_577 : i32
    %add3A_579 = arith.constant 512 : i32
    %add3A_580 = arith.addi %add3A_578, %add3A_579 : i32
    %dma_start3A_581 = tpu.memref_slice %arg4[%add3A_576] : memref<32768xf32, #tpu.memory_space<vmem>> -> memref<128xf32, #tpu.memory_space<vmem>>
    %dma_start3A_582 = tpu.memref_slice %arg3[%add3A_580] : memref<67108864xf32, #tpu.memory_space<hbm>> -> memref<128xf32, #tpu.memory_space<hbm>>
    %dma_start3A_583 = tpu.memref_slice %arg3[%add3A_580] : memref<67108864xf32, #tpu.memory_space<hbm>> -> memref<128xf32, #tpu.memory_space<hbm>>
    %dma_start3A_584 = tpu.memref_slice %arg4[%add3A_576] : memref<32768xf32, #tpu.memory_space<vmem>> -> memref<128xf32, #tpu.memory_space<vmem>>
    tpu.enqueue_dma source(%dma_start3A_584 : memref<128xf32, #tpu.memory_space<vmem>>) target(%dma_start3A_583 : memref<128xf32, #tpu.memory_space<hbm>>) target_semaphore(%arg5 : memref<!tpu.dma_semaphore, #tpu.memory_space<semaphore_mem>>)
    %add3A_585 = arith.constant 20480 : i32
    %add3A_586 = arith.addi %add3A_585, %sub3A_40 : i32
    %add3A_587 = arith.constant 640 : i32
    %add3A_588 = arith.addi %add3A_586, %add3A_587 : i32
    %add3A_589 = arith.constant 5120 : i32
    %add3A_590 = arith.addi %add3A_45, %add3A_589 : i32
    %add3A_591 = arith.constant 640 : i32
    %add3A_592 = arith.addi %add3A_590, %add3A_591 : i32
    %dma_start3A_593 = tpu.memref_slice %arg4[%add3A_588] : memref<32768xf32, #tpu.memory_space<vmem>> -> memref<128xf32, #tpu.memory_space<vmem>>
    %dma_start3A_594 = tpu.memref_slice %arg3[%add3A_592] : memref<67108864xf32, #tpu.memory_space<hbm>> -> memref<128xf32, #tpu.memory_space<hbm>>
    %dma_start3A_595 = tpu.memref_slice %arg3[%add3A_592] : memref<67108864xf32, #tpu.memory_space<hbm>> -> memref<128xf32, #tpu.memory_space<hbm>>
    %dma_start3A_596 = tpu.memref_slice %arg4[%add3A_588] : memref<32768xf32, #tpu.memory_space<vmem>> -> memref<128xf32, #tpu.memory_space<vmem>>
    tpu.enqueue_dma source(%dma_start3A_596 : memref<128xf32, #tpu.memory_space<vmem>>) target(%dma_start3A_595 : memref<128xf32, #tpu.memory_space<hbm>>) target_semaphore(%arg5 : memref<!tpu.dma_semaphore, #tpu.memory_space<semaphore_mem>>)
    %add3A_597 = arith.constant 24576 : i32
    %add3A_598 = arith.addi %add3A_597, %sub3A_40 : i32
    %add3A_599 = arith.constant 640 : i32
    %add3A_600 = arith.addi %add3A_598, %add3A_599 : i32
    %add3A_601 = arith.constant 5120 : i32
    %add3A_602 = arith.addi %add3A_45, %add3A_601 : i32
    %add3A_603 = arith.constant 768 : i32
    %add3A_604 = arith.addi %add3A_602, %add3A_603 : i32
    %dma_start3A_605 = tpu.memref_slice %arg4[%add3A_600] : memref<32768xf32, #tpu.memory_space<vmem>> -> memref<128xf32, #tpu.memory_space<vmem>>
    %dma_start3A_606 = tpu.memref_slice %arg3[%add3A_604] : memref<67108864xf32, #tpu.memory_space<hbm>> -> memref<128xf32, #tpu.memory_space<hbm>>
    %dma_start3A_607 = tpu.memref_slice %arg3[%add3A_604] : memref<67108864xf32, #tpu.memory_space<hbm>> -> memref<128xf32, #tpu.memory_space<hbm>>
    %dma_start3A_608 = tpu.memref_slice %arg4[%add3A_600] : memref<32768xf32, #tpu.memory_space<vmem>> -> memref<128xf32, #tpu.memory_space<vmem>>
    tpu.enqueue_dma source(%dma_start3A_608 : memref<128xf32, #tpu.memory_space<vmem>>) target(%dma_start3A_607 : memref<128xf32, #tpu.memory_space<hbm>>) target_semaphore(%arg5 : memref<!tpu.dma_semaphore, #tpu.memory_space<semaphore_mem>>)
    %add3A_609 = arith.constant 28672 : i32
    %add3A_610 = arith.addi %add3A_609, %sub3A_40 : i32
    %add3A_611 = arith.constant 640 : i32
    %add3A_612 = arith.addi %add3A_610, %add3A_611 : i32
    %add3A_613 = arith.constant 5120 : i32
    %add3A_614 = arith.addi %add3A_45, %add3A_613 : i32
    %add3A_615 = arith.constant 896 : i32
    %add3A_616 = arith.addi %add3A_614, %add3A_615 : i32
    %dma_start3A_617 = tpu.memref_slice %arg4[%add3A_612] : memref<32768xf32, #tpu.memory_space<vmem>> -> memref<128xf32, #tpu.memory_space<vmem>>
    %dma_start3A_618 = tpu.memref_slice %arg3[%add3A_616] : memref<67108864xf32, #tpu.memory_space<hbm>> -> memref<128xf32, #tpu.memory_space<hbm>>
    %dma_start3A_619 = tpu.memref_slice %arg3[%add3A_616] : memref<67108864xf32, #tpu.memory_space<hbm>> -> memref<128xf32, #tpu.memory_space<hbm>>
    %dma_start3A_620 = tpu.memref_slice %arg4[%add3A_612] : memref<32768xf32, #tpu.memory_space<vmem>> -> memref<128xf32, #tpu.memory_space<vmem>>
    tpu.enqueue_dma source(%dma_start3A_620 : memref<128xf32, #tpu.memory_space<vmem>>) target(%dma_start3A_619 : memref<128xf32, #tpu.memory_space<hbm>>) target_semaphore(%arg5 : memref<!tpu.dma_semaphore, #tpu.memory_space<semaphore_mem>>)
    %add3A_621 = arith.constant 0 : i32
    %add3A_622 = arith.addi %add3A_621, %sub3A_40 : i32
    %add3A_623 = arith.constant 768 : i32
    %add3A_624 = arith.addi %add3A_622, %add3A_623 : i32
    %add3A_625 = arith.constant 6144 : i32
    %add3A_626 = arith.addi %add3A_45, %add3A_625 : i32
    %add3A_627 = arith.constant 0 : i32
    %add3A_628 = arith.addi %add3A_626, %add3A_627 : i32
    %dma_start3A_629 = tpu.memref_slice %arg4[%add3A_624] : memref<32768xf32, #tpu.memory_space<vmem>> -> memref<128xf32, #tpu.memory_space<vmem>>
    %dma_start3A_630 = tpu.memref_slice %arg3[%add3A_628] : memref<67108864xf32, #tpu.memory_space<hbm>> -> memref<128xf32, #tpu.memory_space<hbm>>
    %dma_start3A_631 = tpu.memref_slice %arg3[%add3A_628] : memref<67108864xf32, #tpu.memory_space<hbm>> -> memref<128xf32, #tpu.memory_space<hbm>>
    %dma_start3A_632 = tpu.memref_slice %arg4[%add3A_624] : memref<32768xf32, #tpu.memory_space<vmem>> -> memref<128xf32, #tpu.memory_space<vmem>>
    tpu.enqueue_dma source(%dma_start3A_632 : memref<128xf32, #tpu.memory_space<vmem>>) target(%dma_start3A_631 : memref<128xf32, #tpu.memory_space<hbm>>) target_semaphore(%arg5 : memref<!tpu.dma_semaphore, #tpu.memory_space<semaphore_mem>>)
    %add3A_633 = arith.constant 4096 : i32
    %add3A_634 = arith.addi %add3A_633, %sub3A_40 : i32
    %add3A_635 = arith.constant 768 : i32
    %add3A_636 = arith.addi %add3A_634, %add3A_635 : i32
    %add3A_637 = arith.constant 6144 : i32
    %add3A_638 = arith.addi %add3A_45, %add3A_637 : i32
    %add3A_639 = arith.constant 128 : i32
    %add3A_640 = arith.addi %add3A_638, %add3A_639 : i32
    %dma_start3A_641 = tpu.memref_slice %arg4[%add3A_636] : memref<32768xf32, #tpu.memory_space<vmem>> -> memref<128xf32, #tpu.memory_space<vmem>>
    %dma_start3A_642 = tpu.memref_slice %arg3[%add3A_640] : memref<67108864xf32, #tpu.memory_space<hbm>> -> memref<128xf32, #tpu.memory_space<hbm>>
    %dma_start3A_643 = tpu.memref_slice %arg3[%add3A_640] : memref<67108864xf32, #tpu.memory_space<hbm>> -> memref<128xf32, #tpu.memory_space<hbm>>
    %dma_start3A_644 = tpu.memref_slice %arg4[%add3A_636] : memref<32768xf32, #tpu.memory_space<vmem>> -> memref<128xf32, #tpu.memory_space<vmem>>
    tpu.enqueue_dma source(%dma_start3A_644 : memref<128xf32, #tpu.memory_space<vmem>>) target(%dma_start3A_643 : memref<128xf32, #tpu.memory_space<hbm>>) target_semaphore(%arg5 : memref<!tpu.dma_semaphore, #tpu.memory_space<semaphore_mem>>)
    %add3A_645 = arith.constant 8192 : i32
    %add3A_646 = arith.addi %add3A_645, %sub3A_40 : i32
    %add3A_647 = arith.constant 768 : i32
    %add3A_648 = arith.addi %add3A_646, %add3A_647 : i32
    %add3A_649 = arith.constant 6144 : i32
    %add3A_650 = arith.addi %add3A_45, %add3A_649 : i32
    %add3A_651 = arith.constant 256 : i32
    %add3A_652 = arith.addi %add3A_650, %add3A_651 : i32
    %dma_start3A_653 = tpu.memref_slice %arg4[%add3A_648] : memref<32768xf32, #tpu.memory_space<vmem>> -> memref<128xf32, #tpu.memory_space<vmem>>
    %dma_start3A_654 = tpu.memref_slice %arg3[%add3A_652] : memref<67108864xf32, #tpu.memory_space<hbm>> -> memref<128xf32, #tpu.memory_space<hbm>>
    %dma_start3A_655 = tpu.memref_slice %arg3[%add3A_652] : memref<67108864xf32, #tpu.memory_space<hbm>> -> memref<128xf32, #tpu.memory_space<hbm>>
    %dma_start3A_656 = tpu.memref_slice %arg4[%add3A_648] : memref<32768xf32, #tpu.memory_space<vmem>> -> memref<128xf32, #tpu.memory_space<vmem>>
    tpu.enqueue_dma source(%dma_start3A_656 : memref<128xf32, #tpu.memory_space<vmem>>) target(%dma_start3A_655 : memref<128xf32, #tpu.memory_space<hbm>>) target_semaphore(%arg5 : memref<!tpu.dma_semaphore, #tpu.memory_space<semaphore_mem>>)
    %add3A_657 = arith.constant 12288 : i32
    %add3A_658 = arith.addi %add3A_657, %sub3A_40 : i32
    %add3A_659 = arith.constant 768 : i32
    %add3A_660 = arith.addi %add3A_658, %add3A_659 : i32
    %add3A_661 = arith.constant 6144 : i32
    %add3A_662 = arith.addi %add3A_45, %add3A_661 : i32
    %add3A_663 = arith.constant 384 : i32
    %add3A_664 = arith.addi %add3A_662, %add3A_663 : i32
    %dma_start3A_665 = tpu.memref_slice %arg4[%add3A_660] : memref<32768xf32, #tpu.memory_space<vmem>> -> memref<128xf32, #tpu.memory_space<vmem>>
    %dma_start3A_666 = tpu.memref_slice %arg3[%add3A_664] : memref<67108864xf32, #tpu.memory_space<hbm>> -> memref<128xf32, #tpu.memory_space<hbm>>
    %dma_start3A_667 = tpu.memref_slice %arg3[%add3A_664] : memref<67108864xf32, #tpu.memory_space<hbm>> -> memref<128xf32, #tpu.memory_space<hbm>>
    %dma_start3A_668 = tpu.memref_slice %arg4[%add3A_660] : memref<32768xf32, #tpu.memory_space<vmem>> -> memref<128xf32, #tpu.memory_space<vmem>>
    tpu.enqueue_dma source(%dma_start3A_668 : memref<128xf32, #tpu.memory_space<vmem>>) target(%dma_start3A_667 : memref<128xf32, #tpu.memory_space<hbm>>) target_semaphore(%arg5 : memref<!tpu.dma_semaphore, #tpu.memory_space<semaphore_mem>>)
    %add3A_669 = arith.constant 16384 : i32
    %add3A_670 = arith.addi %add3A_669, %sub3A_40 : i32
    %add3A_671 = arith.constant 768 : i32
    %add3A_672 = arith.addi %add3A_670, %add3A_671 : i32
    %add3A_673 = arith.constant 6144 : i32
    %add3A_674 = arith.addi %add3A_45, %add3A_673 : i32
    %add3A_675 = arith.constant 512 : i32
    %add3A_676 = arith.addi %add3A_674, %add3A_675 : i32
    %dma_start3A_677 = tpu.memref_slice %arg4[%add3A_672] : memref<32768xf32, #tpu.memory_space<vmem>> -> memref<128xf32, #tpu.memory_space<vmem>>
    %dma_start3A_678 = tpu.memref_slice %arg3[%add3A_676] : memref<67108864xf32, #tpu.memory_space<hbm>> -> memref<128xf32, #tpu.memory_space<hbm>>
    %dma_start3A_679 = tpu.memref_slice %arg3[%add3A_676] : memref<67108864xf32, #tpu.memory_space<hbm>> -> memref<128xf32, #tpu.memory_space<hbm>>
    %dma_start3A_680 = tpu.memref_slice %arg4[%add3A_672] : memref<32768xf32, #tpu.memory_space<vmem>> -> memref<128xf32, #tpu.memory_space<vmem>>
    tpu.enqueue_dma source(%dma_start3A_680 : memref<128xf32, #tpu.memory_space<vmem>>) target(%dma_start3A_679 : memref<128xf32, #tpu.memory_space<hbm>>) target_semaphore(%arg5 : memref<!tpu.dma_semaphore, #tpu.memory_space<semaphore_mem>>)
    %add3A_681 = arith.constant 20480 : i32
    %add3A_682 = arith.addi %add3A_681, %sub3A_40 : i32
    %add3A_683 = arith.constant 768 : i32
    %add3A_684 = arith.addi %add3A_682, %add3A_683 : i32
    %add3A_685 = arith.constant 6144 : i32
    %add3A_686 = arith.addi %add3A_45, %add3A_685 : i32
    %add3A_687 = arith.constant 640 : i32
    %add3A_688 = arith.addi %add3A_686, %add3A_687 : i32
    %dma_start3A_689 = tpu.memref_slice %arg4[%add3A_684] : memref<32768xf32, #tpu.memory_space<vmem>> -> memref<128xf32, #tpu.memory_space<vmem>>
    %dma_start3A_690 = tpu.memref_slice %arg3[%add3A_688] : memref<67108864xf32, #tpu.memory_space<hbm>> -> memref<128xf32, #tpu.memory_space<hbm>>
    %dma_start3A_691 = tpu.memref_slice %arg3[%add3A_688] : memref<67108864xf32, #tpu.memory_space<hbm>> -> memref<128xf32, #tpu.memory_space<hbm>>
    %dma_start3A_692 = tpu.memref_slice %arg4[%add3A_684] : memref<32768xf32, #tpu.memory_space<vmem>> -> memref<128xf32, #tpu.memory_space<vmem>>
    tpu.enqueue_dma source(%dma_start3A_692 : memref<128xf32, #tpu.memory_space<vmem>>) target(%dma_start3A_691 : memref<128xf32, #tpu.memory_space<hbm>>) target_semaphore(%arg5 : memref<!tpu.dma_semaphore, #tpu.memory_space<semaphore_mem>>)
    %add3A_693 = arith.constant 24576 : i32
    %add3A_694 = arith.addi %add3A_693, %sub3A_40 : i32
    %add3A_695 = arith.constant 768 : i32
    %add3A_696 = arith.addi %add3A_694, %add3A_695 : i32
    %add3A_697 = arith.constant 6144 : i32
    %add3A_698 = arith.addi %add3A_45, %add3A_697 : i32
    %add3A_699 = arith.constant 768 : i32
    %add3A_700 = arith.addi %add3A_698, %add3A_699 : i32
    %dma_start3A_701 = tpu.memref_slice %arg4[%add3A_696] : memref<32768xf32, #tpu.memory_space<vmem>> -> memref<128xf32, #tpu.memory_space<vmem>>
    %dma_start3A_702 = tpu.memref_slice %arg3[%add3A_700] : memref<67108864xf32, #tpu.memory_space<hbm>> -> memref<128xf32, #tpu.memory_space<hbm>>
    %dma_start3A_703 = tpu.memref_slice %arg3[%add3A_700] : memref<67108864xf32, #tpu.memory_space<hbm>> -> memref<128xf32, #tpu.memory_space<hbm>>
    %dma_start3A_704 = tpu.memref_slice %arg4[%add3A_696] : memref<32768xf32, #tpu.memory_space<vmem>> -> memref<128xf32, #tpu.memory_space<vmem>>
    tpu.enqueue_dma source(%dma_start3A_704 : memref<128xf32, #tpu.memory_space<vmem>>) target(%dma_start3A_703 : memref<128xf32, #tpu.memory_space<hbm>>) target_semaphore(%arg5 : memref<!tpu.dma_semaphore, #tpu.memory_space<semaphore_mem>>)
    %add3A_705 = arith.constant 28672 : i32
    %add3A_706 = arith.addi %add3A_705, %sub3A_40 : i32
    %add3A_707 = arith.constant 768 : i32
    %add3A_708 = arith.addi %add3A_706, %add3A_707 : i32
    %add3A_709 = arith.constant 6144 : i32
    %add3A_710 = arith.addi %add3A_45, %add3A_709 : i32
    %add3A_711 = arith.constant 896 : i32
    %add3A_712 = arith.addi %add3A_710, %add3A_711 : i32
    %dma_start3A_713 = tpu.memref_slice %arg4[%add3A_708] : memref<32768xf32, #tpu.memory_space<vmem>> -> memref<128xf32, #tpu.memory_space<vmem>>
    %dma_start3A_714 = tpu.memref_slice %arg3[%add3A_712] : memref<67108864xf32, #tpu.memory_space<hbm>> -> memref<128xf32, #tpu.memory_space<hbm>>
    %dma_start3A_715 = tpu.memref_slice %arg3[%add3A_712] : memref<67108864xf32, #tpu.memory_space<hbm>> -> memref<128xf32, #tpu.memory_space<hbm>>
    %dma_start3A_716 = tpu.memref_slice %arg4[%add3A_708] : memref<32768xf32, #tpu.memory_space<vmem>> -> memref<128xf32, #tpu.memory_space<vmem>>
    tpu.enqueue_dma source(%dma_start3A_716 : memref<128xf32, #tpu.memory_space<vmem>>) target(%dma_start3A_715 : memref<128xf32, #tpu.memory_space<hbm>>) target_semaphore(%arg5 : memref<!tpu.dma_semaphore, #tpu.memory_space<semaphore_mem>>)
    %add3A_717 = arith.constant 0 : i32
    %add3A_718 = arith.addi %add3A_717, %sub3A_40 : i32
    %add3A_719 = arith.constant 896 : i32
    %add3A_720 = arith.addi %add3A_718, %add3A_719 : i32
    %add3A_721 = arith.constant 7168 : i32
    %add3A_722 = arith.addi %add3A_45, %add3A_721 : i32
    %add3A_723 = arith.constant 0 : i32
    %add3A_724 = arith.addi %add3A_722, %add3A_723 : i32
    %dma_start3A_725 = tpu.memref_slice %arg4[%add3A_720] : memref<32768xf32, #tpu.memory_space<vmem>> -> memref<128xf32, #tpu.memory_space<vmem>>
    %dma_start3A_726 = tpu.memref_slice %arg3[%add3A_724] : memref<67108864xf32, #tpu.memory_space<hbm>> -> memref<128xf32, #tpu.memory_space<hbm>>
    %dma_start3A_727 = tpu.memref_slice %arg3[%add3A_724] : memref<67108864xf32, #tpu.memory_space<hbm>> -> memref<128xf32, #tpu.memory_space<hbm>>
    %dma_start3A_728 = tpu.memref_slice %arg4[%add3A_720] : memref<32768xf32, #tpu.memory_space<vmem>> -> memref<128xf32, #tpu.memory_space<vmem>>
    tpu.enqueue_dma source(%dma_start3A_728 : memref<128xf32, #tpu.memory_space<vmem>>) target(%dma_start3A_727 : memref<128xf32, #tpu.memory_space<hbm>>) target_semaphore(%arg5 : memref<!tpu.dma_semaphore, #tpu.memory_space<semaphore_mem>>)
    %add3A_729 = arith.constant 4096 : i32
    %add3A_730 = arith.addi %add3A_729, %sub3A_40 : i32
    %add3A_731 = arith.constant 896 : i32
    %add3A_732 = arith.addi %add3A_730, %add3A_731 : i32
    %add3A_733 = arith.constant 7168 : i32
    %add3A_734 = arith.addi %add3A_45, %add3A_733 : i32
    %add3A_735 = arith.constant 128 : i32
    %add3A_736 = arith.addi %add3A_734, %add3A_735 : i32
    %dma_start3A_737 = tpu.memref_slice %arg4[%add3A_732] : memref<32768xf32, #tpu.memory_space<vmem>> -> memref<128xf32, #tpu.memory_space<vmem>>
    %dma_start3A_738 = tpu.memref_slice %arg3[%add3A_736] : memref<67108864xf32, #tpu.memory_space<hbm>> -> memref<128xf32, #tpu.memory_space<hbm>>
    %dma_start3A_739 = tpu.memref_slice %arg3[%add3A_736] : memref<67108864xf32, #tpu.memory_space<hbm>> -> memref<128xf32, #tpu.memory_space<hbm>>
    %dma_start3A_740 = tpu.memref_slice %arg4[%add3A_732] : memref<32768xf32, #tpu.memory_space<vmem>> -> memref<128xf32, #tpu.memory_space<vmem>>
    tpu.enqueue_dma source(%dma_start3A_740 : memref<128xf32, #tpu.memory_space<vmem>>) target(%dma_start3A_739 : memref<128xf32, #tpu.memory_space<hbm>>) target_semaphore(%arg5 : memref<!tpu.dma_semaphore, #tpu.memory_space<semaphore_mem>>)
    %add3A_741 = arith.constant 8192 : i32
    %add3A_742 = arith.addi %add3A_741, %sub3A_40 : i32
    %add3A_743 = arith.constant 896 : i32
    %add3A_744 = arith.addi %add3A_742, %add3A_743 : i32
    %add3A_745 = arith.constant 7168 : i32
    %add3A_746 = arith.addi %add3A_45, %add3A_745 : i32
    %add3A_747 = arith.constant 256 : i32
    %add3A_748 = arith.addi %add3A_746, %add3A_747 : i32
    %dma_start3A_749 = tpu.memref_slice %arg4[%add3A_744] : memref<32768xf32, #tpu.memory_space<vmem>> -> memref<128xf32, #tpu.memory_space<vmem>>
    %dma_start3A_750 = tpu.memref_slice %arg3[%add3A_748] : memref<67108864xf32, #tpu.memory_space<hbm>> -> memref<128xf32, #tpu.memory_space<hbm>>
    %dma_start3A_751 = tpu.memref_slice %arg3[%add3A_748] : memref<67108864xf32, #tpu.memory_space<hbm>> -> memref<128xf32, #tpu.memory_space<hbm>>
    %dma_start3A_752 = tpu.memref_slice %arg4[%add3A_744] : memref<32768xf32, #tpu.memory_space<vmem>> -> memref<128xf32, #tpu.memory_space<vmem>>
    tpu.enqueue_dma source(%dma_start3A_752 : memref<128xf32, #tpu.memory_space<vmem>>) target(%dma_start3A_751 : memref<128xf32, #tpu.memory_space<hbm>>) target_semaphore(%arg5 : memref<!tpu.dma_semaphore, #tpu.memory_space<semaphore_mem>>)
    %add3A_753 = arith.constant 12288 : i32
    %add3A_754 = arith.addi %add3A_753, %sub3A_40 : i32
    %add3A_755 = arith.constant 896 : i32
    %add3A_756 = arith.addi %add3A_754, %add3A_755 : i32
    %add3A_757 = arith.constant 7168 : i32
    %add3A_758 = arith.addi %add3A_45, %add3A_757 : i32
    %add3A_759 = arith.constant 384 : i32
    %add3A_760 = arith.addi %add3A_758, %add3A_759 : i32
    %dma_start3A_761 = tpu.memref_slice %arg4[%add3A_756] : memref<32768xf32, #tpu.memory_space<vmem>> -> memref<128xf32, #tpu.memory_space<vmem>>
    %dma_start3A_762 = tpu.memref_slice %arg3[%add3A_760] : memref<67108864xf32, #tpu.memory_space<hbm>> -> memref<128xf32, #tpu.memory_space<hbm>>
    %dma_start3A_763 = tpu.memref_slice %arg3[%add3A_760] : memref<67108864xf32, #tpu.memory_space<hbm>> -> memref<128xf32, #tpu.memory_space<hbm>>
    %dma_start3A_764 = tpu.memref_slice %arg4[%add3A_756] : memref<32768xf32, #tpu.memory_space<vmem>> -> memref<128xf32, #tpu.memory_space<vmem>>
    tpu.enqueue_dma source(%dma_start3A_764 : memref<128xf32, #tpu.memory_space<vmem>>) target(%dma_start3A_763 : memref<128xf32, #tpu.memory_space<hbm>>) target_semaphore(%arg5 : memref<!tpu.dma_semaphore, #tpu.memory_space<semaphore_mem>>)
    %add3A_765 = arith.constant 16384 : i32
    %add3A_766 = arith.addi %add3A_765, %sub3A_40 : i32
    %add3A_767 = arith.constant 896 : i32
    %add3A_768 = arith.addi %add3A_766, %add3A_767 : i32
    %add3A_769 = arith.constant 7168 : i32
    %add3A_770 = arith.addi %add3A_45, %add3A_769 : i32
    %add3A_771 = arith.constant 512 : i32
    %add3A_772 = arith.addi %add3A_770, %add3A_771 : i32
    %dma_start3A_773 = tpu.memref_slice %arg4[%add3A_768] : memref<32768xf32, #tpu.memory_space<vmem>> -> memref<128xf32, #tpu.memory_space<vmem>>
    %dma_start3A_774 = tpu.memref_slice %arg3[%add3A_772] : memref<67108864xf32, #tpu.memory_space<hbm>> -> memref<128xf32, #tpu.memory_space<hbm>>
    %dma_start3A_775 = tpu.memref_slice %arg3[%add3A_772] : memref<67108864xf32, #tpu.memory_space<hbm>> -> memref<128xf32, #tpu.memory_space<hbm>>
    %dma_start3A_776 = tpu.memref_slice %arg4[%add3A_768] : memref<32768xf32, #tpu.memory_space<vmem>> -> memref<128xf32, #tpu.memory_space<vmem>>
    tpu.enqueue_dma source(%dma_start3A_776 : memref<128xf32, #tpu.memory_space<vmem>>) target(%dma_start3A_775 : memref<128xf32, #tpu.memory_space<hbm>>) target_semaphore(%arg5 : memref<!tpu.dma_semaphore, #tpu.memory_space<semaphore_mem>>)
    %add3A_777 = arith.constant 20480 : i32
    %add3A_778 = arith.addi %add3A_777, %sub3A_40 : i32
    %add3A_779 = arith.constant 896 : i32
    %add3A_780 = arith.addi %add3A_778, %add3A_779 : i32
    %add3A_781 = arith.constant 7168 : i32
    %add3A_782 = arith.addi %add3A_45, %add3A_781 : i32
    %add3A_783 = arith.constant 640 : i32
    %add3A_784 = arith.addi %add3A_782, %add3A_783 : i32
    %dma_start3A_785 = tpu.memref_slice %arg4[%add3A_780] : memref<32768xf32, #tpu.memory_space<vmem>> -> memref<128xf32, #tpu.memory_space<vmem>>
    %dma_start3A_786 = tpu.memref_slice %arg3[%add3A_784] : memref<67108864xf32, #tpu.memory_space<hbm>> -> memref<128xf32, #tpu.memory_space<hbm>>
    %dma_start3A_787 = tpu.memref_slice %arg3[%add3A_784] : memref<67108864xf32, #tpu.memory_space<hbm>> -> memref<128xf32, #tpu.memory_space<hbm>>
    %dma_start3A_788 = tpu.memref_slice %arg4[%add3A_780] : memref<32768xf32, #tpu.memory_space<vmem>> -> memref<128xf32, #tpu.memory_space<vmem>>
    tpu.enqueue_dma source(%dma_start3A_788 : memref<128xf32, #tpu.memory_space<vmem>>) target(%dma_start3A_787 : memref<128xf32, #tpu.memory_space<hbm>>) target_semaphore(%arg5 : memref<!tpu.dma_semaphore, #tpu.memory_space<semaphore_mem>>)
    %add3A_789 = arith.constant 24576 : i32
    %add3A_790 = arith.addi %add3A_789, %sub3A_40 : i32
    %add3A_791 = arith.constant 896 : i32
    %add3A_792 = arith.addi %add3A_790, %add3A_791 : i32
    %add3A_793 = arith.constant 7168 : i32
    %add3A_794 = arith.addi %add3A_45, %add3A_793 : i32
    %add3A_795 = arith.constant 768 : i32
    %add3A_796 = arith.addi %add3A_794, %add3A_795 : i32
    %dma_start3A_797 = tpu.memref_slice %arg4[%add3A_792] : memref<32768xf32, #tpu.memory_space<vmem>> -> memref<128xf32, #tpu.memory_space<vmem>>
    %dma_start3A_798 = tpu.memref_slice %arg3[%add3A_796] : memref<67108864xf32, #tpu.memory_space<hbm>> -> memref<128xf32, #tpu.memory_space<hbm>>
    %dma_start3A_799 = tpu.memref_slice %arg3[%add3A_796] : memref<67108864xf32, #tpu.memory_space<hbm>> -> memref<128xf32, #tpu.memory_space<hbm>>
    %dma_start3A_800 = tpu.memref_slice %arg4[%add3A_792] : memref<32768xf32, #tpu.memory_space<vmem>> -> memref<128xf32, #tpu.memory_space<vmem>>
    tpu.enqueue_dma source(%dma_start3A_800 : memref<128xf32, #tpu.memory_space<vmem>>) target(%dma_start3A_799 : memref<128xf32, #tpu.memory_space<hbm>>) target_semaphore(%arg5 : memref<!tpu.dma_semaphore, #tpu.memory_space<semaphore_mem>>)
    %add3A_801 = arith.constant 28672 : i32
    %add3A_802 = arith.addi %add3A_801, %sub3A_40 : i32
    %add3A_803 = arith.constant 896 : i32
    %add3A_804 = arith.addi %add3A_802, %add3A_803 : i32
    %add3A_805 = arith.constant 7168 : i32
    %add3A_806 = arith.addi %add3A_45, %add3A_805 : i32
    %add3A_807 = arith.constant 896 : i32
    %add3A_808 = arith.addi %add3A_806, %add3A_807 : i32
    %dma_start3A_809 = tpu.memref_slice %arg4[%add3A_804] : memref<32768xf32, #tpu.memory_space<vmem>> -> memref<128xf32, #tpu.memory_space<vmem>>
    %dma_start3A_810 = tpu.memref_slice %arg3[%add3A_808] : memref<67108864xf32, #tpu.memory_space<hbm>> -> memref<128xf32, #tpu.memory_space<hbm>>
    %dma_start3A_811 = tpu.memref_slice %arg3[%add3A_808] : memref<67108864xf32, #tpu.memory_space<hbm>> -> memref<128xf32, #tpu.memory_space<hbm>>
    %dma_start3A_812 = tpu.memref_slice %arg4[%add3A_804] : memref<32768xf32, #tpu.memory_space<vmem>> -> memref<128xf32, #tpu.memory_space<vmem>>
    tpu.enqueue_dma source(%dma_start3A_812 : memref<128xf32, #tpu.memory_space<vmem>>) target(%dma_start3A_811 : memref<128xf32, #tpu.memory_space<hbm>>) target_semaphore(%arg5 : memref<!tpu.dma_semaphore, #tpu.memory_space<semaphore_mem>>)
    %add3A_813 = arith.constant 0 : i32
    %add3A_814 = arith.addi %add3A_813, %sub3A_40 : i32
    %add3A_815 = arith.constant 1024 : i32
    %add3A_816 = arith.addi %add3A_814, %add3A_815 : i32
    %add3A_817 = arith.constant 8192 : i32
    %add3A_818 = arith.addi %add3A_45, %add3A_817 : i32
    %add3A_819 = arith.constant 0 : i32
    %add3A_820 = arith.addi %add3A_818, %add3A_819 : i32
    %dma_start3A_821 = tpu.memref_slice %arg4[%add3A_816] : memref<32768xf32, #tpu.memory_space<vmem>> -> memref<128xf32, #tpu.memory_space<vmem>>
    %dma_start3A_822 = tpu.memref_slice %arg3[%add3A_820] : memref<67108864xf32, #tpu.memory_space<hbm>> -> memref<128xf32, #tpu.memory_space<hbm>>
    %dma_start3A_823 = tpu.memref_slice %arg3[%add3A_820] : memref<67108864xf32, #tpu.memory_space<hbm>> -> memref<128xf32, #tpu.memory_space<hbm>>
    %dma_start3A_824 = tpu.memref_slice %arg4[%add3A_816] : memref<32768xf32, #tpu.memory_space<vmem>> -> memref<128xf32, #tpu.memory_space<vmem>>
    tpu.enqueue_dma source(%dma_start3A_824 : memref<128xf32, #tpu.memory_space<vmem>>) target(%dma_start3A_823 : memref<128xf32, #tpu.memory_space<hbm>>) target_semaphore(%arg5 : memref<!tpu.dma_semaphore, #tpu.memory_space<semaphore_mem>>)
    %add3A_825 = arith.constant 4096 : i32
    %add3A_826 = arith.addi %add3A_825, %sub3A_40 : i32
    %add3A_827 = arith.constant 1024 : i32
    %add3A_828 = arith.addi %add3A_826, %add3A_827 : i32
    %add3A_829 = arith.constant 8192 : i32
    %add3A_830 = arith.addi %add3A_45, %add3A_829 : i32
    %add3A_831 = arith.constant 128 : i32
    %add3A_832 = arith.addi %add3A_830, %add3A_831 : i32
    %dma_start3A_833 = tpu.memref_slice %arg4[%add3A_828] : memref<32768xf32, #tpu.memory_space<vmem>> -> memref<128xf32, #tpu.memory_space<vmem>>
    %dma_start3A_834 = tpu.memref_slice %arg3[%add3A_832] : memref<67108864xf32, #tpu.memory_space<hbm>> -> memref<128xf32, #tpu.memory_space<hbm>>
    %dma_start3A_835 = tpu.memref_slice %arg3[%add3A_832] : memref<67108864xf32, #tpu.memory_space<hbm>> -> memref<128xf32, #tpu.memory_space<hbm>>
    %dma_start3A_836 = tpu.memref_slice %arg4[%add3A_828] : memref<32768xf32, #tpu.memory_space<vmem>> -> memref<128xf32, #tpu.memory_space<vmem>>
    tpu.enqueue_dma source(%dma_start3A_836 : memref<128xf32, #tpu.memory_space<vmem>>) target(%dma_start3A_835 : memref<128xf32, #tpu.memory_space<hbm>>) target_semaphore(%arg5 : memref<!tpu.dma_semaphore, #tpu.memory_space<semaphore_mem>>)
    %add3A_837 = arith.constant 8192 : i32
    %add3A_838 = arith.addi %add3A_837, %sub3A_40 : i32
    %add3A_839 = arith.constant 1024 : i32
    %add3A_840 = arith.addi %add3A_838, %add3A_839 : i32
    %add3A_841 = arith.constant 8192 : i32
    %add3A_842 = arith.addi %add3A_45, %add3A_841 : i32
    %add3A_843 = arith.constant 256 : i32
    %add3A_844 = arith.addi %add3A_842, %add3A_843 : i32
    %dma_start3A_845 = tpu.memref_slice %arg4[%add3A_840] : memref<32768xf32, #tpu.memory_space<vmem>> -> memref<128xf32, #tpu.memory_space<vmem>>
    %dma_start3A_846 = tpu.memref_slice %arg3[%add3A_844] : memref<67108864xf32, #tpu.memory_space<hbm>> -> memref<128xf32, #tpu.memory_space<hbm>>
    %dma_start3A_847 = tpu.memref_slice %arg3[%add3A_844] : memref<67108864xf32, #tpu.memory_space<hbm>> -> memref<128xf32, #tpu.memory_space<hbm>>
    %dma_start3A_848 = tpu.memref_slice %arg4[%add3A_840] : memref<32768xf32, #tpu.memory_space<vmem>> -> memref<128xf32, #tpu.memory_space<vmem>>
    tpu.enqueue_dma source(%dma_start3A_848 : memref<128xf32, #tpu.memory_space<vmem>>) target(%dma_start3A_847 : memref<128xf32, #tpu.memory_space<hbm>>) target_semaphore(%arg5 : memref<!tpu.dma_semaphore, #tpu.memory_space<semaphore_mem>>)
    %add3A_849 = arith.constant 12288 : i32
    %add3A_850 = arith.addi %add3A_849, %sub3A_40 : i32
    %add3A_851 = arith.constant 1024 : i32
    %add3A_852 = arith.addi %add3A_850, %add3A_851 : i32
    %add3A_853 = arith.constant 8192 : i32
    %add3A_854 = arith.addi %add3A_45, %add3A_853 : i32
    %add3A_855 = arith.constant 384 : i32
    %add3A_856 = arith.addi %add3A_854, %add3A_855 : i32
    %dma_start3A_857 = tpu.memref_slice %arg4[%add3A_852] : memref<32768xf32, #tpu.memory_space<vmem>> -> memref<128xf32, #tpu.memory_space<vmem>>
    %dma_start3A_858 = tpu.memref_slice %arg3[%add3A_856] : memref<67108864xf32, #tpu.memory_space<hbm>> -> memref<128xf32, #tpu.memory_space<hbm>>
    %dma_start3A_859 = tpu.memref_slice %arg3[%add3A_856] : memref<67108864xf32, #tpu.memory_space<hbm>> -> memref<128xf32, #tpu.memory_space<hbm>>
    %dma_start3A_860 = tpu.memref_slice %arg4[%add3A_852] : memref<32768xf32, #tpu.memory_space<vmem>> -> memref<128xf32, #tpu.memory_space<vmem>>
    tpu.enqueue_dma source(%dma_start3A_860 : memref<128xf32, #tpu.memory_space<vmem>>) target(%dma_start3A_859 : memref<128xf32, #tpu.memory_space<hbm>>) target_semaphore(%arg5 : memref<!tpu.dma_semaphore, #tpu.memory_space<semaphore_mem>>)
    %add3A_861 = arith.constant 16384 : i32
    %add3A_862 = arith.addi %add3A_861, %sub3A_40 : i32
    %add3A_863 = arith.constant 1024 : i32
    %add3A_864 = arith.addi %add3A_862, %add3A_863 : i32
    %add3A_865 = arith.constant 8192 : i32
    %add3A_866 = arith.addi %add3A_45, %add3A_865 : i32
    %add3A_867 = arith.constant 512 : i32
    %add3A_868 = arith.addi %add3A_866, %add3A_867 : i32
    %dma_start3A_869 = tpu.memref_slice %arg4[%add3A_864] : memref<32768xf32, #tpu.memory_space<vmem>> -> memref<128xf32, #tpu.memory_space<vmem>>
    %dma_start3A_870 = tpu.memref_slice %arg3[%add3A_868] : memref<67108864xf32, #tpu.memory_space<hbm>> -> memref<128xf32, #tpu.memory_space<hbm>>
    %dma_start3A_871 = tpu.memref_slice %arg3[%add3A_868] : memref<67108864xf32, #tpu.memory_space<hbm>> -> memref<128xf32, #tpu.memory_space<hbm>>
    %dma_start3A_872 = tpu.memref_slice %arg4[%add3A_864] : memref<32768xf32, #tpu.memory_space<vmem>> -> memref<128xf32, #tpu.memory_space<vmem>>
    tpu.enqueue_dma source(%dma_start3A_872 : memref<128xf32, #tpu.memory_space<vmem>>) target(%dma_start3A_871 : memref<128xf32, #tpu.memory_space<hbm>>) target_semaphore(%arg5 : memref<!tpu.dma_semaphore, #tpu.memory_space<semaphore_mem>>)
    %add3A_873 = arith.constant 20480 : i32
    %add3A_874 = arith.addi %add3A_873, %sub3A_40 : i32
    %add3A_875 = arith.constant 1024 : i32
    %add3A_876 = arith.addi %add3A_874, %add3A_875 : i32
    %add3A_877 = arith.constant 8192 : i32
    %add3A_878 = arith.addi %add3A_45, %add3A_877 : i32
    %add3A_879 = arith.constant 640 : i32
    %add3A_880 = arith.addi %add3A_878, %add3A_879 : i32
    %dma_start3A_881 = tpu.memref_slice %arg4[%add3A_876] : memref<32768xf32, #tpu.memory_space<vmem>> -> memref<128xf32, #tpu.memory_space<vmem>>
    %dma_start3A_882 = tpu.memref_slice %arg3[%add3A_880] : memref<67108864xf32, #tpu.memory_space<hbm>> -> memref<128xf32, #tpu.memory_space<hbm>>
    %dma_start3A_883 = tpu.memref_slice %arg3[%add3A_880] : memref<67108864xf32, #tpu.memory_space<hbm>> -> memref<128xf32, #tpu.memory_space<hbm>>
    %dma_start3A_884 = tpu.memref_slice %arg4[%add3A_876] : memref<32768xf32, #tpu.memory_space<vmem>> -> memref<128xf32, #tpu.memory_space<vmem>>
    tpu.enqueue_dma source(%dma_start3A_884 : memref<128xf32, #tpu.memory_space<vmem>>) target(%dma_start3A_883 : memref<128xf32, #tpu.memory_space<hbm>>) target_semaphore(%arg5 : memref<!tpu.dma_semaphore, #tpu.memory_space<semaphore_mem>>)
    %add3A_885 = arith.constant 24576 : i32
    %add3A_886 = arith.addi %add3A_885, %sub3A_40 : i32
    %add3A_887 = arith.constant 1024 : i32
    %add3A_888 = arith.addi %add3A_886, %add3A_887 : i32
    %add3A_889 = arith.constant 8192 : i32
    %add3A_890 = arith.addi %add3A_45, %add3A_889 : i32
    %add3A_891 = arith.constant 768 : i32
    %add3A_892 = arith.addi %add3A_890, %add3A_891 : i32
    %dma_start3A_893 = tpu.memref_slice %arg4[%add3A_888] : memref<32768xf32, #tpu.memory_space<vmem>> -> memref<128xf32, #tpu.memory_space<vmem>>
    %dma_start3A_894 = tpu.memref_slice %arg3[%add3A_892] : memref<67108864xf32, #tpu.memory_space<hbm>> -> memref<128xf32, #tpu.memory_space<hbm>>
    %dma_start3A_895 = tpu.memref_slice %arg3[%add3A_892] : memref<67108864xf32, #tpu.memory_space<hbm>> -> memref<128xf32, #tpu.memory_space<hbm>>
    %dma_start3A_896 = tpu.memref_slice %arg4[%add3A_888] : memref<32768xf32, #tpu.memory_space<vmem>> -> memref<128xf32, #tpu.memory_space<vmem>>
    tpu.enqueue_dma source(%dma_start3A_896 : memref<128xf32, #tpu.memory_space<vmem>>) target(%dma_start3A_895 : memref<128xf32, #tpu.memory_space<hbm>>) target_semaphore(%arg5 : memref<!tpu.dma_semaphore, #tpu.memory_space<semaphore_mem>>)
    %add3A_897 = arith.constant 28672 : i32
    %add3A_898 = arith.addi %add3A_897, %sub3A_40 : i32
    %add3A_899 = arith.constant 1024 : i32
    %add3A_900 = arith.addi %add3A_898, %add3A_899 : i32
    %add3A_901 = arith.constant 8192 : i32
    %add3A_902 = arith.addi %add3A_45, %add3A_901 : i32
    %add3A_903 = arith.constant 896 : i32
    %add3A_904 = arith.addi %add3A_902, %add3A_903 : i32
    %dma_start3A_905 = tpu.memref_slice %arg4[%add3A_900] : memref<32768xf32, #tpu.memory_space<vmem>> -> memref<128xf32, #tpu.memory_space<vmem>>
    %dma_start3A_906 = tpu.memref_slice %arg3[%add3A_904] : memref<67108864xf32, #tpu.memory_space<hbm>> -> memref<128xf32, #tpu.memory_space<hbm>>
    %dma_start3A_907 = tpu.memref_slice %arg3[%add3A_904] : memref<67108864xf32, #tpu.memory_space<hbm>> -> memref<128xf32, #tpu.memory_space<hbm>>
    %dma_start3A_908 = tpu.memref_slice %arg4[%add3A_900] : memref<32768xf32, #tpu.memory_space<vmem>> -> memref<128xf32, #tpu.memory_space<vmem>>
    tpu.enqueue_dma source(%dma_start3A_908 : memref<128xf32, #tpu.memory_space<vmem>>) target(%dma_start3A_907 : memref<128xf32, #tpu.memory_space<hbm>>) target_semaphore(%arg5 : memref<!tpu.dma_semaphore, #tpu.memory_space<semaphore_mem>>)
    %add3A_909 = arith.constant 0 : i32
    %add3A_910 = arith.addi %add3A_909, %sub3A_40 : i32
    %add3A_911 = arith.constant 1152 : i32
    %add3A_912 = arith.addi %add3A_910, %add3A_911 : i32
    %add3A_913 = arith.constant 9216 : i32
    %add3A_914 = arith.addi %add3A_45, %add3A_913 : i32
    %add3A_915 = arith.constant 0 : i32
    %add3A_916 = arith.addi %add3A_914, %add3A_915 : i32
    %dma_start3A_917 = tpu.memref_slice %arg4[%add3A_912] : memref<32768xf32, #tpu.memory_space<vmem>> -> memref<128xf32, #tpu.memory_space<vmem>>
    %dma_start3A_918 = tpu.memref_slice %arg3[%add3A_916] : memref<67108864xf32, #tpu.memory_space<hbm>> -> memref<128xf32, #tpu.memory_space<hbm>>
    %dma_start3A_919 = tpu.memref_slice %arg3[%add3A_916] : memref<67108864xf32, #tpu.memory_space<hbm>> -> memref<128xf32, #tpu.memory_space<hbm>>
    %dma_start3A_920 = tpu.memref_slice %arg4[%add3A_912] : memref<32768xf32, #tpu.memory_space<vmem>> -> memref<128xf32, #tpu.memory_space<vmem>>
    tpu.enqueue_dma source(%dma_start3A_920 : memref<128xf32, #tpu.memory_space<vmem>>) target(%dma_start3A_919 : memref<128xf32, #tpu.memory_space<hbm>>) target_semaphore(%arg5 : memref<!tpu.dma_semaphore, #tpu.memory_space<semaphore_mem>>)
    %add3A_921 = arith.constant 4096 : i32
    %add3A_922 = arith.addi %add3A_921, %sub3A_40 : i32
    %add3A_923 = arith.constant 1152 : i32
    %add3A_924 = arith.addi %add3A_922, %add3A_923 : i32
    %add3A_925 = arith.constant 9216 : i32
    %add3A_926 = arith.addi %add3A_45, %add3A_925 : i32
    %add3A_927 = arith.constant 128 : i32
    %add3A_928 = arith.addi %add3A_926, %add3A_927 : i32
    %dma_start3A_929 = tpu.memref_slice %arg4[%add3A_924] : memref<32768xf32, #tpu.memory_space<vmem>> -> memref<128xf32, #tpu.memory_space<vmem>>
    %dma_start3A_930 = tpu.memref_slice %arg3[%add3A_928] : memref<67108864xf32, #tpu.memory_space<hbm>> -> memref<128xf32, #tpu.memory_space<hbm>>
    %dma_start3A_931 = tpu.memref_slice %arg3[%add3A_928] : memref<67108864xf32, #tpu.memory_space<hbm>> -> memref<128xf32, #tpu.memory_space<hbm>>
    %dma_start3A_932 = tpu.memref_slice %arg4[%add3A_924] : memref<32768xf32, #tpu.memory_space<vmem>> -> memref<128xf32, #tpu.memory_space<vmem>>
    tpu.enqueue_dma source(%dma_start3A_932 : memref<128xf32, #tpu.memory_space<vmem>>) target(%dma_start3A_931 : memref<128xf32, #tpu.memory_space<hbm>>) target_semaphore(%arg5 : memref<!tpu.dma_semaphore, #tpu.memory_space<semaphore_mem>>)
    %add3A_933 = arith.constant 8192 : i32
    %add3A_934 = arith.addi %add3A_933, %sub3A_40 : i32
    %add3A_935 = arith.constant 1152 : i32
    %add3A_936 = arith.addi %add3A_934, %add3A_935 : i32
    %add3A_937 = arith.constant 9216 : i32
    %add3A_938 = arith.addi %add3A_45, %add3A_937 : i32
    %add3A_939 = arith.constant 256 : i32
    %add3A_940 = arith.addi %add3A_938, %add3A_939 : i32
    %dma_start3A_941 = tpu.memref_slice %arg4[%add3A_936] : memref<32768xf32, #tpu.memory_space<vmem>> -> memref<128xf32, #tpu.memory_space<vmem>>
    %dma_start3A_942 = tpu.memref_slice %arg3[%add3A_940] : memref<67108864xf32, #tpu.memory_space<hbm>> -> memref<128xf32, #tpu.memory_space<hbm>>
    %dma_start3A_943 = tpu.memref_slice %arg3[%add3A_940] : memref<67108864xf32, #tpu.memory_space<hbm>> -> memref<128xf32, #tpu.memory_space<hbm>>
    %dma_start3A_944 = tpu.memref_slice %arg4[%add3A_936] : memref<32768xf32, #tpu.memory_space<vmem>> -> memref<128xf32, #tpu.memory_space<vmem>>
    tpu.enqueue_dma source(%dma_start3A_944 : memref<128xf32, #tpu.memory_space<vmem>>) target(%dma_start3A_943 : memref<128xf32, #tpu.memory_space<hbm>>) target_semaphore(%arg5 : memref<!tpu.dma_semaphore, #tpu.memory_space<semaphore_mem>>)
    %add3A_945 = arith.constant 12288 : i32
    %add3A_946 = arith.addi %add3A_945, %sub3A_40 : i32
    %add3A_947 = arith.constant 1152 : i32
    %add3A_948 = arith.addi %add3A_946, %add3A_947 : i32
    %add3A_949 = arith.constant 9216 : i32
    %add3A_950 = arith.addi %add3A_45, %add3A_949 : i32
    %add3A_951 = arith.constant 384 : i32
    %add3A_952 = arith.addi %add3A_950, %add3A_951 : i32
    %dma_start3A_953 = tpu.memref_slice %arg4[%add3A_948] : memref<32768xf32, #tpu.memory_space<vmem>> -> memref<128xf32, #tpu.memory_space<vmem>>
    %dma_start3A_954 = tpu.memref_slice %arg3[%add3A_952] : memref<67108864xf32, #tpu.memory_space<hbm>> -> memref<128xf32, #tpu.memory_space<hbm>>
    %dma_start3A_955 = tpu.memref_slice %arg3[%add3A_952] : memref<67108864xf32, #tpu.memory_space<hbm>> -> memref<128xf32, #tpu.memory_space<hbm>>
    %dma_start3A_956 = tpu.memref_slice %arg4[%add3A_948] : memref<32768xf32, #tpu.memory_space<vmem>> -> memref<128xf32, #tpu.memory_space<vmem>>
    tpu.enqueue_dma source(%dma_start3A_956 : memref<128xf32, #tpu.memory_space<vmem>>) target(%dma_start3A_955 : memref<128xf32, #tpu.memory_space<hbm>>) target_semaphore(%arg5 : memref<!tpu.dma_semaphore, #tpu.memory_space<semaphore_mem>>)
    %add3A_957 = arith.constant 16384 : i32
    %add3A_958 = arith.addi %add3A_957, %sub3A_40 : i32
    %add3A_959 = arith.constant 1152 : i32
    %add3A_960 = arith.addi %add3A_958, %add3A_959 : i32
    %add3A_961 = arith.constant 9216 : i32
    %add3A_962 = arith.addi %add3A_45, %add3A_961 : i32
    %add3A_963 = arith.constant 512 : i32
    %add3A_964 = arith.addi %add3A_962, %add3A_963 : i32
    %dma_start3A_965 = tpu.memref_slice %arg4[%add3A_960] : memref<32768xf32, #tpu.memory_space<vmem>> -> memref<128xf32, #tpu.memory_space<vmem>>
    %dma_start3A_966 = tpu.memref_slice %arg3[%add3A_964] : memref<67108864xf32, #tpu.memory_space<hbm>> -> memref<128xf32, #tpu.memory_space<hbm>>
    %dma_start3A_967 = tpu.memref_slice %arg3[%add3A_964] : memref<67108864xf32, #tpu.memory_space<hbm>> -> memref<128xf32, #tpu.memory_space<hbm>>
    %dma_start3A_968 = tpu.memref_slice %arg4[%add3A_960] : memref<32768xf32, #tpu.memory_space<vmem>> -> memref<128xf32, #tpu.memory_space<vmem>>
    tpu.enqueue_dma source(%dma_start3A_968 : memref<128xf32, #tpu.memory_space<vmem>>) target(%dma_start3A_967 : memref<128xf32, #tpu.memory_space<hbm>>) target_semaphore(%arg5 : memref<!tpu.dma_semaphore, #tpu.memory_space<semaphore_mem>>)
    %add3A_969 = arith.constant 20480 : i32
    %add3A_970 = arith.addi %add3A_969, %sub3A_40 : i32
    %add3A_971 = arith.constant 1152 : i32
    %add3A_972 = arith.addi %add3A_970, %add3A_971 : i32
    %add3A_973 = arith.constant 9216 : i32
    %add3A_974 = arith.addi %add3A_45, %add3A_973 : i32
    %add3A_975 = arith.constant 640 : i32
    %add3A_976 = arith.addi %add3A_974, %add3A_975 : i32
    %dma_start3A_977 = tpu.memref_slice %arg4[%add3A_972] : memref<32768xf32, #tpu.memory_space<vmem>> -> memref<128xf32, #tpu.memory_space<vmem>>
    %dma_start3A_978 = tpu.memref_slice %arg3[%add3A_976] : memref<67108864xf32, #tpu.memory_space<hbm>> -> memref<128xf32, #tpu.memory_space<hbm>>
    %dma_start3A_979 = tpu.memref_slice %arg3[%add3A_976] : memref<67108864xf32, #tpu.memory_space<hbm>> -> memref<128xf32, #tpu.memory_space<hbm>>
    %dma_start3A_980 = tpu.memref_slice %arg4[%add3A_972] : memref<32768xf32, #tpu.memory_space<vmem>> -> memref<128xf32, #tpu.memory_space<vmem>>
    tpu.enqueue_dma source(%dma_start3A_980 : memref<128xf32, #tpu.memory_space<vmem>>) target(%dma_start3A_979 : memref<128xf32, #tpu.memory_space<hbm>>) target_semaphore(%arg5 : memref<!tpu.dma_semaphore, #tpu.memory_space<semaphore_mem>>)
    %add3A_981 = arith.constant 24576 : i32
    %add3A_982 = arith.addi %add3A_981, %sub3A_40 : i32
    %add3A_983 = arith.constant 1152 : i32
    %add3A_984 = arith.addi %add3A_982, %add3A_983 : i32
    %add3A_985 = arith.constant 9216 : i32
    %add3A_986 = arith.addi %add3A_45, %add3A_985 : i32
    %add3A_987 = arith.constant 768 : i32
    %add3A_988 = arith.addi %add3A_986, %add3A_987 : i32
    %dma_start3A_989 = tpu.memref_slice %arg4[%add3A_984] : memref<32768xf32, #tpu.memory_space<vmem>> -> memref<128xf32, #tpu.memory_space<vmem>>
    %dma_start3A_990 = tpu.memref_slice %arg3[%add3A_988] : memref<67108864xf32, #tpu.memory_space<hbm>> -> memref<128xf32, #tpu.memory_space<hbm>>
    %dma_start3A_991 = tpu.memref_slice %arg3[%add3A_988] : memref<67108864xf32, #tpu.memory_space<hbm>> -> memref<128xf32, #tpu.memory_space<hbm>>
    %dma_start3A_992 = tpu.memref_slice %arg4[%add3A_984] : memref<32768xf32, #tpu.memory_space<vmem>> -> memref<128xf32, #tpu.memory_space<vmem>>
    tpu.enqueue_dma source(%dma_start3A_992 : memref<128xf32, #tpu.memory_space<vmem>>) target(%dma_start3A_991 : memref<128xf32, #tpu.memory_space<hbm>>) target_semaphore(%arg5 : memref<!tpu.dma_semaphore, #tpu.memory_space<semaphore_mem>>)
    %add3A_993 = arith.constant 28672 : i32
    %add3A_994 = arith.addi %add3A_993, %sub3A_40 : i32
    %add3A_995 = arith.constant 1152 : i32
    %add3A_996 = arith.addi %add3A_994, %add3A_995 : i32
    %add3A_997 = arith.constant 9216 : i32
    %add3A_998 = arith.addi %add3A_45, %add3A_997 : i32
    %add3A_999 = arith.constant 896 : i32
    %add3A_1000 = arith.addi %add3A_998, %add3A_999 : i32
    %dma_start3A_1001 = tpu.memref_slice %arg4[%add3A_996] : memref<32768xf32, #tpu.memory_space<vmem>> -> memref<128xf32, #tpu.memory_space<vmem>>
    %dma_start3A_1002 = tpu.memref_slice %arg3[%add3A_1000] : memref<67108864xf32, #tpu.memory_space<hbm>> -> memref<128xf32, #tpu.memory_space<hbm>>
    %dma_start3A_1003 = tpu.memref_slice %arg3[%add3A_1000] : memref<67108864xf32, #tpu.memory_space<hbm>> -> memref<128xf32, #tpu.memory_space<hbm>>
    %dma_start3A_1004 = tpu.memref_slice %arg4[%add3A_996] : memref<32768xf32, #tpu.memory_space<vmem>> -> memref<128xf32, #tpu.memory_space<vmem>>
    tpu.enqueue_dma source(%dma_start3A_1004 : memref<128xf32, #tpu.memory_space<vmem>>) target(%dma_start3A_1003 : memref<128xf32, #tpu.memory_space<hbm>>) target_semaphore(%arg5 : memref<!tpu.dma_semaphore, #tpu.memory_space<semaphore_mem>>)
    %add3A_1005 = arith.constant 0 : i32
    %add3A_1006 = arith.addi %add3A_1005, %sub3A_40 : i32
    %add3A_1007 = arith.constant 1280 : i32
    %add3A_1008 = arith.addi %add3A_1006, %add3A_1007 : i32
    %add3A_1009 = arith.constant 10240 : i32
    %add3A_1010 = arith.addi %add3A_45, %add3A_1009 : i32
    %add3A_1011 = arith.constant 0 : i32
    %add3A_1012 = arith.addi %add3A_1010, %add3A_1011 : i32
    %dma_start3A_1013 = tpu.memref_slice %arg4[%add3A_1008] : memref<32768xf32, #tpu.memory_space<vmem>> -> memref<128xf32, #tpu.memory_space<vmem>>
    %dma_start3A_1014 = tpu.memref_slice %arg3[%add3A_1012] : memref<67108864xf32, #tpu.memory_space<hbm>> -> memref<128xf32, #tpu.memory_space<hbm>>
    %dma_start3A_1015 = tpu.memref_slice %arg3[%add3A_1012] : memref<67108864xf32, #tpu.memory_space<hbm>> -> memref<128xf32, #tpu.memory_space<hbm>>
    %dma_start3A_1016 = tpu.memref_slice %arg4[%add3A_1008] : memref<32768xf32, #tpu.memory_space<vmem>> -> memref<128xf32, #tpu.memory_space<vmem>>
    tpu.enqueue_dma source(%dma_start3A_1016 : memref<128xf32, #tpu.memory_space<vmem>>) target(%dma_start3A_1015 : memref<128xf32, #tpu.memory_space<hbm>>) target_semaphore(%arg5 : memref<!tpu.dma_semaphore, #tpu.memory_space<semaphore_mem>>)
    %add3A_1017 = arith.constant 4096 : i32
    %add3A_1018 = arith.addi %add3A_1017, %sub3A_40 : i32
    %add3A_1019 = arith.constant 1280 : i32
    %add3A_1020 = arith.addi %add3A_1018, %add3A_1019 : i32
    %add3A_1021 = arith.constant 10240 : i32
    %add3A_1022 = arith.addi %add3A_45, %add3A_1021 : i32
    %add3A_1023 = arith.constant 128 : i32
    %add3A_1024 = arith.addi %add3A_1022, %add3A_1023 : i32
    %dma_start3A_1025 = tpu.memref_slice %arg4[%add3A_1020] : memref<32768xf32, #tpu.memory_space<vmem>> -> memref<128xf32, #tpu.memory_space<vmem>>
    %dma_start3A_1026 = tpu.memref_slice %arg3[%add3A_1024] : memref<67108864xf32, #tpu.memory_space<hbm>> -> memref<128xf32, #tpu.memory_space<hbm>>
    %dma_start3A_1027 = tpu.memref_slice %arg3[%add3A_1024] : memref<67108864xf32, #tpu.memory_space<hbm>> -> memref<128xf32, #tpu.memory_space<hbm>>
    %dma_start3A_1028 = tpu.memref_slice %arg4[%add3A_1020] : memref<32768xf32, #tpu.memory_space<vmem>> -> memref<128xf32, #tpu.memory_space<vmem>>
    tpu.enqueue_dma source(%dma_start3A_1028 : memref<128xf32, #tpu.memory_space<vmem>>) target(%dma_start3A_1027 : memref<128xf32, #tpu.memory_space<hbm>>) target_semaphore(%arg5 : memref<!tpu.dma_semaphore, #tpu.memory_space<semaphore_mem>>)
    %add3A_1029 = arith.constant 8192 : i32
    %add3A_1030 = arith.addi %add3A_1029, %sub3A_40 : i32
    %add3A_1031 = arith.constant 1280 : i32
    %add3A_1032 = arith.addi %add3A_1030, %add3A_1031 : i32
    %add3A_1033 = arith.constant 10240 : i32
    %add3A_1034 = arith.addi %add3A_45, %add3A_1033 : i32
    %add3A_1035 = arith.constant 256 : i32
    %add3A_1036 = arith.addi %add3A_1034, %add3A_1035 : i32
    %dma_start3A_1037 = tpu.memref_slice %arg4[%add3A_1032] : memref<32768xf32, #tpu.memory_space<vmem>> -> memref<128xf32, #tpu.memory_space<vmem>>
    %dma_start3A_1038 = tpu.memref_slice %arg3[%add3A_1036] : memref<67108864xf32, #tpu.memory_space<hbm>> -> memref<128xf32, #tpu.memory_space<hbm>>
    %dma_start3A_1039 = tpu.memref_slice %arg3[%add3A_1036] : memref<67108864xf32, #tpu.memory_space<hbm>> -> memref<128xf32, #tpu.memory_space<hbm>>
    %dma_start3A_1040 = tpu.memref_slice %arg4[%add3A_1032] : memref<32768xf32, #tpu.memory_space<vmem>> -> memref<128xf32, #tpu.memory_space<vmem>>
    tpu.enqueue_dma source(%dma_start3A_1040 : memref<128xf32, #tpu.memory_space<vmem>>) target(%dma_start3A_1039 : memref<128xf32, #tpu.memory_space<hbm>>) target_semaphore(%arg5 : memref<!tpu.dma_semaphore, #tpu.memory_space<semaphore_mem>>)
    %add3A_1041 = arith.constant 12288 : i32
    %add3A_1042 = arith.addi %add3A_1041, %sub3A_40 : i32
    %add3A_1043 = arith.constant 1280 : i32
    %add3A_1044 = arith.addi %add3A_1042, %add3A_1043 : i32
    %add3A_1045 = arith.constant 10240 : i32
    %add3A_1046 = arith.addi %add3A_45, %add3A_1045 : i32
    %add3A_1047 = arith.constant 384 : i32
    %add3A_1048 = arith.addi %add3A_1046, %add3A_1047 : i32
    %dma_start3A_1049 = tpu.memref_slice %arg4[%add3A_1044] : memref<32768xf32, #tpu.memory_space<vmem>> -> memref<128xf32, #tpu.memory_space<vmem>>
    %dma_start3A_1050 = tpu.memref_slice %arg3[%add3A_1048] : memref<67108864xf32, #tpu.memory_space<hbm>> -> memref<128xf32, #tpu.memory_space<hbm>>
    %dma_start3A_1051 = tpu.memref_slice %arg3[%add3A_1048] : memref<67108864xf32, #tpu.memory_space<hbm>> -> memref<128xf32, #tpu.memory_space<hbm>>
    %dma_start3A_1052 = tpu.memref_slice %arg4[%add3A_1044] : memref<32768xf32, #tpu.memory_space<vmem>> -> memref<128xf32, #tpu.memory_space<vmem>>
    tpu.enqueue_dma source(%dma_start3A_1052 : memref<128xf32, #tpu.memory_space<vmem>>) target(%dma_start3A_1051 : memref<128xf32, #tpu.memory_space<hbm>>) target_semaphore(%arg5 : memref<!tpu.dma_semaphore, #tpu.memory_space<semaphore_mem>>)
    %add3A_1053 = arith.constant 16384 : i32
    %add3A_1054 = arith.addi %add3A_1053, %sub3A_40 : i32
    %add3A_1055 = arith.constant 1280 : i32
    %add3A_1056 = arith.addi %add3A_1054, %add3A_1055 : i32
    %add3A_1057 = arith.constant 10240 : i32
    %add3A_1058 = arith.addi %add3A_45, %add3A_1057 : i32
    %add3A_1059 = arith.constant 512 : i32
    %add3A_1060 = arith.addi %add3A_1058, %add3A_1059 : i32
    %dma_start3A_1061 = tpu.memref_slice %arg4[%add3A_1056] : memref<32768xf32, #tpu.memory_space<vmem>> -> memref<128xf32, #tpu.memory_space<vmem>>
    %dma_start3A_1062 = tpu.memref_slice %arg3[%add3A_1060] : memref<67108864xf32, #tpu.memory_space<hbm>> -> memref<128xf32, #tpu.memory_space<hbm>>
    %dma_start3A_1063 = tpu.memref_slice %arg3[%add3A_1060] : memref<67108864xf32, #tpu.memory_space<hbm>> -> memref<128xf32, #tpu.memory_space<hbm>>
    %dma_start3A_1064 = tpu.memref_slice %arg4[%add3A_1056] : memref<32768xf32, #tpu.memory_space<vmem>> -> memref<128xf32, #tpu.memory_space<vmem>>
    tpu.enqueue_dma source(%dma_start3A_1064 : memref<128xf32, #tpu.memory_space<vmem>>) target(%dma_start3A_1063 : memref<128xf32, #tpu.memory_space<hbm>>) target_semaphore(%arg5 : memref<!tpu.dma_semaphore, #tpu.memory_space<semaphore_mem>>)
    %add3A_1065 = arith.constant 20480 : i32
    %add3A_1066 = arith.addi %add3A_1065, %sub3A_40 : i32
    %add3A_1067 = arith.constant 1280 : i32
    %add3A_1068 = arith.addi %add3A_1066, %add3A_1067 : i32
    %add3A_1069 = arith.constant 10240 : i32
    %add3A_1070 = arith.addi %add3A_45, %add3A_1069 : i32
    %add3A_1071 = arith.constant 640 : i32
    %add3A_1072 = arith.addi %add3A_1070, %add3A_1071 : i32
    %dma_start3A_1073 = tpu.memref_slice %arg4[%add3A_1068] : memref<32768xf32, #tpu.memory_space<vmem>> -> memref<128xf32, #tpu.memory_space<vmem>>
    %dma_start3A_1074 = tpu.memref_slice %arg3[%add3A_1072] : memref<67108864xf32, #tpu.memory_space<hbm>> -> memref<128xf32, #tpu.memory_space<hbm>>
    %dma_start3A_1075 = tpu.memref_slice %arg3[%add3A_1072] : memref<67108864xf32, #tpu.memory_space<hbm>> -> memref<128xf32, #tpu.memory_space<hbm>>
    %dma_start3A_1076 = tpu.memref_slice %arg4[%add3A_1068] : memref<32768xf32, #tpu.memory_space<vmem>> -> memref<128xf32, #tpu.memory_space<vmem>>
    tpu.enqueue_dma source(%dma_start3A_1076 : memref<128xf32, #tpu.memory_space<vmem>>) target(%dma_start3A_1075 : memref<128xf32, #tpu.memory_space<hbm>>) target_semaphore(%arg5 : memref<!tpu.dma_semaphore, #tpu.memory_space<semaphore_mem>>)
    %add3A_1077 = arith.constant 24576 : i32
    %add3A_1078 = arith.addi %add3A_1077, %sub3A_40 : i32
    %add3A_1079 = arith.constant 1280 : i32
    %add3A_1080 = arith.addi %add3A_1078, %add3A_1079 : i32
    %add3A_1081 = arith.constant 10240 : i32
    %add3A_1082 = arith.addi %add3A_45, %add3A_1081 : i32
    %add3A_1083 = arith.constant 768 : i32
    %add3A_1084 = arith.addi %add3A_1082, %add3A_1083 : i32
    %dma_start3A_1085 = tpu.memref_slice %arg4[%add3A_1080] : memref<32768xf32, #tpu.memory_space<vmem>> -> memref<128xf32, #tpu.memory_space<vmem>>
    %dma_start3A_1086 = tpu.memref_slice %arg3[%add3A_1084] : memref<67108864xf32, #tpu.memory_space<hbm>> -> memref<128xf32, #tpu.memory_space<hbm>>
    %dma_start3A_1087 = tpu.memref_slice %arg3[%add3A_1084] : memref<67108864xf32, #tpu.memory_space<hbm>> -> memref<128xf32, #tpu.memory_space<hbm>>
    %dma_start3A_1088 = tpu.memref_slice %arg4[%add3A_1080] : memref<32768xf32, #tpu.memory_space<vmem>> -> memref<128xf32, #tpu.memory_space<vmem>>
    tpu.enqueue_dma source(%dma_start3A_1088 : memref<128xf32, #tpu.memory_space<vmem>>) target(%dma_start3A_1087 : memref<128xf32, #tpu.memory_space<hbm>>) target_semaphore(%arg5 : memref<!tpu.dma_semaphore, #tpu.memory_space<semaphore_mem>>)
    %add3A_1089 = arith.constant 28672 : i32
    %add3A_1090 = arith.addi %add3A_1089, %sub3A_40 : i32
    %add3A_1091 = arith.constant 1280 : i32
    %add3A_1092 = arith.addi %add3A_1090, %add3A_1091 : i32
    %add3A_1093 = arith.constant 10240 : i32
    %add3A_1094 = arith.addi %add3A_45, %add3A_1093 : i32
    %add3A_1095 = arith.constant 896 : i32
    %add3A_1096 = arith.addi %add3A_1094, %add3A_1095 : i32
    %dma_start3A_1097 = tpu.memref_slice %arg4[%add3A_1092] : memref<32768xf32, #tpu.memory_space<vmem>> -> memref<128xf32, #tpu.memory_space<vmem>>
    %dma_start3A_1098 = tpu.memref_slice %arg3[%add3A_1096] : memref<67108864xf32, #tpu.memory_space<hbm>> -> memref<128xf32, #tpu.memory_space<hbm>>
    %dma_start3A_1099 = tpu.memref_slice %arg3[%add3A_1096] : memref<67108864xf32, #tpu.memory_space<hbm>> -> memref<128xf32, #tpu.memory_space<hbm>>
    %dma_start3A_1100 = tpu.memref_slice %arg4[%add3A_1092] : memref<32768xf32, #tpu.memory_space<vmem>> -> memref<128xf32, #tpu.memory_space<vmem>>
    tpu.enqueue_dma source(%dma_start3A_1100 : memref<128xf32, #tpu.memory_space<vmem>>) target(%dma_start3A_1099 : memref<128xf32, #tpu.memory_space<hbm>>) target_semaphore(%arg5 : memref<!tpu.dma_semaphore, #tpu.memory_space<semaphore_mem>>)
    %add3A_1101 = arith.constant 0 : i32
    %add3A_1102 = arith.addi %add3A_1101, %sub3A_40 : i32
    %add3A_1103 = arith.constant 1408 : i32
    %add3A_1104 = arith.addi %add3A_1102, %add3A_1103 : i32
    %add3A_1105 = arith.constant 11264 : i32
    %add3A_1106 = arith.addi %add3A_45, %add3A_1105 : i32
    %add3A_1107 = arith.constant 0 : i32
    %add3A_1108 = arith.addi %add3A_1106, %add3A_1107 : i32
    %dma_start3A_1109 = tpu.memref_slice %arg4[%add3A_1104] : memref<32768xf32, #tpu.memory_space<vmem>> -> memref<128xf32, #tpu.memory_space<vmem>>
    %dma_start3A_1110 = tpu.memref_slice %arg3[%add3A_1108] : memref<67108864xf32, #tpu.memory_space<hbm>> -> memref<128xf32, #tpu.memory_space<hbm>>
    %dma_start3A_1111 = tpu.memref_slice %arg3[%add3A_1108] : memref<67108864xf32, #tpu.memory_space<hbm>> -> memref<128xf32, #tpu.memory_space<hbm>>
    %dma_start3A_1112 = tpu.memref_slice %arg4[%add3A_1104] : memref<32768xf32, #tpu.memory_space<vmem>> -> memref<128xf32, #tpu.memory_space<vmem>>
    tpu.enqueue_dma source(%dma_start3A_1112 : memref<128xf32, #tpu.memory_space<vmem>>) target(%dma_start3A_1111 : memref<128xf32, #tpu.memory_space<hbm>>) target_semaphore(%arg5 : memref<!tpu.dma_semaphore, #tpu.memory_space<semaphore_mem>>)
    %add3A_1113 = arith.constant 4096 : i32
    %add3A_1114 = arith.addi %add3A_1113, %sub3A_40 : i32
    %add3A_1115 = arith.constant 1408 : i32
    %add3A_1116 = arith.addi %add3A_1114, %add3A_1115 : i32
    %add3A_1117 = arith.constant 11264 : i32
    %add3A_1118 = arith.addi %add3A_45, %add3A_1117 : i32
    %add3A_1119 = arith.constant 128 : i32
    %add3A_1120 = arith.addi %add3A_1118, %add3A_1119 : i32
    %dma_start3A_1121 = tpu.memref_slice %arg4[%add3A_1116] : memref<32768xf32, #tpu.memory_space<vmem>> -> memref<128xf32, #tpu.memory_space<vmem>>
    %dma_start3A_1122 = tpu.memref_slice %arg3[%add3A_1120] : memref<67108864xf32, #tpu.memory_space<hbm>> -> memref<128xf32, #tpu.memory_space<hbm>>
    %dma_start3A_1123 = tpu.memref_slice %arg3[%add3A_1120] : memref<67108864xf32, #tpu.memory_space<hbm>> -> memref<128xf32, #tpu.memory_space<hbm>>
    %dma_start3A_1124 = tpu.memref_slice %arg4[%add3A_1116] : memref<32768xf32, #tpu.memory_space<vmem>> -> memref<128xf32, #tpu.memory_space<vmem>>
    tpu.enqueue_dma source(%dma_start3A_1124 : memref<128xf32, #tpu.memory_space<vmem>>) target(%dma_start3A_1123 : memref<128xf32, #tpu.memory_space<hbm>>) target_semaphore(%arg5 : memref<!tpu.dma_semaphore, #tpu.memory_space<semaphore_mem>>)
    %add3A_1125 = arith.constant 8192 : i32
    %add3A_1126 = arith.addi %add3A_1125, %sub3A_40 : i32
    %add3A_1127 = arith.constant 1408 : i32
    %add3A_1128 = arith.addi %add3A_1126, %add3A_1127 : i32
    %add3A_1129 = arith.constant 11264 : i32
    %add3A_1130 = arith.addi %add3A_45, %add3A_1129 : i32
    %add3A_1131 = arith.constant 256 : i32
    %add3A_1132 = arith.addi %add3A_1130, %add3A_1131 : i32
    %dma_start3A_1133 = tpu.memref_slice %arg4[%add3A_1128] : memref<32768xf32, #tpu.memory_space<vmem>> -> memref<128xf32, #tpu.memory_space<vmem>>
    %dma_start3A_1134 = tpu.memref_slice %arg3[%add3A_1132] : memref<67108864xf32, #tpu.memory_space<hbm>> -> memref<128xf32, #tpu.memory_space<hbm>>
    %dma_start3A_1135 = tpu.memref_slice %arg3[%add3A_1132] : memref<67108864xf32, #tpu.memory_space<hbm>> -> memref<128xf32, #tpu.memory_space<hbm>>
    %dma_start3A_1136 = tpu.memref_slice %arg4[%add3A_1128] : memref<32768xf32, #tpu.memory_space<vmem>> -> memref<128xf32, #tpu.memory_space<vmem>>
    tpu.enqueue_dma source(%dma_start3A_1136 : memref<128xf32, #tpu.memory_space<vmem>>) target(%dma_start3A_1135 : memref<128xf32, #tpu.memory_space<hbm>>) target_semaphore(%arg5 : memref<!tpu.dma_semaphore, #tpu.memory_space<semaphore_mem>>)
    %add3A_1137 = arith.constant 12288 : i32
    %add3A_1138 = arith.addi %add3A_1137, %sub3A_40 : i32
    %add3A_1139 = arith.constant 1408 : i32
    %add3A_1140 = arith.addi %add3A_1138, %add3A_1139 : i32
    %add3A_1141 = arith.constant 11264 : i32
    %add3A_1142 = arith.addi %add3A_45, %add3A_1141 : i32
    %add3A_1143 = arith.constant 384 : i32
    %add3A_1144 = arith.addi %add3A_1142, %add3A_1143 : i32
    %dma_start3A_1145 = tpu.memref_slice %arg4[%add3A_1140] : memref<32768xf32, #tpu.memory_space<vmem>> -> memref<128xf32, #tpu.memory_space<vmem>>
    %dma_start3A_1146 = tpu.memref_slice %arg3[%add3A_1144] : memref<67108864xf32, #tpu.memory_space<hbm>> -> memref<128xf32, #tpu.memory_space<hbm>>
    %dma_start3A_1147 = tpu.memref_slice %arg3[%add3A_1144] : memref<67108864xf32, #tpu.memory_space<hbm>> -> memref<128xf32, #tpu.memory_space<hbm>>
    %dma_start3A_1148 = tpu.memref_slice %arg4[%add3A_1140] : memref<32768xf32, #tpu.memory_space<vmem>> -> memref<128xf32, #tpu.memory_space<vmem>>
    tpu.enqueue_dma source(%dma_start3A_1148 : memref<128xf32, #tpu.memory_space<vmem>>) target(%dma_start3A_1147 : memref<128xf32, #tpu.memory_space<hbm>>) target_semaphore(%arg5 : memref<!tpu.dma_semaphore, #tpu.memory_space<semaphore_mem>>)
    %add3A_1149 = arith.constant 16384 : i32
    %add3A_1150 = arith.addi %add3A_1149, %sub3A_40 : i32
    %add3A_1151 = arith.constant 1408 : i32
    %add3A_1152 = arith.addi %add3A_1150, %add3A_1151 : i32
    %add3A_1153 = arith.constant 11264 : i32
    %add3A_1154 = arith.addi %add3A_45, %add3A_1153 : i32
    %add3A_1155 = arith.constant 512 : i32
    %add3A_1156 = arith.addi %add3A_1154, %add3A_1155 : i32
    %dma_start3A_1157 = tpu.memref_slice %arg4[%add3A_1152] : memref<32768xf32, #tpu.memory_space<vmem>> -> memref<128xf32, #tpu.memory_space<vmem>>
    %dma_start3A_1158 = tpu.memref_slice %arg3[%add3A_1156] : memref<67108864xf32, #tpu.memory_space<hbm>> -> memref<128xf32, #tpu.memory_space<hbm>>
    %dma_start3A_1159 = tpu.memref_slice %arg3[%add3A_1156] : memref<67108864xf32, #tpu.memory_space<hbm>> -> memref<128xf32, #tpu.memory_space<hbm>>
    %dma_start3A_1160 = tpu.memref_slice %arg4[%add3A_1152] : memref<32768xf32, #tpu.memory_space<vmem>> -> memref<128xf32, #tpu.memory_space<vmem>>
    tpu.enqueue_dma source(%dma_start3A_1160 : memref<128xf32, #tpu.memory_space<vmem>>) target(%dma_start3A_1159 : memref<128xf32, #tpu.memory_space<hbm>>) target_semaphore(%arg5 : memref<!tpu.dma_semaphore, #tpu.memory_space<semaphore_mem>>)
    %add3A_1161 = arith.constant 20480 : i32
    %add3A_1162 = arith.addi %add3A_1161, %sub3A_40 : i32
    %add3A_1163 = arith.constant 1408 : i32
    %add3A_1164 = arith.addi %add3A_1162, %add3A_1163 : i32
    %add3A_1165 = arith.constant 11264 : i32
    %add3A_1166 = arith.addi %add3A_45, %add3A_1165 : i32
    %add3A_1167 = arith.constant 640 : i32
    %add3A_1168 = arith.addi %add3A_1166, %add3A_1167 : i32
    %dma_start3A_1169 = tpu.memref_slice %arg4[%add3A_1164] : memref<32768xf32, #tpu.memory_space<vmem>> -> memref<128xf32, #tpu.memory_space<vmem>>
    %dma_start3A_1170 = tpu.memref_slice %arg3[%add3A_1168] : memref<67108864xf32, #tpu.memory_space<hbm>> -> memref<128xf32, #tpu.memory_space<hbm>>
    %dma_start3A_1171 = tpu.memref_slice %arg3[%add3A_1168] : memref<67108864xf32, #tpu.memory_space<hbm>> -> memref<128xf32, #tpu.memory_space<hbm>>
    %dma_start3A_1172 = tpu.memref_slice %arg4[%add3A_1164] : memref<32768xf32, #tpu.memory_space<vmem>> -> memref<128xf32, #tpu.memory_space<vmem>>
    tpu.enqueue_dma source(%dma_start3A_1172 : memref<128xf32, #tpu.memory_space<vmem>>) target(%dma_start3A_1171 : memref<128xf32, #tpu.memory_space<hbm>>) target_semaphore(%arg5 : memref<!tpu.dma_semaphore, #tpu.memory_space<semaphore_mem>>)
    %add3A_1173 = arith.constant 24576 : i32
    %add3A_1174 = arith.addi %add3A_1173, %sub3A_40 : i32
    %add3A_1175 = arith.constant 1408 : i32
    %add3A_1176 = arith.addi %add3A_1174, %add3A_1175 : i32
    %add3A_1177 = arith.constant 11264 : i32
    %add3A_1178 = arith.addi %add3A_45, %add3A_1177 : i32
    %add3A_1179 = arith.constant 768 : i32
    %add3A_1180 = arith.addi %add3A_1178, %add3A_1179 : i32
    %dma_start3A_1181 = tpu.memref_slice %arg4[%add3A_1176] : memref<32768xf32, #tpu.memory_space<vmem>> -> memref<128xf32, #tpu.memory_space<vmem>>
    %dma_start3A_1182 = tpu.memref_slice %arg3[%add3A_1180] : memref<67108864xf32, #tpu.memory_space<hbm>> -> memref<128xf32, #tpu.memory_space<hbm>>
    %dma_start3A_1183 = tpu.memref_slice %arg3[%add3A_1180] : memref<67108864xf32, #tpu.memory_space<hbm>> -> memref<128xf32, #tpu.memory_space<hbm>>
    %dma_start3A_1184 = tpu.memref_slice %arg4[%add3A_1176] : memref<32768xf32, #tpu.memory_space<vmem>> -> memref<128xf32, #tpu.memory_space<vmem>>
    tpu.enqueue_dma source(%dma_start3A_1184 : memref<128xf32, #tpu.memory_space<vmem>>) target(%dma_start3A_1183 : memref<128xf32, #tpu.memory_space<hbm>>) target_semaphore(%arg5 : memref<!tpu.dma_semaphore, #tpu.memory_space<semaphore_mem>>)
    %add3A_1185 = arith.constant 28672 : i32
    %add3A_1186 = arith.addi %add3A_1185, %sub3A_40 : i32
    %add3A_1187 = arith.constant 1408 : i32
    %add3A_1188 = arith.addi %add3A_1186, %add3A_1187 : i32
    %add3A_1189 = arith.constant 11264 : i32
    %add3A_1190 = arith.addi %add3A_45, %add3A_1189 : i32
    %add3A_1191 = arith.constant 896 : i32
    %add3A_1192 = arith.addi %add3A_1190, %add3A_1191 : i32
    %dma_start3A_1193 = tpu.memref_slice %arg4[%add3A_1188] : memref<32768xf32, #tpu.memory_space<vmem>> -> memref<128xf32, #tpu.memory_space<vmem>>
    %dma_start3A_1194 = tpu.memref_slice %arg3[%add3A_1192] : memref<67108864xf32, #tpu.memory_space<hbm>> -> memref<128xf32, #tpu.memory_space<hbm>>
    %dma_start3A_1195 = tpu.memref_slice %arg3[%add3A_1192] : memref<67108864xf32, #tpu.memory_space<hbm>> -> memref<128xf32, #tpu.memory_space<hbm>>
    %dma_start3A_1196 = tpu.memref_slice %arg4[%add3A_1188] : memref<32768xf32, #tpu.memory_space<vmem>> -> memref<128xf32, #tpu.memory_space<vmem>>
    tpu.enqueue_dma source(%dma_start3A_1196 : memref<128xf32, #tpu.memory_space<vmem>>) target(%dma_start3A_1195 : memref<128xf32, #tpu.memory_space<hbm>>) target_semaphore(%arg5 : memref<!tpu.dma_semaphore, #tpu.memory_space<semaphore_mem>>)
    %add3A_1197 = arith.constant 0 : i32
    %add3A_1198 = arith.addi %add3A_1197, %sub3A_40 : i32
    %add3A_1199 = arith.constant 1536 : i32
    %add3A_1200 = arith.addi %add3A_1198, %add3A_1199 : i32
    %add3A_1201 = arith.constant 12288 : i32
    %add3A_1202 = arith.addi %add3A_45, %add3A_1201 : i32
    %add3A_1203 = arith.constant 0 : i32
    %add3A_1204 = arith.addi %add3A_1202, %add3A_1203 : i32
    %dma_start3A_1205 = tpu.memref_slice %arg4[%add3A_1200] : memref<32768xf32, #tpu.memory_space<vmem>> -> memref<128xf32, #tpu.memory_space<vmem>>
    %dma_start3A_1206 = tpu.memref_slice %arg3[%add3A_1204] : memref<67108864xf32, #tpu.memory_space<hbm>> -> memref<128xf32, #tpu.memory_space<hbm>>
    %dma_start3A_1207 = tpu.memref_slice %arg3[%add3A_1204] : memref<67108864xf32, #tpu.memory_space<hbm>> -> memref<128xf32, #tpu.memory_space<hbm>>
    %dma_start3A_1208 = tpu.memref_slice %arg4[%add3A_1200] : memref<32768xf32, #tpu.memory_space<vmem>> -> memref<128xf32, #tpu.memory_space<vmem>>
    tpu.enqueue_dma source(%dma_start3A_1208 : memref<128xf32, #tpu.memory_space<vmem>>) target(%dma_start3A_1207 : memref<128xf32, #tpu.memory_space<hbm>>) target_semaphore(%arg5 : memref<!tpu.dma_semaphore, #tpu.memory_space<semaphore_mem>>)
    %add3A_1209 = arith.constant 4096 : i32
    %add3A_1210 = arith.addi %add3A_1209, %sub3A_40 : i32
    %add3A_1211 = arith.constant 1536 : i32
    %add3A_1212 = arith.addi %add3A_1210, %add3A_1211 : i32
    %add3A_1213 = arith.constant 12288 : i32
    %add3A_1214 = arith.addi %add3A_45, %add3A_1213 : i32
    %add3A_1215 = arith.constant 128 : i32
    %add3A_1216 = arith.addi %add3A_1214, %add3A_1215 : i32
    %dma_start3A_1217 = tpu.memref_slice %arg4[%add3A_1212] : memref<32768xf32, #tpu.memory_space<vmem>> -> memref<128xf32, #tpu.memory_space<vmem>>
    %dma_start3A_1218 = tpu.memref_slice %arg3[%add3A_1216] : memref<67108864xf32, #tpu.memory_space<hbm>> -> memref<128xf32, #tpu.memory_space<hbm>>
    %dma_start3A_1219 = tpu.memref_slice %arg3[%add3A_1216] : memref<67108864xf32, #tpu.memory_space<hbm>> -> memref<128xf32, #tpu.memory_space<hbm>>
    %dma_start3A_1220 = tpu.memref_slice %arg4[%add3A_1212] : memref<32768xf32, #tpu.memory_space<vmem>> -> memref<128xf32, #tpu.memory_space<vmem>>
    tpu.enqueue_dma source(%dma_start3A_1220 : memref<128xf32, #tpu.memory_space<vmem>>) target(%dma_start3A_1219 : memref<128xf32, #tpu.memory_space<hbm>>) target_semaphore(%arg5 : memref<!tpu.dma_semaphore, #tpu.memory_space<semaphore_mem>>)
    %add3A_1221 = arith.constant 8192 : i32
    %add3A_1222 = arith.addi %add3A_1221, %sub3A_40 : i32
    %add3A_1223 = arith.constant 1536 : i32
    %add3A_1224 = arith.addi %add3A_1222, %add3A_1223 : i32
    %add3A_1225 = arith.constant 12288 : i32
    %add3A_1226 = arith.addi %add3A_45, %add3A_1225 : i32
    %add3A_1227 = arith.constant 256 : i32
    %add3A_1228 = arith.addi %add3A_1226, %add3A_1227 : i32
    %dma_start3A_1229 = tpu.memref_slice %arg4[%add3A_1224] : memref<32768xf32, #tpu.memory_space<vmem>> -> memref<128xf32, #tpu.memory_space<vmem>>
    %dma_start3A_1230 = tpu.memref_slice %arg3[%add3A_1228] : memref<67108864xf32, #tpu.memory_space<hbm>> -> memref<128xf32, #tpu.memory_space<hbm>>
    %dma_start3A_1231 = tpu.memref_slice %arg3[%add3A_1228] : memref<67108864xf32, #tpu.memory_space<hbm>> -> memref<128xf32, #tpu.memory_space<hbm>>
    %dma_start3A_1232 = tpu.memref_slice %arg4[%add3A_1224] : memref<32768xf32, #tpu.memory_space<vmem>> -> memref<128xf32, #tpu.memory_space<vmem>>
    tpu.enqueue_dma source(%dma_start3A_1232 : memref<128xf32, #tpu.memory_space<vmem>>) target(%dma_start3A_1231 : memref<128xf32, #tpu.memory_space<hbm>>) target_semaphore(%arg5 : memref<!tpu.dma_semaphore, #tpu.memory_space<semaphore_mem>>)
    %add3A_1233 = arith.constant 12288 : i32
    %add3A_1234 = arith.addi %add3A_1233, %sub3A_40 : i32
    %add3A_1235 = arith.constant 1536 : i32
    %add3A_1236 = arith.addi %add3A_1234, %add3A_1235 : i32
    %add3A_1237 = arith.constant 12288 : i32
    %add3A_1238 = arith.addi %add3A_45, %add3A_1237 : i32
    %add3A_1239 = arith.constant 384 : i32
    %add3A_1240 = arith.addi %add3A_1238, %add3A_1239 : i32
    %dma_start3A_1241 = tpu.memref_slice %arg4[%add3A_1236] : memref<32768xf32, #tpu.memory_space<vmem>> -> memref<128xf32, #tpu.memory_space<vmem>>
    %dma_start3A_1242 = tpu.memref_slice %arg3[%add3A_1240] : memref<67108864xf32, #tpu.memory_space<hbm>> -> memref<128xf32, #tpu.memory_space<hbm>>
    %dma_start3A_1243 = tpu.memref_slice %arg3[%add3A_1240] : memref<67108864xf32, #tpu.memory_space<hbm>> -> memref<128xf32, #tpu.memory_space<hbm>>
    %dma_start3A_1244 = tpu.memref_slice %arg4[%add3A_1236] : memref<32768xf32, #tpu.memory_space<vmem>> -> memref<128xf32, #tpu.memory_space<vmem>>
    tpu.enqueue_dma source(%dma_start3A_1244 : memref<128xf32, #tpu.memory_space<vmem>>) target(%dma_start3A_1243 : memref<128xf32, #tpu.memory_space<hbm>>) target_semaphore(%arg5 : memref<!tpu.dma_semaphore, #tpu.memory_space<semaphore_mem>>)
    %add3A_1245 = arith.constant 16384 : i32
    %add3A_1246 = arith.addi %add3A_1245, %sub3A_40 : i32
    %add3A_1247 = arith.constant 1536 : i32
    %add3A_1248 = arith.addi %add3A_1246, %add3A_1247 : i32
    %add3A_1249 = arith.constant 12288 : i32
    %add3A_1250 = arith.addi %add3A_45, %add3A_1249 : i32
    %add3A_1251 = arith.constant 512 : i32
    %add3A_1252 = arith.addi %add3A_1250, %add3A_1251 : i32
    %dma_start3A_1253 = tpu.memref_slice %arg4[%add3A_1248] : memref<32768xf32, #tpu.memory_space<vmem>> -> memref<128xf32, #tpu.memory_space<vmem>>
    %dma_start3A_1254 = tpu.memref_slice %arg3[%add3A_1252] : memref<67108864xf32, #tpu.memory_space<hbm>> -> memref<128xf32, #tpu.memory_space<hbm>>
    %dma_start3A_1255 = tpu.memref_slice %arg3[%add3A_1252] : memref<67108864xf32, #tpu.memory_space<hbm>> -> memref<128xf32, #tpu.memory_space<hbm>>
    %dma_start3A_1256 = tpu.memref_slice %arg4[%add3A_1248] : memref<32768xf32, #tpu.memory_space<vmem>> -> memref<128xf32, #tpu.memory_space<vmem>>
    tpu.enqueue_dma source(%dma_start3A_1256 : memref<128xf32, #tpu.memory_space<vmem>>) target(%dma_start3A_1255 : memref<128xf32, #tpu.memory_space<hbm>>) target_semaphore(%arg5 : memref<!tpu.dma_semaphore, #tpu.memory_space<semaphore_mem>>)
    %add3A_1257 = arith.constant 20480 : i32
    %add3A_1258 = arith.addi %add3A_1257, %sub3A_40 : i32
    %add3A_1259 = arith.constant 1536 : i32
    %add3A_1260 = arith.addi %add3A_1258, %add3A_1259 : i32
    %add3A_1261 = arith.constant 12288 : i32
    %add3A_1262 = arith.addi %add3A_45, %add3A_1261 : i32
    %add3A_1263 = arith.constant 640 : i32
    %add3A_1264 = arith.addi %add3A_1262, %add3A_1263 : i32
    %dma_start3A_1265 = tpu.memref_slice %arg4[%add3A_1260] : memref<32768xf32, #tpu.memory_space<vmem>> -> memref<128xf32, #tpu.memory_space<vmem>>
    %dma_start3A_1266 = tpu.memref_slice %arg3[%add3A_1264] : memref<67108864xf32, #tpu.memory_space<hbm>> -> memref<128xf32, #tpu.memory_space<hbm>>
    %dma_start3A_1267 = tpu.memref_slice %arg3[%add3A_1264] : memref<67108864xf32, #tpu.memory_space<hbm>> -> memref<128xf32, #tpu.memory_space<hbm>>
    %dma_start3A_1268 = tpu.memref_slice %arg4[%add3A_1260] : memref<32768xf32, #tpu.memory_space<vmem>> -> memref<128xf32, #tpu.memory_space<vmem>>
    tpu.enqueue_dma source(%dma_start3A_1268 : memref<128xf32, #tpu.memory_space<vmem>>) target(%dma_start3A_1267 : memref<128xf32, #tpu.memory_space<hbm>>) target_semaphore(%arg5 : memref<!tpu.dma_semaphore, #tpu.memory_space<semaphore_mem>>)
    %add3A_1269 = arith.constant 24576 : i32
    %add3A_1270 = arith.addi %add3A_1269, %sub3A_40 : i32
    %add3A_1271 = arith.constant 1536 : i32
    %add3A_1272 = arith.addi %add3A_1270, %add3A_1271 : i32
    %add3A_1273 = arith.constant 12288 : i32
    %add3A_1274 = arith.addi %add3A_45, %add3A_1273 : i32
    %add3A_1275 = arith.constant 768 : i32
    %add3A_1276 = arith.addi %add3A_1274, %add3A_1275 : i32
    %dma_start3A_1277 = tpu.memref_slice %arg4[%add3A_1272] : memref<32768xf32, #tpu.memory_space<vmem>> -> memref<128xf32, #tpu.memory_space<vmem>>
    %dma_start3A_1278 = tpu.memref_slice %arg3[%add3A_1276] : memref<67108864xf32, #tpu.memory_space<hbm>> -> memref<128xf32, #tpu.memory_space<hbm>>
    %dma_start3A_1279 = tpu.memref_slice %arg3[%add3A_1276] : memref<67108864xf32, #tpu.memory_space<hbm>> -> memref<128xf32, #tpu.memory_space<hbm>>
    %dma_start3A_1280 = tpu.memref_slice %arg4[%add3A_1272] : memref<32768xf32, #tpu.memory_space<vmem>> -> memref<128xf32, #tpu.memory_space<vmem>>
    tpu.enqueue_dma source(%dma_start3A_1280 : memref<128xf32, #tpu.memory_space<vmem>>) target(%dma_start3A_1279 : memref<128xf32, #tpu.memory_space<hbm>>) target_semaphore(%arg5 : memref<!tpu.dma_semaphore, #tpu.memory_space<semaphore_mem>>)
    %add3A_1281 = arith.constant 28672 : i32
    %add3A_1282 = arith.addi %add3A_1281, %sub3A_40 : i32
    %add3A_1283 = arith.constant 1536 : i32
    %add3A_1284 = arith.addi %add3A_1282, %add3A_1283 : i32
    %add3A_1285 = arith.constant 12288 : i32
    %add3A_1286 = arith.addi %add3A_45, %add3A_1285 : i32
    %add3A_1287 = arith.constant 896 : i32
    %add3A_1288 = arith.addi %add3A_1286, %add3A_1287 : i32
    %dma_start3A_1289 = tpu.memref_slice %arg4[%add3A_1284] : memref<32768xf32, #tpu.memory_space<vmem>> -> memref<128xf32, #tpu.memory_space<vmem>>
    %dma_start3A_1290 = tpu.memref_slice %arg3[%add3A_1288] : memref<67108864xf32, #tpu.memory_space<hbm>> -> memref<128xf32, #tpu.memory_space<hbm>>
    %dma_start3A_1291 = tpu.memref_slice %arg3[%add3A_1288] : memref<67108864xf32, #tpu.memory_space<hbm>> -> memref<128xf32, #tpu.memory_space<hbm>>
    %dma_start3A_1292 = tpu.memref_slice %arg4[%add3A_1284] : memref<32768xf32, #tpu.memory_space<vmem>> -> memref<128xf32, #tpu.memory_space<vmem>>
    tpu.enqueue_dma source(%dma_start3A_1292 : memref<128xf32, #tpu.memory_space<vmem>>) target(%dma_start3A_1291 : memref<128xf32, #tpu.memory_space<hbm>>) target_semaphore(%arg5 : memref<!tpu.dma_semaphore, #tpu.memory_space<semaphore_mem>>)
    %add3A_1293 = arith.constant 0 : i32
    %add3A_1294 = arith.addi %add3A_1293, %sub3A_40 : i32
    %add3A_1295 = arith.constant 1664 : i32
    %add3A_1296 = arith.addi %add3A_1294, %add3A_1295 : i32
    %add3A_1297 = arith.constant 13312 : i32
    %add3A_1298 = arith.addi %add3A_45, %add3A_1297 : i32
    %add3A_1299 = arith.constant 0 : i32
    %add3A_1300 = arith.addi %add3A_1298, %add3A_1299 : i32
    %dma_start3A_1301 = tpu.memref_slice %arg4[%add3A_1296] : memref<32768xf32, #tpu.memory_space<vmem>> -> memref<128xf32, #tpu.memory_space<vmem>>
    %dma_start3A_1302 = tpu.memref_slice %arg3[%add3A_1300] : memref<67108864xf32, #tpu.memory_space<hbm>> -> memref<128xf32, #tpu.memory_space<hbm>>
    %dma_start3A_1303 = tpu.memref_slice %arg3[%add3A_1300] : memref<67108864xf32, #tpu.memory_space<hbm>> -> memref<128xf32, #tpu.memory_space<hbm>>
    %dma_start3A_1304 = tpu.memref_slice %arg4[%add3A_1296] : memref<32768xf32, #tpu.memory_space<vmem>> -> memref<128xf32, #tpu.memory_space<vmem>>
    tpu.enqueue_dma source(%dma_start3A_1304 : memref<128xf32, #tpu.memory_space<vmem>>) target(%dma_start3A_1303 : memref<128xf32, #tpu.memory_space<hbm>>) target_semaphore(%arg5 : memref<!tpu.dma_semaphore, #tpu.memory_space<semaphore_mem>>)
    %add3A_1305 = arith.constant 4096 : i32
    %add3A_1306 = arith.addi %add3A_1305, %sub3A_40 : i32
    %add3A_1307 = arith.constant 1664 : i32
    %add3A_1308 = arith.addi %add3A_1306, %add3A_1307 : i32
    %add3A_1309 = arith.constant 13312 : i32
    %add3A_1310 = arith.addi %add3A_45, %add3A_1309 : i32
    %add3A_1311 = arith.constant 128 : i32
    %add3A_1312 = arith.addi %add3A_1310, %add3A_1311 : i32
    %dma_start3A_1313 = tpu.memref_slice %arg4[%add3A_1308] : memref<32768xf32, #tpu.memory_space<vmem>> -> memref<128xf32, #tpu.memory_space<vmem>>
    %dma_start3A_1314 = tpu.memref_slice %arg3[%add3A_1312] : memref<67108864xf32, #tpu.memory_space<hbm>> -> memref<128xf32, #tpu.memory_space<hbm>>
    %dma_start3A_1315 = tpu.memref_slice %arg3[%add3A_1312] : memref<67108864xf32, #tpu.memory_space<hbm>> -> memref<128xf32, #tpu.memory_space<hbm>>
    %dma_start3A_1316 = tpu.memref_slice %arg4[%add3A_1308] : memref<32768xf32, #tpu.memory_space<vmem>> -> memref<128xf32, #tpu.memory_space<vmem>>
    tpu.enqueue_dma source(%dma_start3A_1316 : memref<128xf32, #tpu.memory_space<vmem>>) target(%dma_start3A_1315 : memref<128xf32, #tpu.memory_space<hbm>>) target_semaphore(%arg5 : memref<!tpu.dma_semaphore, #tpu.memory_space<semaphore_mem>>)
    %add3A_1317 = arith.constant 8192 : i32
    %add3A_1318 = arith.addi %add3A_1317, %sub3A_40 : i32
    %add3A_1319 = arith.constant 1664 : i32
    %add3A_1320 = arith.addi %add3A_1318, %add3A_1319 : i32
    %add3A_1321 = arith.constant 13312 : i32
    %add3A_1322 = arith.addi %add3A_45, %add3A_1321 : i32
    %add3A_1323 = arith.constant 256 : i32
    %add3A_1324 = arith.addi %add3A_1322, %add3A_1323 : i32
    %dma_start3A_1325 = tpu.memref_slice %arg4[%add3A_1320] : memref<32768xf32, #tpu.memory_space<vmem>> -> memref<128xf32, #tpu.memory_space<vmem>>
    %dma_start3A_1326 = tpu.memref_slice %arg3[%add3A_1324] : memref<67108864xf32, #tpu.memory_space<hbm>> -> memref<128xf32, #tpu.memory_space<hbm>>
    %dma_start3A_1327 = tpu.memref_slice %arg3[%add3A_1324] : memref<67108864xf32, #tpu.memory_space<hbm>> -> memref<128xf32, #tpu.memory_space<hbm>>
    %dma_start3A_1328 = tpu.memref_slice %arg4[%add3A_1320] : memref<32768xf32, #tpu.memory_space<vmem>> -> memref<128xf32, #tpu.memory_space<vmem>>
    tpu.enqueue_dma source(%dma_start3A_1328 : memref<128xf32, #tpu.memory_space<vmem>>) target(%dma_start3A_1327 : memref<128xf32, #tpu.memory_space<hbm>>) target_semaphore(%arg5 : memref<!tpu.dma_semaphore, #tpu.memory_space<semaphore_mem>>)
    %add3A_1329 = arith.constant 12288 : i32
    %add3A_1330 = arith.addi %add3A_1329, %sub3A_40 : i32
    %add3A_1331 = arith.constant 1664 : i32
    %add3A_1332 = arith.addi %add3A_1330, %add3A_1331 : i32
    %add3A_1333 = arith.constant 13312 : i32
    %add3A_1334 = arith.addi %add3A_45, %add3A_1333 : i32
    %add3A_1335 = arith.constant 384 : i32
    %add3A_1336 = arith.addi %add3A_1334, %add3A_1335 : i32
    %dma_start3A_1337 = tpu.memref_slice %arg4[%add3A_1332] : memref<32768xf32, #tpu.memory_space<vmem>> -> memref<128xf32, #tpu.memory_space<vmem>>
    %dma_start3A_1338 = tpu.memref_slice %arg3[%add3A_1336] : memref<67108864xf32, #tpu.memory_space<hbm>> -> memref<128xf32, #tpu.memory_space<hbm>>
    %dma_start3A_1339 = tpu.memref_slice %arg3[%add3A_1336] : memref<67108864xf32, #tpu.memory_space<hbm>> -> memref<128xf32, #tpu.memory_space<hbm>>
    %dma_start3A_1340 = tpu.memref_slice %arg4[%add3A_1332] : memref<32768xf32, #tpu.memory_space<vmem>> -> memref<128xf32, #tpu.memory_space<vmem>>
    tpu.enqueue_dma source(%dma_start3A_1340 : memref<128xf32, #tpu.memory_space<vmem>>) target(%dma_start3A_1339 : memref<128xf32, #tpu.memory_space<hbm>>) target_semaphore(%arg5 : memref<!tpu.dma_semaphore, #tpu.memory_space<semaphore_mem>>)
    %add3A_1341 = arith.constant 16384 : i32
    %add3A_1342 = arith.addi %add3A_1341, %sub3A_40 : i32
    %add3A_1343 = arith.constant 1664 : i32
    %add3A_1344 = arith.addi %add3A_1342, %add3A_1343 : i32
    %add3A_1345 = arith.constant 13312 : i32
    %add3A_1346 = arith.addi %add3A_45, %add3A_1345 : i32
    %add3A_1347 = arith.constant 512 : i32
    %add3A_1348 = arith.addi %add3A_1346, %add3A_1347 : i32
    %dma_start3A_1349 = tpu.memref_slice %arg4[%add3A_1344] : memref<32768xf32, #tpu.memory_space<vmem>> -> memref<128xf32, #tpu.memory_space<vmem>>
    %dma_start3A_1350 = tpu.memref_slice %arg3[%add3A_1348] : memref<67108864xf32, #tpu.memory_space<hbm>> -> memref<128xf32, #tpu.memory_space<hbm>>
    %dma_start3A_1351 = tpu.memref_slice %arg3[%add3A_1348] : memref<67108864xf32, #tpu.memory_space<hbm>> -> memref<128xf32, #tpu.memory_space<hbm>>
    %dma_start3A_1352 = tpu.memref_slice %arg4[%add3A_1344] : memref<32768xf32, #tpu.memory_space<vmem>> -> memref<128xf32, #tpu.memory_space<vmem>>
    tpu.enqueue_dma source(%dma_start3A_1352 : memref<128xf32, #tpu.memory_space<vmem>>) target(%dma_start3A_1351 : memref<128xf32, #tpu.memory_space<hbm>>) target_semaphore(%arg5 : memref<!tpu.dma_semaphore, #tpu.memory_space<semaphore_mem>>)
    %add3A_1353 = arith.constant 20480 : i32
    %add3A_1354 = arith.addi %add3A_1353, %sub3A_40 : i32
    %add3A_1355 = arith.constant 1664 : i32
    %add3A_1356 = arith.addi %add3A_1354, %add3A_1355 : i32
    %add3A_1357 = arith.constant 13312 : i32
    %add3A_1358 = arith.addi %add3A_45, %add3A_1357 : i32
    %add3A_1359 = arith.constant 640 : i32
    %add3A_1360 = arith.addi %add3A_1358, %add3A_1359 : i32
    %dma_start3A_1361 = tpu.memref_slice %arg4[%add3A_1356] : memref<32768xf32, #tpu.memory_space<vmem>> -> memref<128xf32, #tpu.memory_space<vmem>>
    %dma_start3A_1362 = tpu.memref_slice %arg3[%add3A_1360] : memref<67108864xf32, #tpu.memory_space<hbm>> -> memref<128xf32, #tpu.memory_space<hbm>>
    %dma_start3A_1363 = tpu.memref_slice %arg3[%add3A_1360] : memref<67108864xf32, #tpu.memory_space<hbm>> -> memref<128xf32, #tpu.memory_space<hbm>>
    %dma_start3A_1364 = tpu.memref_slice %arg4[%add3A_1356] : memref<32768xf32, #tpu.memory_space<vmem>> -> memref<128xf32, #tpu.memory_space<vmem>>
    tpu.enqueue_dma source(%dma_start3A_1364 : memref<128xf32, #tpu.memory_space<vmem>>) target(%dma_start3A_1363 : memref<128xf32, #tpu.memory_space<hbm>>) target_semaphore(%arg5 : memref<!tpu.dma_semaphore, #tpu.memory_space<semaphore_mem>>)
    %add3A_1365 = arith.constant 24576 : i32
    %add3A_1366 = arith.addi %add3A_1365, %sub3A_40 : i32
    %add3A_1367 = arith.constant 1664 : i32
    %add3A_1368 = arith.addi %add3A_1366, %add3A_1367 : i32
    %add3A_1369 = arith.constant 13312 : i32
    %add3A_1370 = arith.addi %add3A_45, %add3A_1369 : i32
    %add3A_1371 = arith.constant 768 : i32
    %add3A_1372 = arith.addi %add3A_1370, %add3A_1371 : i32
    %dma_start3A_1373 = tpu.memref_slice %arg4[%add3A_1368] : memref<32768xf32, #tpu.memory_space<vmem>> -> memref<128xf32, #tpu.memory_space<vmem>>
    %dma_start3A_1374 = tpu.memref_slice %arg3[%add3A_1372] : memref<67108864xf32, #tpu.memory_space<hbm>> -> memref<128xf32, #tpu.memory_space<hbm>>
    %dma_start3A_1375 = tpu.memref_slice %arg3[%add3A_1372] : memref<67108864xf32, #tpu.memory_space<hbm>> -> memref<128xf32, #tpu.memory_space<hbm>>
    %dma_start3A_1376 = tpu.memref_slice %arg4[%add3A_1368] : memref<32768xf32, #tpu.memory_space<vmem>> -> memref<128xf32, #tpu.memory_space<vmem>>
    tpu.enqueue_dma source(%dma_start3A_1376 : memref<128xf32, #tpu.memory_space<vmem>>) target(%dma_start3A_1375 : memref<128xf32, #tpu.memory_space<hbm>>) target_semaphore(%arg5 : memref<!tpu.dma_semaphore, #tpu.memory_space<semaphore_mem>>)
    %add3A_1377 = arith.constant 28672 : i32
    %add3A_1378 = arith.addi %add3A_1377, %sub3A_40 : i32
    %add3A_1379 = arith.constant 1664 : i32
    %add3A_1380 = arith.addi %add3A_1378, %add3A_1379 : i32
    %add3A_1381 = arith.constant 13312 : i32
    %add3A_1382 = arith.addi %add3A_45, %add3A_1381 : i32
    %add3A_1383 = arith.constant 896 : i32
    %add3A_1384 = arith.addi %add3A_1382, %add3A_1383 : i32
    %dma_start3A_1385 = tpu.memref_slice %arg4[%add3A_1380] : memref<32768xf32, #tpu.memory_space<vmem>> -> memref<128xf32, #tpu.memory_space<vmem>>
    %dma_start3A_1386 = tpu.memref_slice %arg3[%add3A_1384] : memref<67108864xf32, #tpu.memory_space<hbm>> -> memref<128xf32, #tpu.memory_space<hbm>>
    %dma_start3A_1387 = tpu.memref_slice %arg3[%add3A_1384] : memref<67108864xf32, #tpu.memory_space<hbm>> -> memref<128xf32, #tpu.memory_space<hbm>>
    %dma_start3A_1388 = tpu.memref_slice %arg4[%add3A_1380] : memref<32768xf32, #tpu.memory_space<vmem>> -> memref<128xf32, #tpu.memory_space<vmem>>
    tpu.enqueue_dma source(%dma_start3A_1388 : memref<128xf32, #tpu.memory_space<vmem>>) target(%dma_start3A_1387 : memref<128xf32, #tpu.memory_space<hbm>>) target_semaphore(%arg5 : memref<!tpu.dma_semaphore, #tpu.memory_space<semaphore_mem>>)
    %add3A_1389 = arith.constant 0 : i32
    %add3A_1390 = arith.addi %add3A_1389, %sub3A_40 : i32
    %add3A_1391 = arith.constant 1792 : i32
    %add3A_1392 = arith.addi %add3A_1390, %add3A_1391 : i32
    %add3A_1393 = arith.constant 14336 : i32
    %add3A_1394 = arith.addi %add3A_45, %add3A_1393 : i32
    %add3A_1395 = arith.constant 0 : i32
    %add3A_1396 = arith.addi %add3A_1394, %add3A_1395 : i32
    %dma_start3A_1397 = tpu.memref_slice %arg4[%add3A_1392] : memref<32768xf32, #tpu.memory_space<vmem>> -> memref<128xf32, #tpu.memory_space<vmem>>
    %dma_start3A_1398 = tpu.memref_slice %arg3[%add3A_1396] : memref<67108864xf32, #tpu.memory_space<hbm>> -> memref<128xf32, #tpu.memory_space<hbm>>
    %dma_start3A_1399 = tpu.memref_slice %arg3[%add3A_1396] : memref<67108864xf32, #tpu.memory_space<hbm>> -> memref<128xf32, #tpu.memory_space<hbm>>
    %dma_start3A_1400 = tpu.memref_slice %arg4[%add3A_1392] : memref<32768xf32, #tpu.memory_space<vmem>> -> memref<128xf32, #tpu.memory_space<vmem>>
    tpu.enqueue_dma source(%dma_start3A_1400 : memref<128xf32, #tpu.memory_space<vmem>>) target(%dma_start3A_1399 : memref<128xf32, #tpu.memory_space<hbm>>) target_semaphore(%arg5 : memref<!tpu.dma_semaphore, #tpu.memory_space<semaphore_mem>>)
    %add3A_1401 = arith.constant 4096 : i32
    %add3A_1402 = arith.addi %add3A_1401, %sub3A_40 : i32
    %add3A_1403 = arith.constant 1792 : i32
    %add3A_1404 = arith.addi %add3A_1402, %add3A_1403 : i32
    %add3A_1405 = arith.constant 14336 : i32
    %add3A_1406 = arith.addi %add3A_45, %add3A_1405 : i32
    %add3A_1407 = arith.constant 128 : i32
    %add3A_1408 = arith.addi %add3A_1406, %add3A_1407 : i32
    %dma_start3A_1409 = tpu.memref_slice %arg4[%add3A_1404] : memref<32768xf32, #tpu.memory_space<vmem>> -> memref<128xf32, #tpu.memory_space<vmem>>
    %dma_start3A_1410 = tpu.memref_slice %arg3[%add3A_1408] : memref<67108864xf32, #tpu.memory_space<hbm>> -> memref<128xf32, #tpu.memory_space<hbm>>
    %dma_start3A_1411 = tpu.memref_slice %arg3[%add3A_1408] : memref<67108864xf32, #tpu.memory_space<hbm>> -> memref<128xf32, #tpu.memory_space<hbm>>
    %dma_start3A_1412 = tpu.memref_slice %arg4[%add3A_1404] : memref<32768xf32, #tpu.memory_space<vmem>> -> memref<128xf32, #tpu.memory_space<vmem>>
    tpu.enqueue_dma source(%dma_start3A_1412 : memref<128xf32, #tpu.memory_space<vmem>>) target(%dma_start3A_1411 : memref<128xf32, #tpu.memory_space<hbm>>) target_semaphore(%arg5 : memref<!tpu.dma_semaphore, #tpu.memory_space<semaphore_mem>>)
    %add3A_1413 = arith.constant 8192 : i32
    %add3A_1414 = arith.addi %add3A_1413, %sub3A_40 : i32
    %add3A_1415 = arith.constant 1792 : i32
    %add3A_1416 = arith.addi %add3A_1414, %add3A_1415 : i32
    %add3A_1417 = arith.constant 14336 : i32
    %add3A_1418 = arith.addi %add3A_45, %add3A_1417 : i32
    %add3A_1419 = arith.constant 256 : i32
    %add3A_1420 = arith.addi %add3A_1418, %add3A_1419 : i32
    %dma_start3A_1421 = tpu.memref_slice %arg4[%add3A_1416] : memref<32768xf32, #tpu.memory_space<vmem>> -> memref<128xf32, #tpu.memory_space<vmem>>
    %dma_start3A_1422 = tpu.memref_slice %arg3[%add3A_1420] : memref<67108864xf32, #tpu.memory_space<hbm>> -> memref<128xf32, #tpu.memory_space<hbm>>
    %dma_start3A_1423 = tpu.memref_slice %arg3[%add3A_1420] : memref<67108864xf32, #tpu.memory_space<hbm>> -> memref<128xf32, #tpu.memory_space<hbm>>
    %dma_start3A_1424 = tpu.memref_slice %arg4[%add3A_1416] : memref<32768xf32, #tpu.memory_space<vmem>> -> memref<128xf32, #tpu.memory_space<vmem>>
    tpu.enqueue_dma source(%dma_start3A_1424 : memref<128xf32, #tpu.memory_space<vmem>>) target(%dma_start3A_1423 : memref<128xf32, #tpu.memory_space<hbm>>) target_semaphore(%arg5 : memref<!tpu.dma_semaphore, #tpu.memory_space<semaphore_mem>>)
    %add3A_1425 = arith.constant 12288 : i32
    %add3A_1426 = arith.addi %add3A_1425, %sub3A_40 : i32
    %add3A_1427 = arith.constant 1792 : i32
    %add3A_1428 = arith.addi %add3A_1426, %add3A_1427 : i32
    %add3A_1429 = arith.constant 14336 : i32
    %add3A_1430 = arith.addi %add3A_45, %add3A_1429 : i32
    %add3A_1431 = arith.constant 384 : i32
    %add3A_1432 = arith.addi %add3A_1430, %add3A_1431 : i32
    %dma_start3A_1433 = tpu.memref_slice %arg4[%add3A_1428] : memref<32768xf32, #tpu.memory_space<vmem>> -> memref<128xf32, #tpu.memory_space<vmem>>
    %dma_start3A_1434 = tpu.memref_slice %arg3[%add3A_1432] : memref<67108864xf32, #tpu.memory_space<hbm>> -> memref<128xf32, #tpu.memory_space<hbm>>
    %dma_start3A_1435 = tpu.memref_slice %arg3[%add3A_1432] : memref<67108864xf32, #tpu.memory_space<hbm>> -> memref<128xf32, #tpu.memory_space<hbm>>
    %dma_start3A_1436 = tpu.memref_slice %arg4[%add3A_1428] : memref<32768xf32, #tpu.memory_space<vmem>> -> memref<128xf32, #tpu.memory_space<vmem>>
    tpu.enqueue_dma source(%dma_start3A_1436 : memref<128xf32, #tpu.memory_space<vmem>>) target(%dma_start3A_1435 : memref<128xf32, #tpu.memory_space<hbm>>) target_semaphore(%arg5 : memref<!tpu.dma_semaphore, #tpu.memory_space<semaphore_mem>>)
    %add3A_1437 = arith.constant 16384 : i32
    %add3A_1438 = arith.addi %add3A_1437, %sub3A_40 : i32
    %add3A_1439 = arith.constant 1792 : i32
    %add3A_1440 = arith.addi %add3A_1438, %add3A_1439 : i32
    %add3A_1441 = arith.constant 14336 : i32
    %add3A_1442 = arith.addi %add3A_45, %add3A_1441 : i32
    %add3A_1443 = arith.constant 512 : i32
    %add3A_1444 = arith.addi %add3A_1442, %add3A_1443 : i32
    %dma_start3A_1445 = tpu.memref_slice %arg4[%add3A_1440] : memref<32768xf32, #tpu.memory_space<vmem>> -> memref<128xf32, #tpu.memory_space<vmem>>
    %dma_start3A_1446 = tpu.memref_slice %arg3[%add3A_1444] : memref<67108864xf32, #tpu.memory_space<hbm>> -> memref<128xf32, #tpu.memory_space<hbm>>
    %dma_start3A_1447 = tpu.memref_slice %arg3[%add3A_1444] : memref<67108864xf32, #tpu.memory_space<hbm>> -> memref<128xf32, #tpu.memory_space<hbm>>
    %dma_start3A_1448 = tpu.memref_slice %arg4[%add3A_1440] : memref<32768xf32, #tpu.memory_space<vmem>> -> memref<128xf32, #tpu.memory_space<vmem>>
    tpu.enqueue_dma source(%dma_start3A_1448 : memref<128xf32, #tpu.memory_space<vmem>>) target(%dma_start3A_1447 : memref<128xf32, #tpu.memory_space<hbm>>) target_semaphore(%arg5 : memref<!tpu.dma_semaphore, #tpu.memory_space<semaphore_mem>>)
    %add3A_1449 = arith.constant 20480 : i32
    %add3A_1450 = arith.addi %add3A_1449, %sub3A_40 : i32
    %add3A_1451 = arith.constant 1792 : i32
    %add3A_1452 = arith.addi %add3A_1450, %add3A_1451 : i32
    %add3A_1453 = arith.constant 14336 : i32
    %add3A_1454 = arith.addi %add3A_45, %add3A_1453 : i32
    %add3A_1455 = arith.constant 640 : i32
    %add3A_1456 = arith.addi %add3A_1454, %add3A_1455 : i32
    %dma_start3A_1457 = tpu.memref_slice %arg4[%add3A_1452] : memref<32768xf32, #tpu.memory_space<vmem>> -> memref<128xf32, #tpu.memory_space<vmem>>
    %dma_start3A_1458 = tpu.memref_slice %arg3[%add3A_1456] : memref<67108864xf32, #tpu.memory_space<hbm>> -> memref<128xf32, #tpu.memory_space<hbm>>
    %dma_start3A_1459 = tpu.memref_slice %arg3[%add3A_1456] : memref<67108864xf32, #tpu.memory_space<hbm>> -> memref<128xf32, #tpu.memory_space<hbm>>
    %dma_start3A_1460 = tpu.memref_slice %arg4[%add3A_1452] : memref<32768xf32, #tpu.memory_space<vmem>> -> memref<128xf32, #tpu.memory_space<vmem>>
    tpu.enqueue_dma source(%dma_start3A_1460 : memref<128xf32, #tpu.memory_space<vmem>>) target(%dma_start3A_1459 : memref<128xf32, #tpu.memory_space<hbm>>) target_semaphore(%arg5 : memref<!tpu.dma_semaphore, #tpu.memory_space<semaphore_mem>>)
    %add3A_1461 = arith.constant 24576 : i32
    %add3A_1462 = arith.addi %add3A_1461, %sub3A_40 : i32
    %add3A_1463 = arith.constant 1792 : i32
    %add3A_1464 = arith.addi %add3A_1462, %add3A_1463 : i32
    %add3A_1465 = arith.constant 14336 : i32
    %add3A_1466 = arith.addi %add3A_45, %add3A_1465 : i32
    %add3A_1467 = arith.constant 768 : i32
    %add3A_1468 = arith.addi %add3A_1466, %add3A_1467 : i32
    %dma_start3A_1469 = tpu.memref_slice %arg4[%add3A_1464] : memref<32768xf32, #tpu.memory_space<vmem>> -> memref<128xf32, #tpu.memory_space<vmem>>
    %dma_start3A_1470 = tpu.memref_slice %arg3[%add3A_1468] : memref<67108864xf32, #tpu.memory_space<hbm>> -> memref<128xf32, #tpu.memory_space<hbm>>
    %dma_start3A_1471 = tpu.memref_slice %arg3[%add3A_1468] : memref<67108864xf32, #tpu.memory_space<hbm>> -> memref<128xf32, #tpu.memory_space<hbm>>
    %dma_start3A_1472 = tpu.memref_slice %arg4[%add3A_1464] : memref<32768xf32, #tpu.memory_space<vmem>> -> memref<128xf32, #tpu.memory_space<vmem>>
    tpu.enqueue_dma source(%dma_start3A_1472 : memref<128xf32, #tpu.memory_space<vmem>>) target(%dma_start3A_1471 : memref<128xf32, #tpu.memory_space<hbm>>) target_semaphore(%arg5 : memref<!tpu.dma_semaphore, #tpu.memory_space<semaphore_mem>>)
    %add3A_1473 = arith.constant 28672 : i32
    %add3A_1474 = arith.addi %add3A_1473, %sub3A_40 : i32
    %add3A_1475 = arith.constant 1792 : i32
    %add3A_1476 = arith.addi %add3A_1474, %add3A_1475 : i32
    %add3A_1477 = arith.constant 14336 : i32
    %add3A_1478 = arith.addi %add3A_45, %add3A_1477 : i32
    %add3A_1479 = arith.constant 896 : i32
    %add3A_1480 = arith.addi %add3A_1478, %add3A_1479 : i32
    %dma_start3A_1481 = tpu.memref_slice %arg4[%add3A_1476] : memref<32768xf32, #tpu.memory_space<vmem>> -> memref<128xf32, #tpu.memory_space<vmem>>
    %dma_start3A_1482 = tpu.memref_slice %arg3[%add3A_1480] : memref<67108864xf32, #tpu.memory_space<hbm>> -> memref<128xf32, #tpu.memory_space<hbm>>
    %dma_start3A_1483 = tpu.memref_slice %arg3[%add3A_1480] : memref<67108864xf32, #tpu.memory_space<hbm>> -> memref<128xf32, #tpu.memory_space<hbm>>
    %dma_start3A_1484 = tpu.memref_slice %arg4[%add3A_1476] : memref<32768xf32, #tpu.memory_space<vmem>> -> memref<128xf32, #tpu.memory_space<vmem>>
    tpu.enqueue_dma source(%dma_start3A_1484 : memref<128xf32, #tpu.memory_space<vmem>>) target(%dma_start3A_1483 : memref<128xf32, #tpu.memory_space<hbm>>) target_semaphore(%arg5 : memref<!tpu.dma_semaphore, #tpu.memory_space<semaphore_mem>>)
    %add3A_1485 = arith.constant 0 : i32
    %add3A_1486 = arith.addi %add3A_1485, %sub3A_40 : i32
    %add3A_1487 = arith.constant 1920 : i32
    %add3A_1488 = arith.addi %add3A_1486, %add3A_1487 : i32
    %add3A_1489 = arith.constant 15360 : i32
    %add3A_1490 = arith.addi %add3A_45, %add3A_1489 : i32
    %add3A_1491 = arith.constant 0 : i32
    %add3A_1492 = arith.addi %add3A_1490, %add3A_1491 : i32
    %dma_start3A_1493 = tpu.memref_slice %arg4[%add3A_1488] : memref<32768xf32, #tpu.memory_space<vmem>> -> memref<128xf32, #tpu.memory_space<vmem>>
    %dma_start3A_1494 = tpu.memref_slice %arg3[%add3A_1492] : memref<67108864xf32, #tpu.memory_space<hbm>> -> memref<128xf32, #tpu.memory_space<hbm>>
    %dma_start3A_1495 = tpu.memref_slice %arg3[%add3A_1492] : memref<67108864xf32, #tpu.memory_space<hbm>> -> memref<128xf32, #tpu.memory_space<hbm>>
    %dma_start3A_1496 = tpu.memref_slice %arg4[%add3A_1488] : memref<32768xf32, #tpu.memory_space<vmem>> -> memref<128xf32, #tpu.memory_space<vmem>>
    tpu.enqueue_dma source(%dma_start3A_1496 : memref<128xf32, #tpu.memory_space<vmem>>) target(%dma_start3A_1495 : memref<128xf32, #tpu.memory_space<hbm>>) target_semaphore(%arg5 : memref<!tpu.dma_semaphore, #tpu.memory_space<semaphore_mem>>)
    %add3A_1497 = arith.constant 4096 : i32
    %add3A_1498 = arith.addi %add3A_1497, %sub3A_40 : i32
    %add3A_1499 = arith.constant 1920 : i32
    %add3A_1500 = arith.addi %add3A_1498, %add3A_1499 : i32
    %add3A_1501 = arith.constant 15360 : i32
    %add3A_1502 = arith.addi %add3A_45, %add3A_1501 : i32
    %add3A_1503 = arith.constant 128 : i32
    %add3A_1504 = arith.addi %add3A_1502, %add3A_1503 : i32
    %dma_start3A_1505 = tpu.memref_slice %arg4[%add3A_1500] : memref<32768xf32, #tpu.memory_space<vmem>> -> memref<128xf32, #tpu.memory_space<vmem>>
    %dma_start3A_1506 = tpu.memref_slice %arg3[%add3A_1504] : memref<67108864xf32, #tpu.memory_space<hbm>> -> memref<128xf32, #tpu.memory_space<hbm>>
    %dma_start3A_1507 = tpu.memref_slice %arg3[%add3A_1504] : memref<67108864xf32, #tpu.memory_space<hbm>> -> memref<128xf32, #tpu.memory_space<hbm>>
    %dma_start3A_1508 = tpu.memref_slice %arg4[%add3A_1500] : memref<32768xf32, #tpu.memory_space<vmem>> -> memref<128xf32, #tpu.memory_space<vmem>>
    tpu.enqueue_dma source(%dma_start3A_1508 : memref<128xf32, #tpu.memory_space<vmem>>) target(%dma_start3A_1507 : memref<128xf32, #tpu.memory_space<hbm>>) target_semaphore(%arg5 : memref<!tpu.dma_semaphore, #tpu.memory_space<semaphore_mem>>)
    %add3A_1509 = arith.constant 8192 : i32
    %add3A_1510 = arith.addi %add3A_1509, %sub3A_40 : i32
    %add3A_1511 = arith.constant 1920 : i32
    %add3A_1512 = arith.addi %add3A_1510, %add3A_1511 : i32
    %add3A_1513 = arith.constant 15360 : i32
    %add3A_1514 = arith.addi %add3A_45, %add3A_1513 : i32
    %add3A_1515 = arith.constant 256 : i32
    %add3A_1516 = arith.addi %add3A_1514, %add3A_1515 : i32
    %dma_start3A_1517 = tpu.memref_slice %arg4[%add3A_1512] : memref<32768xf32, #tpu.memory_space<vmem>> -> memref<128xf32, #tpu.memory_space<vmem>>
    %dma_start3A_1518 = tpu.memref_slice %arg3[%add3A_1516] : memref<67108864xf32, #tpu.memory_space<hbm>> -> memref<128xf32, #tpu.memory_space<hbm>>
    %dma_start3A_1519 = tpu.memref_slice %arg3[%add3A_1516] : memref<67108864xf32, #tpu.memory_space<hbm>> -> memref<128xf32, #tpu.memory_space<hbm>>
    %dma_start3A_1520 = tpu.memref_slice %arg4[%add3A_1512] : memref<32768xf32, #tpu.memory_space<vmem>> -> memref<128xf32, #tpu.memory_space<vmem>>
    tpu.enqueue_dma source(%dma_start3A_1520 : memref<128xf32, #tpu.memory_space<vmem>>) target(%dma_start3A_1519 : memref<128xf32, #tpu.memory_space<hbm>>) target_semaphore(%arg5 : memref<!tpu.dma_semaphore, #tpu.memory_space<semaphore_mem>>)
    %add3A_1521 = arith.constant 12288 : i32
    %add3A_1522 = arith.addi %add3A_1521, %sub3A_40 : i32
    %add3A_1523 = arith.constant 1920 : i32
    %add3A_1524 = arith.addi %add3A_1522, %add3A_1523 : i32
    %add3A_1525 = arith.constant 15360 : i32
    %add3A_1526 = arith.addi %add3A_45, %add3A_1525 : i32
    %add3A_1527 = arith.constant 384 : i32
    %add3A_1528 = arith.addi %add3A_1526, %add3A_1527 : i32
    %dma_start3A_1529 = tpu.memref_slice %arg4[%add3A_1524] : memref<32768xf32, #tpu.memory_space<vmem>> -> memref<128xf32, #tpu.memory_space<vmem>>
    %dma_start3A_1530 = tpu.memref_slice %arg3[%add3A_1528] : memref<67108864xf32, #tpu.memory_space<hbm>> -> memref<128xf32, #tpu.memory_space<hbm>>
    %dma_start3A_1531 = tpu.memref_slice %arg3[%add3A_1528] : memref<67108864xf32, #tpu.memory_space<hbm>> -> memref<128xf32, #tpu.memory_space<hbm>>
    %dma_start3A_1532 = tpu.memref_slice %arg4[%add3A_1524] : memref<32768xf32, #tpu.memory_space<vmem>> -> memref<128xf32, #tpu.memory_space<vmem>>
    tpu.enqueue_dma source(%dma_start3A_1532 : memref<128xf32, #tpu.memory_space<vmem>>) target(%dma_start3A_1531 : memref<128xf32, #tpu.memory_space<hbm>>) target_semaphore(%arg5 : memref<!tpu.dma_semaphore, #tpu.memory_space<semaphore_mem>>)
    %add3A_1533 = arith.constant 16384 : i32
    %add3A_1534 = arith.addi %add3A_1533, %sub3A_40 : i32
    %add3A_1535 = arith.constant 1920 : i32
    %add3A_1536 = arith.addi %add3A_1534, %add3A_1535 : i32
    %add3A_1537 = arith.constant 15360 : i32
    %add3A_1538 = arith.addi %add3A_45, %add3A_1537 : i32
    %add3A_1539 = arith.constant 512 : i32
    %add3A_1540 = arith.addi %add3A_1538, %add3A_1539 : i32
    %dma_start3A_1541 = tpu.memref_slice %arg4[%add3A_1536] : memref<32768xf32, #tpu.memory_space<vmem>> -> memref<128xf32, #tpu.memory_space<vmem>>
    %dma_start3A_1542 = tpu.memref_slice %arg3[%add3A_1540] : memref<67108864xf32, #tpu.memory_space<hbm>> -> memref<128xf32, #tpu.memory_space<hbm>>
    %dma_start3A_1543 = tpu.memref_slice %arg3[%add3A_1540] : memref<67108864xf32, #tpu.memory_space<hbm>> -> memref<128xf32, #tpu.memory_space<hbm>>
    %dma_start3A_1544 = tpu.memref_slice %arg4[%add3A_1536] : memref<32768xf32, #tpu.memory_space<vmem>> -> memref<128xf32, #tpu.memory_space<vmem>>
    tpu.enqueue_dma source(%dma_start3A_1544 : memref<128xf32, #tpu.memory_space<vmem>>) target(%dma_start3A_1543 : memref<128xf32, #tpu.memory_space<hbm>>) target_semaphore(%arg5 : memref<!tpu.dma_semaphore, #tpu.memory_space<semaphore_mem>>)
    %add3A_1545 = arith.constant 20480 : i32
    %add3A_1546 = arith.addi %add3A_1545, %sub3A_40 : i32
    %add3A_1547 = arith.constant 1920 : i32
    %add3A_1548 = arith.addi %add3A_1546, %add3A_1547 : i32
    %add3A_1549 = arith.constant 15360 : i32
    %add3A_1550 = arith.addi %add3A_45, %add3A_1549 : i32
    %add3A_1551 = arith.constant 640 : i32
    %add3A_1552 = arith.addi %add3A_1550, %add3A_1551 : i32
    %dma_start3A_1553 = tpu.memref_slice %arg4[%add3A_1548] : memref<32768xf32, #tpu.memory_space<vmem>> -> memref<128xf32, #tpu.memory_space<vmem>>
    %dma_start3A_1554 = tpu.memref_slice %arg3[%add3A_1552] : memref<67108864xf32, #tpu.memory_space<hbm>> -> memref<128xf32, #tpu.memory_space<hbm>>
    %dma_start3A_1555 = tpu.memref_slice %arg3[%add3A_1552] : memref<67108864xf32, #tpu.memory_space<hbm>> -> memref<128xf32, #tpu.memory_space<hbm>>
    %dma_start3A_1556 = tpu.memref_slice %arg4[%add3A_1548] : memref<32768xf32, #tpu.memory_space<vmem>> -> memref<128xf32, #tpu.memory_space<vmem>>
    tpu.enqueue_dma source(%dma_start3A_1556 : memref<128xf32, #tpu.memory_space<vmem>>) target(%dma_start3A_1555 : memref<128xf32, #tpu.memory_space<hbm>>) target_semaphore(%arg5 : memref<!tpu.dma_semaphore, #tpu.memory_space<semaphore_mem>>)
    %add3A_1557 = arith.constant 24576 : i32
    %add3A_1558 = arith.addi %add3A_1557, %sub3A_40 : i32
    %add3A_1559 = arith.constant 1920 : i32
    %add3A_1560 = arith.addi %add3A_1558, %add3A_1559 : i32
    %add3A_1561 = arith.constant 15360 : i32
    %add3A_1562 = arith.addi %add3A_45, %add3A_1561 : i32
    %add3A_1563 = arith.constant 768 : i32
    %add3A_1564 = arith.addi %add3A_1562, %add3A_1563 : i32
    %dma_start3A_1565 = tpu.memref_slice %arg4[%add3A_1560] : memref<32768xf32, #tpu.memory_space<vmem>> -> memref<128xf32, #tpu.memory_space<vmem>>
    %dma_start3A_1566 = tpu.memref_slice %arg3[%add3A_1564] : memref<67108864xf32, #tpu.memory_space<hbm>> -> memref<128xf32, #tpu.memory_space<hbm>>
    %dma_start3A_1567 = tpu.memref_slice %arg3[%add3A_1564] : memref<67108864xf32, #tpu.memory_space<hbm>> -> memref<128xf32, #tpu.memory_space<hbm>>
    %dma_start3A_1568 = tpu.memref_slice %arg4[%add3A_1560] : memref<32768xf32, #tpu.memory_space<vmem>> -> memref<128xf32, #tpu.memory_space<vmem>>
    tpu.enqueue_dma source(%dma_start3A_1568 : memref<128xf32, #tpu.memory_space<vmem>>) target(%dma_start3A_1567 : memref<128xf32, #tpu.memory_space<hbm>>) target_semaphore(%arg5 : memref<!tpu.dma_semaphore, #tpu.memory_space<semaphore_mem>>)
    %add3A_1569 = arith.constant 28672 : i32
    %add3A_1570 = arith.addi %add3A_1569, %sub3A_40 : i32
    %add3A_1571 = arith.constant 1920 : i32
    %add3A_1572 = arith.addi %add3A_1570, %add3A_1571 : i32
    %add3A_1573 = arith.constant 15360 : i32
    %add3A_1574 = arith.addi %add3A_45, %add3A_1573 : i32
    %add3A_1575 = arith.constant 896 : i32
    %add3A_1576 = arith.addi %add3A_1574, %add3A_1575 : i32
    %dma_start3A_1577 = tpu.memref_slice %arg4[%add3A_1572] : memref<32768xf32, #tpu.memory_space<vmem>> -> memref<128xf32, #tpu.memory_space<vmem>>
    %dma_start3A_1578 = tpu.memref_slice %arg3[%add3A_1576] : memref<67108864xf32, #tpu.memory_space<hbm>> -> memref<128xf32, #tpu.memory_space<hbm>>
    %dma_start3A_1579 = tpu.memref_slice %arg3[%add3A_1576] : memref<67108864xf32, #tpu.memory_space<hbm>> -> memref<128xf32, #tpu.memory_space<hbm>>
    %dma_start3A_1580 = tpu.memref_slice %arg4[%add3A_1572] : memref<32768xf32, #tpu.memory_space<vmem>> -> memref<128xf32, #tpu.memory_space<vmem>>
    tpu.enqueue_dma source(%dma_start3A_1580 : memref<128xf32, #tpu.memory_space<vmem>>) target(%dma_start3A_1579 : memref<128xf32, #tpu.memory_space<hbm>>) target_semaphore(%arg5 : memref<!tpu.dma_semaphore, #tpu.memory_space<semaphore_mem>>)
    %scan3A = arith.constant 0 : i32
    %scan3A_1581 = arith.constant 1 : i32
    %scan3A_1582 = arith.constant 127 : i32
    %scan3A_1583 = arith.addi %scan3A_1581, %scan3A_1582 : i32
    %scan3A_1584 = arith.constant 1 : i32
    scf.for %scan3A_1593 = %scan3A_1581 to %scan3A_1583 step %scan3A_1584  : i32 {
      %add3A_1594 = arith.addi %mul3A_32, %scan3A_1593 : i32
      %mul3A_1595 = arith.constant 8 : i32
      %mul3A_1596 = arith.muli %mul3A_1595, %add3A_1594 : i32
      %sub3A_1597 = arith.constant 2040 : i32
      %sub3A_1598 = arith.subi %sub3A_1597, %mul3A_1596 : i32
      %mul3A_1599 = arith.constant 4194304 : i32
      %mul3A_1600 = arith.muli %select_n3A, %mul3A_1599 : i32
      %mul3A_1601 = arith.constant 16384 : i32
      %mul3A_1602 = arith.muli %add3A_1594, %mul3A_1601 : i32
      %add3A_1603 = arith.addi %mul3A_1600, %mul3A_1602 : i32
      %add3A_1604 = arith.constant 0 : i32
      %add3A_1605 = arith.addi %add3A_1604, %sub3A_1598 : i32
      %add3A_1606 = arith.constant 0 : i32
      %add3A_1607 = arith.addi %add3A_1605, %add3A_1606 : i32
      %add3A_1608 = arith.constant 0 : i32
      %add3A_1609 = arith.addi %add3A_1603, %add3A_1608 : i32
      %add3A_1610 = arith.constant 0 : i32
      %add3A_1611 = arith.addi %add3A_1609, %add3A_1610 : i32
      %dma_start3A_1612 = tpu.memref_slice %arg4[%add3A_1607] : memref<32768xf32, #tpu.memory_space<vmem>> -> memref<128xf32, #tpu.memory_space<vmem>>
      %dma_start3A_1613 = tpu.memref_slice %arg3[%add3A_1611] : memref<67108864xf32, #tpu.memory_space<hbm>> -> memref<128xf32, #tpu.memory_space<hbm>>
      %dma_start3A_1614 = tpu.memref_slice %arg3[%add3A_1611] : memref<67108864xf32, #tpu.memory_space<hbm>> -> memref<128xf32, #tpu.memory_space<hbm>>
      %dma_start3A_1615 = tpu.memref_slice %arg4[%add3A_1607] : memref<32768xf32, #tpu.memory_space<vmem>> -> memref<128xf32, #tpu.memory_space<vmem>>
      tpu.enqueue_dma source(%dma_start3A_1615 : memref<128xf32, #tpu.memory_space<vmem>>) target(%dma_start3A_1614 : memref<128xf32, #tpu.memory_space<hbm>>) target_semaphore(%arg5 : memref<!tpu.dma_semaphore, #tpu.memory_space<semaphore_mem>>)
      %add3A_1616 = arith.constant 4096 : i32
      %add3A_1617 = arith.addi %add3A_1616, %sub3A_1598 : i32
      %add3A_1618 = arith.constant 0 : i32
      %add3A_1619 = arith.addi %add3A_1617, %add3A_1618 : i32
      %add3A_1620 = arith.constant 0 : i32
      %add3A_1621 = arith.addi %add3A_1603, %add3A_1620 : i32
      %add3A_1622 = arith.constant 128 : i32
      %add3A_1623 = arith.addi %add3A_1621, %add3A_1622 : i32
      %dma_start3A_1624 = tpu.memref_slice %arg4[%add3A_1619] : memref<32768xf32, #tpu.memory_space<vmem>> -> memref<128xf32, #tpu.memory_space<vmem>>
      %dma_start3A_1625 = tpu.memref_slice %arg3[%add3A_1623] : memref<67108864xf32, #tpu.memory_space<hbm>> -> memref<128xf32, #tpu.memory_space<hbm>>
      %dma_start3A_1626 = tpu.memref_slice %arg3[%add3A_1623] : memref<67108864xf32, #tpu.memory_space<hbm>> -> memref<128xf32, #tpu.memory_space<hbm>>
      %dma_start3A_1627 = tpu.memref_slice %arg4[%add3A_1619] : memref<32768xf32, #tpu.memory_space<vmem>> -> memref<128xf32, #tpu.memory_space<vmem>>
      tpu.enqueue_dma source(%dma_start3A_1627 : memref<128xf32, #tpu.memory_space<vmem>>) target(%dma_start3A_1626 : memref<128xf32, #tpu.memory_space<hbm>>) target_semaphore(%arg5 : memref<!tpu.dma_semaphore, #tpu.memory_space<semaphore_mem>>)
      %add3A_1628 = arith.constant 8192 : i32
      %add3A_1629 = arith.addi %add3A_1628, %sub3A_1598 : i32
      %add3A_1630 = arith.constant 0 : i32
      %add3A_1631 = arith.addi %add3A_1629, %add3A_1630 : i32
      %add3A_1632 = arith.constant 0 : i32
      %add3A_1633 = arith.addi %add3A_1603, %add3A_1632 : i32
      %add3A_1634 = arith.constant 256 : i32
      %add3A_1635 = arith.addi %add3A_1633, %add3A_1634 : i32
      %dma_start3A_1636 = tpu.memref_slice %arg4[%add3A_1631] : memref<32768xf32, #tpu.memory_space<vmem>> -> memref<128xf32, #tpu.memory_space<vmem>>
      %dma_start3A_1637 = tpu.memref_slice %arg3[%add3A_1635] : memref<67108864xf32, #tpu.memory_space<hbm>> -> memref<128xf32, #tpu.memory_space<hbm>>
      %dma_start3A_1638 = tpu.memref_slice %arg3[%add3A_1635] : memref<67108864xf32, #tpu.memory_space<hbm>> -> memref<128xf32, #tpu.memory_space<hbm>>
      %dma_start3A_1639 = tpu.memref_slice %arg4[%add3A_1631] : memref<32768xf32, #tpu.memory_space<vmem>> -> memref<128xf32, #tpu.memory_space<vmem>>
      tpu.enqueue_dma source(%dma_start3A_1639 : memref<128xf32, #tpu.memory_space<vmem>>) target(%dma_start3A_1638 : memref<128xf32, #tpu.memory_space<hbm>>) target_semaphore(%arg5 : memref<!tpu.dma_semaphore, #tpu.memory_space<semaphore_mem>>)
      %add3A_1640 = arith.constant 12288 : i32
      %add3A_1641 = arith.addi %add3A_1640, %sub3A_1598 : i32
      %add3A_1642 = arith.constant 0 : i32
      %add3A_1643 = arith.addi %add3A_1641, %add3A_1642 : i32
      %add3A_1644 = arith.constant 0 : i32
      %add3A_1645 = arith.addi %add3A_1603, %add3A_1644 : i32
      %add3A_1646 = arith.constant 384 : i32
      %add3A_1647 = arith.addi %add3A_1645, %add3A_1646 : i32
      %dma_start3A_1648 = tpu.memref_slice %arg4[%add3A_1643] : memref<32768xf32, #tpu.memory_space<vmem>> -> memref<128xf32, #tpu.memory_space<vmem>>
      %dma_start3A_1649 = tpu.memref_slice %arg3[%add3A_1647] : memref<67108864xf32, #tpu.memory_space<hbm>> -> memref<128xf32, #tpu.memory_space<hbm>>
      %dma_start3A_1650 = tpu.memref_slice %arg3[%add3A_1647] : memref<67108864xf32, #tpu.memory_space<hbm>> -> memref<128xf32, #tpu.memory_space<hbm>>
      %dma_start3A_1651 = tpu.memref_slice %arg4[%add3A_1643] : memref<32768xf32, #tpu.memory_space<vmem>> -> memref<128xf32, #tpu.memory_space<vmem>>
      tpu.enqueue_dma source(%dma_start3A_1651 : memref<128xf32, #tpu.memory_space<vmem>>) target(%dma_start3A_1650 : memref<128xf32, #tpu.memory_space<hbm>>) target_semaphore(%arg5 : memref<!tpu.dma_semaphore, #tpu.memory_space<semaphore_mem>>)
      %add3A_1652 = arith.constant 16384 : i32
      %add3A_1653 = arith.addi %add3A_1652, %sub3A_1598 : i32
      %add3A_1654 = arith.constant 0 : i32
      %add3A_1655 = arith.addi %add3A_1653, %add3A_1654 : i32
      %add3A_1656 = arith.constant 0 : i32
      %add3A_1657 = arith.addi %add3A_1603, %add3A_1656 : i32
      %add3A_1658 = arith.constant 512 : i32
      %add3A_1659 = arith.addi %add3A_1657, %add3A_1658 : i32
      %dma_start3A_1660 = tpu.memref_slice %arg4[%add3A_1655] : memref<32768xf32, #tpu.memory_space<vmem>> -> memref<128xf32, #tpu.memory_space<vmem>>
      %dma_start3A_1661 = tpu.memref_slice %arg3[%add3A_1659] : memref<67108864xf32, #tpu.memory_space<hbm>> -> memref<128xf32, #tpu.memory_space<hbm>>
      %dma_start3A_1662 = tpu.memref_slice %arg3[%add3A_1659] : memref<67108864xf32, #tpu.memory_space<hbm>> -> memref<128xf32, #tpu.memory_space<hbm>>
      %dma_start3A_1663 = tpu.memref_slice %arg4[%add3A_1655] : memref<32768xf32, #tpu.memory_space<vmem>> -> memref<128xf32, #tpu.memory_space<vmem>>
      tpu.enqueue_dma source(%dma_start3A_1663 : memref<128xf32, #tpu.memory_space<vmem>>) target(%dma_start3A_1662 : memref<128xf32, #tpu.memory_space<hbm>>) target_semaphore(%arg5 : memref<!tpu.dma_semaphore, #tpu.memory_space<semaphore_mem>>)
      %add3A_1664 = arith.constant 20480 : i32
      %add3A_1665 = arith.addi %add3A_1664, %sub3A_1598 : i32
      %add3A_1666 = arith.constant 0 : i32
      %add3A_1667 = arith.addi %add3A_1665, %add3A_1666 : i32
      %add3A_1668 = arith.constant 0 : i32
      %add3A_1669 = arith.addi %add3A_1603, %add3A_1668 : i32
      %add3A_1670 = arith.constant 640 : i32
      %add3A_1671 = arith.addi %add3A_1669, %add3A_1670 : i32
      %dma_start3A_1672 = tpu.memref_slice %arg4[%add3A_1667] : memref<32768xf32, #tpu.memory_space<vmem>> -> memref<128xf32, #tpu.memory_space<vmem>>
      %dma_start3A_1673 = tpu.memref_slice %arg3[%add3A_1671] : memref<67108864xf32, #tpu.memory_space<hbm>> -> memref<128xf32, #tpu.memory_space<hbm>>
      %dma_start3A_1674 = tpu.memref_slice %arg3[%add3A_1671] : memref<67108864xf32, #tpu.memory_space<hbm>> -> memref<128xf32, #tpu.memory_space<hbm>>
      %dma_start3A_1675 = tpu.memref_slice %arg4[%add3A_1667] : memref<32768xf32, #tpu.memory_space<vmem>> -> memref<128xf32, #tpu.memory_space<vmem>>
      tpu.enqueue_dma source(%dma_start3A_1675 : memref<128xf32, #tpu.memory_space<vmem>>) target(%dma_start3A_1674 : memref<128xf32, #tpu.memory_space<hbm>>) target_semaphore(%arg5 : memref<!tpu.dma_semaphore, #tpu.memory_space<semaphore_mem>>)
      %add3A_1676 = arith.constant 24576 : i32
      %add3A_1677 = arith.addi %add3A_1676, %sub3A_1598 : i32
      %add3A_1678 = arith.constant 0 : i32
      %add3A_1679 = arith.addi %add3A_1677, %add3A_1678 : i32
      %add3A_1680 = arith.constant 0 : i32
      %add3A_1681 = arith.addi %add3A_1603, %add3A_1680 : i32
      %add3A_1682 = arith.constant 768 : i32
      %add3A_1683 = arith.addi %add3A_1681, %add3A_1682 : i32
      %dma_start3A_1684 = tpu.memref_slice %arg4[%add3A_1679] : memref<32768xf32, #tpu.memory_space<vmem>> -> memref<128xf32, #tpu.memory_space<vmem>>
      %dma_start3A_1685 = tpu.memref_slice %arg3[%add3A_1683] : memref<67108864xf32, #tpu.memory_space<hbm>> -> memref<128xf32, #tpu.memory_space<hbm>>
      %dma_start3A_1686 = tpu.memref_slice %arg3[%add3A_1683] : memref<67108864xf32, #tpu.memory_space<hbm>> -> memref<128xf32, #tpu.memory_space<hbm>>
      %dma_start3A_1687 = tpu.memref_slice %arg4[%add3A_1679] : memref<32768xf32, #tpu.memory_space<vmem>> -> memref<128xf32, #tpu.memory_space<vmem>>
      tpu.enqueue_dma source(%dma_start3A_1687 : memref<128xf32, #tpu.memory_space<vmem>>) target(%dma_start3A_1686 : memref<128xf32, #tpu.memory_space<hbm>>) target_semaphore(%arg5 : memref<!tpu.dma_semaphore, #tpu.memory_space<semaphore_mem>>)
      %add3A_1688 = arith.constant 28672 : i32
      %add3A_1689 = arith.addi %add3A_1688, %sub3A_1598 : i32
      %add3A_1690 = arith.constant 0 : i32
      %add3A_1691 = arith.addi %add3A_1689, %add3A_1690 : i32
      %add3A_1692 = arith.constant 0 : i32
      %add3A_1693 = arith.addi %add3A_1603, %add3A_1692 : i32
      %add3A_1694 = arith.constant 896 : i32
      %add3A_1695 = arith.addi %add3A_1693, %add3A_1694 : i32
      %dma_start3A_1696 = tpu.memref_slice %arg4[%add3A_1691] : memref<32768xf32, #tpu.memory_space<vmem>> -> memref<128xf32, #tpu.memory_space<vmem>>
      %dma_start3A_1697 = tpu.memref_slice %arg3[%add3A_1695] : memref<67108864xf32, #tpu.memory_space<hbm>> -> memref<128xf32, #tpu.memory_space<hbm>>
      %dma_start3A_1698 = tpu.memref_slice %arg3[%add3A_1695] : memref<67108864xf32, #tpu.memory_space<hbm>> -> memref<128xf32, #tpu.memory_space<hbm>>
      %dma_start3A_1699 = tpu.memref_slice %arg4[%add3A_1691] : memref<32768xf32, #tpu.memory_space<vmem>> -> memref<128xf32, #tpu.memory_space<vmem>>
      tpu.enqueue_dma source(%dma_start3A_1699 : memref<128xf32, #tpu.memory_space<vmem>>) target(%dma_start3A_1698 : memref<128xf32, #tpu.memory_space<hbm>>) target_semaphore(%arg5 : memref<!tpu.dma_semaphore, #tpu.memory_space<semaphore_mem>>)
      %add3A_1700 = arith.constant 0 : i32
      %add3A_1701 = arith.addi %add3A_1700, %sub3A_1598 : i32
      %add3A_1702 = arith.constant 128 : i32
      %add3A_1703 = arith.addi %add3A_1701, %add3A_1702 : i32
      %add3A_1704 = arith.constant 1024 : i32
      %add3A_1705 = arith.addi %add3A_1603, %add3A_1704 : i32
      %add3A_1706 = arith.constant 0 : i32
      %add3A_1707 = arith.addi %add3A_1705, %add3A_1706 : i32
      %dma_start3A_1708 = tpu.memref_slice %arg4[%add3A_1703] : memref<32768xf32, #tpu.memory_space<vmem>> -> memref<128xf32, #tpu.memory_space<vmem>>
      %dma_start3A_1709 = tpu.memref_slice %arg3[%add3A_1707] : memref<67108864xf32, #tpu.memory_space<hbm>> -> memref<128xf32, #tpu.memory_space<hbm>>
      %dma_start3A_1710 = tpu.memref_slice %arg3[%add3A_1707] : memref<67108864xf32, #tpu.memory_space<hbm>> -> memref<128xf32, #tpu.memory_space<hbm>>
      %dma_start3A_1711 = tpu.memref_slice %arg4[%add3A_1703] : memref<32768xf32, #tpu.memory_space<vmem>> -> memref<128xf32, #tpu.memory_space<vmem>>
      tpu.enqueue_dma source(%dma_start3A_1711 : memref<128xf32, #tpu.memory_space<vmem>>) target(%dma_start3A_1710 : memref<128xf32, #tpu.memory_space<hbm>>) target_semaphore(%arg5 : memref<!tpu.dma_semaphore, #tpu.memory_space<semaphore_mem>>)
      %add3A_1712 = arith.constant 4096 : i32
      %add3A_1713 = arith.addi %add3A_1712, %sub3A_1598 : i32
      %add3A_1714 = arith.constant 128 : i32
      %add3A_1715 = arith.addi %add3A_1713, %add3A_1714 : i32
      %add3A_1716 = arith.constant 1024 : i32
      %add3A_1717 = arith.addi %add3A_1603, %add3A_1716 : i32
      %add3A_1718 = arith.constant 128 : i32
      %add3A_1719 = arith.addi %add3A_1717, %add3A_1718 : i32
      %dma_start3A_1720 = tpu.memref_slice %arg4[%add3A_1715] : memref<32768xf32, #tpu.memory_space<vmem>> -> memref<128xf32, #tpu.memory_space<vmem>>
      %dma_start3A_1721 = tpu.memref_slice %arg3[%add3A_1719] : memref<67108864xf32, #tpu.memory_space<hbm>> -> memref<128xf32, #tpu.memory_space<hbm>>
      %dma_start3A_1722 = tpu.memref_slice %arg3[%add3A_1719] : memref<67108864xf32, #tpu.memory_space<hbm>> -> memref<128xf32, #tpu.memory_space<hbm>>
      %dma_start3A_1723 = tpu.memref_slice %arg4[%add3A_1715] : memref<32768xf32, #tpu.memory_space<vmem>> -> memref<128xf32, #tpu.memory_space<vmem>>
      tpu.enqueue_dma source(%dma_start3A_1723 : memref<128xf32, #tpu.memory_space<vmem>>) target(%dma_start3A_1722 : memref<128xf32, #tpu.memory_space<hbm>>) target_semaphore(%arg5 : memref<!tpu.dma_semaphore, #tpu.memory_space<semaphore_mem>>)
      %add3A_1724 = arith.constant 8192 : i32
      %add3A_1725 = arith.addi %add3A_1724, %sub3A_1598 : i32
      %add3A_1726 = arith.constant 128 : i32
      %add3A_1727 = arith.addi %add3A_1725, %add3A_1726 : i32
      %add3A_1728 = arith.constant 1024 : i32
      %add3A_1729 = arith.addi %add3A_1603, %add3A_1728 : i32
      %add3A_1730 = arith.constant 256 : i32
      %add3A_1731 = arith.addi %add3A_1729, %add3A_1730 : i32
      %dma_start3A_1732 = tpu.memref_slice %arg4[%add3A_1727] : memref<32768xf32, #tpu.memory_space<vmem>> -> memref<128xf32, #tpu.memory_space<vmem>>
      %dma_start3A_1733 = tpu.memref_slice %arg3[%add3A_1731] : memref<67108864xf32, #tpu.memory_space<hbm>> -> memref<128xf32, #tpu.memory_space<hbm>>
      %dma_start3A_1734 = tpu.memref_slice %arg3[%add3A_1731] : memref<67108864xf32, #tpu.memory_space<hbm>> -> memref<128xf32, #tpu.memory_space<hbm>>
      %dma_start3A_1735 = tpu.memref_slice %arg4[%add3A_1727] : memref<32768xf32, #tpu.memory_space<vmem>> -> memref<128xf32, #tpu.memory_space<vmem>>
      tpu.enqueue_dma source(%dma_start3A_1735 : memref<128xf32, #tpu.memory_space<vmem>>) target(%dma_start3A_1734 : memref<128xf32, #tpu.memory_space<hbm>>) target_semaphore(%arg5 : memref<!tpu.dma_semaphore, #tpu.memory_space<semaphore_mem>>)
      %add3A_1736 = arith.constant 12288 : i32
      %add3A_1737 = arith.addi %add3A_1736, %sub3A_1598 : i32
      %add3A_1738 = arith.constant 128 : i32
      %add3A_1739 = arith.addi %add3A_1737, %add3A_1738 : i32
      %add3A_1740 = arith.constant 1024 : i32
      %add3A_1741 = arith.addi %add3A_1603, %add3A_1740 : i32
      %add3A_1742 = arith.constant 384 : i32
      %add3A_1743 = arith.addi %add3A_1741, %add3A_1742 : i32
      %dma_start3A_1744 = tpu.memref_slice %arg4[%add3A_1739] : memref<32768xf32, #tpu.memory_space<vmem>> -> memref<128xf32, #tpu.memory_space<vmem>>
      %dma_start3A_1745 = tpu.memref_slice %arg3[%add3A_1743] : memref<67108864xf32, #tpu.memory_space<hbm>> -> memref<128xf32, #tpu.memory_space<hbm>>
      %dma_start3A_1746 = tpu.memref_slice %arg3[%add3A_1743] : memref<67108864xf32, #tpu.memory_space<hbm>> -> memref<128xf32, #tpu.memory_space<hbm>>
      %dma_start3A_1747 = tpu.memref_slice %arg4[%add3A_1739] : memref<32768xf32, #tpu.memory_space<vmem>> -> memref<128xf32, #tpu.memory_space<vmem>>
      tpu.enqueue_dma source(%dma_start3A_1747 : memref<128xf32, #tpu.memory_space<vmem>>) target(%dma_start3A_1746 : memref<128xf32, #tpu.memory_space<hbm>>) target_semaphore(%arg5 : memref<!tpu.dma_semaphore, #tpu.memory_space<semaphore_mem>>)
      %add3A_1748 = arith.constant 16384 : i32
      %add3A_1749 = arith.addi %add3A_1748, %sub3A_1598 : i32
      %add3A_1750 = arith.constant 128 : i32
      %add3A_1751 = arith.addi %add3A_1749, %add3A_1750 : i32
      %add3A_1752 = arith.constant 1024 : i32
      %add3A_1753 = arith.addi %add3A_1603, %add3A_1752 : i32
      %add3A_1754 = arith.constant 512 : i32
      %add3A_1755 = arith.addi %add3A_1753, %add3A_1754 : i32
      %dma_start3A_1756 = tpu.memref_slice %arg4[%add3A_1751] : memref<32768xf32, #tpu.memory_space<vmem>> -> memref<128xf32, #tpu.memory_space<vmem>>
      %dma_start3A_1757 = tpu.memref_slice %arg3[%add3A_1755] : memref<67108864xf32, #tpu.memory_space<hbm>> -> memref<128xf32, #tpu.memory_space<hbm>>
      %dma_start3A_1758 = tpu.memref_slice %arg3[%add3A_1755] : memref<67108864xf32, #tpu.memory_space<hbm>> -> memref<128xf32, #tpu.memory_space<hbm>>
      %dma_start3A_1759 = tpu.memref_slice %arg4[%add3A_1751] : memref<32768xf32, #tpu.memory_space<vmem>> -> memref<128xf32, #tpu.memory_space<vmem>>
      tpu.enqueue_dma source(%dma_start3A_1759 : memref<128xf32, #tpu.memory_space<vmem>>) target(%dma_start3A_1758 : memref<128xf32, #tpu.memory_space<hbm>>) target_semaphore(%arg5 : memref<!tpu.dma_semaphore, #tpu.memory_space<semaphore_mem>>)
      %add3A_1760 = arith.constant 20480 : i32
      %add3A_1761 = arith.addi %add3A_1760, %sub3A_1598 : i32
      %add3A_1762 = arith.constant 128 : i32
      %add3A_1763 = arith.addi %add3A_1761, %add3A_1762 : i32
      %add3A_1764 = arith.constant 1024 : i32
      %add3A_1765 = arith.addi %add3A_1603, %add3A_1764 : i32
      %add3A_1766 = arith.constant 640 : i32
      %add3A_1767 = arith.addi %add3A_1765, %add3A_1766 : i32
      %dma_start3A_1768 = tpu.memref_slice %arg4[%add3A_1763] : memref<32768xf32, #tpu.memory_space<vmem>> -> memref<128xf32, #tpu.memory_space<vmem>>
      %dma_start3A_1769 = tpu.memref_slice %arg3[%add3A_1767] : memref<67108864xf32, #tpu.memory_space<hbm>> -> memref<128xf32, #tpu.memory_space<hbm>>
      %dma_start3A_1770 = tpu.memref_slice %arg3[%add3A_1767] : memref<67108864xf32, #tpu.memory_space<hbm>> -> memref<128xf32, #tpu.memory_space<hbm>>
      %dma_start3A_1771 = tpu.memref_slice %arg4[%add3A_1763] : memref<32768xf32, #tpu.memory_space<vmem>> -> memref<128xf32, #tpu.memory_space<vmem>>
      tpu.enqueue_dma source(%dma_start3A_1771 : memref<128xf32, #tpu.memory_space<vmem>>) target(%dma_start3A_1770 : memref<128xf32, #tpu.memory_space<hbm>>) target_semaphore(%arg5 : memref<!tpu.dma_semaphore, #tpu.memory_space<semaphore_mem>>)
      %add3A_1772 = arith.constant 24576 : i32
      %add3A_1773 = arith.addi %add3A_1772, %sub3A_1598 : i32
      %add3A_1774 = arith.constant 128 : i32
      %add3A_1775 = arith.addi %add3A_1773, %add3A_1774 : i32
      %add3A_1776 = arith.constant 1024 : i32
      %add3A_1777 = arith.addi %add3A_1603, %add3A_1776 : i32
      %add3A_1778 = arith.constant 768 : i32
      %add3A_1779 = arith.addi %add3A_1777, %add3A_1778 : i32
      %dma_start3A_1780 = tpu.memref_slice %arg4[%add3A_1775] : memref<32768xf32, #tpu.memory_space<vmem>> -> memref<128xf32, #tpu.memory_space<vmem>>
      %dma_start3A_1781 = tpu.memref_slice %arg3[%add3A_1779] : memref<67108864xf32, #tpu.memory_space<hbm>> -> memref<128xf32, #tpu.memory_space<hbm>>
      %dma_start3A_1782 = tpu.memref_slice %arg3[%add3A_1779] : memref<67108864xf32, #tpu.memory_space<hbm>> -> memref<128xf32, #tpu.memory_space<hbm>>
      %dma_start3A_1783 = tpu.memref_slice %arg4[%add3A_1775] : memref<32768xf32, #tpu.memory_space<vmem>> -> memref<128xf32, #tpu.memory_space<vmem>>
      tpu.enqueue_dma source(%dma_start3A_1783 : memref<128xf32, #tpu.memory_space<vmem>>) target(%dma_start3A_1782 : memref<128xf32, #tpu.memory_space<hbm>>) target_semaphore(%arg5 : memref<!tpu.dma_semaphore, #tpu.memory_space<semaphore_mem>>)
      %add3A_1784 = arith.constant 28672 : i32
      %add3A_1785 = arith.addi %add3A_1784, %sub3A_1598 : i32
      %add3A_1786 = arith.constant 128 : i32
      %add3A_1787 = arith.addi %add3A_1785, %add3A_1786 : i32
      %add3A_1788 = arith.constant 1024 : i32
      %add3A_1789 = arith.addi %add3A_1603, %add3A_1788 : i32
      %add3A_1790 = arith.constant 896 : i32
      %add3A_1791 = arith.addi %add3A_1789, %add3A_1790 : i32
      %dma_start3A_1792 = tpu.memref_slice %arg4[%add3A_1787] : memref<32768xf32, #tpu.memory_space<vmem>> -> memref<128xf32, #tpu.memory_space<vmem>>
      %dma_start3A_1793 = tpu.memref_slice %arg3[%add3A_1791] : memref<67108864xf32, #tpu.memory_space<hbm>> -> memref<128xf32, #tpu.memory_space<hbm>>
      %dma_start3A_1794 = tpu.memref_slice %arg3[%add3A_1791] : memref<67108864xf32, #tpu.memory_space<hbm>> -> memref<128xf32, #tpu.memory_space<hbm>>
      %dma_start3A_1795 = tpu.memref_slice %arg4[%add3A_1787] : memref<32768xf32, #tpu.memory_space<vmem>> -> memref<128xf32, #tpu.memory_space<vmem>>
      tpu.enqueue_dma source(%dma_start3A_1795 : memref<128xf32, #tpu.memory_space<vmem>>) target(%dma_start3A_1794 : memref<128xf32, #tpu.memory_space<hbm>>) target_semaphore(%arg5 : memref<!tpu.dma_semaphore, #tpu.memory_space<semaphore_mem>>)
      %add3A_1796 = arith.constant 0 : i32
      %add3A_1797 = arith.addi %add3A_1796, %sub3A_1598 : i32
      %add3A_1798 = arith.constant 256 : i32
      %add3A_1799 = arith.addi %add3A_1797, %add3A_1798 : i32
      %add3A_1800 = arith.constant 2048 : i32
      %add3A_1801 = arith.addi %add3A_1603, %add3A_1800 : i32
      %add3A_1802 = arith.constant 0 : i32
      %add3A_1803 = arith.addi %add3A_1801, %add3A_1802 : i32
      %dma_start3A_1804 = tpu.memref_slice %arg4[%add3A_1799] : memref<32768xf32, #tpu.memory_space<vmem>> -> memref<128xf32, #tpu.memory_space<vmem>>
      %dma_start3A_1805 = tpu.memref_slice %arg3[%add3A_1803] : memref<67108864xf32, #tpu.memory_space<hbm>> -> memref<128xf32, #tpu.memory_space<hbm>>
      %dma_start3A_1806 = tpu.memref_slice %arg3[%add3A_1803] : memref<67108864xf32, #tpu.memory_space<hbm>> -> memref<128xf32, #tpu.memory_space<hbm>>
      %dma_start3A_1807 = tpu.memref_slice %arg4[%add3A_1799] : memref<32768xf32, #tpu.memory_space<vmem>> -> memref<128xf32, #tpu.memory_space<vmem>>
      tpu.enqueue_dma source(%dma_start3A_1807 : memref<128xf32, #tpu.memory_space<vmem>>) target(%dma_start3A_1806 : memref<128xf32, #tpu.memory_space<hbm>>) target_semaphore(%arg5 : memref<!tpu.dma_semaphore, #tpu.memory_space<semaphore_mem>>)
      %add3A_1808 = arith.constant 4096 : i32
      %add3A_1809 = arith.addi %add3A_1808, %sub3A_1598 : i32
      %add3A_1810 = arith.constant 256 : i32
      %add3A_1811 = arith.addi %add3A_1809, %add3A_1810 : i32
      %add3A_1812 = arith.constant 2048 : i32
      %add3A_1813 = arith.addi %add3A_1603, %add3A_1812 : i32
      %add3A_1814 = arith.constant 128 : i32
      %add3A_1815 = arith.addi %add3A_1813, %add3A_1814 : i32
      %dma_start3A_1816 = tpu.memref_slice %arg4[%add3A_1811] : memref<32768xf32, #tpu.memory_space<vmem>> -> memref<128xf32, #tpu.memory_space<vmem>>
      %dma_start3A_1817 = tpu.memref_slice %arg3[%add3A_1815] : memref<67108864xf32, #tpu.memory_space<hbm>> -> memref<128xf32, #tpu.memory_space<hbm>>
      %dma_start3A_1818 = tpu.memref_slice %arg3[%add3A_1815] : memref<67108864xf32, #tpu.memory_space<hbm>> -> memref<128xf32, #tpu.memory_space<hbm>>
      %dma_start3A_1819 = tpu.memref_slice %arg4[%add3A_1811] : memref<32768xf32, #tpu.memory_space<vmem>> -> memref<128xf32, #tpu.memory_space<vmem>>
      tpu.enqueue_dma source(%dma_start3A_1819 : memref<128xf32, #tpu.memory_space<vmem>>) target(%dma_start3A_1818 : memref<128xf32, #tpu.memory_space<hbm>>) target_semaphore(%arg5 : memref<!tpu.dma_semaphore, #tpu.memory_space<semaphore_mem>>)
      %add3A_1820 = arith.constant 8192 : i32
      %add3A_1821 = arith.addi %add3A_1820, %sub3A_1598 : i32
      %add3A_1822 = arith.constant 256 : i32
      %add3A_1823 = arith.addi %add3A_1821, %add3A_1822 : i32
      %add3A_1824 = arith.constant 2048 : i32
      %add3A_1825 = arith.addi %add3A_1603, %add3A_1824 : i32
      %add3A_1826 = arith.constant 256 : i32
      %add3A_1827 = arith.addi %add3A_1825, %add3A_1826 : i32
      %dma_start3A_1828 = tpu.memref_slice %arg4[%add3A_1823] : memref<32768xf32, #tpu.memory_space<vmem>> -> memref<128xf32, #tpu.memory_space<vmem>>
      %dma_start3A_1829 = tpu.memref_slice %arg3[%add3A_1827] : memref<67108864xf32, #tpu.memory_space<hbm>> -> memref<128xf32, #tpu.memory_space<hbm>>
      %dma_start3A_1830 = tpu.memref_slice %arg3[%add3A_1827] : memref<67108864xf32, #tpu.memory_space<hbm>> -> memref<128xf32, #tpu.memory_space<hbm>>
      %dma_start3A_1831 = tpu.memref_slice %arg4[%add3A_1823] : memref<32768xf32, #tpu.memory_space<vmem>> -> memref<128xf32, #tpu.memory_space<vmem>>
      tpu.enqueue_dma source(%dma_start3A_1831 : memref<128xf32, #tpu.memory_space<vmem>>) target(%dma_start3A_1830 : memref<128xf32, #tpu.memory_space<hbm>>) target_semaphore(%arg5 : memref<!tpu.dma_semaphore, #tpu.memory_space<semaphore_mem>>)
      %add3A_1832 = arith.constant 12288 : i32
      %add3A_1833 = arith.addi %add3A_1832, %sub3A_1598 : i32
      %add3A_1834 = arith.constant 256 : i32
      %add3A_1835 = arith.addi %add3A_1833, %add3A_1834 : i32
      %add3A_1836 = arith.constant 2048 : i32
      %add3A_1837 = arith.addi %add3A_1603, %add3A_1836 : i32
      %add3A_1838 = arith.constant 384 : i32
      %add3A_1839 = arith.addi %add3A_1837, %add3A_1838 : i32
      %dma_start3A_1840 = tpu.memref_slice %arg4[%add3A_1835] : memref<32768xf32, #tpu.memory_space<vmem>> -> memref<128xf32, #tpu.memory_space<vmem>>
      %dma_start3A_1841 = tpu.memref_slice %arg3[%add3A_1839] : memref<67108864xf32, #tpu.memory_space<hbm>> -> memref<128xf32, #tpu.memory_space<hbm>>
      %dma_start3A_1842 = tpu.memref_slice %arg3[%add3A_1839] : memref<67108864xf32, #tpu.memory_space<hbm>> -> memref<128xf32, #tpu.memory_space<hbm>>
      %dma_start3A_1843 = tpu.memref_slice %arg4[%add3A_1835] : memref<32768xf32, #tpu.memory_space<vmem>> -> memref<128xf32, #tpu.memory_space<vmem>>
      tpu.enqueue_dma source(%dma_start3A_1843 : memref<128xf32, #tpu.memory_space<vmem>>) target(%dma_start3A_1842 : memref<128xf32, #tpu.memory_space<hbm>>) target_semaphore(%arg5 : memref<!tpu.dma_semaphore, #tpu.memory_space<semaphore_mem>>)
      %add3A_1844 = arith.constant 16384 : i32
      %add3A_1845 = arith.addi %add3A_1844, %sub3A_1598 : i32
      %add3A_1846 = arith.constant 256 : i32
      %add3A_1847 = arith.addi %add3A_1845, %add3A_1846 : i32
      %add3A_1848 = arith.constant 2048 : i32
      %add3A_1849 = arith.addi %add3A_1603, %add3A_1848 : i32
      %add3A_1850 = arith.constant 512 : i32
      %add3A_1851 = arith.addi %add3A_1849, %add3A_1850 : i32
      %dma_start3A_1852 = tpu.memref_slice %arg4[%add3A_1847] : memref<32768xf32, #tpu.memory_space<vmem>> -> memref<128xf32, #tpu.memory_space<vmem>>
      %dma_start3A_1853 = tpu.memref_slice %arg3[%add3A_1851] : memref<67108864xf32, #tpu.memory_space<hbm>> -> memref<128xf32, #tpu.memory_space<hbm>>
      %dma_start3A_1854 = tpu.memref_slice %arg3[%add3A_1851] : memref<67108864xf32, #tpu.memory_space<hbm>> -> memref<128xf32, #tpu.memory_space<hbm>>
      %dma_start3A_1855 = tpu.memref_slice %arg4[%add3A_1847] : memref<32768xf32, #tpu.memory_space<vmem>> -> memref<128xf32, #tpu.memory_space<vmem>>
      tpu.enqueue_dma source(%dma_start3A_1855 : memref<128xf32, #tpu.memory_space<vmem>>) target(%dma_start3A_1854 : memref<128xf32, #tpu.memory_space<hbm>>) target_semaphore(%arg5 : memref<!tpu.dma_semaphore, #tpu.memory_space<semaphore_mem>>)
      %add3A_1856 = arith.constant 20480 : i32
      %add3A_1857 = arith.addi %add3A_1856, %sub3A_1598 : i32
      %add3A_1858 = arith.constant 256 : i32
      %add3A_1859 = arith.addi %add3A_1857, %add3A_1858 : i32
      %add3A_1860 = arith.constant 2048 : i32
      %add3A_1861 = arith.addi %add3A_1603, %add3A_1860 : i32
      %add3A_1862 = arith.constant 640 : i32
      %add3A_1863 = arith.addi %add3A_1861, %add3A_1862 : i32
      %dma_start3A_1864 = tpu.memref_slice %arg4[%add3A_1859] : memref<32768xf32, #tpu.memory_space<vmem>> -> memref<128xf32, #tpu.memory_space<vmem>>
      %dma_start3A_1865 = tpu.memref_slice %arg3[%add3A_1863] : memref<67108864xf32, #tpu.memory_space<hbm>> -> memref<128xf32, #tpu.memory_space<hbm>>
      %dma_start3A_1866 = tpu.memref_slice %arg3[%add3A_1863] : memref<67108864xf32, #tpu.memory_space<hbm>> -> memref<128xf32, #tpu.memory_space<hbm>>
      %dma_start3A_1867 = tpu.memref_slice %arg4[%add3A_1859] : memref<32768xf32, #tpu.memory_space<vmem>> -> memref<128xf32, #tpu.memory_space<vmem>>
      tpu.enqueue_dma source(%dma_start3A_1867 : memref<128xf32, #tpu.memory_space<vmem>>) target(%dma_start3A_1866 : memref<128xf32, #tpu.memory_space<hbm>>) target_semaphore(%arg5 : memref<!tpu.dma_semaphore, #tpu.memory_space<semaphore_mem>>)
      %add3A_1868 = arith.constant 24576 : i32
      %add3A_1869 = arith.addi %add3A_1868, %sub3A_1598 : i32
      %add3A_1870 = arith.constant 256 : i32
      %add3A_1871 = arith.addi %add3A_1869, %add3A_1870 : i32
      %add3A_1872 = arith.constant 2048 : i32
      %add3A_1873 = arith.addi %add3A_1603, %add3A_1872 : i32
      %add3A_1874 = arith.constant 768 : i32
      %add3A_1875 = arith.addi %add3A_1873, %add3A_1874 : i32
      %dma_start3A_1876 = tpu.memref_slice %arg4[%add3A_1871] : memref<32768xf32, #tpu.memory_space<vmem>> -> memref<128xf32, #tpu.memory_space<vmem>>
      %dma_start3A_1877 = tpu.memref_slice %arg3[%add3A_1875] : memref<67108864xf32, #tpu.memory_space<hbm>> -> memref<128xf32, #tpu.memory_space<hbm>>
      %dma_start3A_1878 = tpu.memref_slice %arg3[%add3A_1875] : memref<67108864xf32, #tpu.memory_space<hbm>> -> memref<128xf32, #tpu.memory_space<hbm>>
      %dma_start3A_1879 = tpu.memref_slice %arg4[%add3A_1871] : memref<32768xf32, #tpu.memory_space<vmem>> -> memref<128xf32, #tpu.memory_space<vmem>>
      tpu.enqueue_dma source(%dma_start3A_1879 : memref<128xf32, #tpu.memory_space<vmem>>) target(%dma_start3A_1878 : memref<128xf32, #tpu.memory_space<hbm>>) target_semaphore(%arg5 : memref<!tpu.dma_semaphore, #tpu.memory_space<semaphore_mem>>)
      %add3A_1880 = arith.constant 28672 : i32
      %add3A_1881 = arith.addi %add3A_1880, %sub3A_1598 : i32
      %add3A_1882 = arith.constant 256 : i32
      %add3A_1883 = arith.addi %add3A_1881, %add3A_1882 : i32
      %add3A_1884 = arith.constant 2048 : i32
      %add3A_1885 = arith.addi %add3A_1603, %add3A_1884 : i32
      %add3A_1886 = arith.constant 896 : i32
      %add3A_1887 = arith.addi %add3A_1885, %add3A_1886 : i32
      %dma_start3A_1888 = tpu.memref_slice %arg4[%add3A_1883] : memref<32768xf32, #tpu.memory_space<vmem>> -> memref<128xf32, #tpu.memory_space<vmem>>
      %dma_start3A_1889 = tpu.memref_slice %arg3[%add3A_1887] : memref<67108864xf32, #tpu.memory_space<hbm>> -> memref<128xf32, #tpu.memory_space<hbm>>
      %dma_start3A_1890 = tpu.memref_slice %arg3[%add3A_1887] : memref<67108864xf32, #tpu.memory_space<hbm>> -> memref<128xf32, #tpu.memory_space<hbm>>
      %dma_start3A_1891 = tpu.memref_slice %arg4[%add3A_1883] : memref<32768xf32, #tpu.memory_space<vmem>> -> memref<128xf32, #tpu.memory_space<vmem>>
      tpu.enqueue_dma source(%dma_start3A_1891 : memref<128xf32, #tpu.memory_space<vmem>>) target(%dma_start3A_1890 : memref<128xf32, #tpu.memory_space<hbm>>) target_semaphore(%arg5 : memref<!tpu.dma_semaphore, #tpu.memory_space<semaphore_mem>>)
      %add3A_1892 = arith.constant 0 : i32
      %add3A_1893 = arith.addi %add3A_1892, %sub3A_1598 : i32
      %add3A_1894 = arith.constant 384 : i32
      %add3A_1895 = arith.addi %add3A_1893, %add3A_1894 : i32
      %add3A_1896 = arith.constant 3072 : i32
      %add3A_1897 = arith.addi %add3A_1603, %add3A_1896 : i32
      %add3A_1898 = arith.constant 0 : i32
      %add3A_1899 = arith.addi %add3A_1897, %add3A_1898 : i32
      %dma_start3A_1900 = tpu.memref_slice %arg4[%add3A_1895] : memref<32768xf32, #tpu.memory_space<vmem>> -> memref<128xf32, #tpu.memory_space<vmem>>
      %dma_start3A_1901 = tpu.memref_slice %arg3[%add3A_1899] : memref<67108864xf32, #tpu.memory_space<hbm>> -> memref<128xf32, #tpu.memory_space<hbm>>
      %dma_start3A_1902 = tpu.memref_slice %arg3[%add3A_1899] : memref<67108864xf32, #tpu.memory_space<hbm>> -> memref<128xf32, #tpu.memory_space<hbm>>
      %dma_start3A_1903 = tpu.memref_slice %arg4[%add3A_1895] : memref<32768xf32, #tpu.memory_space<vmem>> -> memref<128xf32, #tpu.memory_space<vmem>>
      tpu.enqueue_dma source(%dma_start3A_1903 : memref<128xf32, #tpu.memory_space<vmem>>) target(%dma_start3A_1902 : memref<128xf32, #tpu.memory_space<hbm>>) target_semaphore(%arg5 : memref<!tpu.dma_semaphore, #tpu.memory_space<semaphore_mem>>)
      %add3A_1904 = arith.constant 4096 : i32
      %add3A_1905 = arith.addi %add3A_1904, %sub3A_1598 : i32
      %add3A_1906 = arith.constant 384 : i32
      %add3A_1907 = arith.addi %add3A_1905, %add3A_1906 : i32
      %add3A_1908 = arith.constant 3072 : i32
      %add3A_1909 = arith.addi %add3A_1603, %add3A_1908 : i32
      %add3A_1910 = arith.constant 128 : i32
      %add3A_1911 = arith.addi %add3A_1909, %add3A_1910 : i32
      %dma_start3A_1912 = tpu.memref_slice %arg4[%add3A_1907] : memref<32768xf32, #tpu.memory_space<vmem>> -> memref<128xf32, #tpu.memory_space<vmem>>
      %dma_start3A_1913 = tpu.memref_slice %arg3[%add3A_1911] : memref<67108864xf32, #tpu.memory_space<hbm>> -> memref<128xf32, #tpu.memory_space<hbm>>
      %dma_start3A_1914 = tpu.memref_slice %arg3[%add3A_1911] : memref<67108864xf32, #tpu.memory_space<hbm>> -> memref<128xf32, #tpu.memory_space<hbm>>
      %dma_start3A_1915 = tpu.memref_slice %arg4[%add3A_1907] : memref<32768xf32, #tpu.memory_space<vmem>> -> memref<128xf32, #tpu.memory_space<vmem>>
      tpu.enqueue_dma source(%dma_start3A_1915 : memref<128xf32, #tpu.memory_space<vmem>>) target(%dma_start3A_1914 : memref<128xf32, #tpu.memory_space<hbm>>) target_semaphore(%arg5 : memref<!tpu.dma_semaphore, #tpu.memory_space<semaphore_mem>>)
      %add3A_1916 = arith.constant 8192 : i32
      %add3A_1917 = arith.addi %add3A_1916, %sub3A_1598 : i32
      %add3A_1918 = arith.constant 384 : i32
      %add3A_1919 = arith.addi %add3A_1917, %add3A_1918 : i32
      %add3A_1920 = arith.constant 3072 : i32
      %add3A_1921 = arith.addi %add3A_1603, %add3A_1920 : i32
      %add3A_1922 = arith.constant 256 : i32
      %add3A_1923 = arith.addi %add3A_1921, %add3A_1922 : i32
      %dma_start3A_1924 = tpu.memref_slice %arg4[%add3A_1919] : memref<32768xf32, #tpu.memory_space<vmem>> -> memref<128xf32, #tpu.memory_space<vmem>>
      %dma_start3A_1925 = tpu.memref_slice %arg3[%add3A_1923] : memref<67108864xf32, #tpu.memory_space<hbm>> -> memref<128xf32, #tpu.memory_space<hbm>>
      %dma_start3A_1926 = tpu.memref_slice %arg3[%add3A_1923] : memref<67108864xf32, #tpu.memory_space<hbm>> -> memref<128xf32, #tpu.memory_space<hbm>>
      %dma_start3A_1927 = tpu.memref_slice %arg4[%add3A_1919] : memref<32768xf32, #tpu.memory_space<vmem>> -> memref<128xf32, #tpu.memory_space<vmem>>
      tpu.enqueue_dma source(%dma_start3A_1927 : memref<128xf32, #tpu.memory_space<vmem>>) target(%dma_start3A_1926 : memref<128xf32, #tpu.memory_space<hbm>>) target_semaphore(%arg5 : memref<!tpu.dma_semaphore, #tpu.memory_space<semaphore_mem>>)
      %add3A_1928 = arith.constant 12288 : i32
      %add3A_1929 = arith.addi %add3A_1928, %sub3A_1598 : i32
      %add3A_1930 = arith.constant 384 : i32
      %add3A_1931 = arith.addi %add3A_1929, %add3A_1930 : i32
      %add3A_1932 = arith.constant 3072 : i32
      %add3A_1933 = arith.addi %add3A_1603, %add3A_1932 : i32
      %add3A_1934 = arith.constant 384 : i32
      %add3A_1935 = arith.addi %add3A_1933, %add3A_1934 : i32
      %dma_start3A_1936 = tpu.memref_slice %arg4[%add3A_1931] : memref<32768xf32, #tpu.memory_space<vmem>> -> memref<128xf32, #tpu.memory_space<vmem>>
      %dma_start3A_1937 = tpu.memref_slice %arg3[%add3A_1935] : memref<67108864xf32, #tpu.memory_space<hbm>> -> memref<128xf32, #tpu.memory_space<hbm>>
      %dma_start3A_1938 = tpu.memref_slice %arg3[%add3A_1935] : memref<67108864xf32, #tpu.memory_space<hbm>> -> memref<128xf32, #tpu.memory_space<hbm>>
      %dma_start3A_1939 = tpu.memref_slice %arg4[%add3A_1931] : memref<32768xf32, #tpu.memory_space<vmem>> -> memref<128xf32, #tpu.memory_space<vmem>>
      tpu.enqueue_dma source(%dma_start3A_1939 : memref<128xf32, #tpu.memory_space<vmem>>) target(%dma_start3A_1938 : memref<128xf32, #tpu.memory_space<hbm>>) target_semaphore(%arg5 : memref<!tpu.dma_semaphore, #tpu.memory_space<semaphore_mem>>)
      %add3A_1940 = arith.constant 16384 : i32
      %add3A_1941 = arith.addi %add3A_1940, %sub3A_1598 : i32
      %add3A_1942 = arith.constant 384 : i32
      %add3A_1943 = arith.addi %add3A_1941, %add3A_1942 : i32
      %add3A_1944 = arith.constant 3072 : i32
      %add3A_1945 = arith.addi %add3A_1603, %add3A_1944 : i32
      %add3A_1946 = arith.constant 512 : i32
      %add3A_1947 = arith.addi %add3A_1945, %add3A_1946 : i32
      %dma_start3A_1948 = tpu.memref_slice %arg4[%add3A_1943] : memref<32768xf32, #tpu.memory_space<vmem>> -> memref<128xf32, #tpu.memory_space<vmem>>
      %dma_start3A_1949 = tpu.memref_slice %arg3[%add3A_1947] : memref<67108864xf32, #tpu.memory_space<hbm>> -> memref<128xf32, #tpu.memory_space<hbm>>
      %dma_start3A_1950 = tpu.memref_slice %arg3[%add3A_1947] : memref<67108864xf32, #tpu.memory_space<hbm>> -> memref<128xf32, #tpu.memory_space<hbm>>
      %dma_start3A_1951 = tpu.memref_slice %arg4[%add3A_1943] : memref<32768xf32, #tpu.memory_space<vmem>> -> memref<128xf32, #tpu.memory_space<vmem>>
      tpu.enqueue_dma source(%dma_start3A_1951 : memref<128xf32, #tpu.memory_space<vmem>>) target(%dma_start3A_1950 : memref<128xf32, #tpu.memory_space<hbm>>) target_semaphore(%arg5 : memref<!tpu.dma_semaphore, #tpu.memory_space<semaphore_mem>>)
      %add3A_1952 = arith.constant 20480 : i32
      %add3A_1953 = arith.addi %add3A_1952, %sub3A_1598 : i32
      %add3A_1954 = arith.constant 384 : i32
      %add3A_1955 = arith.addi %add3A_1953, %add3A_1954 : i32
      %add3A_1956 = arith.constant 3072 : i32
      %add3A_1957 = arith.addi %add3A_1603, %add3A_1956 : i32
      %add3A_1958 = arith.constant 640 : i32
      %add3A_1959 = arith.addi %add3A_1957, %add3A_1958 : i32
      %dma_start3A_1960 = tpu.memref_slice %arg4[%add3A_1955] : memref<32768xf32, #tpu.memory_space<vmem>> -> memref<128xf32, #tpu.memory_space<vmem>>
      %dma_start3A_1961 = tpu.memref_slice %arg3[%add3A_1959] : memref<67108864xf32, #tpu.memory_space<hbm>> -> memref<128xf32, #tpu.memory_space<hbm>>
      %dma_start3A_1962 = tpu.memref_slice %arg3[%add3A_1959] : memref<67108864xf32, #tpu.memory_space<hbm>> -> memref<128xf32, #tpu.memory_space<hbm>>
      %dma_start3A_1963 = tpu.memref_slice %arg4[%add3A_1955] : memref<32768xf32, #tpu.memory_space<vmem>> -> memref<128xf32, #tpu.memory_space<vmem>>
      tpu.enqueue_dma source(%dma_start3A_1963 : memref<128xf32, #tpu.memory_space<vmem>>) target(%dma_start3A_1962 : memref<128xf32, #tpu.memory_space<hbm>>) target_semaphore(%arg5 : memref<!tpu.dma_semaphore, #tpu.memory_space<semaphore_mem>>)
      %add3A_1964 = arith.constant 24576 : i32
      %add3A_1965 = arith.addi %add3A_1964, %sub3A_1598 : i32
      %add3A_1966 = arith.constant 384 : i32
      %add3A_1967 = arith.addi %add3A_1965, %add3A_1966 : i32
      %add3A_1968 = arith.constant 3072 : i32
      %add3A_1969 = arith.addi %add3A_1603, %add3A_1968 : i32
      %add3A_1970 = arith.constant 768 : i32
      %add3A_1971 = arith.addi %add3A_1969, %add3A_1970 : i32
      %dma_start3A_1972 = tpu.memref_slice %arg4[%add3A_1967] : memref<32768xf32, #tpu.memory_space<vmem>> -> memref<128xf32, #tpu.memory_space<vmem>>
      %dma_start3A_1973 = tpu.memref_slice %arg3[%add3A_1971] : memref<67108864xf32, #tpu.memory_space<hbm>> -> memref<128xf32, #tpu.memory_space<hbm>>
      %dma_start3A_1974 = tpu.memref_slice %arg3[%add3A_1971] : memref<67108864xf32, #tpu.memory_space<hbm>> -> memref<128xf32, #tpu.memory_space<hbm>>
      %dma_start3A_1975 = tpu.memref_slice %arg4[%add3A_1967] : memref<32768xf32, #tpu.memory_space<vmem>> -> memref<128xf32, #tpu.memory_space<vmem>>
      tpu.enqueue_dma source(%dma_start3A_1975 : memref<128xf32, #tpu.memory_space<vmem>>) target(%dma_start3A_1974 : memref<128xf32, #tpu.memory_space<hbm>>) target_semaphore(%arg5 : memref<!tpu.dma_semaphore, #tpu.memory_space<semaphore_mem>>)
      %add3A_1976 = arith.constant 28672 : i32
      %add3A_1977 = arith.addi %add3A_1976, %sub3A_1598 : i32
      %add3A_1978 = arith.constant 384 : i32
      %add3A_1979 = arith.addi %add3A_1977, %add3A_1978 : i32
      %add3A_1980 = arith.constant 3072 : i32
      %add3A_1981 = arith.addi %add3A_1603, %add3A_1980 : i32
      %add3A_1982 = arith.constant 896 : i32
      %add3A_1983 = arith.addi %add3A_1981, %add3A_1982 : i32
      %dma_start3A_1984 = tpu.memref_slice %arg4[%add3A_1979] : memref<32768xf32, #tpu.memory_space<vmem>> -> memref<128xf32, #tpu.memory_space<vmem>>
      %dma_start3A_1985 = tpu.memref_slice %arg3[%add3A_1983] : memref<67108864xf32, #tpu.memory_space<hbm>> -> memref<128xf32, #tpu.memory_space<hbm>>
      %dma_start3A_1986 = tpu.memref_slice %arg3[%add3A_1983] : memref<67108864xf32, #tpu.memory_space<hbm>> -> memref<128xf32, #tpu.memory_space<hbm>>
      %dma_start3A_1987 = tpu.memref_slice %arg4[%add3A_1979] : memref<32768xf32, #tpu.memory_space<vmem>> -> memref<128xf32, #tpu.memory_space<vmem>>
      tpu.enqueue_dma source(%dma_start3A_1987 : memref<128xf32, #tpu.memory_space<vmem>>) target(%dma_start3A_1986 : memref<128xf32, #tpu.memory_space<hbm>>) target_semaphore(%arg5 : memref<!tpu.dma_semaphore, #tpu.memory_space<semaphore_mem>>)
      %add3A_1988 = arith.constant 0 : i32
      %add3A_1989 = arith.addi %add3A_1988, %sub3A_1598 : i32
      %add3A_1990 = arith.constant 512 : i32
      %add3A_1991 = arith.addi %add3A_1989, %add3A_1990 : i32
      %add3A_1992 = arith.constant 4096 : i32
      %add3A_1993 = arith.addi %add3A_1603, %add3A_1992 : i32
      %add3A_1994 = arith.constant 0 : i32
      %add3A_1995 = arith.addi %add3A_1993, %add3A_1994 : i32
      %dma_start3A_1996 = tpu.memref_slice %arg4[%add3A_1991] : memref<32768xf32, #tpu.memory_space<vmem>> -> memref<128xf32, #tpu.memory_space<vmem>>
      %dma_start3A_1997 = tpu.memref_slice %arg3[%add3A_1995] : memref<67108864xf32, #tpu.memory_space<hbm>> -> memref<128xf32, #tpu.memory_space<hbm>>
      %dma_start3A_1998 = tpu.memref_slice %arg3[%add3A_1995] : memref<67108864xf32, #tpu.memory_space<hbm>> -> memref<128xf32, #tpu.memory_space<hbm>>
      %dma_start3A_1999 = tpu.memref_slice %arg4[%add3A_1991] : memref<32768xf32, #tpu.memory_space<vmem>> -> memref<128xf32, #tpu.memory_space<vmem>>
      tpu.enqueue_dma source(%dma_start3A_1999 : memref<128xf32, #tpu.memory_space<vmem>>) target(%dma_start3A_1998 : memref<128xf32, #tpu.memory_space<hbm>>) target_semaphore(%arg5 : memref<!tpu.dma_semaphore, #tpu.memory_space<semaphore_mem>>)
      %add3A_2000 = arith.constant 4096 : i32
      %add3A_2001 = arith.addi %add3A_2000, %sub3A_1598 : i32
      %add3A_2002 = arith.constant 512 : i32
      %add3A_2003 = arith.addi %add3A_2001, %add3A_2002 : i32
      %add3A_2004 = arith.constant 4096 : i32
      %add3A_2005 = arith.addi %add3A_1603, %add3A_2004 : i32
      %add3A_2006 = arith.constant 128 : i32
      %add3A_2007 = arith.addi %add3A_2005, %add3A_2006 : i32
      %dma_start3A_2008 = tpu.memref_slice %arg4[%add3A_2003] : memref<32768xf32, #tpu.memory_space<vmem>> -> memref<128xf32, #tpu.memory_space<vmem>>
      %dma_start3A_2009 = tpu.memref_slice %arg3[%add3A_2007] : memref<67108864xf32, #tpu.memory_space<hbm>> -> memref<128xf32, #tpu.memory_space<hbm>>
      %dma_start3A_2010 = tpu.memref_slice %arg3[%add3A_2007] : memref<67108864xf32, #tpu.memory_space<hbm>> -> memref<128xf32, #tpu.memory_space<hbm>>
      %dma_start3A_2011 = tpu.memref_slice %arg4[%add3A_2003] : memref<32768xf32, #tpu.memory_space<vmem>> -> memref<128xf32, #tpu.memory_space<vmem>>
      tpu.enqueue_dma source(%dma_start3A_2011 : memref<128xf32, #tpu.memory_space<vmem>>) target(%dma_start3A_2010 : memref<128xf32, #tpu.memory_space<hbm>>) target_semaphore(%arg5 : memref<!tpu.dma_semaphore, #tpu.memory_space<semaphore_mem>>)
      %add3A_2012 = arith.constant 8192 : i32
      %add3A_2013 = arith.addi %add3A_2012, %sub3A_1598 : i32
      %add3A_2014 = arith.constant 512 : i32
      %add3A_2015 = arith.addi %add3A_2013, %add3A_2014 : i32
      %add3A_2016 = arith.constant 4096 : i32
      %add3A_2017 = arith.addi %add3A_1603, %add3A_2016 : i32
      %add3A_2018 = arith.constant 256 : i32
      %add3A_2019 = arith.addi %add3A_2017, %add3A_2018 : i32
      %dma_start3A_2020 = tpu.memref_slice %arg4[%add3A_2015] : memref<32768xf32, #tpu.memory_space<vmem>> -> memref<128xf32, #tpu.memory_space<vmem>>
      %dma_start3A_2021 = tpu.memref_slice %arg3[%add3A_2019] : memref<67108864xf32, #tpu.memory_space<hbm>> -> memref<128xf32, #tpu.memory_space<hbm>>
      %dma_start3A_2022 = tpu.memref_slice %arg3[%add3A_2019] : memref<67108864xf32, #tpu.memory_space<hbm>> -> memref<128xf32, #tpu.memory_space<hbm>>
      %dma_start3A_2023 = tpu.memref_slice %arg4[%add3A_2015] : memref<32768xf32, #tpu.memory_space<vmem>> -> memref<128xf32, #tpu.memory_space<vmem>>
      tpu.enqueue_dma source(%dma_start3A_2023 : memref<128xf32, #tpu.memory_space<vmem>>) target(%dma_start3A_2022 : memref<128xf32, #tpu.memory_space<hbm>>) target_semaphore(%arg5 : memref<!tpu.dma_semaphore, #tpu.memory_space<semaphore_mem>>)
      %add3A_2024 = arith.constant 12288 : i32
      %add3A_2025 = arith.addi %add3A_2024, %sub3A_1598 : i32
      %add3A_2026 = arith.constant 512 : i32
      %add3A_2027 = arith.addi %add3A_2025, %add3A_2026 : i32
      %add3A_2028 = arith.constant 4096 : i32
      %add3A_2029 = arith.addi %add3A_1603, %add3A_2028 : i32
      %add3A_2030 = arith.constant 384 : i32
      %add3A_2031 = arith.addi %add3A_2029, %add3A_2030 : i32
      %dma_start3A_2032 = tpu.memref_slice %arg4[%add3A_2027] : memref<32768xf32, #tpu.memory_space<vmem>> -> memref<128xf32, #tpu.memory_space<vmem>>
      %dma_start3A_2033 = tpu.memref_slice %arg3[%add3A_2031] : memref<67108864xf32, #tpu.memory_space<hbm>> -> memref<128xf32, #tpu.memory_space<hbm>>
      %dma_start3A_2034 = tpu.memref_slice %arg3[%add3A_2031] : memref<67108864xf32, #tpu.memory_space<hbm>> -> memref<128xf32, #tpu.memory_space<hbm>>
      %dma_start3A_2035 = tpu.memref_slice %arg4[%add3A_2027] : memref<32768xf32, #tpu.memory_space<vmem>> -> memref<128xf32, #tpu.memory_space<vmem>>
      tpu.enqueue_dma source(%dma_start3A_2035 : memref<128xf32, #tpu.memory_space<vmem>>) target(%dma_start3A_2034 : memref<128xf32, #tpu.memory_space<hbm>>) target_semaphore(%arg5 : memref<!tpu.dma_semaphore, #tpu.memory_space<semaphore_mem>>)
      %add3A_2036 = arith.constant 16384 : i32
      %add3A_2037 = arith.addi %add3A_2036, %sub3A_1598 : i32
      %add3A_2038 = arith.constant 512 : i32
      %add3A_2039 = arith.addi %add3A_2037, %add3A_2038 : i32
      %add3A_2040 = arith.constant 4096 : i32
      %add3A_2041 = arith.addi %add3A_1603, %add3A_2040 : i32
      %add3A_2042 = arith.constant 512 : i32
      %add3A_2043 = arith.addi %add3A_2041, %add3A_2042 : i32
      %dma_start3A_2044 = tpu.memref_slice %arg4[%add3A_2039] : memref<32768xf32, #tpu.memory_space<vmem>> -> memref<128xf32, #tpu.memory_space<vmem>>
      %dma_start3A_2045 = tpu.memref_slice %arg3[%add3A_2043] : memref<67108864xf32, #tpu.memory_space<hbm>> -> memref<128xf32, #tpu.memory_space<hbm>>
      %dma_start3A_2046 = tpu.memref_slice %arg3[%add3A_2043] : memref<67108864xf32, #tpu.memory_space<hbm>> -> memref<128xf32, #tpu.memory_space<hbm>>
      %dma_start3A_2047 = tpu.memref_slice %arg4[%add3A_2039] : memref<32768xf32, #tpu.memory_space<vmem>> -> memref<128xf32, #tpu.memory_space<vmem>>
      tpu.enqueue_dma source(%dma_start3A_2047 : memref<128xf32, #tpu.memory_space<vmem>>) target(%dma_start3A_2046 : memref<128xf32, #tpu.memory_space<hbm>>) target_semaphore(%arg5 : memref<!tpu.dma_semaphore, #tpu.memory_space<semaphore_mem>>)
      %add3A_2048 = arith.constant 20480 : i32
      %add3A_2049 = arith.addi %add3A_2048, %sub3A_1598 : i32
      %add3A_2050 = arith.constant 512 : i32
      %add3A_2051 = arith.addi %add3A_2049, %add3A_2050 : i32
      %add3A_2052 = arith.constant 4096 : i32
      %add3A_2053 = arith.addi %add3A_1603, %add3A_2052 : i32
      %add3A_2054 = arith.constant 640 : i32
      %add3A_2055 = arith.addi %add3A_2053, %add3A_2054 : i32
      %dma_start3A_2056 = tpu.memref_slice %arg4[%add3A_2051] : memref<32768xf32, #tpu.memory_space<vmem>> -> memref<128xf32, #tpu.memory_space<vmem>>
      %dma_start3A_2057 = tpu.memref_slice %arg3[%add3A_2055] : memref<67108864xf32, #tpu.memory_space<hbm>> -> memref<128xf32, #tpu.memory_space<hbm>>
      %dma_start3A_2058 = tpu.memref_slice %arg3[%add3A_2055] : memref<67108864xf32, #tpu.memory_space<hbm>> -> memref<128xf32, #tpu.memory_space<hbm>>
      %dma_start3A_2059 = tpu.memref_slice %arg4[%add3A_2051] : memref<32768xf32, #tpu.memory_space<vmem>> -> memref<128xf32, #tpu.memory_space<vmem>>
      tpu.enqueue_dma source(%dma_start3A_2059 : memref<128xf32, #tpu.memory_space<vmem>>) target(%dma_start3A_2058 : memref<128xf32, #tpu.memory_space<hbm>>) target_semaphore(%arg5 : memref<!tpu.dma_semaphore, #tpu.memory_space<semaphore_mem>>)
      %add3A_2060 = arith.constant 24576 : i32
      %add3A_2061 = arith.addi %add3A_2060, %sub3A_1598 : i32
      %add3A_2062 = arith.constant 512 : i32
      %add3A_2063 = arith.addi %add3A_2061, %add3A_2062 : i32
      %add3A_2064 = arith.constant 4096 : i32
      %add3A_2065 = arith.addi %add3A_1603, %add3A_2064 : i32
      %add3A_2066 = arith.constant 768 : i32
      %add3A_2067 = arith.addi %add3A_2065, %add3A_2066 : i32
      %dma_start3A_2068 = tpu.memref_slice %arg4[%add3A_2063] : memref<32768xf32, #tpu.memory_space<vmem>> -> memref<128xf32, #tpu.memory_space<vmem>>
      %dma_start3A_2069 = tpu.memref_slice %arg3[%add3A_2067] : memref<67108864xf32, #tpu.memory_space<hbm>> -> memref<128xf32, #tpu.memory_space<hbm>>
      %dma_start3A_2070 = tpu.memref_slice %arg3[%add3A_2067] : memref<67108864xf32, #tpu.memory_space<hbm>> -> memref<128xf32, #tpu.memory_space<hbm>>
      %dma_start3A_2071 = tpu.memref_slice %arg4[%add3A_2063] : memref<32768xf32, #tpu.memory_space<vmem>> -> memref<128xf32, #tpu.memory_space<vmem>>
      tpu.enqueue_dma source(%dma_start3A_2071 : memref<128xf32, #tpu.memory_space<vmem>>) target(%dma_start3A_2070 : memref<128xf32, #tpu.memory_space<hbm>>) target_semaphore(%arg5 : memref<!tpu.dma_semaphore, #tpu.memory_space<semaphore_mem>>)
      %add3A_2072 = arith.constant 28672 : i32
      %add3A_2073 = arith.addi %add3A_2072, %sub3A_1598 : i32
      %add3A_2074 = arith.constant 512 : i32
      %add3A_2075 = arith.addi %add3A_2073, %add3A_2074 : i32
      %add3A_2076 = arith.constant 4096 : i32
      %add3A_2077 = arith.addi %add3A_1603, %add3A_2076 : i32
      %add3A_2078 = arith.constant 896 : i32
      %add3A_2079 = arith.addi %add3A_2077, %add3A_2078 : i32
      %dma_start3A_2080 = tpu.memref_slice %arg4[%add3A_2075] : memref<32768xf32, #tpu.memory_space<vmem>> -> memref<128xf32, #tpu.memory_space<vmem>>
      %dma_start3A_2081 = tpu.memref_slice %arg3[%add3A_2079] : memref<67108864xf32, #tpu.memory_space<hbm>> -> memref<128xf32, #tpu.memory_space<hbm>>
      %dma_start3A_2082 = tpu.memref_slice %arg3[%add3A_2079] : memref<67108864xf32, #tpu.memory_space<hbm>> -> memref<128xf32, #tpu.memory_space<hbm>>
      %dma_start3A_2083 = tpu.memref_slice %arg4[%add3A_2075] : memref<32768xf32, #tpu.memory_space<vmem>> -> memref<128xf32, #tpu.memory_space<vmem>>
      tpu.enqueue_dma source(%dma_start3A_2083 : memref<128xf32, #tpu.memory_space<vmem>>) target(%dma_start3A_2082 : memref<128xf32, #tpu.memory_space<hbm>>) target_semaphore(%arg5 : memref<!tpu.dma_semaphore, #tpu.memory_space<semaphore_mem>>)
      %add3A_2084 = arith.constant 0 : i32
      %add3A_2085 = arith.addi %add3A_2084, %sub3A_1598 : i32
      %add3A_2086 = arith.constant 640 : i32
      %add3A_2087 = arith.addi %add3A_2085, %add3A_2086 : i32
      %add3A_2088 = arith.constant 5120 : i32
      %add3A_2089 = arith.addi %add3A_1603, %add3A_2088 : i32
      %add3A_2090 = arith.constant 0 : i32
      %add3A_2091 = arith.addi %add3A_2089, %add3A_2090 : i32
      %dma_start3A_2092 = tpu.memref_slice %arg4[%add3A_2087] : memref<32768xf32, #tpu.memory_space<vmem>> -> memref<128xf32, #tpu.memory_space<vmem>>
      %dma_start3A_2093 = tpu.memref_slice %arg3[%add3A_2091] : memref<67108864xf32, #tpu.memory_space<hbm>> -> memref<128xf32, #tpu.memory_space<hbm>>
      %dma_start3A_2094 = tpu.memref_slice %arg3[%add3A_2091] : memref<67108864xf32, #tpu.memory_space<hbm>> -> memref<128xf32, #tpu.memory_space<hbm>>
      %dma_start3A_2095 = tpu.memref_slice %arg4[%add3A_2087] : memref<32768xf32, #tpu.memory_space<vmem>> -> memref<128xf32, #tpu.memory_space<vmem>>
      tpu.enqueue_dma source(%dma_start3A_2095 : memref<128xf32, #tpu.memory_space<vmem>>) target(%dma_start3A_2094 : memref<128xf32, #tpu.memory_space<hbm>>) target_semaphore(%arg5 : memref<!tpu.dma_semaphore, #tpu.memory_space<semaphore_mem>>)
      %add3A_2096 = arith.constant 4096 : i32
      %add3A_2097 = arith.addi %add3A_2096, %sub3A_1598 : i32
      %add3A_2098 = arith.constant 640 : i32
      %add3A_2099 = arith.addi %add3A_2097, %add3A_2098 : i32
      %add3A_2100 = arith.constant 5120 : i32
      %add3A_2101 = arith.addi %add3A_1603, %add3A_2100 : i32
      %add3A_2102 = arith.constant 128 : i32
      %add3A_2103 = arith.addi %add3A_2101, %add3A_2102 : i32
      %dma_start3A_2104 = tpu.memref_slice %arg4[%add3A_2099] : memref<32768xf32, #tpu.memory_space<vmem>> -> memref<128xf32, #tpu.memory_space<vmem>>
      %dma_start3A_2105 = tpu.memref_slice %arg3[%add3A_2103] : memref<67108864xf32, #tpu.memory_space<hbm>> -> memref<128xf32, #tpu.memory_space<hbm>>
      %dma_start3A_2106 = tpu.memref_slice %arg3[%add3A_2103] : memref<67108864xf32, #tpu.memory_space<hbm>> -> memref<128xf32, #tpu.memory_space<hbm>>
      %dma_start3A_2107 = tpu.memref_slice %arg4[%add3A_2099] : memref<32768xf32, #tpu.memory_space<vmem>> -> memref<128xf32, #tpu.memory_space<vmem>>
      tpu.enqueue_dma source(%dma_start3A_2107 : memref<128xf32, #tpu.memory_space<vmem>>) target(%dma_start3A_2106 : memref<128xf32, #tpu.memory_space<hbm>>) target_semaphore(%arg5 : memref<!tpu.dma_semaphore, #tpu.memory_space<semaphore_mem>>)
      %add3A_2108 = arith.constant 8192 : i32
      %add3A_2109 = arith.addi %add3A_2108, %sub3A_1598 : i32
      %add3A_2110 = arith.constant 640 : i32
      %add3A_2111 = arith.addi %add3A_2109, %add3A_2110 : i32
      %add3A_2112 = arith.constant 5120 : i32
      %add3A_2113 = arith.addi %add3A_1603, %add3A_2112 : i32
      %add3A_2114 = arith.constant 256 : i32
      %add3A_2115 = arith.addi %add3A_2113, %add3A_2114 : i32
      %dma_start3A_2116 = tpu.memref_slice %arg4[%add3A_2111] : memref<32768xf32, #tpu.memory_space<vmem>> -> memref<128xf32, #tpu.memory_space<vmem>>
      %dma_start3A_2117 = tpu.memref_slice %arg3[%add3A_2115] : memref<67108864xf32, #tpu.memory_space<hbm>> -> memref<128xf32, #tpu.memory_space<hbm>>
      %dma_start3A_2118 = tpu.memref_slice %arg3[%add3A_2115] : memref<67108864xf32, #tpu.memory_space<hbm>> -> memref<128xf32, #tpu.memory_space<hbm>>
      %dma_start3A_2119 = tpu.memref_slice %arg4[%add3A_2111] : memref<32768xf32, #tpu.memory_space<vmem>> -> memref<128xf32, #tpu.memory_space<vmem>>
      tpu.enqueue_dma source(%dma_start3A_2119 : memref<128xf32, #tpu.memory_space<vmem>>) target(%dma_start3A_2118 : memref<128xf32, #tpu.memory_space<hbm>>) target_semaphore(%arg5 : memref<!tpu.dma_semaphore, #tpu.memory_space<semaphore_mem>>)
      %add3A_2120 = arith.constant 12288 : i32
      %add3A_2121 = arith.addi %add3A_2120, %sub3A_1598 : i32
      %add3A_2122 = arith.constant 640 : i32
      %add3A_2123 = arith.addi %add3A_2121, %add3A_2122 : i32
      %add3A_2124 = arith.constant 5120 : i32
      %add3A_2125 = arith.addi %add3A_1603, %add3A_2124 : i32
      %add3A_2126 = arith.constant 384 : i32
      %add3A_2127 = arith.addi %add3A_2125, %add3A_2126 : i32
      %dma_start3A_2128 = tpu.memref_slice %arg4[%add3A_2123] : memref<32768xf32, #tpu.memory_space<vmem>> -> memref<128xf32, #tpu.memory_space<vmem>>
      %dma_start3A_2129 = tpu.memref_slice %arg3[%add3A_2127] : memref<67108864xf32, #tpu.memory_space<hbm>> -> memref<128xf32, #tpu.memory_space<hbm>>
      %dma_start3A_2130 = tpu.memref_slice %arg3[%add3A_2127] : memref<67108864xf32, #tpu.memory_space<hbm>> -> memref<128xf32, #tpu.memory_space<hbm>>
      %dma_start3A_2131 = tpu.memref_slice %arg4[%add3A_2123] : memref<32768xf32, #tpu.memory_space<vmem>> -> memref<128xf32, #tpu.memory_space<vmem>>
      tpu.enqueue_dma source(%dma_start3A_2131 : memref<128xf32, #tpu.memory_space<vmem>>) target(%dma_start3A_2130 : memref<128xf32, #tpu.memory_space<hbm>>) target_semaphore(%arg5 : memref<!tpu.dma_semaphore, #tpu.memory_space<semaphore_mem>>)
      %add3A_2132 = arith.constant 16384 : i32
      %add3A_2133 = arith.addi %add3A_2132, %sub3A_1598 : i32
      %add3A_2134 = arith.constant 640 : i32
      %add3A_2135 = arith.addi %add3A_2133, %add3A_2134 : i32
      %add3A_2136 = arith.constant 5120 : i32
      %add3A_2137 = arith.addi %add3A_1603, %add3A_2136 : i32
      %add3A_2138 = arith.constant 512 : i32
      %add3A_2139 = arith.addi %add3A_2137, %add3A_2138 : i32
      %dma_start3A_2140 = tpu.memref_slice %arg4[%add3A_2135] : memref<32768xf32, #tpu.memory_space<vmem>> -> memref<128xf32, #tpu.memory_space<vmem>>
      %dma_start3A_2141 = tpu.memref_slice %arg3[%add3A_2139] : memref<67108864xf32, #tpu.memory_space<hbm>> -> memref<128xf32, #tpu.memory_space<hbm>>
      %dma_start3A_2142 = tpu.memref_slice %arg3[%add3A_2139] : memref<67108864xf32, #tpu.memory_space<hbm>> -> memref<128xf32, #tpu.memory_space<hbm>>
      %dma_start3A_2143 = tpu.memref_slice %arg4[%add3A_2135] : memref<32768xf32, #tpu.memory_space<vmem>> -> memref<128xf32, #tpu.memory_space<vmem>>
      tpu.enqueue_dma source(%dma_start3A_2143 : memref<128xf32, #tpu.memory_space<vmem>>) target(%dma_start3A_2142 : memref<128xf32, #tpu.memory_space<hbm>>) target_semaphore(%arg5 : memref<!tpu.dma_semaphore, #tpu.memory_space<semaphore_mem>>)
      %add3A_2144 = arith.constant 20480 : i32
      %add3A_2145 = arith.addi %add3A_2144, %sub3A_1598 : i32
      %add3A_2146 = arith.constant 640 : i32
      %add3A_2147 = arith.addi %add3A_2145, %add3A_2146 : i32
      %add3A_2148 = arith.constant 5120 : i32
      %add3A_2149 = arith.addi %add3A_1603, %add3A_2148 : i32
      %add3A_2150 = arith.constant 640 : i32
      %add3A_2151 = arith.addi %add3A_2149, %add3A_2150 : i32
      %dma_start3A_2152 = tpu.memref_slice %arg4[%add3A_2147] : memref<32768xf32, #tpu.memory_space<vmem>> -> memref<128xf32, #tpu.memory_space<vmem>>
      %dma_start3A_2153 = tpu.memref_slice %arg3[%add3A_2151] : memref<67108864xf32, #tpu.memory_space<hbm>> -> memref<128xf32, #tpu.memory_space<hbm>>
      %dma_start3A_2154 = tpu.memref_slice %arg3[%add3A_2151] : memref<67108864xf32, #tpu.memory_space<hbm>> -> memref<128xf32, #tpu.memory_space<hbm>>
      %dma_start3A_2155 = tpu.memref_slice %arg4[%add3A_2147] : memref<32768xf32, #tpu.memory_space<vmem>> -> memref<128xf32, #tpu.memory_space<vmem>>
      tpu.enqueue_dma source(%dma_start3A_2155 : memref<128xf32, #tpu.memory_space<vmem>>) target(%dma_start3A_2154 : memref<128xf32, #tpu.memory_space<hbm>>) target_semaphore(%arg5 : memref<!tpu.dma_semaphore, #tpu.memory_space<semaphore_mem>>)
      %add3A_2156 = arith.constant 24576 : i32
      %add3A_2157 = arith.addi %add3A_2156, %sub3A_1598 : i32
      %add3A_2158 = arith.constant 640 : i32
      %add3A_2159 = arith.addi %add3A_2157, %add3A_2158 : i32
      %add3A_2160 = arith.constant 5120 : i32
      %add3A_2161 = arith.addi %add3A_1603, %add3A_2160 : i32
      %add3A_2162 = arith.constant 768 : i32
      %add3A_2163 = arith.addi %add3A_2161, %add3A_2162 : i32
      %dma_start3A_2164 = tpu.memref_slice %arg4[%add3A_2159] : memref<32768xf32, #tpu.memory_space<vmem>> -> memref<128xf32, #tpu.memory_space<vmem>>
      %dma_start3A_2165 = tpu.memref_slice %arg3[%add3A_2163] : memref<67108864xf32, #tpu.memory_space<hbm>> -> memref<128xf32, #tpu.memory_space<hbm>>
      %dma_start3A_2166 = tpu.memref_slice %arg3[%add3A_2163] : memref<67108864xf32, #tpu.memory_space<hbm>> -> memref<128xf32, #tpu.memory_space<hbm>>
      %dma_start3A_2167 = tpu.memref_slice %arg4[%add3A_2159] : memref<32768xf32, #tpu.memory_space<vmem>> -> memref<128xf32, #tpu.memory_space<vmem>>
      tpu.enqueue_dma source(%dma_start3A_2167 : memref<128xf32, #tpu.memory_space<vmem>>) target(%dma_start3A_2166 : memref<128xf32, #tpu.memory_space<hbm>>) target_semaphore(%arg5 : memref<!tpu.dma_semaphore, #tpu.memory_space<semaphore_mem>>)
      %add3A_2168 = arith.constant 28672 : i32
      %add3A_2169 = arith.addi %add3A_2168, %sub3A_1598 : i32
      %add3A_2170 = arith.constant 640 : i32
      %add3A_2171 = arith.addi %add3A_2169, %add3A_2170 : i32
      %add3A_2172 = arith.constant 5120 : i32
      %add3A_2173 = arith.addi %add3A_1603, %add3A_2172 : i32
      %add3A_2174 = arith.constant 896 : i32
      %add3A_2175 = arith.addi %add3A_2173, %add3A_2174 : i32
      %dma_start3A_2176 = tpu.memref_slice %arg4[%add3A_2171] : memref<32768xf32, #tpu.memory_space<vmem>> -> memref<128xf32, #tpu.memory_space<vmem>>
      %dma_start3A_2177 = tpu.memref_slice %arg3[%add3A_2175] : memref<67108864xf32, #tpu.memory_space<hbm>> -> memref<128xf32, #tpu.memory_space<hbm>>
      %dma_start3A_2178 = tpu.memref_slice %arg3[%add3A_2175] : memref<67108864xf32, #tpu.memory_space<hbm>> -> memref<128xf32, #tpu.memory_space<hbm>>
      %dma_start3A_2179 = tpu.memref_slice %arg4[%add3A_2171] : memref<32768xf32, #tpu.memory_space<vmem>> -> memref<128xf32, #tpu.memory_space<vmem>>
      tpu.enqueue_dma source(%dma_start3A_2179 : memref<128xf32, #tpu.memory_space<vmem>>) target(%dma_start3A_2178 : memref<128xf32, #tpu.memory_space<hbm>>) target_semaphore(%arg5 : memref<!tpu.dma_semaphore, #tpu.memory_space<semaphore_mem>>)
      %add3A_2180 = arith.constant 0 : i32
      %add3A_2181 = arith.addi %add3A_2180, %sub3A_1598 : i32
      %add3A_2182 = arith.constant 768 : i32
      %add3A_2183 = arith.addi %add3A_2181, %add3A_2182 : i32
      %add3A_2184 = arith.constant 6144 : i32
      %add3A_2185 = arith.addi %add3A_1603, %add3A_2184 : i32
      %add3A_2186 = arith.constant 0 : i32
      %add3A_2187 = arith.addi %add3A_2185, %add3A_2186 : i32
      %dma_start3A_2188 = tpu.memref_slice %arg4[%add3A_2183] : memref<32768xf32, #tpu.memory_space<vmem>> -> memref<128xf32, #tpu.memory_space<vmem>>
      %dma_start3A_2189 = tpu.memref_slice %arg3[%add3A_2187] : memref<67108864xf32, #tpu.memory_space<hbm>> -> memref<128xf32, #tpu.memory_space<hbm>>
      %dma_start3A_2190 = tpu.memref_slice %arg3[%add3A_2187] : memref<67108864xf32, #tpu.memory_space<hbm>> -> memref<128xf32, #tpu.memory_space<hbm>>
      %dma_start3A_2191 = tpu.memref_slice %arg4[%add3A_2183] : memref<32768xf32, #tpu.memory_space<vmem>> -> memref<128xf32, #tpu.memory_space<vmem>>
      tpu.enqueue_dma source(%dma_start3A_2191 : memref<128xf32, #tpu.memory_space<vmem>>) target(%dma_start3A_2190 : memref<128xf32, #tpu.memory_space<hbm>>) target_semaphore(%arg5 : memref<!tpu.dma_semaphore, #tpu.memory_space<semaphore_mem>>)
      %add3A_2192 = arith.constant 4096 : i32
      %add3A_2193 = arith.addi %add3A_2192, %sub3A_1598 : i32
      %add3A_2194 = arith.constant 768 : i32
      %add3A_2195 = arith.addi %add3A_2193, %add3A_2194 : i32
      %add3A_2196 = arith.constant 6144 : i32
      %add3A_2197 = arith.addi %add3A_1603, %add3A_2196 : i32
      %add3A_2198 = arith.constant 128 : i32
      %add3A_2199 = arith.addi %add3A_2197, %add3A_2198 : i32
      %dma_start3A_2200 = tpu.memref_slice %arg4[%add3A_2195] : memref<32768xf32, #tpu.memory_space<vmem>> -> memref<128xf32, #tpu.memory_space<vmem>>
      %dma_start3A_2201 = tpu.memref_slice %arg3[%add3A_2199] : memref<67108864xf32, #tpu.memory_space<hbm>> -> memref<128xf32, #tpu.memory_space<hbm>>
      %dma_start3A_2202 = tpu.memref_slice %arg3[%add3A_2199] : memref<67108864xf32, #tpu.memory_space<hbm>> -> memref<128xf32, #tpu.memory_space<hbm>>
      %dma_start3A_2203 = tpu.memref_slice %arg4[%add3A_2195] : memref<32768xf32, #tpu.memory_space<vmem>> -> memref<128xf32, #tpu.memory_space<vmem>>
      tpu.enqueue_dma source(%dma_start3A_2203 : memref<128xf32, #tpu.memory_space<vmem>>) target(%dma_start3A_2202 : memref<128xf32, #tpu.memory_space<hbm>>) target_semaphore(%arg5 : memref<!tpu.dma_semaphore, #tpu.memory_space<semaphore_mem>>)
      %add3A_2204 = arith.constant 8192 : i32
      %add3A_2205 = arith.addi %add3A_2204, %sub3A_1598 : i32
      %add3A_2206 = arith.constant 768 : i32
      %add3A_2207 = arith.addi %add3A_2205, %add3A_2206 : i32
      %add3A_2208 = arith.constant 6144 : i32
      %add3A_2209 = arith.addi %add3A_1603, %add3A_2208 : i32
      %add3A_2210 = arith.constant 256 : i32
      %add3A_2211 = arith.addi %add3A_2209, %add3A_2210 : i32
      %dma_start3A_2212 = tpu.memref_slice %arg4[%add3A_2207] : memref<32768xf32, #tpu.memory_space<vmem>> -> memref<128xf32, #tpu.memory_space<vmem>>
      %dma_start3A_2213 = tpu.memref_slice %arg3[%add3A_2211] : memref<67108864xf32, #tpu.memory_space<hbm>> -> memref<128xf32, #tpu.memory_space<hbm>>
      %dma_start3A_2214 = tpu.memref_slice %arg3[%add3A_2211] : memref<67108864xf32, #tpu.memory_space<hbm>> -> memref<128xf32, #tpu.memory_space<hbm>>
      %dma_start3A_2215 = tpu.memref_slice %arg4[%add3A_2207] : memref<32768xf32, #tpu.memory_space<vmem>> -> memref<128xf32, #tpu.memory_space<vmem>>
      tpu.enqueue_dma source(%dma_start3A_2215 : memref<128xf32, #tpu.memory_space<vmem>>) target(%dma_start3A_2214 : memref<128xf32, #tpu.memory_space<hbm>>) target_semaphore(%arg5 : memref<!tpu.dma_semaphore, #tpu.memory_space<semaphore_mem>>)
      %add3A_2216 = arith.constant 12288 : i32
      %add3A_2217 = arith.addi %add3A_2216, %sub3A_1598 : i32
      %add3A_2218 = arith.constant 768 : i32
      %add3A_2219 = arith.addi %add3A_2217, %add3A_2218 : i32
      %add3A_2220 = arith.constant 6144 : i32
      %add3A_2221 = arith.addi %add3A_1603, %add3A_2220 : i32
      %add3A_2222 = arith.constant 384 : i32
      %add3A_2223 = arith.addi %add3A_2221, %add3A_2222 : i32
      %dma_start3A_2224 = tpu.memref_slice %arg4[%add3A_2219] : memref<32768xf32, #tpu.memory_space<vmem>> -> memref<128xf32, #tpu.memory_space<vmem>>
      %dma_start3A_2225 = tpu.memref_slice %arg3[%add3A_2223] : memref<67108864xf32, #tpu.memory_space<hbm>> -> memref<128xf32, #tpu.memory_space<hbm>>
      %dma_start3A_2226 = tpu.memref_slice %arg3[%add3A_2223] : memref<67108864xf32, #tpu.memory_space<hbm>> -> memref<128xf32, #tpu.memory_space<hbm>>
      %dma_start3A_2227 = tpu.memref_slice %arg4[%add3A_2219] : memref<32768xf32, #tpu.memory_space<vmem>> -> memref<128xf32, #tpu.memory_space<vmem>>
      tpu.enqueue_dma source(%dma_start3A_2227 : memref<128xf32, #tpu.memory_space<vmem>>) target(%dma_start3A_2226 : memref<128xf32, #tpu.memory_space<hbm>>) target_semaphore(%arg5 : memref<!tpu.dma_semaphore, #tpu.memory_space<semaphore_mem>>)
      %add3A_2228 = arith.constant 16384 : i32
      %add3A_2229 = arith.addi %add3A_2228, %sub3A_1598 : i32
      %add3A_2230 = arith.constant 768 : i32
      %add3A_2231 = arith.addi %add3A_2229, %add3A_2230 : i32
      %add3A_2232 = arith.constant 6144 : i32
      %add3A_2233 = arith.addi %add3A_1603, %add3A_2232 : i32
      %add3A_2234 = arith.constant 512 : i32
      %add3A_2235 = arith.addi %add3A_2233, %add3A_2234 : i32
      %dma_start3A_2236 = tpu.memref_slice %arg4[%add3A_2231] : memref<32768xf32, #tpu.memory_space<vmem>> -> memref<128xf32, #tpu.memory_space<vmem>>
      %dma_start3A_2237 = tpu.memref_slice %arg3[%add3A_2235] : memref<67108864xf32, #tpu.memory_space<hbm>> -> memref<128xf32, #tpu.memory_space<hbm>>
      %dma_start3A_2238 = tpu.memref_slice %arg3[%add3A_2235] : memref<67108864xf32, #tpu.memory_space<hbm>> -> memref<128xf32, #tpu.memory_space<hbm>>
      %dma_start3A_2239 = tpu.memref_slice %arg4[%add3A_2231] : memref<32768xf32, #tpu.memory_space<vmem>> -> memref<128xf32, #tpu.memory_space<vmem>>
      tpu.enqueue_dma source(%dma_start3A_2239 : memref<128xf32, #tpu.memory_space<vmem>>) target(%dma_start3A_2238 : memref<128xf32, #tpu.memory_space<hbm>>) target_semaphore(%arg5 : memref<!tpu.dma_semaphore, #tpu.memory_space<semaphore_mem>>)
      %add3A_2240 = arith.constant 20480 : i32
      %add3A_2241 = arith.addi %add3A_2240, %sub3A_1598 : i32
      %add3A_2242 = arith.constant 768 : i32
      %add3A_2243 = arith.addi %add3A_2241, %add3A_2242 : i32
      %add3A_2244 = arith.constant 6144 : i32
      %add3A_2245 = arith.addi %add3A_1603, %add3A_2244 : i32
      %add3A_2246 = arith.constant 640 : i32
      %add3A_2247 = arith.addi %add3A_2245, %add3A_2246 : i32
      %dma_start3A_2248 = tpu.memref_slice %arg4[%add3A_2243] : memref<32768xf32, #tpu.memory_space<vmem>> -> memref<128xf32, #tpu.memory_space<vmem>>
      %dma_start3A_2249 = tpu.memref_slice %arg3[%add3A_2247] : memref<67108864xf32, #tpu.memory_space<hbm>> -> memref<128xf32, #tpu.memory_space<hbm>>
      %dma_start3A_2250 = tpu.memref_slice %arg3[%add3A_2247] : memref<67108864xf32, #tpu.memory_space<hbm>> -> memref<128xf32, #tpu.memory_space<hbm>>
      %dma_start3A_2251 = tpu.memref_slice %arg4[%add3A_2243] : memref<32768xf32, #tpu.memory_space<vmem>> -> memref<128xf32, #tpu.memory_space<vmem>>
      tpu.enqueue_dma source(%dma_start3A_2251 : memref<128xf32, #tpu.memory_space<vmem>>) target(%dma_start3A_2250 : memref<128xf32, #tpu.memory_space<hbm>>) target_semaphore(%arg5 : memref<!tpu.dma_semaphore, #tpu.memory_space<semaphore_mem>>)
      %add3A_2252 = arith.constant 24576 : i32
      %add3A_2253 = arith.addi %add3A_2252, %sub3A_1598 : i32
      %add3A_2254 = arith.constant 768 : i32
      %add3A_2255 = arith.addi %add3A_2253, %add3A_2254 : i32
      %add3A_2256 = arith.constant 6144 : i32
      %add3A_2257 = arith.addi %add3A_1603, %add3A_2256 : i32
      %add3A_2258 = arith.constant 768 : i32
      %add3A_2259 = arith.addi %add3A_2257, %add3A_2258 : i32
      %dma_start3A_2260 = tpu.memref_slice %arg4[%add3A_2255] : memref<32768xf32, #tpu.memory_space<vmem>> -> memref<128xf32, #tpu.memory_space<vmem>>
      %dma_start3A_2261 = tpu.memref_slice %arg3[%add3A_2259] : memref<67108864xf32, #tpu.memory_space<hbm>> -> memref<128xf32, #tpu.memory_space<hbm>>
      %dma_start3A_2262 = tpu.memref_slice %arg3[%add3A_2259] : memref<67108864xf32, #tpu.memory_space<hbm>> -> memref<128xf32, #tpu.memory_space<hbm>>
      %dma_start3A_2263 = tpu.memref_slice %arg4[%add3A_2255] : memref<32768xf32, #tpu.memory_space<vmem>> -> memref<128xf32, #tpu.memory_space<vmem>>
      tpu.enqueue_dma source(%dma_start3A_2263 : memref<128xf32, #tpu.memory_space<vmem>>) target(%dma_start3A_2262 : memref<128xf32, #tpu.memory_space<hbm>>) target_semaphore(%arg5 : memref<!tpu.dma_semaphore, #tpu.memory_space<semaphore_mem>>)
      %add3A_2264 = arith.constant 28672 : i32
      %add3A_2265 = arith.addi %add3A_2264, %sub3A_1598 : i32
      %add3A_2266 = arith.constant 768 : i32
      %add3A_2267 = arith.addi %add3A_2265, %add3A_2266 : i32
      %add3A_2268 = arith.constant 6144 : i32
      %add3A_2269 = arith.addi %add3A_1603, %add3A_2268 : i32
      %add3A_2270 = arith.constant 896 : i32
      %add3A_2271 = arith.addi %add3A_2269, %add3A_2270 : i32
      %dma_start3A_2272 = tpu.memref_slice %arg4[%add3A_2267] : memref<32768xf32, #tpu.memory_space<vmem>> -> memref<128xf32, #tpu.memory_space<vmem>>
      %dma_start3A_2273 = tpu.memref_slice %arg3[%add3A_2271] : memref<67108864xf32, #tpu.memory_space<hbm>> -> memref<128xf32, #tpu.memory_space<hbm>>
      %dma_start3A_2274 = tpu.memref_slice %arg3[%add3A_2271] : memref<67108864xf32, #tpu.memory_space<hbm>> -> memref<128xf32, #tpu.memory_space<hbm>>
      %dma_start3A_2275 = tpu.memref_slice %arg4[%add3A_2267] : memref<32768xf32, #tpu.memory_space<vmem>> -> memref<128xf32, #tpu.memory_space<vmem>>
      tpu.enqueue_dma source(%dma_start3A_2275 : memref<128xf32, #tpu.memory_space<vmem>>) target(%dma_start3A_2274 : memref<128xf32, #tpu.memory_space<hbm>>) target_semaphore(%arg5 : memref<!tpu.dma_semaphore, #tpu.memory_space<semaphore_mem>>)
      %add3A_2276 = arith.constant 0 : i32
      %add3A_2277 = arith.addi %add3A_2276, %sub3A_1598 : i32
      %add3A_2278 = arith.constant 896 : i32
      %add3A_2279 = arith.addi %add3A_2277, %add3A_2278 : i32
      %add3A_2280 = arith.constant 7168 : i32
      %add3A_2281 = arith.addi %add3A_1603, %add3A_2280 : i32
      %add3A_2282 = arith.constant 0 : i32
      %add3A_2283 = arith.addi %add3A_2281, %add3A_2282 : i32
      %dma_start3A_2284 = tpu.memref_slice %arg4[%add3A_2279] : memref<32768xf32, #tpu.memory_space<vmem>> -> memref<128xf32, #tpu.memory_space<vmem>>
      %dma_start3A_2285 = tpu.memref_slice %arg3[%add3A_2283] : memref<67108864xf32, #tpu.memory_space<hbm>> -> memref<128xf32, #tpu.memory_space<hbm>>
      %dma_start3A_2286 = tpu.memref_slice %arg3[%add3A_2283] : memref<67108864xf32, #tpu.memory_space<hbm>> -> memref<128xf32, #tpu.memory_space<hbm>>
      %dma_start3A_2287 = tpu.memref_slice %arg4[%add3A_2279] : memref<32768xf32, #tpu.memory_space<vmem>> -> memref<128xf32, #tpu.memory_space<vmem>>
      tpu.enqueue_dma source(%dma_start3A_2287 : memref<128xf32, #tpu.memory_space<vmem>>) target(%dma_start3A_2286 : memref<128xf32, #tpu.memory_space<hbm>>) target_semaphore(%arg5 : memref<!tpu.dma_semaphore, #tpu.memory_space<semaphore_mem>>)
      %add3A_2288 = arith.constant 4096 : i32
      %add3A_2289 = arith.addi %add3A_2288, %sub3A_1598 : i32
      %add3A_2290 = arith.constant 896 : i32
      %add3A_2291 = arith.addi %add3A_2289, %add3A_2290 : i32
      %add3A_2292 = arith.constant 7168 : i32
      %add3A_2293 = arith.addi %add3A_1603, %add3A_2292 : i32
      %add3A_2294 = arith.constant 128 : i32
      %add3A_2295 = arith.addi %add3A_2293, %add3A_2294 : i32
      %dma_start3A_2296 = tpu.memref_slice %arg4[%add3A_2291] : memref<32768xf32, #tpu.memory_space<vmem>> -> memref<128xf32, #tpu.memory_space<vmem>>
      %dma_start3A_2297 = tpu.memref_slice %arg3[%add3A_2295] : memref<67108864xf32, #tpu.memory_space<hbm>> -> memref<128xf32, #tpu.memory_space<hbm>>
      %dma_start3A_2298 = tpu.memref_slice %arg3[%add3A_2295] : memref<67108864xf32, #tpu.memory_space<hbm>> -> memref<128xf32, #tpu.memory_space<hbm>>
      %dma_start3A_2299 = tpu.memref_slice %arg4[%add3A_2291] : memref<32768xf32, #tpu.memory_space<vmem>> -> memref<128xf32, #tpu.memory_space<vmem>>
      tpu.enqueue_dma source(%dma_start3A_2299 : memref<128xf32, #tpu.memory_space<vmem>>) target(%dma_start3A_2298 : memref<128xf32, #tpu.memory_space<hbm>>) target_semaphore(%arg5 : memref<!tpu.dma_semaphore, #tpu.memory_space<semaphore_mem>>)
      %add3A_2300 = arith.constant 8192 : i32
      %add3A_2301 = arith.addi %add3A_2300, %sub3A_1598 : i32
      %add3A_2302 = arith.constant 896 : i32
      %add3A_2303 = arith.addi %add3A_2301, %add3A_2302 : i32
      %add3A_2304 = arith.constant 7168 : i32
      %add3A_2305 = arith.addi %add3A_1603, %add3A_2304 : i32
      %add3A_2306 = arith.constant 256 : i32
      %add3A_2307 = arith.addi %add3A_2305, %add3A_2306 : i32
      %dma_start3A_2308 = tpu.memref_slice %arg4[%add3A_2303] : memref<32768xf32, #tpu.memory_space<vmem>> -> memref<128xf32, #tpu.memory_space<vmem>>
      %dma_start3A_2309 = tpu.memref_slice %arg3[%add3A_2307] : memref<67108864xf32, #tpu.memory_space<hbm>> -> memref<128xf32, #tpu.memory_space<hbm>>
      %dma_start3A_2310 = tpu.memref_slice %arg3[%add3A_2307] : memref<67108864xf32, #tpu.memory_space<hbm>> -> memref<128xf32, #tpu.memory_space<hbm>>
      %dma_start3A_2311 = tpu.memref_slice %arg4[%add3A_2303] : memref<32768xf32, #tpu.memory_space<vmem>> -> memref<128xf32, #tpu.memory_space<vmem>>
      tpu.enqueue_dma source(%dma_start3A_2311 : memref<128xf32, #tpu.memory_space<vmem>>) target(%dma_start3A_2310 : memref<128xf32, #tpu.memory_space<hbm>>) target_semaphore(%arg5 : memref<!tpu.dma_semaphore, #tpu.memory_space<semaphore_mem>>)
      %add3A_2312 = arith.constant 12288 : i32
      %add3A_2313 = arith.addi %add3A_2312, %sub3A_1598 : i32
      %add3A_2314 = arith.constant 896 : i32
      %add3A_2315 = arith.addi %add3A_2313, %add3A_2314 : i32
      %add3A_2316 = arith.constant 7168 : i32
      %add3A_2317 = arith.addi %add3A_1603, %add3A_2316 : i32
      %add3A_2318 = arith.constant 384 : i32
      %add3A_2319 = arith.addi %add3A_2317, %add3A_2318 : i32
      %dma_start3A_2320 = tpu.memref_slice %arg4[%add3A_2315] : memref<32768xf32, #tpu.memory_space<vmem>> -> memref<128xf32, #tpu.memory_space<vmem>>
      %dma_start3A_2321 = tpu.memref_slice %arg3[%add3A_2319] : memref<67108864xf32, #tpu.memory_space<hbm>> -> memref<128xf32, #tpu.memory_space<hbm>>
      %dma_start3A_2322 = tpu.memref_slice %arg3[%add3A_2319] : memref<67108864xf32, #tpu.memory_space<hbm>> -> memref<128xf32, #tpu.memory_space<hbm>>
      %dma_start3A_2323 = tpu.memref_slice %arg4[%add3A_2315] : memref<32768xf32, #tpu.memory_space<vmem>> -> memref<128xf32, #tpu.memory_space<vmem>>
      tpu.enqueue_dma source(%dma_start3A_2323 : memref<128xf32, #tpu.memory_space<vmem>>) target(%dma_start3A_2322 : memref<128xf32, #tpu.memory_space<hbm>>) target_semaphore(%arg5 : memref<!tpu.dma_semaphore, #tpu.memory_space<semaphore_mem>>)
      %add3A_2324 = arith.constant 16384 : i32
      %add3A_2325 = arith.addi %add3A_2324, %sub3A_1598 : i32
      %add3A_2326 = arith.constant 896 : i32
      %add3A_2327 = arith.addi %add3A_2325, %add3A_2326 : i32
      %add3A_2328 = arith.constant 7168 : i32
      %add3A_2329 = arith.addi %add3A_1603, %add3A_2328 : i32
      %add3A_2330 = arith.constant 512 : i32
      %add3A_2331 = arith.addi %add3A_2329, %add3A_2330 : i32
      %dma_start3A_2332 = tpu.memref_slice %arg4[%add3A_2327] : memref<32768xf32, #tpu.memory_space<vmem>> -> memref<128xf32, #tpu.memory_space<vmem>>
      %dma_start3A_2333 = tpu.memref_slice %arg3[%add3A_2331] : memref<67108864xf32, #tpu.memory_space<hbm>> -> memref<128xf32, #tpu.memory_space<hbm>>
      %dma_start3A_2334 = tpu.memref_slice %arg3[%add3A_2331] : memref<67108864xf32, #tpu.memory_space<hbm>> -> memref<128xf32, #tpu.memory_space<hbm>>
      %dma_start3A_2335 = tpu.memref_slice %arg4[%add3A_2327] : memref<32768xf32, #tpu.memory_space<vmem>> -> memref<128xf32, #tpu.memory_space<vmem>>
      tpu.enqueue_dma source(%dma_start3A_2335 : memref<128xf32, #tpu.memory_space<vmem>>) target(%dma_start3A_2334 : memref<128xf32, #tpu.memory_space<hbm>>) target_semaphore(%arg5 : memref<!tpu.dma_semaphore, #tpu.memory_space<semaphore_mem>>)
      %add3A_2336 = arith.constant 20480 : i32
      %add3A_2337 = arith.addi %add3A_2336, %sub3A_1598 : i32
      %add3A_2338 = arith.constant 896 : i32
      %add3A_2339 = arith.addi %add3A_2337, %add3A_2338 : i32
      %add3A_2340 = arith.constant 7168 : i32
      %add3A_2341 = arith.addi %add3A_1603, %add3A_2340 : i32
      %add3A_2342 = arith.constant 640 : i32
      %add3A_2343 = arith.addi %add3A_2341, %add3A_2342 : i32
      %dma_start3A_2344 = tpu.memref_slice %arg4[%add3A_2339] : memref<32768xf32, #tpu.memory_space<vmem>> -> memref<128xf32, #tpu.memory_space<vmem>>
      %dma_start3A_2345 = tpu.memref_slice %arg3[%add3A_2343] : memref<67108864xf32, #tpu.memory_space<hbm>> -> memref<128xf32, #tpu.memory_space<hbm>>
      %dma_start3A_2346 = tpu.memref_slice %arg3[%add3A_2343] : memref<67108864xf32, #tpu.memory_space<hbm>> -> memref<128xf32, #tpu.memory_space<hbm>>
      %dma_start3A_2347 = tpu.memref_slice %arg4[%add3A_2339] : memref<32768xf32, #tpu.memory_space<vmem>> -> memref<128xf32, #tpu.memory_space<vmem>>
      tpu.enqueue_dma source(%dma_start3A_2347 : memref<128xf32, #tpu.memory_space<vmem>>) target(%dma_start3A_2346 : memref<128xf32, #tpu.memory_space<hbm>>) target_semaphore(%arg5 : memref<!tpu.dma_semaphore, #tpu.memory_space<semaphore_mem>>)
      %add3A_2348 = arith.constant 24576 : i32
      %add3A_2349 = arith.addi %add3A_2348, %sub3A_1598 : i32
      %add3A_2350 = arith.constant 896 : i32
      %add3A_2351 = arith.addi %add3A_2349, %add3A_2350 : i32
      %add3A_2352 = arith.constant 7168 : i32
      %add3A_2353 = arith.addi %add3A_1603, %add3A_2352 : i32
      %add3A_2354 = arith.constant 768 : i32
      %add3A_2355 = arith.addi %add3A_2353, %add3A_2354 : i32
      %dma_start3A_2356 = tpu.memref_slice %arg4[%add3A_2351] : memref<32768xf32, #tpu.memory_space<vmem>> -> memref<128xf32, #tpu.memory_space<vmem>>
      %dma_start3A_2357 = tpu.memref_slice %arg3[%add3A_2355] : memref<67108864xf32, #tpu.memory_space<hbm>> -> memref<128xf32, #tpu.memory_space<hbm>>
      %dma_start3A_2358 = tpu.memref_slice %arg3[%add3A_2355] : memref<67108864xf32, #tpu.memory_space<hbm>> -> memref<128xf32, #tpu.memory_space<hbm>>
      %dma_start3A_2359 = tpu.memref_slice %arg4[%add3A_2351] : memref<32768xf32, #tpu.memory_space<vmem>> -> memref<128xf32, #tpu.memory_space<vmem>>
      tpu.enqueue_dma source(%dma_start3A_2359 : memref<128xf32, #tpu.memory_space<vmem>>) target(%dma_start3A_2358 : memref<128xf32, #tpu.memory_space<hbm>>) target_semaphore(%arg5 : memref<!tpu.dma_semaphore, #tpu.memory_space<semaphore_mem>>)
      %add3A_2360 = arith.constant 28672 : i32
      %add3A_2361 = arith.addi %add3A_2360, %sub3A_1598 : i32
      %add3A_2362 = arith.constant 896 : i32
      %add3A_2363 = arith.addi %add3A_2361, %add3A_2362 : i32
      %add3A_2364 = arith.constant 7168 : i32
      %add3A_2365 = arith.addi %add3A_1603, %add3A_2364 : i32
      %add3A_2366 = arith.constant 896 : i32
      %add3A_2367 = arith.addi %add3A_2365, %add3A_2366 : i32
      %dma_start3A_2368 = tpu.memref_slice %arg4[%add3A_2363] : memref<32768xf32, #tpu.memory_space<vmem>> -> memref<128xf32, #tpu.memory_space<vmem>>
      %dma_start3A_2369 = tpu.memref_slice %arg3[%add3A_2367] : memref<67108864xf32, #tpu.memory_space<hbm>> -> memref<128xf32, #tpu.memory_space<hbm>>
      %dma_start3A_2370 = tpu.memref_slice %arg3[%add3A_2367] : memref<67108864xf32, #tpu.memory_space<hbm>> -> memref<128xf32, #tpu.memory_space<hbm>>
      %dma_start3A_2371 = tpu.memref_slice %arg4[%add3A_2363] : memref<32768xf32, #tpu.memory_space<vmem>> -> memref<128xf32, #tpu.memory_space<vmem>>
      tpu.enqueue_dma source(%dma_start3A_2371 : memref<128xf32, #tpu.memory_space<vmem>>) target(%dma_start3A_2370 : memref<128xf32, #tpu.memory_space<hbm>>) target_semaphore(%arg5 : memref<!tpu.dma_semaphore, #tpu.memory_space<semaphore_mem>>)
      %add3A_2372 = arith.constant 0 : i32
      %add3A_2373 = arith.addi %add3A_2372, %sub3A_1598 : i32
      %add3A_2374 = arith.constant 1024 : i32
      %add3A_2375 = arith.addi %add3A_2373, %add3A_2374 : i32
      %add3A_2376 = arith.constant 8192 : i32
      %add3A_2377 = arith.addi %add3A_1603, %add3A_2376 : i32
      %add3A_2378 = arith.constant 0 : i32
      %add3A_2379 = arith.addi %add3A_2377, %add3A_2378 : i32
      %dma_start3A_2380 = tpu.memref_slice %arg4[%add3A_2375] : memref<32768xf32, #tpu.memory_space<vmem>> -> memref<128xf32, #tpu.memory_space<vmem>>
      %dma_start3A_2381 = tpu.memref_slice %arg3[%add3A_2379] : memref<67108864xf32, #tpu.memory_space<hbm>> -> memref<128xf32, #tpu.memory_space<hbm>>
      %dma_start3A_2382 = tpu.memref_slice %arg3[%add3A_2379] : memref<67108864xf32, #tpu.memory_space<hbm>> -> memref<128xf32, #tpu.memory_space<hbm>>
      %dma_start3A_2383 = tpu.memref_slice %arg4[%add3A_2375] : memref<32768xf32, #tpu.memory_space<vmem>> -> memref<128xf32, #tpu.memory_space<vmem>>
      tpu.enqueue_dma source(%dma_start3A_2383 : memref<128xf32, #tpu.memory_space<vmem>>) target(%dma_start3A_2382 : memref<128xf32, #tpu.memory_space<hbm>>) target_semaphore(%arg5 : memref<!tpu.dma_semaphore, #tpu.memory_space<semaphore_mem>>)
      %add3A_2384 = arith.constant 4096 : i32
      %add3A_2385 = arith.addi %add3A_2384, %sub3A_1598 : i32
      %add3A_2386 = arith.constant 1024 : i32
      %add3A_2387 = arith.addi %add3A_2385, %add3A_2386 : i32
      %add3A_2388 = arith.constant 8192 : i32
      %add3A_2389 = arith.addi %add3A_1603, %add3A_2388 : i32
      %add3A_2390 = arith.constant 128 : i32
      %add3A_2391 = arith.addi %add3A_2389, %add3A_2390 : i32
      %dma_start3A_2392 = tpu.memref_slice %arg4[%add3A_2387] : memref<32768xf32, #tpu.memory_space<vmem>> -> memref<128xf32, #tpu.memory_space<vmem>>
      %dma_start3A_2393 = tpu.memref_slice %arg3[%add3A_2391] : memref<67108864xf32, #tpu.memory_space<hbm>> -> memref<128xf32, #tpu.memory_space<hbm>>
      %dma_start3A_2394 = tpu.memref_slice %arg3[%add3A_2391] : memref<67108864xf32, #tpu.memory_space<hbm>> -> memref<128xf32, #tpu.memory_space<hbm>>
      %dma_start3A_2395 = tpu.memref_slice %arg4[%add3A_2387] : memref<32768xf32, #tpu.memory_space<vmem>> -> memref<128xf32, #tpu.memory_space<vmem>>
      tpu.enqueue_dma source(%dma_start3A_2395 : memref<128xf32, #tpu.memory_space<vmem>>) target(%dma_start3A_2394 : memref<128xf32, #tpu.memory_space<hbm>>) target_semaphore(%arg5 : memref<!tpu.dma_semaphore, #tpu.memory_space<semaphore_mem>>)
      %add3A_2396 = arith.constant 8192 : i32
      %add3A_2397 = arith.addi %add3A_2396, %sub3A_1598 : i32
      %add3A_2398 = arith.constant 1024 : i32
      %add3A_2399 = arith.addi %add3A_2397, %add3A_2398 : i32
      %add3A_2400 = arith.constant 8192 : i32
      %add3A_2401 = arith.addi %add3A_1603, %add3A_2400 : i32
      %add3A_2402 = arith.constant 256 : i32
      %add3A_2403 = arith.addi %add3A_2401, %add3A_2402 : i32
      %dma_start3A_2404 = tpu.memref_slice %arg4[%add3A_2399] : memref<32768xf32, #tpu.memory_space<vmem>> -> memref<128xf32, #tpu.memory_space<vmem>>
      %dma_start3A_2405 = tpu.memref_slice %arg3[%add3A_2403] : memref<67108864xf32, #tpu.memory_space<hbm>> -> memref<128xf32, #tpu.memory_space<hbm>>
      %dma_start3A_2406 = tpu.memref_slice %arg3[%add3A_2403] : memref<67108864xf32, #tpu.memory_space<hbm>> -> memref<128xf32, #tpu.memory_space<hbm>>
      %dma_start3A_2407 = tpu.memref_slice %arg4[%add3A_2399] : memref<32768xf32, #tpu.memory_space<vmem>> -> memref<128xf32, #tpu.memory_space<vmem>>
      tpu.enqueue_dma source(%dma_start3A_2407 : memref<128xf32, #tpu.memory_space<vmem>>) target(%dma_start3A_2406 : memref<128xf32, #tpu.memory_space<hbm>>) target_semaphore(%arg5 : memref<!tpu.dma_semaphore, #tpu.memory_space<semaphore_mem>>)
      %add3A_2408 = arith.constant 12288 : i32
      %add3A_2409 = arith.addi %add3A_2408, %sub3A_1598 : i32
      %add3A_2410 = arith.constant 1024 : i32
      %add3A_2411 = arith.addi %add3A_2409, %add3A_2410 : i32
      %add3A_2412 = arith.constant 8192 : i32
      %add3A_2413 = arith.addi %add3A_1603, %add3A_2412 : i32
      %add3A_2414 = arith.constant 384 : i32
      %add3A_2415 = arith.addi %add3A_2413, %add3A_2414 : i32
      %dma_start3A_2416 = tpu.memref_slice %arg4[%add3A_2411] : memref<32768xf32, #tpu.memory_space<vmem>> -> memref<128xf32, #tpu.memory_space<vmem>>
      %dma_start3A_2417 = tpu.memref_slice %arg3[%add3A_2415] : memref<67108864xf32, #tpu.memory_space<hbm>> -> memref<128xf32, #tpu.memory_space<hbm>>
      %dma_start3A_2418 = tpu.memref_slice %arg3[%add3A_2415] : memref<67108864xf32, #tpu.memory_space<hbm>> -> memref<128xf32, #tpu.memory_space<hbm>>
      %dma_start3A_2419 = tpu.memref_slice %arg4[%add3A_2411] : memref<32768xf32, #tpu.memory_space<vmem>> -> memref<128xf32, #tpu.memory_space<vmem>>
      tpu.enqueue_dma source(%dma_start3A_2419 : memref<128xf32, #tpu.memory_space<vmem>>) target(%dma_start3A_2418 : memref<128xf32, #tpu.memory_space<hbm>>) target_semaphore(%arg5 : memref<!tpu.dma_semaphore, #tpu.memory_space<semaphore_mem>>)
      %add3A_2420 = arith.constant 16384 : i32
      %add3A_2421 = arith.addi %add3A_2420, %sub3A_1598 : i32
      %add3A_2422 = arith.constant 1024 : i32
      %add3A_2423 = arith.addi %add3A_2421, %add3A_2422 : i32
      %add3A_2424 = arith.constant 8192 : i32
      %add3A_2425 = arith.addi %add3A_1603, %add3A_2424 : i32
      %add3A_2426 = arith.constant 512 : i32
      %add3A_2427 = arith.addi %add3A_2425, %add3A_2426 : i32
      %dma_start3A_2428 = tpu.memref_slice %arg4[%add3A_2423] : memref<32768xf32, #tpu.memory_space<vmem>> -> memref<128xf32, #tpu.memory_space<vmem>>
      %dma_start3A_2429 = tpu.memref_slice %arg3[%add3A_2427] : memref<67108864xf32, #tpu.memory_space<hbm>> -> memref<128xf32, #tpu.memory_space<hbm>>
      %dma_start3A_2430 = tpu.memref_slice %arg3[%add3A_2427] : memref<67108864xf32, #tpu.memory_space<hbm>> -> memref<128xf32, #tpu.memory_space<hbm>>
      %dma_start3A_2431 = tpu.memref_slice %arg4[%add3A_2423] : memref<32768xf32, #tpu.memory_space<vmem>> -> memref<128xf32, #tpu.memory_space<vmem>>
      tpu.enqueue_dma source(%dma_start3A_2431 : memref<128xf32, #tpu.memory_space<vmem>>) target(%dma_start3A_2430 : memref<128xf32, #tpu.memory_space<hbm>>) target_semaphore(%arg5 : memref<!tpu.dma_semaphore, #tpu.memory_space<semaphore_mem>>)
      %add3A_2432 = arith.constant 20480 : i32
      %add3A_2433 = arith.addi %add3A_2432, %sub3A_1598 : i32
      %add3A_2434 = arith.constant 1024 : i32
      %add3A_2435 = arith.addi %add3A_2433, %add3A_2434 : i32
      %add3A_2436 = arith.constant 8192 : i32
      %add3A_2437 = arith.addi %add3A_1603, %add3A_2436 : i32
      %add3A_2438 = arith.constant 640 : i32
      %add3A_2439 = arith.addi %add3A_2437, %add3A_2438 : i32
      %dma_start3A_2440 = tpu.memref_slice %arg4[%add3A_2435] : memref<32768xf32, #tpu.memory_space<vmem>> -> memref<128xf32, #tpu.memory_space<vmem>>
      %dma_start3A_2441 = tpu.memref_slice %arg3[%add3A_2439] : memref<67108864xf32, #tpu.memory_space<hbm>> -> memref<128xf32, #tpu.memory_space<hbm>>
      %dma_start3A_2442 = tpu.memref_slice %arg3[%add3A_2439] : memref<67108864xf32, #tpu.memory_space<hbm>> -> memref<128xf32, #tpu.memory_space<hbm>>
      %dma_start3A_2443 = tpu.memref_slice %arg4[%add3A_2435] : memref<32768xf32, #tpu.memory_space<vmem>> -> memref<128xf32, #tpu.memory_space<vmem>>
      tpu.enqueue_dma source(%dma_start3A_2443 : memref<128xf32, #tpu.memory_space<vmem>>) target(%dma_start3A_2442 : memref<128xf32, #tpu.memory_space<hbm>>) target_semaphore(%arg5 : memref<!tpu.dma_semaphore, #tpu.memory_space<semaphore_mem>>)
      %add3A_2444 = arith.constant 24576 : i32
      %add3A_2445 = arith.addi %add3A_2444, %sub3A_1598 : i32
      %add3A_2446 = arith.constant 1024 : i32
      %add3A_2447 = arith.addi %add3A_2445, %add3A_2446 : i32
      %add3A_2448 = arith.constant 8192 : i32
      %add3A_2449 = arith.addi %add3A_1603, %add3A_2448 : i32
      %add3A_2450 = arith.constant 768 : i32
      %add3A_2451 = arith.addi %add3A_2449, %add3A_2450 : i32
      %dma_start3A_2452 = tpu.memref_slice %arg4[%add3A_2447] : memref<32768xf32, #tpu.memory_space<vmem>> -> memref<128xf32, #tpu.memory_space<vmem>>
      %dma_start3A_2453 = tpu.memref_slice %arg3[%add3A_2451] : memref<67108864xf32, #tpu.memory_space<hbm>> -> memref<128xf32, #tpu.memory_space<hbm>>
      %dma_start3A_2454 = tpu.memref_slice %arg3[%add3A_2451] : memref<67108864xf32, #tpu.memory_space<hbm>> -> memref<128xf32, #tpu.memory_space<hbm>>
      %dma_start3A_2455 = tpu.memref_slice %arg4[%add3A_2447] : memref<32768xf32, #tpu.memory_space<vmem>> -> memref<128xf32, #tpu.memory_space<vmem>>
      tpu.enqueue_dma source(%dma_start3A_2455 : memref<128xf32, #tpu.memory_space<vmem>>) target(%dma_start3A_2454 : memref<128xf32, #tpu.memory_space<hbm>>) target_semaphore(%arg5 : memref<!tpu.dma_semaphore, #tpu.memory_space<semaphore_mem>>)
      %add3A_2456 = arith.constant 28672 : i32
      %add3A_2457 = arith.addi %add3A_2456, %sub3A_1598 : i32
      %add3A_2458 = arith.constant 1024 : i32
      %add3A_2459 = arith.addi %add3A_2457, %add3A_2458 : i32
      %add3A_2460 = arith.constant 8192 : i32
      %add3A_2461 = arith.addi %add3A_1603, %add3A_2460 : i32
      %add3A_2462 = arith.constant 896 : i32
      %add3A_2463 = arith.addi %add3A_2461, %add3A_2462 : i32
      %dma_start3A_2464 = tpu.memref_slice %arg4[%add3A_2459] : memref<32768xf32, #tpu.memory_space<vmem>> -> memref<128xf32, #tpu.memory_space<vmem>>
      %dma_start3A_2465 = tpu.memref_slice %arg3[%add3A_2463] : memref<67108864xf32, #tpu.memory_space<hbm>> -> memref<128xf32, #tpu.memory_space<hbm>>
      %dma_start3A_2466 = tpu.memref_slice %arg3[%add3A_2463] : memref<67108864xf32, #tpu.memory_space<hbm>> -> memref<128xf32, #tpu.memory_space<hbm>>
      %dma_start3A_2467 = tpu.memref_slice %arg4[%add3A_2459] : memref<32768xf32, #tpu.memory_space<vmem>> -> memref<128xf32, #tpu.memory_space<vmem>>
      tpu.enqueue_dma source(%dma_start3A_2467 : memref<128xf32, #tpu.memory_space<vmem>>) target(%dma_start3A_2466 : memref<128xf32, #tpu.memory_space<hbm>>) target_semaphore(%arg5 : memref<!tpu.dma_semaphore, #tpu.memory_space<semaphore_mem>>)
      %add3A_2468 = arith.constant 0 : i32
      %add3A_2469 = arith.addi %add3A_2468, %sub3A_1598 : i32
      %add3A_2470 = arith.constant 1152 : i32
      %add3A_2471 = arith.addi %add3A_2469, %add3A_2470 : i32
      %add3A_2472 = arith.constant 9216 : i32
      %add3A_2473 = arith.addi %add3A_1603, %add3A_2472 : i32
      %add3A_2474 = arith.constant 0 : i32
      %add3A_2475 = arith.addi %add3A_2473, %add3A_2474 : i32
      %dma_start3A_2476 = tpu.memref_slice %arg4[%add3A_2471] : memref<32768xf32, #tpu.memory_space<vmem>> -> memref<128xf32, #tpu.memory_space<vmem>>
      %dma_start3A_2477 = tpu.memref_slice %arg3[%add3A_2475] : memref<67108864xf32, #tpu.memory_space<hbm>> -> memref<128xf32, #tpu.memory_space<hbm>>
      %dma_start3A_2478 = tpu.memref_slice %arg3[%add3A_2475] : memref<67108864xf32, #tpu.memory_space<hbm>> -> memref<128xf32, #tpu.memory_space<hbm>>
      %dma_start3A_2479 = tpu.memref_slice %arg4[%add3A_2471] : memref<32768xf32, #tpu.memory_space<vmem>> -> memref<128xf32, #tpu.memory_space<vmem>>
      tpu.enqueue_dma source(%dma_start3A_2479 : memref<128xf32, #tpu.memory_space<vmem>>) target(%dma_start3A_2478 : memref<128xf32, #tpu.memory_space<hbm>>) target_semaphore(%arg5 : memref<!tpu.dma_semaphore, #tpu.memory_space<semaphore_mem>>)
      %add3A_2480 = arith.constant 4096 : i32
      %add3A_2481 = arith.addi %add3A_2480, %sub3A_1598 : i32
      %add3A_2482 = arith.constant 1152 : i32
      %add3A_2483 = arith.addi %add3A_2481, %add3A_2482 : i32
      %add3A_2484 = arith.constant 9216 : i32
      %add3A_2485 = arith.addi %add3A_1603, %add3A_2484 : i32
      %add3A_2486 = arith.constant 128 : i32
      %add3A_2487 = arith.addi %add3A_2485, %add3A_2486 : i32
      %dma_start3A_2488 = tpu.memref_slice %arg4[%add3A_2483] : memref<32768xf32, #tpu.memory_space<vmem>> -> memref<128xf32, #tpu.memory_space<vmem>>
      %dma_start3A_2489 = tpu.memref_slice %arg3[%add3A_2487] : memref<67108864xf32, #tpu.memory_space<hbm>> -> memref<128xf32, #tpu.memory_space<hbm>>
      %dma_start3A_2490 = tpu.memref_slice %arg3[%add3A_2487] : memref<67108864xf32, #tpu.memory_space<hbm>> -> memref<128xf32, #tpu.memory_space<hbm>>
      %dma_start3A_2491 = tpu.memref_slice %arg4[%add3A_2483] : memref<32768xf32, #tpu.memory_space<vmem>> -> memref<128xf32, #tpu.memory_space<vmem>>
      tpu.enqueue_dma source(%dma_start3A_2491 : memref<128xf32, #tpu.memory_space<vmem>>) target(%dma_start3A_2490 : memref<128xf32, #tpu.memory_space<hbm>>) target_semaphore(%arg5 : memref<!tpu.dma_semaphore, #tpu.memory_space<semaphore_mem>>)
      %add3A_2492 = arith.constant 8192 : i32
      %add3A_2493 = arith.addi %add3A_2492, %sub3A_1598 : i32
      %add3A_2494 = arith.constant 1152 : i32
      %add3A_2495 = arith.addi %add3A_2493, %add3A_2494 : i32
      %add3A_2496 = arith.constant 9216 : i32
      %add3A_2497 = arith.addi %add3A_1603, %add3A_2496 : i32
      %add3A_2498 = arith.constant 256 : i32
      %add3A_2499 = arith.addi %add3A_2497, %add3A_2498 : i32
      %dma_start3A_2500 = tpu.memref_slice %arg4[%add3A_2495] : memref<32768xf32, #tpu.memory_space<vmem>> -> memref<128xf32, #tpu.memory_space<vmem>>
      %dma_start3A_2501 = tpu.memref_slice %arg3[%add3A_2499] : memref<67108864xf32, #tpu.memory_space<hbm>> -> memref<128xf32, #tpu.memory_space<hbm>>
      %dma_start3A_2502 = tpu.memref_slice %arg3[%add3A_2499] : memref<67108864xf32, #tpu.memory_space<hbm>> -> memref<128xf32, #tpu.memory_space<hbm>>
      %dma_start3A_2503 = tpu.memref_slice %arg4[%add3A_2495] : memref<32768xf32, #tpu.memory_space<vmem>> -> memref<128xf32, #tpu.memory_space<vmem>>
      tpu.enqueue_dma source(%dma_start3A_2503 : memref<128xf32, #tpu.memory_space<vmem>>) target(%dma_start3A_2502 : memref<128xf32, #tpu.memory_space<hbm>>) target_semaphore(%arg5 : memref<!tpu.dma_semaphore, #tpu.memory_space<semaphore_mem>>)
      %add3A_2504 = arith.constant 12288 : i32
      %add3A_2505 = arith.addi %add3A_2504, %sub3A_1598 : i32
      %add3A_2506 = arith.constant 1152 : i32
      %add3A_2507 = arith.addi %add3A_2505, %add3A_2506 : i32
      %add3A_2508 = arith.constant 9216 : i32
      %add3A_2509 = arith.addi %add3A_1603, %add3A_2508 : i32
      %add3A_2510 = arith.constant 384 : i32
      %add3A_2511 = arith.addi %add3A_2509, %add3A_2510 : i32
      %dma_start3A_2512 = tpu.memref_slice %arg4[%add3A_2507] : memref<32768xf32, #tpu.memory_space<vmem>> -> memref<128xf32, #tpu.memory_space<vmem>>
      %dma_start3A_2513 = tpu.memref_slice %arg3[%add3A_2511] : memref<67108864xf32, #tpu.memory_space<hbm>> -> memref<128xf32, #tpu.memory_space<hbm>>
      %dma_start3A_2514 = tpu.memref_slice %arg3[%add3A_2511] : memref<67108864xf32, #tpu.memory_space<hbm>> -> memref<128xf32, #tpu.memory_space<hbm>>
      %dma_start3A_2515 = tpu.memref_slice %arg4[%add3A_2507] : memref<32768xf32, #tpu.memory_space<vmem>> -> memref<128xf32, #tpu.memory_space<vmem>>
      tpu.enqueue_dma source(%dma_start3A_2515 : memref<128xf32, #tpu.memory_space<vmem>>) target(%dma_start3A_2514 : memref<128xf32, #tpu.memory_space<hbm>>) target_semaphore(%arg5 : memref<!tpu.dma_semaphore, #tpu.memory_space<semaphore_mem>>)
      %add3A_2516 = arith.constant 16384 : i32
      %add3A_2517 = arith.addi %add3A_2516, %sub3A_1598 : i32
      %add3A_2518 = arith.constant 1152 : i32
      %add3A_2519 = arith.addi %add3A_2517, %add3A_2518 : i32
      %add3A_2520 = arith.constant 9216 : i32
      %add3A_2521 = arith.addi %add3A_1603, %add3A_2520 : i32
      %add3A_2522 = arith.constant 512 : i32
      %add3A_2523 = arith.addi %add3A_2521, %add3A_2522 : i32
      %dma_start3A_2524 = tpu.memref_slice %arg4[%add3A_2519] : memref<32768xf32, #tpu.memory_space<vmem>> -> memref<128xf32, #tpu.memory_space<vmem>>
      %dma_start3A_2525 = tpu.memref_slice %arg3[%add3A_2523] : memref<67108864xf32, #tpu.memory_space<hbm>> -> memref<128xf32, #tpu.memory_space<hbm>>
      %dma_start3A_2526 = tpu.memref_slice %arg3[%add3A_2523] : memref<67108864xf32, #tpu.memory_space<hbm>> -> memref<128xf32, #tpu.memory_space<hbm>>
      %dma_start3A_2527 = tpu.memref_slice %arg4[%add3A_2519] : memref<32768xf32, #tpu.memory_space<vmem>> -> memref<128xf32, #tpu.memory_space<vmem>>
      tpu.enqueue_dma source(%dma_start3A_2527 : memref<128xf32, #tpu.memory_space<vmem>>) target(%dma_start3A_2526 : memref<128xf32, #tpu.memory_space<hbm>>) target_semaphore(%arg5 : memref<!tpu.dma_semaphore, #tpu.memory_space<semaphore_mem>>)
      %add3A_2528 = arith.constant 20480 : i32
      %add3A_2529 = arith.addi %add3A_2528, %sub3A_1598 : i32
      %add3A_2530 = arith.constant 1152 : i32
      %add3A_2531 = arith.addi %add3A_2529, %add3A_2530 : i32
      %add3A_2532 = arith.constant 9216 : i32
      %add3A_2533 = arith.addi %add3A_1603, %add3A_2532 : i32
      %add3A_2534 = arith.constant 640 : i32
      %add3A_2535 = arith.addi %add3A_2533, %add3A_2534 : i32
      %dma_start3A_2536 = tpu.memref_slice %arg4[%add3A_2531] : memref<32768xf32, #tpu.memory_space<vmem>> -> memref<128xf32, #tpu.memory_space<vmem>>
      %dma_start3A_2537 = tpu.memref_slice %arg3[%add3A_2535] : memref<67108864xf32, #tpu.memory_space<hbm>> -> memref<128xf32, #tpu.memory_space<hbm>>
      %dma_start3A_2538 = tpu.memref_slice %arg3[%add3A_2535] : memref<67108864xf32, #tpu.memory_space<hbm>> -> memref<128xf32, #tpu.memory_space<hbm>>
      %dma_start3A_2539 = tpu.memref_slice %arg4[%add3A_2531] : memref<32768xf32, #tpu.memory_space<vmem>> -> memref<128xf32, #tpu.memory_space<vmem>>
      tpu.enqueue_dma source(%dma_start3A_2539 : memref<128xf32, #tpu.memory_space<vmem>>) target(%dma_start3A_2538 : memref<128xf32, #tpu.memory_space<hbm>>) target_semaphore(%arg5 : memref<!tpu.dma_semaphore, #tpu.memory_space<semaphore_mem>>)
      %add3A_2540 = arith.constant 24576 : i32
      %add3A_2541 = arith.addi %add3A_2540, %sub3A_1598 : i32
      %add3A_2542 = arith.constant 1152 : i32
      %add3A_2543 = arith.addi %add3A_2541, %add3A_2542 : i32
      %add3A_2544 = arith.constant 9216 : i32
      %add3A_2545 = arith.addi %add3A_1603, %add3A_2544 : i32
      %add3A_2546 = arith.constant 768 : i32
      %add3A_2547 = arith.addi %add3A_2545, %add3A_2546 : i32
      %dma_start3A_2548 = tpu.memref_slice %arg4[%add3A_2543] : memref<32768xf32, #tpu.memory_space<vmem>> -> memref<128xf32, #tpu.memory_space<vmem>>
      %dma_start3A_2549 = tpu.memref_slice %arg3[%add3A_2547] : memref<67108864xf32, #tpu.memory_space<hbm>> -> memref<128xf32, #tpu.memory_space<hbm>>
      %dma_start3A_2550 = tpu.memref_slice %arg3[%add3A_2547] : memref<67108864xf32, #tpu.memory_space<hbm>> -> memref<128xf32, #tpu.memory_space<hbm>>
      %dma_start3A_2551 = tpu.memref_slice %arg4[%add3A_2543] : memref<32768xf32, #tpu.memory_space<vmem>> -> memref<128xf32, #tpu.memory_space<vmem>>
      tpu.enqueue_dma source(%dma_start3A_2551 : memref<128xf32, #tpu.memory_space<vmem>>) target(%dma_start3A_2550 : memref<128xf32, #tpu.memory_space<hbm>>) target_semaphore(%arg5 : memref<!tpu.dma_semaphore, #tpu.memory_space<semaphore_mem>>)
      %add3A_2552 = arith.constant 28672 : i32
      %add3A_2553 = arith.addi %add3A_2552, %sub3A_1598 : i32
      %add3A_2554 = arith.constant 1152 : i32
      %add3A_2555 = arith.addi %add3A_2553, %add3A_2554 : i32
      %add3A_2556 = arith.constant 9216 : i32
      %add3A_2557 = arith.addi %add3A_1603, %add3A_2556 : i32
      %add3A_2558 = arith.constant 896 : i32
      %add3A_2559 = arith.addi %add3A_2557, %add3A_2558 : i32
      %dma_start3A_2560 = tpu.memref_slice %arg4[%add3A_2555] : memref<32768xf32, #tpu.memory_space<vmem>> -> memref<128xf32, #tpu.memory_space<vmem>>
      %dma_start3A_2561 = tpu.memref_slice %arg3[%add3A_2559] : memref<67108864xf32, #tpu.memory_space<hbm>> -> memref<128xf32, #tpu.memory_space<hbm>>
      %dma_start3A_2562 = tpu.memref_slice %arg3[%add3A_2559] : memref<67108864xf32, #tpu.memory_space<hbm>> -> memref<128xf32, #tpu.memory_space<hbm>>
      %dma_start3A_2563 = tpu.memref_slice %arg4[%add3A_2555] : memref<32768xf32, #tpu.memory_space<vmem>> -> memref<128xf32, #tpu.memory_space<vmem>>
      tpu.enqueue_dma source(%dma_start3A_2563 : memref<128xf32, #tpu.memory_space<vmem>>) target(%dma_start3A_2562 : memref<128xf32, #tpu.memory_space<hbm>>) target_semaphore(%arg5 : memref<!tpu.dma_semaphore, #tpu.memory_space<semaphore_mem>>)
      %add3A_2564 = arith.constant 0 : i32
      %add3A_2565 = arith.addi %add3A_2564, %sub3A_1598 : i32
      %add3A_2566 = arith.constant 1280 : i32
      %add3A_2567 = arith.addi %add3A_2565, %add3A_2566 : i32
      %add3A_2568 = arith.constant 10240 : i32
      %add3A_2569 = arith.addi %add3A_1603, %add3A_2568 : i32
      %add3A_2570 = arith.constant 0 : i32
      %add3A_2571 = arith.addi %add3A_2569, %add3A_2570 : i32
      %dma_start3A_2572 = tpu.memref_slice %arg4[%add3A_2567] : memref<32768xf32, #tpu.memory_space<vmem>> -> memref<128xf32, #tpu.memory_space<vmem>>
      %dma_start3A_2573 = tpu.memref_slice %arg3[%add3A_2571] : memref<67108864xf32, #tpu.memory_space<hbm>> -> memref<128xf32, #tpu.memory_space<hbm>>
      %dma_start3A_2574 = tpu.memref_slice %arg3[%add3A_2571] : memref<67108864xf32, #tpu.memory_space<hbm>> -> memref<128xf32, #tpu.memory_space<hbm>>
      %dma_start3A_2575 = tpu.memref_slice %arg4[%add3A_2567] : memref<32768xf32, #tpu.memory_space<vmem>> -> memref<128xf32, #tpu.memory_space<vmem>>
      tpu.enqueue_dma source(%dma_start3A_2575 : memref<128xf32, #tpu.memory_space<vmem>>) target(%dma_start3A_2574 : memref<128xf32, #tpu.memory_space<hbm>>) target_semaphore(%arg5 : memref<!tpu.dma_semaphore, #tpu.memory_space<semaphore_mem>>)
      %add3A_2576 = arith.constant 4096 : i32
      %add3A_2577 = arith.addi %add3A_2576, %sub3A_1598 : i32
      %add3A_2578 = arith.constant 1280 : i32
      %add3A_2579 = arith.addi %add3A_2577, %add3A_2578 : i32
      %add3A_2580 = arith.constant 10240 : i32
      %add3A_2581 = arith.addi %add3A_1603, %add3A_2580 : i32
      %add3A_2582 = arith.constant 128 : i32
      %add3A_2583 = arith.addi %add3A_2581, %add3A_2582 : i32
      %dma_start3A_2584 = tpu.memref_slice %arg4[%add3A_2579] : memref<32768xf32, #tpu.memory_space<vmem>> -> memref<128xf32, #tpu.memory_space<vmem>>
      %dma_start3A_2585 = tpu.memref_slice %arg3[%add3A_2583] : memref<67108864xf32, #tpu.memory_space<hbm>> -> memref<128xf32, #tpu.memory_space<hbm>>
      %dma_start3A_2586 = tpu.memref_slice %arg3[%add3A_2583] : memref<67108864xf32, #tpu.memory_space<hbm>> -> memref<128xf32, #tpu.memory_space<hbm>>
      %dma_start3A_2587 = tpu.memref_slice %arg4[%add3A_2579] : memref<32768xf32, #tpu.memory_space<vmem>> -> memref<128xf32, #tpu.memory_space<vmem>>
      tpu.enqueue_dma source(%dma_start3A_2587 : memref<128xf32, #tpu.memory_space<vmem>>) target(%dma_start3A_2586 : memref<128xf32, #tpu.memory_space<hbm>>) target_semaphore(%arg5 : memref<!tpu.dma_semaphore, #tpu.memory_space<semaphore_mem>>)
      %add3A_2588 = arith.constant 8192 : i32
      %add3A_2589 = arith.addi %add3A_2588, %sub3A_1598 : i32
      %add3A_2590 = arith.constant 1280 : i32
      %add3A_2591 = arith.addi %add3A_2589, %add3A_2590 : i32
      %add3A_2592 = arith.constant 10240 : i32
      %add3A_2593 = arith.addi %add3A_1603, %add3A_2592 : i32
      %add3A_2594 = arith.constant 256 : i32
      %add3A_2595 = arith.addi %add3A_2593, %add3A_2594 : i32
      %dma_start3A_2596 = tpu.memref_slice %arg4[%add3A_2591] : memref<32768xf32, #tpu.memory_space<vmem>> -> memref<128xf32, #tpu.memory_space<vmem>>
      %dma_start3A_2597 = tpu.memref_slice %arg3[%add3A_2595] : memref<67108864xf32, #tpu.memory_space<hbm>> -> memref<128xf32, #tpu.memory_space<hbm>>
      %dma_start3A_2598 = tpu.memref_slice %arg3[%add3A_2595] : memref<67108864xf32, #tpu.memory_space<hbm>> -> memref<128xf32, #tpu.memory_space<hbm>>
      %dma_start3A_2599 = tpu.memref_slice %arg4[%add3A_2591] : memref<32768xf32, #tpu.memory_space<vmem>> -> memref<128xf32, #tpu.memory_space<vmem>>
      tpu.enqueue_dma source(%dma_start3A_2599 : memref<128xf32, #tpu.memory_space<vmem>>) target(%dma_start3A_2598 : memref<128xf32, #tpu.memory_space<hbm>>) target_semaphore(%arg5 : memref<!tpu.dma_semaphore, #tpu.memory_space<semaphore_mem>>)
      %add3A_2600 = arith.constant 12288 : i32
      %add3A_2601 = arith.addi %add3A_2600, %sub3A_1598 : i32
      %add3A_2602 = arith.constant 1280 : i32
      %add3A_2603 = arith.addi %add3A_2601, %add3A_2602 : i32
      %add3A_2604 = arith.constant 10240 : i32
      %add3A_2605 = arith.addi %add3A_1603, %add3A_2604 : i32
      %add3A_2606 = arith.constant 384 : i32
      %add3A_2607 = arith.addi %add3A_2605, %add3A_2606 : i32
      %dma_start3A_2608 = tpu.memref_slice %arg4[%add3A_2603] : memref<32768xf32, #tpu.memory_space<vmem>> -> memref<128xf32, #tpu.memory_space<vmem>>
      %dma_start3A_2609 = tpu.memref_slice %arg3[%add3A_2607] : memref<67108864xf32, #tpu.memory_space<hbm>> -> memref<128xf32, #tpu.memory_space<hbm>>
      %dma_start3A_2610 = tpu.memref_slice %arg3[%add3A_2607] : memref<67108864xf32, #tpu.memory_space<hbm>> -> memref<128xf32, #tpu.memory_space<hbm>>
      %dma_start3A_2611 = tpu.memref_slice %arg4[%add3A_2603] : memref<32768xf32, #tpu.memory_space<vmem>> -> memref<128xf32, #tpu.memory_space<vmem>>
      tpu.enqueue_dma source(%dma_start3A_2611 : memref<128xf32, #tpu.memory_space<vmem>>) target(%dma_start3A_2610 : memref<128xf32, #tpu.memory_space<hbm>>) target_semaphore(%arg5 : memref<!tpu.dma_semaphore, #tpu.memory_space<semaphore_mem>>)
      %add3A_2612 = arith.constant 16384 : i32
      %add3A_2613 = arith.addi %add3A_2612, %sub3A_1598 : i32
      %add3A_2614 = arith.constant 1280 : i32
      %add3A_2615 = arith.addi %add3A_2613, %add3A_2614 : i32
      %add3A_2616 = arith.constant 10240 : i32
      %add3A_2617 = arith.addi %add3A_1603, %add3A_2616 : i32
      %add3A_2618 = arith.constant 512 : i32
      %add3A_2619 = arith.addi %add3A_2617, %add3A_2618 : i32
      %dma_start3A_2620 = tpu.memref_slice %arg4[%add3A_2615] : memref<32768xf32, #tpu.memory_space<vmem>> -> memref<128xf32, #tpu.memory_space<vmem>>
      %dma_start3A_2621 = tpu.memref_slice %arg3[%add3A_2619] : memref<67108864xf32, #tpu.memory_space<hbm>> -> memref<128xf32, #tpu.memory_space<hbm>>
      %dma_start3A_2622 = tpu.memref_slice %arg3[%add3A_2619] : memref<67108864xf32, #tpu.memory_space<hbm>> -> memref<128xf32, #tpu.memory_space<hbm>>
      %dma_start3A_2623 = tpu.memref_slice %arg4[%add3A_2615] : memref<32768xf32, #tpu.memory_space<vmem>> -> memref<128xf32, #tpu.memory_space<vmem>>
      tpu.enqueue_dma source(%dma_start3A_2623 : memref<128xf32, #tpu.memory_space<vmem>>) target(%dma_start3A_2622 : memref<128xf32, #tpu.memory_space<hbm>>) target_semaphore(%arg5 : memref<!tpu.dma_semaphore, #tpu.memory_space<semaphore_mem>>)
      %add3A_2624 = arith.constant 20480 : i32
      %add3A_2625 = arith.addi %add3A_2624, %sub3A_1598 : i32
      %add3A_2626 = arith.constant 1280 : i32
      %add3A_2627 = arith.addi %add3A_2625, %add3A_2626 : i32
      %add3A_2628 = arith.constant 10240 : i32
      %add3A_2629 = arith.addi %add3A_1603, %add3A_2628 : i32
      %add3A_2630 = arith.constant 640 : i32
      %add3A_2631 = arith.addi %add3A_2629, %add3A_2630 : i32
      %dma_start3A_2632 = tpu.memref_slice %arg4[%add3A_2627] : memref<32768xf32, #tpu.memory_space<vmem>> -> memref<128xf32, #tpu.memory_space<vmem>>
      %dma_start3A_2633 = tpu.memref_slice %arg3[%add3A_2631] : memref<67108864xf32, #tpu.memory_space<hbm>> -> memref<128xf32, #tpu.memory_space<hbm>>
      %dma_start3A_2634 = tpu.memref_slice %arg3[%add3A_2631] : memref<67108864xf32, #tpu.memory_space<hbm>> -> memref<128xf32, #tpu.memory_space<hbm>>
      %dma_start3A_2635 = tpu.memref_slice %arg4[%add3A_2627] : memref<32768xf32, #tpu.memory_space<vmem>> -> memref<128xf32, #tpu.memory_space<vmem>>
      tpu.enqueue_dma source(%dma_start3A_2635 : memref<128xf32, #tpu.memory_space<vmem>>) target(%dma_start3A_2634 : memref<128xf32, #tpu.memory_space<hbm>>) target_semaphore(%arg5 : memref<!tpu.dma_semaphore, #tpu.memory_space<semaphore_mem>>)
      %add3A_2636 = arith.constant 24576 : i32
      %add3A_2637 = arith.addi %add3A_2636, %sub3A_1598 : i32
      %add3A_2638 = arith.constant 1280 : i32
      %add3A_2639 = arith.addi %add3A_2637, %add3A_2638 : i32
      %add3A_2640 = arith.constant 10240 : i32
      %add3A_2641 = arith.addi %add3A_1603, %add3A_2640 : i32
      %add3A_2642 = arith.constant 768 : i32
      %add3A_2643 = arith.addi %add3A_2641, %add3A_2642 : i32
      %dma_start3A_2644 = tpu.memref_slice %arg4[%add3A_2639] : memref<32768xf32, #tpu.memory_space<vmem>> -> memref<128xf32, #tpu.memory_space<vmem>>
      %dma_start3A_2645 = tpu.memref_slice %arg3[%add3A_2643] : memref<67108864xf32, #tpu.memory_space<hbm>> -> memref<128xf32, #tpu.memory_space<hbm>>
      %dma_start3A_2646 = tpu.memref_slice %arg3[%add3A_2643] : memref<67108864xf32, #tpu.memory_space<hbm>> -> memref<128xf32, #tpu.memory_space<hbm>>
      %dma_start3A_2647 = tpu.memref_slice %arg4[%add3A_2639] : memref<32768xf32, #tpu.memory_space<vmem>> -> memref<128xf32, #tpu.memory_space<vmem>>
      tpu.enqueue_dma source(%dma_start3A_2647 : memref<128xf32, #tpu.memory_space<vmem>>) target(%dma_start3A_2646 : memref<128xf32, #tpu.memory_space<hbm>>) target_semaphore(%arg5 : memref<!tpu.dma_semaphore, #tpu.memory_space<semaphore_mem>>)
      %add3A_2648 = arith.constant 28672 : i32
      %add3A_2649 = arith.addi %add3A_2648, %sub3A_1598 : i32
      %add3A_2650 = arith.constant 1280 : i32
      %add3A_2651 = arith.addi %add3A_2649, %add3A_2650 : i32
      %add3A_2652 = arith.constant 10240 : i32
      %add3A_2653 = arith.addi %add3A_1603, %add3A_2652 : i32
      %add3A_2654 = arith.constant 896 : i32
      %add3A_2655 = arith.addi %add3A_2653, %add3A_2654 : i32
      %dma_start3A_2656 = tpu.memref_slice %arg4[%add3A_2651] : memref<32768xf32, #tpu.memory_space<vmem>> -> memref<128xf32, #tpu.memory_space<vmem>>
      %dma_start3A_2657 = tpu.memref_slice %arg3[%add3A_2655] : memref<67108864xf32, #tpu.memory_space<hbm>> -> memref<128xf32, #tpu.memory_space<hbm>>
      %dma_start3A_2658 = tpu.memref_slice %arg3[%add3A_2655] : memref<67108864xf32, #tpu.memory_space<hbm>> -> memref<128xf32, #tpu.memory_space<hbm>>
      %dma_start3A_2659 = tpu.memref_slice %arg4[%add3A_2651] : memref<32768xf32, #tpu.memory_space<vmem>> -> memref<128xf32, #tpu.memory_space<vmem>>
      tpu.enqueue_dma source(%dma_start3A_2659 : memref<128xf32, #tpu.memory_space<vmem>>) target(%dma_start3A_2658 : memref<128xf32, #tpu.memory_space<hbm>>) target_semaphore(%arg5 : memref<!tpu.dma_semaphore, #tpu.memory_space<semaphore_mem>>)
      %add3A_2660 = arith.constant 0 : i32
      %add3A_2661 = arith.addi %add3A_2660, %sub3A_1598 : i32
      %add3A_2662 = arith.constant 1408 : i32
      %add3A_2663 = arith.addi %add3A_2661, %add3A_2662 : i32
      %add3A_2664 = arith.constant 11264 : i32
      %add3A_2665 = arith.addi %add3A_1603, %add3A_2664 : i32
      %add3A_2666 = arith.constant 0 : i32
      %add3A_2667 = arith.addi %add3A_2665, %add3A_2666 : i32
      %dma_start3A_2668 = tpu.memref_slice %arg4[%add3A_2663] : memref<32768xf32, #tpu.memory_space<vmem>> -> memref<128xf32, #tpu.memory_space<vmem>>
      %dma_start3A_2669 = tpu.memref_slice %arg3[%add3A_2667] : memref<67108864xf32, #tpu.memory_space<hbm>> -> memref<128xf32, #tpu.memory_space<hbm>>
      %dma_start3A_2670 = tpu.memref_slice %arg3[%add3A_2667] : memref<67108864xf32, #tpu.memory_space<hbm>> -> memref<128xf32, #tpu.memory_space<hbm>>
      %dma_start3A_2671 = tpu.memref_slice %arg4[%add3A_2663] : memref<32768xf32, #tpu.memory_space<vmem>> -> memref<128xf32, #tpu.memory_space<vmem>>
      tpu.enqueue_dma source(%dma_start3A_2671 : memref<128xf32, #tpu.memory_space<vmem>>) target(%dma_start3A_2670 : memref<128xf32, #tpu.memory_space<hbm>>) target_semaphore(%arg5 : memref<!tpu.dma_semaphore, #tpu.memory_space<semaphore_mem>>)
      %add3A_2672 = arith.constant 4096 : i32
      %add3A_2673 = arith.addi %add3A_2672, %sub3A_1598 : i32
      %add3A_2674 = arith.constant 1408 : i32
      %add3A_2675 = arith.addi %add3A_2673, %add3A_2674 : i32
      %add3A_2676 = arith.constant 11264 : i32
      %add3A_2677 = arith.addi %add3A_1603, %add3A_2676 : i32
      %add3A_2678 = arith.constant 128 : i32
      %add3A_2679 = arith.addi %add3A_2677, %add3A_2678 : i32
      %dma_start3A_2680 = tpu.memref_slice %arg4[%add3A_2675] : memref<32768xf32, #tpu.memory_space<vmem>> -> memref<128xf32, #tpu.memory_space<vmem>>
      %dma_start3A_2681 = tpu.memref_slice %arg3[%add3A_2679] : memref<67108864xf32, #tpu.memory_space<hbm>> -> memref<128xf32, #tpu.memory_space<hbm>>
      %dma_start3A_2682 = tpu.memref_slice %arg3[%add3A_2679] : memref<67108864xf32, #tpu.memory_space<hbm>> -> memref<128xf32, #tpu.memory_space<hbm>>
      %dma_start3A_2683 = tpu.memref_slice %arg4[%add3A_2675] : memref<32768xf32, #tpu.memory_space<vmem>> -> memref<128xf32, #tpu.memory_space<vmem>>
      tpu.enqueue_dma source(%dma_start3A_2683 : memref<128xf32, #tpu.memory_space<vmem>>) target(%dma_start3A_2682 : memref<128xf32, #tpu.memory_space<hbm>>) target_semaphore(%arg5 : memref<!tpu.dma_semaphore, #tpu.memory_space<semaphore_mem>>)
      %add3A_2684 = arith.constant 8192 : i32
      %add3A_2685 = arith.addi %add3A_2684, %sub3A_1598 : i32
      %add3A_2686 = arith.constant 1408 : i32
      %add3A_2687 = arith.addi %add3A_2685, %add3A_2686 : i32
      %add3A_2688 = arith.constant 11264 : i32
      %add3A_2689 = arith.addi %add3A_1603, %add3A_2688 : i32
      %add3A_2690 = arith.constant 256 : i32
      %add3A_2691 = arith.addi %add3A_2689, %add3A_2690 : i32
      %dma_start3A_2692 = tpu.memref_slice %arg4[%add3A_2687] : memref<32768xf32, #tpu.memory_space<vmem>> -> memref<128xf32, #tpu.memory_space<vmem>>
      %dma_start3A_2693 = tpu.memref_slice %arg3[%add3A_2691] : memref<67108864xf32, #tpu.memory_space<hbm>> -> memref<128xf32, #tpu.memory_space<hbm>>
      %dma_start3A_2694 = tpu.memref_slice %arg3[%add3A_2691] : memref<67108864xf32, #tpu.memory_space<hbm>> -> memref<128xf32, #tpu.memory_space<hbm>>
      %dma_start3A_2695 = tpu.memref_slice %arg4[%add3A_2687] : memref<32768xf32, #tpu.memory_space<vmem>> -> memref<128xf32, #tpu.memory_space<vmem>>
      tpu.enqueue_dma source(%dma_start3A_2695 : memref<128xf32, #tpu.memory_space<vmem>>) target(%dma_start3A_2694 : memref<128xf32, #tpu.memory_space<hbm>>) target_semaphore(%arg5 : memref<!tpu.dma_semaphore, #tpu.memory_space<semaphore_mem>>)
      %add3A_2696 = arith.constant 12288 : i32
      %add3A_2697 = arith.addi %add3A_2696, %sub3A_1598 : i32
      %add3A_2698 = arith.constant 1408 : i32
      %add3A_2699 = arith.addi %add3A_2697, %add3A_2698 : i32
      %add3A_2700 = arith.constant 11264 : i32
      %add3A_2701 = arith.addi %add3A_1603, %add3A_2700 : i32
      %add3A_2702 = arith.constant 384 : i32
      %add3A_2703 = arith.addi %add3A_2701, %add3A_2702 : i32
      %dma_start3A_2704 = tpu.memref_slice %arg4[%add3A_2699] : memref<32768xf32, #tpu.memory_space<vmem>> -> memref<128xf32, #tpu.memory_space<vmem>>
      %dma_start3A_2705 = tpu.memref_slice %arg3[%add3A_2703] : memref<67108864xf32, #tpu.memory_space<hbm>> -> memref<128xf32, #tpu.memory_space<hbm>>
      %dma_start3A_2706 = tpu.memref_slice %arg3[%add3A_2703] : memref<67108864xf32, #tpu.memory_space<hbm>> -> memref<128xf32, #tpu.memory_space<hbm>>
      %dma_start3A_2707 = tpu.memref_slice %arg4[%add3A_2699] : memref<32768xf32, #tpu.memory_space<vmem>> -> memref<128xf32, #tpu.memory_space<vmem>>
      tpu.enqueue_dma source(%dma_start3A_2707 : memref<128xf32, #tpu.memory_space<vmem>>) target(%dma_start3A_2706 : memref<128xf32, #tpu.memory_space<hbm>>) target_semaphore(%arg5 : memref<!tpu.dma_semaphore, #tpu.memory_space<semaphore_mem>>)
      %add3A_2708 = arith.constant 16384 : i32
      %add3A_2709 = arith.addi %add3A_2708, %sub3A_1598 : i32
      %add3A_2710 = arith.constant 1408 : i32
      %add3A_2711 = arith.addi %add3A_2709, %add3A_2710 : i32
      %add3A_2712 = arith.constant 11264 : i32
      %add3A_2713 = arith.addi %add3A_1603, %add3A_2712 : i32
      %add3A_2714 = arith.constant 512 : i32
      %add3A_2715 = arith.addi %add3A_2713, %add3A_2714 : i32
      %dma_start3A_2716 = tpu.memref_slice %arg4[%add3A_2711] : memref<32768xf32, #tpu.memory_space<vmem>> -> memref<128xf32, #tpu.memory_space<vmem>>
      %dma_start3A_2717 = tpu.memref_slice %arg3[%add3A_2715] : memref<67108864xf32, #tpu.memory_space<hbm>> -> memref<128xf32, #tpu.memory_space<hbm>>
      %dma_start3A_2718 = tpu.memref_slice %arg3[%add3A_2715] : memref<67108864xf32, #tpu.memory_space<hbm>> -> memref<128xf32, #tpu.memory_space<hbm>>
      %dma_start3A_2719 = tpu.memref_slice %arg4[%add3A_2711] : memref<32768xf32, #tpu.memory_space<vmem>> -> memref<128xf32, #tpu.memory_space<vmem>>
      tpu.enqueue_dma source(%dma_start3A_2719 : memref<128xf32, #tpu.memory_space<vmem>>) target(%dma_start3A_2718 : memref<128xf32, #tpu.memory_space<hbm>>) target_semaphore(%arg5 : memref<!tpu.dma_semaphore, #tpu.memory_space<semaphore_mem>>)
      %add3A_2720 = arith.constant 20480 : i32
      %add3A_2721 = arith.addi %add3A_2720, %sub3A_1598 : i32
      %add3A_2722 = arith.constant 1408 : i32
      %add3A_2723 = arith.addi %add3A_2721, %add3A_2722 : i32
      %add3A_2724 = arith.constant 11264 : i32
      %add3A_2725 = arith.addi %add3A_1603, %add3A_2724 : i32
      %add3A_2726 = arith.constant 640 : i32
      %add3A_2727 = arith.addi %add3A_2725, %add3A_2726 : i32
      %dma_start3A_2728 = tpu.memref_slice %arg4[%add3A_2723] : memref<32768xf32, #tpu.memory_space<vmem>> -> memref<128xf32, #tpu.memory_space<vmem>>
      %dma_start3A_2729 = tpu.memref_slice %arg3[%add3A_2727] : memref<67108864xf32, #tpu.memory_space<hbm>> -> memref<128xf32, #tpu.memory_space<hbm>>
      %dma_start3A_2730 = tpu.memref_slice %arg3[%add3A_2727] : memref<67108864xf32, #tpu.memory_space<hbm>> -> memref<128xf32, #tpu.memory_space<hbm>>
      %dma_start3A_2731 = tpu.memref_slice %arg4[%add3A_2723] : memref<32768xf32, #tpu.memory_space<vmem>> -> memref<128xf32, #tpu.memory_space<vmem>>
      tpu.enqueue_dma source(%dma_start3A_2731 : memref<128xf32, #tpu.memory_space<vmem>>) target(%dma_start3A_2730 : memref<128xf32, #tpu.memory_space<hbm>>) target_semaphore(%arg5 : memref<!tpu.dma_semaphore, #tpu.memory_space<semaphore_mem>>)
      %add3A_2732 = arith.constant 24576 : i32
      %add3A_2733 = arith.addi %add3A_2732, %sub3A_1598 : i32
      %add3A_2734 = arith.constant 1408 : i32
      %add3A_2735 = arith.addi %add3A_2733, %add3A_2734 : i32
      %add3A_2736 = arith.constant 11264 : i32
      %add3A_2737 = arith.addi %add3A_1603, %add3A_2736 : i32
      %add3A_2738 = arith.constant 768 : i32
      %add3A_2739 = arith.addi %add3A_2737, %add3A_2738 : i32
      %dma_start3A_2740 = tpu.memref_slice %arg4[%add3A_2735] : memref<32768xf32, #tpu.memory_space<vmem>> -> memref<128xf32, #tpu.memory_space<vmem>>
      %dma_start3A_2741 = tpu.memref_slice %arg3[%add3A_2739] : memref<67108864xf32, #tpu.memory_space<hbm>> -> memref<128xf32, #tpu.memory_space<hbm>>
      %dma_start3A_2742 = tpu.memref_slice %arg3[%add3A_2739] : memref<67108864xf32, #tpu.memory_space<hbm>> -> memref<128xf32, #tpu.memory_space<hbm>>
      %dma_start3A_2743 = tpu.memref_slice %arg4[%add3A_2735] : memref<32768xf32, #tpu.memory_space<vmem>> -> memref<128xf32, #tpu.memory_space<vmem>>
      tpu.enqueue_dma source(%dma_start3A_2743 : memref<128xf32, #tpu.memory_space<vmem>>) target(%dma_start3A_2742 : memref<128xf32, #tpu.memory_space<hbm>>) target_semaphore(%arg5 : memref<!tpu.dma_semaphore, #tpu.memory_space<semaphore_mem>>)
      %add3A_2744 = arith.constant 28672 : i32
      %add3A_2745 = arith.addi %add3A_2744, %sub3A_1598 : i32
      %add3A_2746 = arith.constant 1408 : i32
      %add3A_2747 = arith.addi %add3A_2745, %add3A_2746 : i32
      %add3A_2748 = arith.constant 11264 : i32
      %add3A_2749 = arith.addi %add3A_1603, %add3A_2748 : i32
      %add3A_2750 = arith.constant 896 : i32
      %add3A_2751 = arith.addi %add3A_2749, %add3A_2750 : i32
      %dma_start3A_2752 = tpu.memref_slice %arg4[%add3A_2747] : memref<32768xf32, #tpu.memory_space<vmem>> -> memref<128xf32, #tpu.memory_space<vmem>>
      %dma_start3A_2753 = tpu.memref_slice %arg3[%add3A_2751] : memref<67108864xf32, #tpu.memory_space<hbm>> -> memref<128xf32, #tpu.memory_space<hbm>>
      %dma_start3A_2754 = tpu.memref_slice %arg3[%add3A_2751] : memref<67108864xf32, #tpu.memory_space<hbm>> -> memref<128xf32, #tpu.memory_space<hbm>>
      %dma_start3A_2755 = tpu.memref_slice %arg4[%add3A_2747] : memref<32768xf32, #tpu.memory_space<vmem>> -> memref<128xf32, #tpu.memory_space<vmem>>
      tpu.enqueue_dma source(%dma_start3A_2755 : memref<128xf32, #tpu.memory_space<vmem>>) target(%dma_start3A_2754 : memref<128xf32, #tpu.memory_space<hbm>>) target_semaphore(%arg5 : memref<!tpu.dma_semaphore, #tpu.memory_space<semaphore_mem>>)
      %add3A_2756 = arith.constant 0 : i32
      %add3A_2757 = arith.addi %add3A_2756, %sub3A_1598 : i32
      %add3A_2758 = arith.constant 1536 : i32
      %add3A_2759 = arith.addi %add3A_2757, %add3A_2758 : i32
      %add3A_2760 = arith.constant 12288 : i32
      %add3A_2761 = arith.addi %add3A_1603, %add3A_2760 : i32
      %add3A_2762 = arith.constant 0 : i32
      %add3A_2763 = arith.addi %add3A_2761, %add3A_2762 : i32
      %dma_start3A_2764 = tpu.memref_slice %arg4[%add3A_2759] : memref<32768xf32, #tpu.memory_space<vmem>> -> memref<128xf32, #tpu.memory_space<vmem>>
      %dma_start3A_2765 = tpu.memref_slice %arg3[%add3A_2763] : memref<67108864xf32, #tpu.memory_space<hbm>> -> memref<128xf32, #tpu.memory_space<hbm>>
      %dma_start3A_2766 = tpu.memref_slice %arg3[%add3A_2763] : memref<67108864xf32, #tpu.memory_space<hbm>> -> memref<128xf32, #tpu.memory_space<hbm>>
      %dma_start3A_2767 = tpu.memref_slice %arg4[%add3A_2759] : memref<32768xf32, #tpu.memory_space<vmem>> -> memref<128xf32, #tpu.memory_space<vmem>>
      tpu.enqueue_dma source(%dma_start3A_2767 : memref<128xf32, #tpu.memory_space<vmem>>) target(%dma_start3A_2766 : memref<128xf32, #tpu.memory_space<hbm>>) target_semaphore(%arg5 : memref<!tpu.dma_semaphore, #tpu.memory_space<semaphore_mem>>)
      %add3A_2768 = arith.constant 4096 : i32
      %add3A_2769 = arith.addi %add3A_2768, %sub3A_1598 : i32
      %add3A_2770 = arith.constant 1536 : i32
      %add3A_2771 = arith.addi %add3A_2769, %add3A_2770 : i32
      %add3A_2772 = arith.constant 12288 : i32
      %add3A_2773 = arith.addi %add3A_1603, %add3A_2772 : i32
      %add3A_2774 = arith.constant 128 : i32
      %add3A_2775 = arith.addi %add3A_2773, %add3A_2774 : i32
      %dma_start3A_2776 = tpu.memref_slice %arg4[%add3A_2771] : memref<32768xf32, #tpu.memory_space<vmem>> -> memref<128xf32, #tpu.memory_space<vmem>>
      %dma_start3A_2777 = tpu.memref_slice %arg3[%add3A_2775] : memref<67108864xf32, #tpu.memory_space<hbm>> -> memref<128xf32, #tpu.memory_space<hbm>>
      %dma_start3A_2778 = tpu.memref_slice %arg3[%add3A_2775] : memref<67108864xf32, #tpu.memory_space<hbm>> -> memref<128xf32, #tpu.memory_space<hbm>>
      %dma_start3A_2779 = tpu.memref_slice %arg4[%add3A_2771] : memref<32768xf32, #tpu.memory_space<vmem>> -> memref<128xf32, #tpu.memory_space<vmem>>
      tpu.enqueue_dma source(%dma_start3A_2779 : memref<128xf32, #tpu.memory_space<vmem>>) target(%dma_start3A_2778 : memref<128xf32, #tpu.memory_space<hbm>>) target_semaphore(%arg5 : memref<!tpu.dma_semaphore, #tpu.memory_space<semaphore_mem>>)
      %add3A_2780 = arith.constant 8192 : i32
      %add3A_2781 = arith.addi %add3A_2780, %sub3A_1598 : i32
      %add3A_2782 = arith.constant 1536 : i32
      %add3A_2783 = arith.addi %add3A_2781, %add3A_2782 : i32
      %add3A_2784 = arith.constant 12288 : i32
      %add3A_2785 = arith.addi %add3A_1603, %add3A_2784 : i32
      %add3A_2786 = arith.constant 256 : i32
      %add3A_2787 = arith.addi %add3A_2785, %add3A_2786 : i32
      %dma_start3A_2788 = tpu.memref_slice %arg4[%add3A_2783] : memref<32768xf32, #tpu.memory_space<vmem>> -> memref<128xf32, #tpu.memory_space<vmem>>
      %dma_start3A_2789 = tpu.memref_slice %arg3[%add3A_2787] : memref<67108864xf32, #tpu.memory_space<hbm>> -> memref<128xf32, #tpu.memory_space<hbm>>
      %dma_start3A_2790 = tpu.memref_slice %arg3[%add3A_2787] : memref<67108864xf32, #tpu.memory_space<hbm>> -> memref<128xf32, #tpu.memory_space<hbm>>
      %dma_start3A_2791 = tpu.memref_slice %arg4[%add3A_2783] : memref<32768xf32, #tpu.memory_space<vmem>> -> memref<128xf32, #tpu.memory_space<vmem>>
      tpu.enqueue_dma source(%dma_start3A_2791 : memref<128xf32, #tpu.memory_space<vmem>>) target(%dma_start3A_2790 : memref<128xf32, #tpu.memory_space<hbm>>) target_semaphore(%arg5 : memref<!tpu.dma_semaphore, #tpu.memory_space<semaphore_mem>>)
      %add3A_2792 = arith.constant 12288 : i32
      %add3A_2793 = arith.addi %add3A_2792, %sub3A_1598 : i32
      %add3A_2794 = arith.constant 1536 : i32
      %add3A_2795 = arith.addi %add3A_2793, %add3A_2794 : i32
      %add3A_2796 = arith.constant 12288 : i32
      %add3A_2797 = arith.addi %add3A_1603, %add3A_2796 : i32
      %add3A_2798 = arith.constant 384 : i32
      %add3A_2799 = arith.addi %add3A_2797, %add3A_2798 : i32
      %dma_start3A_2800 = tpu.memref_slice %arg4[%add3A_2795] : memref<32768xf32, #tpu.memory_space<vmem>> -> memref<128xf32, #tpu.memory_space<vmem>>
      %dma_start3A_2801 = tpu.memref_slice %arg3[%add3A_2799] : memref<67108864xf32, #tpu.memory_space<hbm>> -> memref<128xf32, #tpu.memory_space<hbm>>
      %dma_start3A_2802 = tpu.memref_slice %arg3[%add3A_2799] : memref<67108864xf32, #tpu.memory_space<hbm>> -> memref<128xf32, #tpu.memory_space<hbm>>
      %dma_start3A_2803 = tpu.memref_slice %arg4[%add3A_2795] : memref<32768xf32, #tpu.memory_space<vmem>> -> memref<128xf32, #tpu.memory_space<vmem>>
      tpu.enqueue_dma source(%dma_start3A_2803 : memref<128xf32, #tpu.memory_space<vmem>>) target(%dma_start3A_2802 : memref<128xf32, #tpu.memory_space<hbm>>) target_semaphore(%arg5 : memref<!tpu.dma_semaphore, #tpu.memory_space<semaphore_mem>>)
      %add3A_2804 = arith.constant 16384 : i32
      %add3A_2805 = arith.addi %add3A_2804, %sub3A_1598 : i32
      %add3A_2806 = arith.constant 1536 : i32
      %add3A_2807 = arith.addi %add3A_2805, %add3A_2806 : i32
      %add3A_2808 = arith.constant 12288 : i32
      %add3A_2809 = arith.addi %add3A_1603, %add3A_2808 : i32
      %add3A_2810 = arith.constant 512 : i32
      %add3A_2811 = arith.addi %add3A_2809, %add3A_2810 : i32
      %dma_start3A_2812 = tpu.memref_slice %arg4[%add3A_2807] : memref<32768xf32, #tpu.memory_space<vmem>> -> memref<128xf32, #tpu.memory_space<vmem>>
      %dma_start3A_2813 = tpu.memref_slice %arg3[%add3A_2811] : memref<67108864xf32, #tpu.memory_space<hbm>> -> memref<128xf32, #tpu.memory_space<hbm>>
      %dma_start3A_2814 = tpu.memref_slice %arg3[%add3A_2811] : memref<67108864xf32, #tpu.memory_space<hbm>> -> memref<128xf32, #tpu.memory_space<hbm>>
      %dma_start3A_2815 = tpu.memref_slice %arg4[%add3A_2807] : memref<32768xf32, #tpu.memory_space<vmem>> -> memref<128xf32, #tpu.memory_space<vmem>>
      tpu.enqueue_dma source(%dma_start3A_2815 : memref<128xf32, #tpu.memory_space<vmem>>) target(%dma_start3A_2814 : memref<128xf32, #tpu.memory_space<hbm>>) target_semaphore(%arg5 : memref<!tpu.dma_semaphore, #tpu.memory_space<semaphore_mem>>)
      %add3A_2816 = arith.constant 20480 : i32
      %add3A_2817 = arith.addi %add3A_2816, %sub3A_1598 : i32
      %add3A_2818 = arith.constant 1536 : i32
      %add3A_2819 = arith.addi %add3A_2817, %add3A_2818 : i32
      %add3A_2820 = arith.constant 12288 : i32
      %add3A_2821 = arith.addi %add3A_1603, %add3A_2820 : i32
      %add3A_2822 = arith.constant 640 : i32
      %add3A_2823 = arith.addi %add3A_2821, %add3A_2822 : i32
      %dma_start3A_2824 = tpu.memref_slice %arg4[%add3A_2819] : memref<32768xf32, #tpu.memory_space<vmem>> -> memref<128xf32, #tpu.memory_space<vmem>>
      %dma_start3A_2825 = tpu.memref_slice %arg3[%add3A_2823] : memref<67108864xf32, #tpu.memory_space<hbm>> -> memref<128xf32, #tpu.memory_space<hbm>>
      %dma_start3A_2826 = tpu.memref_slice %arg3[%add3A_2823] : memref<67108864xf32, #tpu.memory_space<hbm>> -> memref<128xf32, #tpu.memory_space<hbm>>
      %dma_start3A_2827 = tpu.memref_slice %arg4[%add3A_2819] : memref<32768xf32, #tpu.memory_space<vmem>> -> memref<128xf32, #tpu.memory_space<vmem>>
      tpu.enqueue_dma source(%dma_start3A_2827 : memref<128xf32, #tpu.memory_space<vmem>>) target(%dma_start3A_2826 : memref<128xf32, #tpu.memory_space<hbm>>) target_semaphore(%arg5 : memref<!tpu.dma_semaphore, #tpu.memory_space<semaphore_mem>>)
      %add3A_2828 = arith.constant 24576 : i32
      %add3A_2829 = arith.addi %add3A_2828, %sub3A_1598 : i32
      %add3A_2830 = arith.constant 1536 : i32
      %add3A_2831 = arith.addi %add3A_2829, %add3A_2830 : i32
      %add3A_2832 = arith.constant 12288 : i32
      %add3A_2833 = arith.addi %add3A_1603, %add3A_2832 : i32
      %add3A_2834 = arith.constant 768 : i32
      %add3A_2835 = arith.addi %add3A_2833, %add3A_2834 : i32
      %dma_start3A_2836 = tpu.memref_slice %arg4[%add3A_2831] : memref<32768xf32, #tpu.memory_space<vmem>> -> memref<128xf32, #tpu.memory_space<vmem>>
      %dma_start3A_2837 = tpu.memref_slice %arg3[%add3A_2835] : memref<67108864xf32, #tpu.memory_space<hbm>> -> memref<128xf32, #tpu.memory_space<hbm>>
      %dma_start3A_2838 = tpu.memref_slice %arg3[%add3A_2835] : memref<67108864xf32, #tpu.memory_space<hbm>> -> memref<128xf32, #tpu.memory_space<hbm>>
      %dma_start3A_2839 = tpu.memref_slice %arg4[%add3A_2831] : memref<32768xf32, #tpu.memory_space<vmem>> -> memref<128xf32, #tpu.memory_space<vmem>>
      tpu.enqueue_dma source(%dma_start3A_2839 : memref<128xf32, #tpu.memory_space<vmem>>) target(%dma_start3A_2838 : memref<128xf32, #tpu.memory_space<hbm>>) target_semaphore(%arg5 : memref<!tpu.dma_semaphore, #tpu.memory_space<semaphore_mem>>)
      %add3A_2840 = arith.constant 28672 : i32
      %add3A_2841 = arith.addi %add3A_2840, %sub3A_1598 : i32
      %add3A_2842 = arith.constant 1536 : i32
      %add3A_2843 = arith.addi %add3A_2841, %add3A_2842 : i32
      %add3A_2844 = arith.constant 12288 : i32
      %add3A_2845 = arith.addi %add3A_1603, %add3A_2844 : i32
      %add3A_2846 = arith.constant 896 : i32
      %add3A_2847 = arith.addi %add3A_2845, %add3A_2846 : i32
      %dma_start3A_2848 = tpu.memref_slice %arg4[%add3A_2843] : memref<32768xf32, #tpu.memory_space<vmem>> -> memref<128xf32, #tpu.memory_space<vmem>>
      %dma_start3A_2849 = tpu.memref_slice %arg3[%add3A_2847] : memref<67108864xf32, #tpu.memory_space<hbm>> -> memref<128xf32, #tpu.memory_space<hbm>>
      %dma_start3A_2850 = tpu.memref_slice %arg3[%add3A_2847] : memref<67108864xf32, #tpu.memory_space<hbm>> -> memref<128xf32, #tpu.memory_space<hbm>>
      %dma_start3A_2851 = tpu.memref_slice %arg4[%add3A_2843] : memref<32768xf32, #tpu.memory_space<vmem>> -> memref<128xf32, #tpu.memory_space<vmem>>
      tpu.enqueue_dma source(%dma_start3A_2851 : memref<128xf32, #tpu.memory_space<vmem>>) target(%dma_start3A_2850 : memref<128xf32, #tpu.memory_space<hbm>>) target_semaphore(%arg5 : memref<!tpu.dma_semaphore, #tpu.memory_space<semaphore_mem>>)
      %add3A_2852 = arith.constant 0 : i32
      %add3A_2853 = arith.addi %add3A_2852, %sub3A_1598 : i32
      %add3A_2854 = arith.constant 1664 : i32
      %add3A_2855 = arith.addi %add3A_2853, %add3A_2854 : i32
      %add3A_2856 = arith.constant 13312 : i32
      %add3A_2857 = arith.addi %add3A_1603, %add3A_2856 : i32
      %add3A_2858 = arith.constant 0 : i32
      %add3A_2859 = arith.addi %add3A_2857, %add3A_2858 : i32
      %dma_start3A_2860 = tpu.memref_slice %arg4[%add3A_2855] : memref<32768xf32, #tpu.memory_space<vmem>> -> memref<128xf32, #tpu.memory_space<vmem>>
      %dma_start3A_2861 = tpu.memref_slice %arg3[%add3A_2859] : memref<67108864xf32, #tpu.memory_space<hbm>> -> memref<128xf32, #tpu.memory_space<hbm>>
      %dma_start3A_2862 = tpu.memref_slice %arg3[%add3A_2859] : memref<67108864xf32, #tpu.memory_space<hbm>> -> memref<128xf32, #tpu.memory_space<hbm>>
      %dma_start3A_2863 = tpu.memref_slice %arg4[%add3A_2855] : memref<32768xf32, #tpu.memory_space<vmem>> -> memref<128xf32, #tpu.memory_space<vmem>>
      tpu.enqueue_dma source(%dma_start3A_2863 : memref<128xf32, #tpu.memory_space<vmem>>) target(%dma_start3A_2862 : memref<128xf32, #tpu.memory_space<hbm>>) target_semaphore(%arg5 : memref<!tpu.dma_semaphore, #tpu.memory_space<semaphore_mem>>)
      %add3A_2864 = arith.constant 4096 : i32
      %add3A_2865 = arith.addi %add3A_2864, %sub3A_1598 : i32
      %add3A_2866 = arith.constant 1664 : i32
      %add3A_2867 = arith.addi %add3A_2865, %add3A_2866 : i32
      %add3A_2868 = arith.constant 13312 : i32
      %add3A_2869 = arith.addi %add3A_1603, %add3A_2868 : i32
      %add3A_2870 = arith.constant 128 : i32
      %add3A_2871 = arith.addi %add3A_2869, %add3A_2870 : i32
      %dma_start3A_2872 = tpu.memref_slice %arg4[%add3A_2867] : memref<32768xf32, #tpu.memory_space<vmem>> -> memref<128xf32, #tpu.memory_space<vmem>>
      %dma_start3A_2873 = tpu.memref_slice %arg3[%add3A_2871] : memref<67108864xf32, #tpu.memory_space<hbm>> -> memref<128xf32, #tpu.memory_space<hbm>>
      %dma_start3A_2874 = tpu.memref_slice %arg3[%add3A_2871] : memref<67108864xf32, #tpu.memory_space<hbm>> -> memref<128xf32, #tpu.memory_space<hbm>>
      %dma_start3A_2875 = tpu.memref_slice %arg4[%add3A_2867] : memref<32768xf32, #tpu.memory_space<vmem>> -> memref<128xf32, #tpu.memory_space<vmem>>
      tpu.enqueue_dma source(%dma_start3A_2875 : memref<128xf32, #tpu.memory_space<vmem>>) target(%dma_start3A_2874 : memref<128xf32, #tpu.memory_space<hbm>>) target_semaphore(%arg5 : memref<!tpu.dma_semaphore, #tpu.memory_space<semaphore_mem>>)
      %add3A_2876 = arith.constant 8192 : i32
      %add3A_2877 = arith.addi %add3A_2876, %sub3A_1598 : i32
      %add3A_2878 = arith.constant 1664 : i32
      %add3A_2879 = arith.addi %add3A_2877, %add3A_2878 : i32
      %add3A_2880 = arith.constant 13312 : i32
      %add3A_2881 = arith.addi %add3A_1603, %add3A_2880 : i32
      %add3A_2882 = arith.constant 256 : i32
      %add3A_2883 = arith.addi %add3A_2881, %add3A_2882 : i32
      %dma_start3A_2884 = tpu.memref_slice %arg4[%add3A_2879] : memref<32768xf32, #tpu.memory_space<vmem>> -> memref<128xf32, #tpu.memory_space<vmem>>
      %dma_start3A_2885 = tpu.memref_slice %arg3[%add3A_2883] : memref<67108864xf32, #tpu.memory_space<hbm>> -> memref<128xf32, #tpu.memory_space<hbm>>
      %dma_start3A_2886 = tpu.memref_slice %arg3[%add3A_2883] : memref<67108864xf32, #tpu.memory_space<hbm>> -> memref<128xf32, #tpu.memory_space<hbm>>
      %dma_start3A_2887 = tpu.memref_slice %arg4[%add3A_2879] : memref<32768xf32, #tpu.memory_space<vmem>> -> memref<128xf32, #tpu.memory_space<vmem>>
      tpu.enqueue_dma source(%dma_start3A_2887 : memref<128xf32, #tpu.memory_space<vmem>>) target(%dma_start3A_2886 : memref<128xf32, #tpu.memory_space<hbm>>) target_semaphore(%arg5 : memref<!tpu.dma_semaphore, #tpu.memory_space<semaphore_mem>>)
      %add3A_2888 = arith.constant 12288 : i32
      %add3A_2889 = arith.addi %add3A_2888, %sub3A_1598 : i32
      %add3A_2890 = arith.constant 1664 : i32
      %add3A_2891 = arith.addi %add3A_2889, %add3A_2890 : i32
      %add3A_2892 = arith.constant 13312 : i32
      %add3A_2893 = arith.addi %add3A_1603, %add3A_2892 : i32
      %add3A_2894 = arith.constant 384 : i32
      %add3A_2895 = arith.addi %add3A_2893, %add3A_2894 : i32
      %dma_start3A_2896 = tpu.memref_slice %arg4[%add3A_2891] : memref<32768xf32, #tpu.memory_space<vmem>> -> memref<128xf32, #tpu.memory_space<vmem>>
      %dma_start3A_2897 = tpu.memref_slice %arg3[%add3A_2895] : memref<67108864xf32, #tpu.memory_space<hbm>> -> memref<128xf32, #tpu.memory_space<hbm>>
      %dma_start3A_2898 = tpu.memref_slice %arg3[%add3A_2895] : memref<67108864xf32, #tpu.memory_space<hbm>> -> memref<128xf32, #tpu.memory_space<hbm>>
      %dma_start3A_2899 = tpu.memref_slice %arg4[%add3A_2891] : memref<32768xf32, #tpu.memory_space<vmem>> -> memref<128xf32, #tpu.memory_space<vmem>>
      tpu.enqueue_dma source(%dma_start3A_2899 : memref<128xf32, #tpu.memory_space<vmem>>) target(%dma_start3A_2898 : memref<128xf32, #tpu.memory_space<hbm>>) target_semaphore(%arg5 : memref<!tpu.dma_semaphore, #tpu.memory_space<semaphore_mem>>)
      %add3A_2900 = arith.constant 16384 : i32
      %add3A_2901 = arith.addi %add3A_2900, %sub3A_1598 : i32
      %add3A_2902 = arith.constant 1664 : i32
      %add3A_2903 = arith.addi %add3A_2901, %add3A_2902 : i32
      %add3A_2904 = arith.constant 13312 : i32
      %add3A_2905 = arith.addi %add3A_1603, %add3A_2904 : i32
      %add3A_2906 = arith.constant 512 : i32
      %add3A_2907 = arith.addi %add3A_2905, %add3A_2906 : i32
      %dma_start3A_2908 = tpu.memref_slice %arg4[%add3A_2903] : memref<32768xf32, #tpu.memory_space<vmem>> -> memref<128xf32, #tpu.memory_space<vmem>>
      %dma_start3A_2909 = tpu.memref_slice %arg3[%add3A_2907] : memref<67108864xf32, #tpu.memory_space<hbm>> -> memref<128xf32, #tpu.memory_space<hbm>>
      %dma_start3A_2910 = tpu.memref_slice %arg3[%add3A_2907] : memref<67108864xf32, #tpu.memory_space<hbm>> -> memref<128xf32, #tpu.memory_space<hbm>>
      %dma_start3A_2911 = tpu.memref_slice %arg4[%add3A_2903] : memref<32768xf32, #tpu.memory_space<vmem>> -> memref<128xf32, #tpu.memory_space<vmem>>
      tpu.enqueue_dma source(%dma_start3A_2911 : memref<128xf32, #tpu.memory_space<vmem>>) target(%dma_start3A_2910 : memref<128xf32, #tpu.memory_space<hbm>>) target_semaphore(%arg5 : memref<!tpu.dma_semaphore, #tpu.memory_space<semaphore_mem>>)
      %add3A_2912 = arith.constant 20480 : i32
      %add3A_2913 = arith.addi %add3A_2912, %sub3A_1598 : i32
      %add3A_2914 = arith.constant 1664 : i32
      %add3A_2915 = arith.addi %add3A_2913, %add3A_2914 : i32
      %add3A_2916 = arith.constant 13312 : i32
      %add3A_2917 = arith.addi %add3A_1603, %add3A_2916 : i32
      %add3A_2918 = arith.constant 640 : i32
      %add3A_2919 = arith.addi %add3A_2917, %add3A_2918 : i32
      %dma_start3A_2920 = tpu.memref_slice %arg4[%add3A_2915] : memref<32768xf32, #tpu.memory_space<vmem>> -> memref<128xf32, #tpu.memory_space<vmem>>
      %dma_start3A_2921 = tpu.memref_slice %arg3[%add3A_2919] : memref<67108864xf32, #tpu.memory_space<hbm>> -> memref<128xf32, #tpu.memory_space<hbm>>
      %dma_start3A_2922 = tpu.memref_slice %arg3[%add3A_2919] : memref<67108864xf32, #tpu.memory_space<hbm>> -> memref<128xf32, #tpu.memory_space<hbm>>
      %dma_start3A_2923 = tpu.memref_slice %arg4[%add3A_2915] : memref<32768xf32, #tpu.memory_space<vmem>> -> memref<128xf32, #tpu.memory_space<vmem>>
      tpu.enqueue_dma source(%dma_start3A_2923 : memref<128xf32, #tpu.memory_space<vmem>>) target(%dma_start3A_2922 : memref<128xf32, #tpu.memory_space<hbm>>) target_semaphore(%arg5 : memref<!tpu.dma_semaphore, #tpu.memory_space<semaphore_mem>>)
      %add3A_2924 = arith.constant 24576 : i32
      %add3A_2925 = arith.addi %add3A_2924, %sub3A_1598 : i32
      %add3A_2926 = arith.constant 1664 : i32
      %add3A_2927 = arith.addi %add3A_2925, %add3A_2926 : i32
      %add3A_2928 = arith.constant 13312 : i32
      %add3A_2929 = arith.addi %add3A_1603, %add3A_2928 : i32
      %add3A_2930 = arith.constant 768 : i32
      %add3A_2931 = arith.addi %add3A_2929, %add3A_2930 : i32
      %dma_start3A_2932 = tpu.memref_slice %arg4[%add3A_2927] : memref<32768xf32, #tpu.memory_space<vmem>> -> memref<128xf32, #tpu.memory_space<vmem>>
      %dma_start3A_2933 = tpu.memref_slice %arg3[%add3A_2931] : memref<67108864xf32, #tpu.memory_space<hbm>> -> memref<128xf32, #tpu.memory_space<hbm>>
      %dma_start3A_2934 = tpu.memref_slice %arg3[%add3A_2931] : memref<67108864xf32, #tpu.memory_space<hbm>> -> memref<128xf32, #tpu.memory_space<hbm>>
      %dma_start3A_2935 = tpu.memref_slice %arg4[%add3A_2927] : memref<32768xf32, #tpu.memory_space<vmem>> -> memref<128xf32, #tpu.memory_space<vmem>>
      tpu.enqueue_dma source(%dma_start3A_2935 : memref<128xf32, #tpu.memory_space<vmem>>) target(%dma_start3A_2934 : memref<128xf32, #tpu.memory_space<hbm>>) target_semaphore(%arg5 : memref<!tpu.dma_semaphore, #tpu.memory_space<semaphore_mem>>)
      %add3A_2936 = arith.constant 28672 : i32
      %add3A_2937 = arith.addi %add3A_2936, %sub3A_1598 : i32
      %add3A_2938 = arith.constant 1664 : i32
      %add3A_2939 = arith.addi %add3A_2937, %add3A_2938 : i32
      %add3A_2940 = arith.constant 13312 : i32
      %add3A_2941 = arith.addi %add3A_1603, %add3A_2940 : i32
      %add3A_2942 = arith.constant 896 : i32
      %add3A_2943 = arith.addi %add3A_2941, %add3A_2942 : i32
      %dma_start3A_2944 = tpu.memref_slice %arg4[%add3A_2939] : memref<32768xf32, #tpu.memory_space<vmem>> -> memref<128xf32, #tpu.memory_space<vmem>>
      %dma_start3A_2945 = tpu.memref_slice %arg3[%add3A_2943] : memref<67108864xf32, #tpu.memory_space<hbm>> -> memref<128xf32, #tpu.memory_space<hbm>>
      %dma_start3A_2946 = tpu.memref_slice %arg3[%add3A_2943] : memref<67108864xf32, #tpu.memory_space<hbm>> -> memref<128xf32, #tpu.memory_space<hbm>>
      %dma_start3A_2947 = tpu.memref_slice %arg4[%add3A_2939] : memref<32768xf32, #tpu.memory_space<vmem>> -> memref<128xf32, #tpu.memory_space<vmem>>
      tpu.enqueue_dma source(%dma_start3A_2947 : memref<128xf32, #tpu.memory_space<vmem>>) target(%dma_start3A_2946 : memref<128xf32, #tpu.memory_space<hbm>>) target_semaphore(%arg5 : memref<!tpu.dma_semaphore, #tpu.memory_space<semaphore_mem>>)
      %add3A_2948 = arith.constant 0 : i32
      %add3A_2949 = arith.addi %add3A_2948, %sub3A_1598 : i32
      %add3A_2950 = arith.constant 1792 : i32
      %add3A_2951 = arith.addi %add3A_2949, %add3A_2950 : i32
      %add3A_2952 = arith.constant 14336 : i32
      %add3A_2953 = arith.addi %add3A_1603, %add3A_2952 : i32
      %add3A_2954 = arith.constant 0 : i32
      %add3A_2955 = arith.addi %add3A_2953, %add3A_2954 : i32
      %dma_start3A_2956 = tpu.memref_slice %arg4[%add3A_2951] : memref<32768xf32, #tpu.memory_space<vmem>> -> memref<128xf32, #tpu.memory_space<vmem>>
      %dma_start3A_2957 = tpu.memref_slice %arg3[%add3A_2955] : memref<67108864xf32, #tpu.memory_space<hbm>> -> memref<128xf32, #tpu.memory_space<hbm>>
      %dma_start3A_2958 = tpu.memref_slice %arg3[%add3A_2955] : memref<67108864xf32, #tpu.memory_space<hbm>> -> memref<128xf32, #tpu.memory_space<hbm>>
      %dma_start3A_2959 = tpu.memref_slice %arg4[%add3A_2951] : memref<32768xf32, #tpu.memory_space<vmem>> -> memref<128xf32, #tpu.memory_space<vmem>>
      tpu.enqueue_dma source(%dma_start3A_2959 : memref<128xf32, #tpu.memory_space<vmem>>) target(%dma_start3A_2958 : memref<128xf32, #tpu.memory_space<hbm>>) target_semaphore(%arg5 : memref<!tpu.dma_semaphore, #tpu.memory_space<semaphore_mem>>)
      %add3A_2960 = arith.constant 4096 : i32
      %add3A_2961 = arith.addi %add3A_2960, %sub3A_1598 : i32
      %add3A_2962 = arith.constant 1792 : i32
      %add3A_2963 = arith.addi %add3A_2961, %add3A_2962 : i32
      %add3A_2964 = arith.constant 14336 : i32
      %add3A_2965 = arith.addi %add3A_1603, %add3A_2964 : i32
      %add3A_2966 = arith.constant 128 : i32
      %add3A_2967 = arith.addi %add3A_2965, %add3A_2966 : i32
      %dma_start3A_2968 = tpu.memref_slice %arg4[%add3A_2963] : memref<32768xf32, #tpu.memory_space<vmem>> -> memref<128xf32, #tpu.memory_space<vmem>>
      %dma_start3A_2969 = tpu.memref_slice %arg3[%add3A_2967] : memref<67108864xf32, #tpu.memory_space<hbm>> -> memref<128xf32, #tpu.memory_space<hbm>>
      %dma_start3A_2970 = tpu.memref_slice %arg3[%add3A_2967] : memref<67108864xf32, #tpu.memory_space<hbm>> -> memref<128xf32, #tpu.memory_space<hbm>>
      %dma_start3A_2971 = tpu.memref_slice %arg4[%add3A_2963] : memref<32768xf32, #tpu.memory_space<vmem>> -> memref<128xf32, #tpu.memory_space<vmem>>
      tpu.enqueue_dma source(%dma_start3A_2971 : memref<128xf32, #tpu.memory_space<vmem>>) target(%dma_start3A_2970 : memref<128xf32, #tpu.memory_space<hbm>>) target_semaphore(%arg5 : memref<!tpu.dma_semaphore, #tpu.memory_space<semaphore_mem>>)
      %add3A_2972 = arith.constant 8192 : i32
      %add3A_2973 = arith.addi %add3A_2972, %sub3A_1598 : i32
      %add3A_2974 = arith.constant 1792 : i32
      %add3A_2975 = arith.addi %add3A_2973, %add3A_2974 : i32
      %add3A_2976 = arith.constant 14336 : i32
      %add3A_2977 = arith.addi %add3A_1603, %add3A_2976 : i32
      %add3A_2978 = arith.constant 256 : i32
      %add3A_2979 = arith.addi %add3A_2977, %add3A_2978 : i32
      %dma_start3A_2980 = tpu.memref_slice %arg4[%add3A_2975] : memref<32768xf32, #tpu.memory_space<vmem>> -> memref<128xf32, #tpu.memory_space<vmem>>
      %dma_start3A_2981 = tpu.memref_slice %arg3[%add3A_2979] : memref<67108864xf32, #tpu.memory_space<hbm>> -> memref<128xf32, #tpu.memory_space<hbm>>
      %dma_start3A_2982 = tpu.memref_slice %arg3[%add3A_2979] : memref<67108864xf32, #tpu.memory_space<hbm>> -> memref<128xf32, #tpu.memory_space<hbm>>
      %dma_start3A_2983 = tpu.memref_slice %arg4[%add3A_2975] : memref<32768xf32, #tpu.memory_space<vmem>> -> memref<128xf32, #tpu.memory_space<vmem>>
      tpu.enqueue_dma source(%dma_start3A_2983 : memref<128xf32, #tpu.memory_space<vmem>>) target(%dma_start3A_2982 : memref<128xf32, #tpu.memory_space<hbm>>) target_semaphore(%arg5 : memref<!tpu.dma_semaphore, #tpu.memory_space<semaphore_mem>>)
      %add3A_2984 = arith.constant 12288 : i32
      %add3A_2985 = arith.addi %add3A_2984, %sub3A_1598 : i32
      %add3A_2986 = arith.constant 1792 : i32
      %add3A_2987 = arith.addi %add3A_2985, %add3A_2986 : i32
      %add3A_2988 = arith.constant 14336 : i32
      %add3A_2989 = arith.addi %add3A_1603, %add3A_2988 : i32
      %add3A_2990 = arith.constant 384 : i32
      %add3A_2991 = arith.addi %add3A_2989, %add3A_2990 : i32
      %dma_start3A_2992 = tpu.memref_slice %arg4[%add3A_2987] : memref<32768xf32, #tpu.memory_space<vmem>> -> memref<128xf32, #tpu.memory_space<vmem>>
      %dma_start3A_2993 = tpu.memref_slice %arg3[%add3A_2991] : memref<67108864xf32, #tpu.memory_space<hbm>> -> memref<128xf32, #tpu.memory_space<hbm>>
      %dma_start3A_2994 = tpu.memref_slice %arg3[%add3A_2991] : memref<67108864xf32, #tpu.memory_space<hbm>> -> memref<128xf32, #tpu.memory_space<hbm>>
      %dma_start3A_2995 = tpu.memref_slice %arg4[%add3A_2987] : memref<32768xf32, #tpu.memory_space<vmem>> -> memref<128xf32, #tpu.memory_space<vmem>>
      tpu.enqueue_dma source(%dma_start3A_2995 : memref<128xf32, #tpu.memory_space<vmem>>) target(%dma_start3A_2994 : memref<128xf32, #tpu.memory_space<hbm>>) target_semaphore(%arg5 : memref<!tpu.dma_semaphore, #tpu.memory_space<semaphore_mem>>)
      %add3A_2996 = arith.constant 16384 : i32
      %add3A_2997 = arith.addi %add3A_2996, %sub3A_1598 : i32
      %add3A_2998 = arith.constant 1792 : i32
      %add3A_2999 = arith.addi %add3A_2997, %add3A_2998 : i32
      %add3A_3000 = arith.constant 14336 : i32
      %add3A_3001 = arith.addi %add3A_1603, %add3A_3000 : i32
      %add3A_3002 = arith.constant 512 : i32
      %add3A_3003 = arith.addi %add3A_3001, %add3A_3002 : i32
      %dma_start3A_3004 = tpu.memref_slice %arg4[%add3A_2999] : memref<32768xf32, #tpu.memory_space<vmem>> -> memref<128xf32, #tpu.memory_space<vmem>>
      %dma_start3A_3005 = tpu.memref_slice %arg3[%add3A_3003] : memref<67108864xf32, #tpu.memory_space<hbm>> -> memref<128xf32, #tpu.memory_space<hbm>>
      %dma_start3A_3006 = tpu.memref_slice %arg3[%add3A_3003] : memref<67108864xf32, #tpu.memory_space<hbm>> -> memref<128xf32, #tpu.memory_space<hbm>>
      %dma_start3A_3007 = tpu.memref_slice %arg4[%add3A_2999] : memref<32768xf32, #tpu.memory_space<vmem>> -> memref<128xf32, #tpu.memory_space<vmem>>
      tpu.enqueue_dma source(%dma_start3A_3007 : memref<128xf32, #tpu.memory_space<vmem>>) target(%dma_start3A_3006 : memref<128xf32, #tpu.memory_space<hbm>>) target_semaphore(%arg5 : memref<!tpu.dma_semaphore, #tpu.memory_space<semaphore_mem>>)
      %add3A_3008 = arith.constant 20480 : i32
      %add3A_3009 = arith.addi %add3A_3008, %sub3A_1598 : i32
      %add3A_3010 = arith.constant 1792 : i32
      %add3A_3011 = arith.addi %add3A_3009, %add3A_3010 : i32
      %add3A_3012 = arith.constant 14336 : i32
      %add3A_3013 = arith.addi %add3A_1603, %add3A_3012 : i32
      %add3A_3014 = arith.constant 640 : i32
      %add3A_3015 = arith.addi %add3A_3013, %add3A_3014 : i32
      %dma_start3A_3016 = tpu.memref_slice %arg4[%add3A_3011] : memref<32768xf32, #tpu.memory_space<vmem>> -> memref<128xf32, #tpu.memory_space<vmem>>
      %dma_start3A_3017 = tpu.memref_slice %arg3[%add3A_3015] : memref<67108864xf32, #tpu.memory_space<hbm>> -> memref<128xf32, #tpu.memory_space<hbm>>
      %dma_start3A_3018 = tpu.memref_slice %arg3[%add3A_3015] : memref<67108864xf32, #tpu.memory_space<hbm>> -> memref<128xf32, #tpu.memory_space<hbm>>
      %dma_start3A_3019 = tpu.memref_slice %arg4[%add3A_3011] : memref<32768xf32, #tpu.memory_space<vmem>> -> memref<128xf32, #tpu.memory_space<vmem>>
      tpu.enqueue_dma source(%dma_start3A_3019 : memref<128xf32, #tpu.memory_space<vmem>>) target(%dma_start3A_3018 : memref<128xf32, #tpu.memory_space<hbm>>) target_semaphore(%arg5 : memref<!tpu.dma_semaphore, #tpu.memory_space<semaphore_mem>>)
      %add3A_3020 = arith.constant 24576 : i32
      %add3A_3021 = arith.addi %add3A_3020, %sub3A_1598 : i32
      %add3A_3022 = arith.constant 1792 : i32
      %add3A_3023 = arith.addi %add3A_3021, %add3A_3022 : i32
      %add3A_3024 = arith.constant 14336 : i32
      %add3A_3025 = arith.addi %add3A_1603, %add3A_3024 : i32
      %add3A_3026 = arith.constant 768 : i32
      %add3A_3027 = arith.addi %add3A_3025, %add3A_3026 : i32
      %dma_start3A_3028 = tpu.memref_slice %arg4[%add3A_3023] : memref<32768xf32, #tpu.memory_space<vmem>> -> memref<128xf32, #tpu.memory_space<vmem>>
      %dma_start3A_3029 = tpu.memref_slice %arg3[%add3A_3027] : memref<67108864xf32, #tpu.memory_space<hbm>> -> memref<128xf32, #tpu.memory_space<hbm>>
      %dma_start3A_3030 = tpu.memref_slice %arg3[%add3A_3027] : memref<67108864xf32, #tpu.memory_space<hbm>> -> memref<128xf32, #tpu.memory_space<hbm>>
      %dma_start3A_3031 = tpu.memref_slice %arg4[%add3A_3023] : memref<32768xf32, #tpu.memory_space<vmem>> -> memref<128xf32, #tpu.memory_space<vmem>>
      tpu.enqueue_dma source(%dma_start3A_3031 : memref<128xf32, #tpu.memory_space<vmem>>) target(%dma_start3A_3030 : memref<128xf32, #tpu.memory_space<hbm>>) target_semaphore(%arg5 : memref<!tpu.dma_semaphore, #tpu.memory_space<semaphore_mem>>)
      %add3A_3032 = arith.constant 28672 : i32
      %add3A_3033 = arith.addi %add3A_3032, %sub3A_1598 : i32
      %add3A_3034 = arith.constant 1792 : i32
      %add3A_3035 = arith.addi %add3A_3033, %add3A_3034 : i32
      %add3A_3036 = arith.constant 14336 : i32
      %add3A_3037 = arith.addi %add3A_1603, %add3A_3036 : i32
      %add3A_3038 = arith.constant 896 : i32
      %add3A_3039 = arith.addi %add3A_3037, %add3A_3038 : i32
      %dma_start3A_3040 = tpu.memref_slice %arg4[%add3A_3035] : memref<32768xf32, #tpu.memory_space<vmem>> -> memref<128xf32, #tpu.memory_space<vmem>>
      %dma_start3A_3041 = tpu.memref_slice %arg3[%add3A_3039] : memref<67108864xf32, #tpu.memory_space<hbm>> -> memref<128xf32, #tpu.memory_space<hbm>>
      %dma_start3A_3042 = tpu.memref_slice %arg3[%add3A_3039] : memref<67108864xf32, #tpu.memory_space<hbm>> -> memref<128xf32, #tpu.memory_space<hbm>>
      %dma_start3A_3043 = tpu.memref_slice %arg4[%add3A_3035] : memref<32768xf32, #tpu.memory_space<vmem>> -> memref<128xf32, #tpu.memory_space<vmem>>
      tpu.enqueue_dma source(%dma_start3A_3043 : memref<128xf32, #tpu.memory_space<vmem>>) target(%dma_start3A_3042 : memref<128xf32, #tpu.memory_space<hbm>>) target_semaphore(%arg5 : memref<!tpu.dma_semaphore, #tpu.memory_space<semaphore_mem>>)
      %add3A_3044 = arith.constant 0 : i32
      %add3A_3045 = arith.addi %add3A_3044, %sub3A_1598 : i32
      %add3A_3046 = arith.constant 1920 : i32
      %add3A_3047 = arith.addi %add3A_3045, %add3A_3046 : i32
      %add3A_3048 = arith.constant 15360 : i32
      %add3A_3049 = arith.addi %add3A_1603, %add3A_3048 : i32
      %add3A_3050 = arith.constant 0 : i32
      %add3A_3051 = arith.addi %add3A_3049, %add3A_3050 : i32
      %dma_start3A_3052 = tpu.memref_slice %arg4[%add3A_3047] : memref<32768xf32, #tpu.memory_space<vmem>> -> memref<128xf32, #tpu.memory_space<vmem>>
      %dma_start3A_3053 = tpu.memref_slice %arg3[%add3A_3051] : memref<67108864xf32, #tpu.memory_space<hbm>> -> memref<128xf32, #tpu.memory_space<hbm>>
      %dma_start3A_3054 = tpu.memref_slice %arg3[%add3A_3051] : memref<67108864xf32, #tpu.memory_space<hbm>> -> memref<128xf32, #tpu.memory_space<hbm>>
      %dma_start3A_3055 = tpu.memref_slice %arg4[%add3A_3047] : memref<32768xf32, #tpu.memory_space<vmem>> -> memref<128xf32, #tpu.memory_space<vmem>>
      tpu.enqueue_dma source(%dma_start3A_3055 : memref<128xf32, #tpu.memory_space<vmem>>) target(%dma_start3A_3054 : memref<128xf32, #tpu.memory_space<hbm>>) target_semaphore(%arg5 : memref<!tpu.dma_semaphore, #tpu.memory_space<semaphore_mem>>)
      %add3A_3056 = arith.constant 4096 : i32
      %add3A_3057 = arith.addi %add3A_3056, %sub3A_1598 : i32
      %add3A_3058 = arith.constant 1920 : i32
      %add3A_3059 = arith.addi %add3A_3057, %add3A_3058 : i32
      %add3A_3060 = arith.constant 15360 : i32
      %add3A_3061 = arith.addi %add3A_1603, %add3A_3060 : i32
      %add3A_3062 = arith.constant 128 : i32
      %add3A_3063 = arith.addi %add3A_3061, %add3A_3062 : i32
      %dma_start3A_3064 = tpu.memref_slice %arg4[%add3A_3059] : memref<32768xf32, #tpu.memory_space<vmem>> -> memref<128xf32, #tpu.memory_space<vmem>>
      %dma_start3A_3065 = tpu.memref_slice %arg3[%add3A_3063] : memref<67108864xf32, #tpu.memory_space<hbm>> -> memref<128xf32, #tpu.memory_space<hbm>>
      %dma_start3A_3066 = tpu.memref_slice %arg3[%add3A_3063] : memref<67108864xf32, #tpu.memory_space<hbm>> -> memref<128xf32, #tpu.memory_space<hbm>>
      %dma_start3A_3067 = tpu.memref_slice %arg4[%add3A_3059] : memref<32768xf32, #tpu.memory_space<vmem>> -> memref<128xf32, #tpu.memory_space<vmem>>
      tpu.enqueue_dma source(%dma_start3A_3067 : memref<128xf32, #tpu.memory_space<vmem>>) target(%dma_start3A_3066 : memref<128xf32, #tpu.memory_space<hbm>>) target_semaphore(%arg5 : memref<!tpu.dma_semaphore, #tpu.memory_space<semaphore_mem>>)
      %add3A_3068 = arith.constant 8192 : i32
      %add3A_3069 = arith.addi %add3A_3068, %sub3A_1598 : i32
      %add3A_3070 = arith.constant 1920 : i32
      %add3A_3071 = arith.addi %add3A_3069, %add3A_3070 : i32
      %add3A_3072 = arith.constant 15360 : i32
      %add3A_3073 = arith.addi %add3A_1603, %add3A_3072 : i32
      %add3A_3074 = arith.constant 256 : i32
      %add3A_3075 = arith.addi %add3A_3073, %add3A_3074 : i32
      %dma_start3A_3076 = tpu.memref_slice %arg4[%add3A_3071] : memref<32768xf32, #tpu.memory_space<vmem>> -> memref<128xf32, #tpu.memory_space<vmem>>
      %dma_start3A_3077 = tpu.memref_slice %arg3[%add3A_3075] : memref<67108864xf32, #tpu.memory_space<hbm>> -> memref<128xf32, #tpu.memory_space<hbm>>
      %dma_start3A_3078 = tpu.memref_slice %arg3[%add3A_3075] : memref<67108864xf32, #tpu.memory_space<hbm>> -> memref<128xf32, #tpu.memory_space<hbm>>
      %dma_start3A_3079 = tpu.memref_slice %arg4[%add3A_3071] : memref<32768xf32, #tpu.memory_space<vmem>> -> memref<128xf32, #tpu.memory_space<vmem>>
      tpu.enqueue_dma source(%dma_start3A_3079 : memref<128xf32, #tpu.memory_space<vmem>>) target(%dma_start3A_3078 : memref<128xf32, #tpu.memory_space<hbm>>) target_semaphore(%arg5 : memref<!tpu.dma_semaphore, #tpu.memory_space<semaphore_mem>>)
      %add3A_3080 = arith.constant 12288 : i32
      %add3A_3081 = arith.addi %add3A_3080, %sub3A_1598 : i32
      %add3A_3082 = arith.constant 1920 : i32
      %add3A_3083 = arith.addi %add3A_3081, %add3A_3082 : i32
      %add3A_3084 = arith.constant 15360 : i32
      %add3A_3085 = arith.addi %add3A_1603, %add3A_3084 : i32
      %add3A_3086 = arith.constant 384 : i32
      %add3A_3087 = arith.addi %add3A_3085, %add3A_3086 : i32
      %dma_start3A_3088 = tpu.memref_slice %arg4[%add3A_3083] : memref<32768xf32, #tpu.memory_space<vmem>> -> memref<128xf32, #tpu.memory_space<vmem>>
      %dma_start3A_3089 = tpu.memref_slice %arg3[%add3A_3087] : memref<67108864xf32, #tpu.memory_space<hbm>> -> memref<128xf32, #tpu.memory_space<hbm>>
      %dma_start3A_3090 = tpu.memref_slice %arg3[%add3A_3087] : memref<67108864xf32, #tpu.memory_space<hbm>> -> memref<128xf32, #tpu.memory_space<hbm>>
      %dma_start3A_3091 = tpu.memref_slice %arg4[%add3A_3083] : memref<32768xf32, #tpu.memory_space<vmem>> -> memref<128xf32, #tpu.memory_space<vmem>>
      tpu.enqueue_dma source(%dma_start3A_3091 : memref<128xf32, #tpu.memory_space<vmem>>) target(%dma_start3A_3090 : memref<128xf32, #tpu.memory_space<hbm>>) target_semaphore(%arg5 : memref<!tpu.dma_semaphore, #tpu.memory_space<semaphore_mem>>)
      %add3A_3092 = arith.constant 16384 : i32
      %add3A_3093 = arith.addi %add3A_3092, %sub3A_1598 : i32
      %add3A_3094 = arith.constant 1920 : i32
      %add3A_3095 = arith.addi %add3A_3093, %add3A_3094 : i32
      %add3A_3096 = arith.constant 15360 : i32
      %add3A_3097 = arith.addi %add3A_1603, %add3A_3096 : i32
      %add3A_3098 = arith.constant 512 : i32
      %add3A_3099 = arith.addi %add3A_3097, %add3A_3098 : i32
      %dma_start3A_3100 = tpu.memref_slice %arg4[%add3A_3095] : memref<32768xf32, #tpu.memory_space<vmem>> -> memref<128xf32, #tpu.memory_space<vmem>>
      %dma_start3A_3101 = tpu.memref_slice %arg3[%add3A_3099] : memref<67108864xf32, #tpu.memory_space<hbm>> -> memref<128xf32, #tpu.memory_space<hbm>>
      %dma_start3A_3102 = tpu.memref_slice %arg3[%add3A_3099] : memref<67108864xf32, #tpu.memory_space<hbm>> -> memref<128xf32, #tpu.memory_space<hbm>>
      %dma_start3A_3103 = tpu.memref_slice %arg4[%add3A_3095] : memref<32768xf32, #tpu.memory_space<vmem>> -> memref<128xf32, #tpu.memory_space<vmem>>
      tpu.enqueue_dma source(%dma_start3A_3103 : memref<128xf32, #tpu.memory_space<vmem>>) target(%dma_start3A_3102 : memref<128xf32, #tpu.memory_space<hbm>>) target_semaphore(%arg5 : memref<!tpu.dma_semaphore, #tpu.memory_space<semaphore_mem>>)
      %add3A_3104 = arith.constant 20480 : i32
      %add3A_3105 = arith.addi %add3A_3104, %sub3A_1598 : i32
      %add3A_3106 = arith.constant 1920 : i32
      %add3A_3107 = arith.addi %add3A_3105, %add3A_3106 : i32
      %add3A_3108 = arith.constant 15360 : i32
      %add3A_3109 = arith.addi %add3A_1603, %add3A_3108 : i32
      %add3A_3110 = arith.constant 640 : i32
      %add3A_3111 = arith.addi %add3A_3109, %add3A_3110 : i32
      %dma_start3A_3112 = tpu.memref_slice %arg4[%add3A_3107] : memref<32768xf32, #tpu.memory_space<vmem>> -> memref<128xf32, #tpu.memory_space<vmem>>
      %dma_start3A_3113 = tpu.memref_slice %arg3[%add3A_3111] : memref<67108864xf32, #tpu.memory_space<hbm>> -> memref<128xf32, #tpu.memory_space<hbm>>
      %dma_start3A_3114 = tpu.memref_slice %arg3[%add3A_3111] : memref<67108864xf32, #tpu.memory_space<hbm>> -> memref<128xf32, #tpu.memory_space<hbm>>
      %dma_start3A_3115 = tpu.memref_slice %arg4[%add3A_3107] : memref<32768xf32, #tpu.memory_space<vmem>> -> memref<128xf32, #tpu.memory_space<vmem>>
      tpu.enqueue_dma source(%dma_start3A_3115 : memref<128xf32, #tpu.memory_space<vmem>>) target(%dma_start3A_3114 : memref<128xf32, #tpu.memory_space<hbm>>) target_semaphore(%arg5 : memref<!tpu.dma_semaphore, #tpu.memory_space<semaphore_mem>>)
      %add3A_3116 = arith.constant 24576 : i32
      %add3A_3117 = arith.addi %add3A_3116, %sub3A_1598 : i32
      %add3A_3118 = arith.constant 1920 : i32
      %add3A_3119 = arith.addi %add3A_3117, %add3A_3118 : i32
      %add3A_3120 = arith.constant 15360 : i32
      %add3A_3121 = arith.addi %add3A_1603, %add3A_3120 : i32
      %add3A_3122 = arith.constant 768 : i32
      %add3A_3123 = arith.addi %add3A_3121, %add3A_3122 : i32
      %dma_start3A_3124 = tpu.memref_slice %arg4[%add3A_3119] : memref<32768xf32, #tpu.memory_space<vmem>> -> memref<128xf32, #tpu.memory_space<vmem>>
      %dma_start3A_3125 = tpu.memref_slice %arg3[%add3A_3123] : memref<67108864xf32, #tpu.memory_space<hbm>> -> memref<128xf32, #tpu.memory_space<hbm>>
      %dma_start3A_3126 = tpu.memref_slice %arg3[%add3A_3123] : memref<67108864xf32, #tpu.memory_space<hbm>> -> memref<128xf32, #tpu.memory_space<hbm>>
      %dma_start3A_3127 = tpu.memref_slice %arg4[%add3A_3119] : memref<32768xf32, #tpu.memory_space<vmem>> -> memref<128xf32, #tpu.memory_space<vmem>>
      tpu.enqueue_dma source(%dma_start3A_3127 : memref<128xf32, #tpu.memory_space<vmem>>) target(%dma_start3A_3126 : memref<128xf32, #tpu.memory_space<hbm>>) target_semaphore(%arg5 : memref<!tpu.dma_semaphore, #tpu.memory_space<semaphore_mem>>)
      %add3A_3128 = arith.constant 28672 : i32
      %add3A_3129 = arith.addi %add3A_3128, %sub3A_1598 : i32
      %add3A_3130 = arith.constant 1920 : i32
      %add3A_3131 = arith.addi %add3A_3129, %add3A_3130 : i32
      %add3A_3132 = arith.constant 15360 : i32
      %add3A_3133 = arith.addi %add3A_1603, %add3A_3132 : i32
      %add3A_3134 = arith.constant 896 : i32
      %add3A_3135 = arith.addi %add3A_3133, %add3A_3134 : i32
      %dma_start3A_3136 = tpu.memref_slice %arg4[%add3A_3131] : memref<32768xf32, #tpu.memory_space<vmem>> -> memref<128xf32, #tpu.memory_space<vmem>>
      %dma_start3A_3137 = tpu.memref_slice %arg3[%add3A_3135] : memref<67108864xf32, #tpu.memory_space<hbm>> -> memref<128xf32, #tpu.memory_space<hbm>>
      %dma_start3A_3138 = tpu.memref_slice %arg3[%add3A_3135] : memref<67108864xf32, #tpu.memory_space<hbm>> -> memref<128xf32, #tpu.memory_space<hbm>>
      %dma_start3A_3139 = tpu.memref_slice %arg4[%add3A_3131] : memref<32768xf32, #tpu.memory_space<vmem>> -> memref<128xf32, #tpu.memory_space<vmem>>
      tpu.enqueue_dma source(%dma_start3A_3139 : memref<128xf32, #tpu.memory_space<vmem>>) target(%dma_start3A_3138 : memref<128xf32, #tpu.memory_space<hbm>>) target_semaphore(%arg5 : memref<!tpu.dma_semaphore, #tpu.memory_space<semaphore_mem>>)
      %dma_wait3A_3140 = arith.constant 0 : i32
      %dma_wait3A_3141 = tpu.memref_slice %arg4[%dma_wait3A_3140] : memref<32768xf32, #tpu.memory_space<vmem>> -> memref<16384xf32, #tpu.memory_space<vmem>>
      %dma_wait3A_3142 = arith.constant 0 : i32
      %dma_wait3A_3143 = tpu.memref_slice %arg2[%dma_wait3A_3142] : memref<524288xf32, #tpu.memory_space<hbm>> -> memref<16384xf32, #tpu.memory_space<hbm>>
      %dma_wait3A_3144 = arith.constant 0 : i32
      %dma_wait3A_3145 = tpu.memref_slice %arg4[%dma_wait3A_3144] : memref<32768xf32, #tpu.memory_space<vmem>> -> memref<16384xf32, #tpu.memory_space<vmem>>
      %dma_wait3A_3146 = arith.constant 0 : i32
      %dma_wait3A_3147 = tpu.memref_slice %arg2[%dma_wait3A_3146] : memref<524288xf32, #tpu.memory_space<hbm>> -> memref<16384xf32, #tpu.memory_space<hbm>>
      tpu.wait_dma2 semaphore(%arg5 : memref<!tpu.dma_semaphore, #tpu.memory_space<semaphore_mem>>) src(%dma_wait3A_3147 : memref<16384xf32, #tpu.memory_space<hbm>>) dst(%dma_wait3A_3145 : memref<16384xf32, #tpu.memory_space<vmem>>)
    }
    %scan3A_1585 = arith.constant 127 : i32
    %dma_wait3A = arith.constant 0 : i32
    %dma_wait3A_1586 = tpu.memref_slice %arg4[%dma_wait3A] : memref<32768xf32, #tpu.memory_space<vmem>> -> memref<16384xf32, #tpu.memory_space<vmem>>
    %dma_wait3A_1587 = arith.constant 0 : i32
    %dma_wait3A_1588 = tpu.memref_slice %arg2[%dma_wait3A_1587] : memref<524288xf32, #tpu.memory_space<hbm>> -> memref<16384xf32, #tpu.memory_space<hbm>>
    %dma_wait3A_1589 = arith.constant 0 : i32
    %dma_wait3A_1590 = tpu.memref_slice %arg4[%dma_wait3A_1589] : memref<32768xf32, #tpu.memory_space<vmem>> -> memref<16384xf32, #tpu.memory_space<vmem>>
    %dma_wait3A_1591 = arith.constant 0 : i32
    %dma_wait3A_1592 = tpu.memref_slice %arg2[%dma_wait3A_1591] : memref<524288xf32, #tpu.memory_space<hbm>> -> memref<16384xf32, #tpu.memory_space<hbm>>
    tpu.wait_dma2 semaphore(%arg5 : memref<!tpu.dma_semaphore, #tpu.memory_space<semaphore_mem>>) src(%dma_wait3A_1592 : memref<16384xf32, #tpu.memory_space<hbm>>) dst(%dma_wait3A_1590 : memref<16384xf32, #tpu.memory_space<vmem>>)
    return
  }
}

</mosaic_0001>

<sc_bundles>
// kernel: kernel.3.cloned.1.call-start
scs
__scs_entry_jumppad:
0x0: {  	(pc) =	sbr.rel $0x88, $3  }
0x1: {  	(tag) =	ssettag $0x0;
	lr =	simm.s32 $0x1  }
0x2: {  	[smem:$0x3FA0] =	sst lr;
	_ =	strace $0xD0000000  }
0x3: {  	_ = 	snop  }
0x4: {  	_ = 	snop  }
0x5: {  	_ = 	snop  }
0x6: {  	_ = 	snop  }
0x7: {  	_ = 	snop  }
__scs_overlays_trampoline_lowered:
0x8: {  	[smem:$0x3FAF] =	sst s0  }
0x9: {  	[smem:$0x3FB0] =	sst s1  }
0xa: {  	[smem:$0x3FB1] =	sst s2  }
0xb: {  	[smem:$0x3FB2] =	sst s3  }
0xc: {  	[smem:$0x3FB3] =	sst s4  }
0xd: {  	[smem:$0x3FB4] =	sst s5  }
0xe: {  	[smem:$0x3FB5] =	sst s6  }
0xf: {  	[smem:$0x3FB6] =	sst s7  }
0x10: {  	[smem:$0x3FB7] =	sst s8  }
0x11: {  	[smem:$0x3FB8] =	sst s9;
	s0 =	simm.s32 @!p0 $0x0  }
0x12: {  	s1 =	sld [smem:$0x3F9E];
	s0 =	simm.s32 @p0 $0x1  }
0x13: {  	[smem:$0x3FB9] =	sst s0;
	s0 =	simm.s32 @!p1 $0x0  }
0x14: {  	s2 =	sld [smem:$0x3F9D];
	s0 =	simm.s32 @p1 $0x1  }
0x15: {  	[smem:$0x3FBA] =	sst s0;
	s0 =	simm.s32 @!p2 $0x0  }
0x16: {  	s3 =	sld [smem:$0x3FDB];
	s0 =	simm.s32 @p2 $0x1  }
0x17: {  	s4 =	simm.s32 $0x1BF5;
	[smem:$0x3FBC] =	sst s0  }
0x18: {  	s0 =	sld [smem:$0x3F9F];
	_ =	swait.ge [sflag:s4], $0x0  }
0x19: {  	s7 =	sld [smem:$0x3FA0]  }
0x1a: {  	s8 =	sadd.s32 $0xFFFFE003, lr  }
0x1b: {  	s9 =	sadd.s32 $0xFFFFFEF7, lr;
	s5 =	simm.s32 $0xFFFFFFFF;
	p2 =	slt.u32 s8, $0xFFFFF086  }
0x1c: {  	p1 =	slt.u32 s9, $0xF7A;
	s5 =	simm.s32 @!p2 $0x0  }
0x1d: {  	s5 =	simm.s32 @p1 $0x1;
	p0 =	seq.s32 s7, s2  }
0x1e: {  	s7 =	smul.u32 @!p0 $0xF7A, s2;
	p2 =	seq.s32 @!p0 s5, $0x0  }
0x1f: {  	s9 =	smul.u32 $0xF7A, s1;
	s8 =	simm.s32 @!p0 $0x1BF5;
	p2 =	por !p2, p0  }
0x20: {  	[sflag:s8] =	ssyncset.s32 @!p0 $0xFFFFF086;
	s6 =	sadd.s32 @!p0 s3, s7;
	s7 =	simm.s32 @!p0 $0x108  }
0x21: {  	s3 =	sadd.s32 s3, s9;
	s6 =	sadd.s32 @!p0 $0x88, s6;
	s7 =	simm.s32 @p2 $0x1082  }
0x22: {  	[simem:s7], [sflag:s8] =	dma.local @!p0 [hbm:s6], $0xF7A  }
0x23: {  	s9 =	sor.u32 $0xD0000000, s2;
	s6 =	simm.s32 $0x108;
	_ =	swait.ge @!p0 [sflag:s8], $0x0  }
0x24: {  	s3 =	sadd.s32 $0x88, s3;
	s6 =	simm.s32 @!p1 $0x1082;
	[sflag:s4] =	ssyncset.s32 $0xFFFFF086  }
0x25: {  	[simem:s6], [sflag:s4] =	dma.local [hbm:s3], $0xF7A  }
0x26: {  	[smem:$0x3FA0] =	sst s1;
	(tag) =	ssettag s2;
	_ =	strace s9  }
0x27: {  	s1 =	sld [smem:$0x3FB0]  }
0x28: {  	s2 =	sld [smem:$0x3FB1]  }
0x29: {  	s4 =	sld [smem:$0x3FB3]  }
0x2a: {  	p0 =	seq.s32 s5, $0x0;
	s5 =	sld [smem:$0x3FB4]  }
0x2b: {  	s6 =	sld [smem:$0x3FB5]  }
0x2c: {  	s7 =	sld [smem:$0x3FB6]  }
0x2d: {  	s3 =	simm.s32 $0x108;
	s8 =	sld [smem:$0x3FB7]  }
0x2e: {  	s3 =	simm.s32 @!p0 $0x1082;
	s9 =	sld [smem:$0x3FB8]  }
0x2f: {  	lr =	sadd.s32 s0, s3;
	s0 =	sld [smem:$0x3FAF]  }
0x30: {  	s3 =	sld [smem:$0x3FB2]  }
0x31: {  	[smem:$0x3FBB] =	sst s10  }
0x32: {  	s10 =	sld [smem:$0x3FB9];
	_ =	sdelay $0x3  }
0x33: {  	p0 =	seq.s32 s10, $0x1;
	s10 =	sld [smem:$0x3FBB];
	_ =	sdelay $0x3  }
0x34: {  	[smem:$0x3FBB] =	sst s10  }
0x35: {  	s10 =	sld [smem:$0x3FBA];
	_ =	sdelay $0x3  }
0x36: {  	p1 =	seq.s32 s10, $0x1;
	s10 =	sld [smem:$0x3FBB];
	_ =	sdelay $0x3  }
0x37: {  	[smem:$0x3FBB] =	sst s10  }
0x38: {  	s10 =	sld [smem:$0x3FBC]  }
0x39: {  	_ = 	snop;
	(pc) =	sbr.ind lr, $3  }
0x3a: {  	_ = 	snop  }
0x3b: {  	_ = 	snop  }
0x3c: {  	p2 =	seq.s32 s10, $0x1;
	s10 =	sld [smem:$0x3FBB]  }
0x3d: {  	_ =	shalt  }
0x3e: {  	_ =	shalt  }
0x3f: {  	_ =	shalt  }
0x40: {  	_ =	shalt  }
0x41: {  	_ =	shalt  }
0x42: {  	_ =	shalt  }
0x43: {  	_ =	shalt  }
0x44: {  	_ =	shalt  }
0x45: {  	_ =	shalt  }
0x46: {  	_ =	shalt  }
0x47: {  	_ =	shalt  }
0x48: {  	_ =	shalt  }
0x49: {  	_ =	shalt  }
0x4a: {  	_ =	shalt  }
0x4b: {  	_ =	shalt  }
0x4c: {  	_ =	shalt  }
0x4d: {  	_ =	shalt  }
0x4e: {  	_ =	shalt  }
0x4f: {  	_ =	shalt  }
0x50: {  	_ =	shalt  }
0x51: {  	_ =	shalt  }
0x52: {  	_ =	shalt  }
0x53: {  	_ =	shalt  }
0x54: {  	_ =	shalt  }
0x55: {  	_ =	shalt  }
0x56: {  	_ =	shalt  }
0x57: {  	_ =	shalt  }
0x58: {  	_ =	shalt  }
0x59: {  	_ =	shalt  }
0x5a: {  	_ =	shalt  }
0x5b: {  	_ =	shalt  }
0x5c: {  	_ =	shalt  }
0x5d: {  	_ =	shalt  }
0x5e: {  	_ =	shalt  }
0x5f: {  	_ =	shalt  }
0x60: {  	_ =	shalt  }
0x61: {  	_ =	shalt  }
0x62: {  	_ =	shalt  }
0x63: {  	_ =	shalt  }
0x64: {  	_ =	shalt  }
0x65: {  	_ =	shalt  }
0x66: {  	_ =	shalt  }
0x67: {  	_ =	shalt  }
0x68: {  	_ =	shalt  }
0x69: {  	_ =	shalt  }
0x6a: {  	_ =	shalt  }
0x6b: {  	_ =	shalt  }
0x6c: {  	_ =	shalt  }
0x6d: {  	_ =	shalt  }
0x6e: {  	_ =	shalt  }
0x6f: {  	_ =	shalt  }
0x70: {  	_ =	shalt  }
0x71: {  	_ =	shalt  }
0x72: {  	_ =	shalt  }
0x73: {  	_ =	shalt  }
0x74: {  	_ =	shalt  }
0x75: {  	_ =	shalt  }
0x76: {  	_ =	shalt  }
0x77: {  	_ =	shalt  }
0x78: {  	_ =	shalt  }
0x79: {  	_ =	shalt  }
0x7a: {  	_ =	shalt  }
0x7b: {  	_ =	shalt  }
0x7c: {  	_ =	shalt  }
0x7d: {  	_ =	shalt  }
0x7e: {  	_ =	shalt  }
0x7f: {  	_ =	shalt  }
0x80: {  	_ =	shalt  }
0x81: {  	_ =	shalt  }
0x82: {  	_ =	shalt  }
0x83: {  	_ =	shalt  }
0x84: {  	_ =	shalt  }
0x85: {  	_ =	shalt  }
0x86: {  	_ =	shalt  }
0x87: {  	_ =	shalt  }
.Lfunc_end0:
.L_simem_size_0:
called_computation_lowered:
.L_overlay_start_0:
0x88: {  	s2 =	sld [smem:$0x3FD9]  }
0x89: {  	s3 =	sld [smem:$0x3FFE];
	_ =	sdelay $0x1  }
0x8a: {  	s1 =	srdreg.scid  }
0x8b: {  	s0 =	sand.u32 $0x1, s1  }
0x8c: {  	s17 =	sshll.u32 s0, $0xA;
	s2 =	sadd.s32 s3, s2  }
0x8d: {  	s2 =	sadd.s32 s2, s17  }
0x8e: {  	[smem:$0x3FC7] =	sst s2  }
0x8f: {  	_ = 	snop  }
0x90: {  	s2 =	sld [smem:$0x3FD0];
	(tm) =	ssettm $0x1  }
0x91: {  	s18 =	sld [smem:$0x3FFB];
	_ =	sdelay $0x3  }
0x92: {  	_ =	strace s18  }
0x93: {  	s3 =	sld [smem:$0x3FFC];
	_ =	sdelay $0x3  }
0x94: {  	_ =	strace s3  }
0x95: {  	s3 =	sld [smem:$0x3FFD];
	_ =	sdelay $0x3  }
0x96: {  	_ =	strace s3  }
0x97: {  	_ =	strace $0x8FFFFFFF  }
0x98: {  	s19 =	sld [smem:$0x3FDB];
	_ =	sdelay $0x1  }
0x99: {  	s4 =	simm.s32 $_scs_section_size  }
0x9a: {  	s5 =	simm.s32 $_size__tile_overlayer_lowered;
	s6 =	simm.s32 $_tile_overlayer_lowered  }
0x9b: {  	s22 =	simm.s32 $0x1BFF;
	s21 =	sshll.u32 s6, $0x1;
	s3 =	sadd.s32 s4, s19  }
0x9c: {  	s7 =	simm.s32 $0x0;
	s20 =	sshll.u32 s5, $0x1;
	s5 =	sadd.s32 s21, s3  }
0x9d: {  	[timem:s7], [sflag:s22] =	dma.local [hbm:s5], s20  }
0x9e: {  	_ =	swait.ge [sflag:s22], s20  }
0x9f: {  	s4 =	ssub.s32 $0x0, s20;
	[sflag:s22] =	ssyncset.done $0x0  }
0xa0: {  	[sflag:s22] =	ssyncadd.s32 s4;
	_ =	sdelay $0x1  }
0xa1: {  	s23 =	simm.s32 $0x1B8B  }
0xa2: {  	_ =	swait.ge [sflag:s23], $0x1  }
0xa3: {  	[sflag:s23] =	ssyncset.done $0x0  }
0xa4: {  	s25 =	simm.s32 $0x1B8E;
	s24 =	sld [smem:$0x3FFE];
	[sflag:s23] =	ssyncadd.s32 $0xFFFFFFFF  }
0xa5: {  	s26 =	simm.s32 $execute0_lowered;
	[smem:$0x3FD2] =	sst s25  }
0xa6: {  	s5 =	sshll.u32 s26, $0x1;
	_ =	strace $0x80000046;
	[dreg:$0x1] =	wrdreg $0xFFFFFFFF  }
0xa7: {  	s28 =	simm.s32 $_size_execute0_lowered;
	s3 =	sadd.s32 s3, s5;
	[dreg:$0x0] =	wrdreg $0x0  }
0xa8: {  	s5 =	sshll.u32 s28, $0x1;
	[dreg:$0x2] =	wrdreg s3  }
0xa9: {  	[dreg:$0x3] =	wrdreg s5  }
0xaa: {  	[dreg:$0x4] =	wrdreg $0xC0  }
0xab: {  	_ =	task [dreg:s7], $0x5FFFF  }
0xac: {  	[dreg:$0x1] =	wrdreg $0xFFFFFFFF  }
0xad: {  	[dreg:$0x0] =	wrdreg $0x60  }
0xae: {  	[dreg:$0x2] =	wrdreg s24  }
0xaf: {  	[dreg:$0x3] =	wrdreg s2  }
0xb0: {  	[dreg:$0x4] =	wrdreg $0x9  }
0xb1: {  	_ =	task.clear_ibuf [dreg:s7], $0x5FFFF;
	_ =	strace $0x90000046  }
0xb2: {  	s29 =	simm.s32 $0x9;
	_ =	strace $0x80000048  }
0xb3: {  	_ =	swait.ge [sflag:s29], $0x1  }
0xb4: {  	[sflag:s29] =	ssyncadd.s32 $0xFFFFFFFF  }
0xb5: {  	_ =	strace $0x90000048  }
0xb6: {  	_ =	sfence  }
0xb7: {  	s30 =	sld [smem:$0x0];
	_ =	sdelay $0x2  }
0xb8: {  	s31 =	sshll.u32 s1, $0xD;
	s1 =	sshrl.u32 s1, $0x2  }
0xb9: {  	s3 =	sand.u32 $0x4000, s31;
	s1 =	sadd.s32 s1, s30  }
0xba: {  	s0 =	sor.u32 s3, s0;
	s1 =	sshll.u32 s1, $0x11  }
0xbb: {  	s0 =	sor.u32 s1, s0  }
0xbc: {  	s0 =	sadd.s32 $0x8F2B, s0  }
0xbd: {  	[sflag:s0] =	ssyncadd.remote.s32 $0x1  }
0xbe: {  	_ =	sfence.sel $0xFFFF  }
0xbf: {  	[dreg:$0x0] =	wrdreg $0xFFFFFFFF;
	(pc) =	sbr.abs _section_cstart, $3  }
0xc0: {  	[dreg:$0x1] =	wrdreg $0xFFFFFFFF  }
0xc1: {  	_ =	task.clear_ibuf [dreg:s7], $0x2FFFF;
	_ =	strace $0x9FFFFFFF  }
0xc2: {  	(tm) =	ssettm $0x7FFFFFFF  }
0xc3: {  	_ =	shalt  }
tec
execute0_lowered:
.L_overlay_start_1:
0x0: {  	(tag) =	ssettag $0x1  }
0x1: {  	s0 =	srdreg.scid  }
0x2: {  	s4 =	stileid.u32;
	s26 =	rddreg [dreg:$0x0]  }
0x3: {  	s12 =	rddreg [dreg:$0x1];
	s3 =	simm.s32 $0x0;
	s1 =	sand.u32 $0x1, s0  }
0x4: {  	[smem:$0x7FF] =	sst s3;
	s0 =	sor.u32 s1, s4  }
0x5: {  	_ =	strace $0x80000047;
	s5 =	ssub.s32 $0x2, s1;
	s7 =	sshll.u32 s1, $0x7  }
0x6: {  	p0 =	seq.s32 s0, $0x0;
	s6 =	sshrl.u32 s5, $0x1;
	s0 =	sshll.u32 s1, $0xA  }
0x7: {  	[dreg:$0x3] =	wrdreg s7;
	s9 =	ssub.s32 s5, s6;
	s6 =	sxor.u32 $0x7F8, s0  }
0x8: {  	s7 =	sxor.u32 $0x17F8, s0;
	[smem:$0x6B0] =	sst s6  }
0x9: {  	s8 =	sxor.u32 $0x27F8, s0;
	[smem:$0x6B1] =	sst s7  }
0xa: {  	s10 =	sxor.u32 $0x37F8, s0;
	[smem:$0x6B2] =	sst s8  }
0xb: {  	s13 =	sxor.u32 $0x47F8, s0;
	[smem:$0x6B3] =	sst s10  }
0xc: {  	s14 =	sxor.u32 $0x57F8, s0;
	[smem:$0x6B4] =	sst s13  }
0xd: {  	s15 =	sxor.u32 $0x67F8, s0;
	[smem:$0x6B5] =	sst s14  }
0xe: {  	s16 =	sxor.u32 $0x77F8, s0;
	[smem:$0x6B6] =	sst s15  }
0xf: {  	s17 =	ssub.s32 $0x878, s0;
	[smem:$0x6B7] =	sst s16  }
0x10: {  	s18 =	ssub.s32 $0x1878, s0;
	[smem:$0x6B8] =	sst s17  }
0x11: {  	s19 =	ssub.s32 $0x2878, s0;
	[smem:$0x6B9] =	sst s18  }
0x12: {  	s20 =	ssub.s32 $0x3878, s0;
	[smem:$0x6BA] =	sst s19  }
0x13: {  	s21 =	ssub.s32 $0x4878, s0;
	[smem:$0x6BB] =	sst s20  }
0x14: {  	s22 =	ssub.s32 $0x5878, s0;
	[smem:$0x6BC] =	sst s21  }
0x15: {  	s23 =	ssub.s32 $0x6878, s0;
	[smem:$0x6BD] =	sst s22  }
0x16: {  	s24 =	ssub.s32 $0x7878, s0;
	[smem:$0x6BE] =	sst s23  }
0x17: {  	s25 =	ssub.s32 $0x8F8, s0;
	[smem:$0x6BF] =	sst s24  }
0x18: {  	s5 =	ssub.s32 $0x48F8, s0;
	[smem:$0x6C0] =	sst s25  }
0x19: {  	[smem:$0x6C4] =	sst s5;
	s6 =	ssub.s32 $0x58F8, s0  }
0x1a: {  	s7 =	ssub.s32 $0x68F8, s0;
	[smem:$0x6C5] =	sst s6  }
0x1b: {  	s8 =	ssub.s32 $0x78F8, s0;
	[smem:$0x6C6] =	sst s7  }
0x1c: {  	s10 =	ssub.s32 $0x978, s0;
	[smem:$0x6C7] =	sst s8  }
0x1d: {  	s13 =	ssub.s32 $0x1978, s0;
	[smem:$0x6C8] =	sst s10  }
0x1e: {  	s14 =	ssub.s32 $0x2978, s0;
	[smem:$0x6C9] =	sst s13  }
0x1f: {  	s15 =	ssub.s32 $0x3978, s0;
	[smem:$0x6CA] =	sst s14  }
0x20: {  	s16 =	ssub.s32 $0x4978, s0;
	[smem:$0x6CB] =	sst s15  }
0x21: {  	s17 =	ssub.s32 $0x5978, s0;
	[smem:$0x6CC] =	sst s16  }
0x22: {  	s18 =	ssub.s32 $0x6978, s0;
	[smem:$0x6CD] =	sst s17  }
0x23: {  	s19 =	ssub.s32 $0x7978, s0;
	[smem:$0x6CE] =	sst s18  }
0x24: {  	s20 =	ssub.s32 $0x9F8, s0;
	[smem:$0x6CF] =	sst s19  }
0x25: {  	s21 =	ssub.s32 $0x19F8, s0;
	[smem:$0x6D0] =	sst s20  }
0x26: {  	s22 =	ssub.s32 $0x29F8, s0;
	[smem:$0x6D1] =	sst s21  }
0x27: {  	s23 =	ssub.s32 $0x39F8, s0;
	[smem:$0x6D2] =	sst s22  }
0x28: {  	s24 =	ssub.s32 $0x49F8, s0;
	[smem:$0x6D3] =	sst s23  }
0x29: {  	s25 =	ssub.s32 $0x59F8, s0;
	[smem:$0x6D4] =	sst s24  }
0x2a: {  	s5 =	ssub.s32 $0x1A78, s0;
	[smem:$0x6D5] =	sst s25  }
0x2b: {  	s9 =	smax.u32 s9, $0x1;
	[smem:$0x6D9] =	sst s5  }
0x2c: {  	s6 =	ssub.s32 $0x2A78, s0;
	[smem:$0x7FD] =	sst s9  }
0x2d: {  	s7 =	ssub.s32 $0x3A78, s0;
	[smem:$0x6DA] =	sst s6  }
0x2e: {  	s8 =	ssub.s32 $0x4A78, s0;
	[smem:$0x6DB] =	sst s7  }
0x2f: {  	s10 =	ssub.s32 $0x5A78, s0;
	[smem:$0x6DC] =	sst s8  }
0x30: {  	s13 =	ssub.s32 $0x6A78, s0;
	[smem:$0x6DD] =	sst s10  }
0x31: {  	s14 =	ssub.s32 $0x7A78, s0;
	[smem:$0x6DE] =	sst s13  }
0x32: {  	s15 =	ssub.s32 $0xAF8, s0;
	[smem:$0x6DF] =	sst s14  }
0x33: {  	s16 =	ssub.s32 $0x1AF8, s0;
	[smem:$0x6E0] =	sst s15  }
0x34: {  	s17 =	ssub.s32 $0x2AF8, s0;
	[smem:$0x6E1] =	sst s16  }
0x35: {  	s18 =	ssub.s32 $0x3AF8, s0;
	[smem:$0x6E2] =	sst s17  }
0x36: {  	s19 =	ssub.s32 $0x4AF8, s0;
	[smem:$0x6E3] =	sst s18  }
0x37: {  	s20 =	ssub.s32 $0x5AF8, s0;
	[smem:$0x6E4] =	sst s19  }
0x38: {  	s21 =	ssub.s32 $0x6AF8, s0;
	[smem:$0x6E5] =	sst s20  }
0x39: {  	s22 =	ssub.s32 $0x7AF8, s0;
	[smem:$0x6E6] =	sst s21  }
0x3a: {  	s23 =	ssub.s32 $0xB78, s0;
	[smem:$0x6E7] =	sst s22  }
0x3b: {  	s24 =	ssub.s32 $0x1B78, s0;
	[smem:$0x6E8] =	sst s23  }
0x3c: {  	s25 =	ssub.s32 $0x2B78, s0;
	[smem:$0x6E9] =	sst s24  }
0x3d: {  	s5 =	ssub.s32 $0x6B78, s0;
	[smem:$0x6EA] =	sst s25  }
0x3e: {  	[smem:$0x6EE] =	sst s5;
	s6 =	ssub.s32 $0x7B78, s0  }
0x3f: {  	s7 =	ssub.s32 $0xBF8, s0;
	[smem:$0x6EF] =	sst s6  }
0x40: {  	s8 =	ssub.s32 $0x1BF8, s0;
	[smem:$0x6F0] =	sst s7  }
0x41: {  	s10 =	ssub.s32 $0x2BF8, s0;
	[smem:$0x6F1] =	sst s8  }
0x42: {  	s13 =	ssub.s32 $0x3BF8, s0;
	[smem:$0x6F2] =	sst s10  }
0x43: {  	s14 =	ssub.s32 $0x4BF8, s0;
	[smem:$0x6F3] =	sst s13  }
0x44: {  	s15 =	ssub.s32 $0x5BF8, s0;
	[smem:$0x6F4] =	sst s14  }
0x45: {  	s16 =	ssub.s32 $0x6BF8, s0;
	[smem:$0x6F5] =	sst s15  }
0x46: {  	s17 =	ssub.s32 $0x7BF8, s0;
	[smem:$0x6F6] =	sst s16  }
0x47: {  	s18 =	sxor.u32 $0xC78, s0;
	[smem:$0x6F7] =	sst s17  }
0x48: {  	s19 =	sxor.u32 $0x1C78, s0;
	[smem:$0x6F8] =	sst s18  }
0x49: {  	s20 =	sxor.u32 $0x2C78, s0;
	[smem:$0x6F9] =	sst s19  }
0x4a: {  	s2 =	simm.s32 $0x1;
	s21 =	sxor.u32 $0x3C78, s0;
	[smem:$0x6FA] =	sst s20  }
0x4b: {  	p1 =	seq.s32 s1, $0x1;
	s22 =	sxor.u32 $0x4C78, s0;
	[smem:$0x6FB] =	sst s21  }
0x4c: {  	p0 =	por !p0, !p1;
	s23 =	sxor.u32 $0x5C78, s0;
	[smem:$0x6FC] =	sst s22  }
0x4d: {  	p0 =	por !p0, !p0;
	s24 =	sxor.u32 $0x6C78, s0;
	[smem:$0x6FD] =	sst s23  }
0x4e: {  	s2 =	simm.s32 @!p0 $0x0;
	s25 =	sxor.u32 $0x7C78, s0;
	[smem:$0x6FE] =	sst s24  }
0x4f: {  	s2 =	ssub.s32 s4, s2;
	s5 =	sxor.u32 $0x3CF8, s0;
	[smem:$0x6FF] =	sst s25  }
0x50: {  	s4 =	sshll.u32 s2, $0xC;
	s2 =	sshll.u32 s2, $0x16;
	[smem:$0x703] =	sst s5  }
0x51: {  	s6 =	sxor.u32 $0x4CF8, s0;
	[dreg:$0x4] =	wrdreg s2  }
0x52: {  	s7 =	sxor.u32 $0x5CF8, s0;
	[smem:$0x704] =	sst s6  }
0x53: {  	s8 =	sxor.u32 $0x6CF8, s0;
	[smem:$0x705] =	sst s7  }
0x54: {  	s10 =	sxor.u32 $0x7CF8, s0;
	[smem:$0x706] =	sst s8  }
0x55: {  	s13 =	sxor.u32 $0xD78, s0;
	[smem:$0x707] =	sst s10  }
0x56: {  	s14 =	sxor.u32 $0x1D78, s0;
	[smem:$0x708] =	sst s13  }
0x57: {  	s15 =	sxor.u32 $0x2D78, s0;
	[smem:$0x709] =	sst s14  }
0x58: {  	s16 =	sxor.u32 $0x3D78, s0;
	[smem:$0x70A] =	sst s15  }
0x59: {  	s17 =	sxor.u32 $0x4D78, s0;
	[smem:$0x70B] =	sst s16  }
0x5a: {  	s18 =	sxor.u32 $0x5D78, s0;
	[smem:$0x70C] =	sst s17  }
0x5b: {  	s19 =	sxor.u32 $0x6D78, s0;
	[smem:$0x70D] =	sst s18  }
0x5c: {  	s20 =	sxor.u32 $0x7D78, s0;
	[smem:$0x70E] =	sst s19  }
0x5d: {  	s21 =	sxor.u32 $0xDF8, s0;
	[smem:$0x70F] =	sst s20  }
0x5e: {  	s22 =	sxor.u32 $0x1DF8, s0;
	[smem:$0x710] =	sst s21  }
0x5f: {  	s23 =	sxor.u32 $0x2DF8, s0;
	[smem:$0x711] =	sst s22  }
0x60: {  	s24 =	sxor.u32 $0x3DF8, s0;
	[smem:$0x712] =	sst s23  }
0x61: {  	s25 =	sxor.u32 $0x4DF8, s0;
	[smem:$0x713] =	sst s24  }
0x62: {  	s1 =	sshll.u32 s1, $0x15;
	s5 =	sxor.u32 $0xE78, s0;
	[smem:$0x714] =	sst s25  }
0x63: {  	s1 =	sor.u32 s1, s2;
	s2 =	ssub.s32 $0x28F8, s0;
	[smem:$0x718] =	sst s5  }
0x64: {  	s6 =	sxor.u32 $0x1E78, s0;
	[smem:$0x6C2] =	sst s2  }
0x65: {  	s7 =	sxor.u32 $0x2E78, s0;
	[smem:$0x719] =	sst s6  }
0x66: {  	s8 =	sxor.u32 $0x3E78, s0;
	[smem:$0x71A] =	sst s7  }
0x67: {  	s10 =	sxor.u32 $0x4E78, s0;
	[smem:$0x71B] =	sst s8  }
0x68: {  	s13 =	sxor.u32 $0x5E78, s0;
	[smem:$0x71C] =	sst s10  }
0x69: {  	s14 =	sxor.u32 $0x6E78, s0;
	[smem:$0x71D] =	sst s13  }
0x6a: {  	s15 =	sxor.u32 $0x7E78, s0;
	[smem:$0x71E] =	sst s14  }
0x6b: {  	s16 =	sxor.u32 $0xEF8, s0;
	[smem:$0x71F] =	sst s15  }
0x6c: {  	s17 =	sxor.u32 $0x1EF8, s0;
	[smem:$0x720] =	sst s16  }
0x6d: {  	s18 =	sxor.u32 $0x2EF8, s0;
	[smem:$0x721] =	sst s17  }
0x6e: {  	s19 =	sxor.u32 $0x3EF8, s0;
	[smem:$0x722] =	sst s18  }
0x6f: {  	s20 =	sxor.u32 $0x4EF8, s0;
	[smem:$0x723] =	sst s19  }
0x70: {  	s21 =	sxor.u32 $0x5EF8, s0;
	[smem:$0x724] =	sst s20  }
0x71: {  	s22 =	sxor.u32 $0x6EF8, s0;
	[smem:$0x725] =	sst s21  }
0x72: {  	s23 =	sxor.u32 $0x7EF8, s0;
	[smem:$0x726] =	sst s22  }
0x73: {  	s24 =	sxor.u32 $0xF78, s0;
	[smem:$0x727] =	sst s23  }
0x74: {  	s25 =	sxor.u32 $0x1F78, s0;
	[smem:$0x728] =	sst s24  }
0x75: {  	s4 =	sand.u32 $0x1FFFF000, s4;
	s5 =	sxor.u32 $0x5F78, s0;
	[smem:$0x729] =	sst s25  }
0x76: {  	s4 =	sadd.s32 s4, s26;
	s26 =	ssub.s32 $0x18F8, s0;
	[smem:$0x72D] =	sst s5  }
0x77: {  	s2 =	ssub.s32 $0x79F8, s0;
	[smem:$0x6C1] =	sst s26  }
0x78: {  	s6 =	sxor.u32 $0x6F78, s0;
	[smem:$0x6D7] =	sst s2  }
0x79: {  	s7 =	sadd.s32 $0x10, s12;
	[smem:$0x72E] =	sst s6  }
0x7a: {  	s10 =	sadd.s32 $0x20, s12;
	[dreg:$0x5] =	wrdreg s7  }
0x7b: {  	s13 =	sadd.s32 $0x30, s12;
	[dreg:$0x6] =	wrdreg s10  }
0x7c: {  	s14 =	sadd.s32 $0x40, s12;
	[dreg:$0x7] =	wrdreg s13  }
0x7d: {  	s16 =	sadd.s32 $0x50, s12;
	[dreg:$0x8] =	wrdreg s14  }
0x7e: {  	s17 =	sadd.s32 $0x60, s12;
	[dreg:$0x9] =	wrdreg s16  }
0x7f: {  	s18 =	sadd.s32 $0x70, s12;
	[dreg:$0xa] =	wrdreg s17  }
0x80: {  	s20 =	sadd.s32 $0x80, s12;
	[dreg:$0xb] =	wrdreg s18  }
0x81: {  	s21 =	sadd.s32 $0x90, s12;
	[dreg:$0xc] =	wrdreg s20  }
0x82: {  	s22 =	sadd.s32 $0xA0, s12;
	[dreg:$0xd] =	wrdreg s21  }
0x83: {  	s24 =	sadd.s32 $0xB0, s12;
	[dreg:$0xe] =	wrdreg s22  }
0x84: {  	s25 =	sadd.s32 $0xC0, s12;
	[dreg:$0xf] =	wrdreg s24  }
0x85: {  	s5 =	sadd.s32 $0x100, s12;
	[dreg:$0x10] =	wrdreg s25  }
0x86: {  	s4 =	sadd.s32 $0x600, s4;
	[dreg:$0x14] =	wrdreg s5  }
0x87: {  	s26 =	ssub.s32 $0x69F8, s0;
	[smem:$0x6AF] =	sst s4  }
0x88: {  	s11 =	sshrl.u32 s1, $0x3;
	s2 =	ssub.s32 $0x4B78, s0;
	[smem:$0x6D6] =	sst s26  }
0x89: {  	s8 =	sadd.s32 s12, s11;
	[smem:$0x6EC] =	sst s2  }
0x8a: {  	s15 =	sadd.s32 s11, s14;
	[smem:$0x730] =	sst s8  }
0x8b: {  	s19 =	sadd.s32 s11, s18;
	[smem:$0x734] =	sst s15  }
0x8c: {  	s23 =	sadd.s32 s11, s22;
	[smem:$0x737] =	sst s19  }
0x8d: {  	s6 =	sadd.s32 s11, s5;
	[smem:$0x73A] =	sst s23  }
0x8e: {  	s14 =	sadd.s32 $0x140, s12;
	[smem:$0x740] =	sst s6  }
0x8f: {  	s18 =	sadd.s32 $0x170, s12;
	[dreg:$0x18] =	wrdreg s14  }
0x90: {  	s22 =	sadd.s32 $0x1A0, s12;
	[dreg:$0x1b] =	wrdreg s18  }
0x91: {  	s5 =	sadd.s32 $0x200, s12;
	[dreg:$0x1e] =	wrdreg s22  }
0x92: {  	s4 =	ssub.s32 $0x38F8, s0;
	[smem:$0x754] =	sst s5  }
0x93: {  	s26 =	ssub.s32 $0x3B78, s0;
	[smem:$0x6C3] =	sst s4  }
0x94: {  	s2 =	sxor.u32 $0x1CF8, s0;
	[smem:$0x6EB] =	sst s26  }
0x95: {  	s8 =	sadd.s32 $0x120, s12;
	[smem:$0x701] =	sst s2  }
0x96: {  	s15 =	sadd.s32 $0x150, s12;
	[dreg:$0x16] =	wrdreg s8  }
0x97: {  	s19 =	sadd.s32 $0x180, s12;
	[dreg:$0x19] =	wrdreg s15  }
0x98: {  	s23 =	sadd.s32 $0x1B0, s12;
	[dreg:$0x1c] =	wrdreg s19  }
0x99: {  	s6 =	sadd.s32 $0x210, s12;
	[dreg:$0x1f] =	wrdreg s23  }
0x9a: {  	s4 =	ssub.s32 $0xA78, s0;
	[smem:$0x756] =	sst s6  }
0x9b: {  	s26 =	sxor.u32 $0xCF8, s0;
	[smem:$0x6D8] =	sst s4  }
0x9c: {  	s2 =	sxor.u32 $0x6DF8, s0;
	[smem:$0x700] =	sst s26  }
0x9d: {  	s4 =	ssub.s32 $0x5B78, s0;
	[smem:$0x716] =	sst s2  }
0x9e: {  	s26 =	sxor.u32 $0x5DF8, s0;
	[smem:$0x6ED] =	sst s4  }
0x9f: {  	s2 =	sxor.u32 $0x3F78, s0;
	[smem:$0x715] =	sst s26  }
0xa0: {  	s4 =	sxor.u32 $0x2CF8, s0;
	[smem:$0x72B] =	sst s2  }
0xa1: {  	s26 =	sxor.u32 $0x2F78, s0;
	[smem:$0x702] =	sst s4  }
0xa2: {  	s2 =	sadd.s32 $0xE0, s12;
	[smem:$0x72A] =	sst s26  }
0xa3: {  	s4 =	sxor.u32 $0x7DF8, s0;
	[dreg:$0x12] =	wrdreg s2  }
0xa4: {  	s26 =	sadd.s32 $0xD0, s12;
	[smem:$0x717] =	sst s4  }
0xa5: {  	s4 =	sxor.u32 $0x4F78, s0;
	[dreg:$0x11] =	wrdreg s26  }
0xa6: {  	s0 =	sxor.u32 $0x7F78, s0;
	[smem:$0x72C] =	sst s4  }
0xa7: {  	s1 =	sadd.s32 s11, s26;
	[smem:$0x72F] =	sst s0  }
0xa8: {  	s26 =	sadd.s32 $0x1D0, s12;
	[smem:$0x73D] =	sst s1  }
0xa9: {  	s0 =	sadd.s32 s11, s7;
	[smem:$0x74E] =	sst s26  }
0xaa: {  	s4 =	sadd.s32 $0xF0, s12;
	[smem:$0x731] =	sst s0  }
0xab: {  	s7 =	sadd.s32 $0x110, s12;
	[dreg:$0x13] =	wrdreg s4  }
0xac: {  	s1 =	sadd.s32 $0x1E0, s12;
	[dreg:$0x15] =	wrdreg s7  }
0xad: {  	s0 =	sadd.s32 s11, s10;
	[smem:$0x750] =	sst s1  }
0xae: {  	s10 =	sadd.s32 $0x130, s12;
	[smem:$0x732] =	sst s0  }
0xaf: {  	s0 =	sadd.s32 s11, s13;
	[dreg:$0x17] =	wrdreg s10  }
0xb0: {  	s13 =	sadd.s32 s11, s10;
	[smem:$0x733] =	sst s0  }
0xb1: {  	s10 =	sadd.s32 $0x230, s12;
	[smem:$0x743] =	sst s13  }
0xb2: {  	s0 =	sadd.s32 s11, s16;
	[smem:$0x75A] =	sst s10  }
0xb3: {  	s16 =	sadd.s32 $0x160, s12;
	[smem:$0x735] =	sst s0  }
0xb4: {  	s13 =	sadd.s32 $0x240, s12;
	[dreg:$0x1a] =	wrdreg s16  }
0xb5: {  	s0 =	sadd.s32 s11, s17;
	[smem:$0x75C] =	sst s13  }
0xb6: {  	s17 =	sadd.s32 s11, s16;
	[smem:$0x736] =	sst s0  }
0xb7: {  	s16 =	sadd.s32 $0x260, s12;
	[smem:$0x746] =	sst s17  }
0xb8: {  	s0 =	sadd.s32 s11, s20;
	[smem:$0x760] =	sst s16  }
0xb9: {  	s20 =	sadd.s32 $0x190, s12;
	[smem:$0x738] =	sst s0  }
0xba: {  	s17 =	sadd.s32 $0x270, s12;
	[dreg:$0x1d] =	wrdreg s20  }
0xbb: {  	s0 =	sadd.s32 s11, s21;
	[smem:$0x762] =	sst s17  }
0xbc: {  	s21 =	sadd.s32 s11, s20;
	[smem:$0x739] =	sst s0  }
0xbd: {  	s20 =	sadd.s32 $0x290, s12;
	[smem:$0x749] =	sst s21  }
0xbe: {  	s0 =	sadd.s32 s11, s24;
	[smem:$0x766] =	sst s20  }
0xbf: {  	s24 =	sadd.s32 $0x1C0, s12;
	[smem:$0x73B] =	sst s0  }
0xc0: {  	s21 =	sadd.s32 $0x2A0, s12;
	[smem:$0x74C] =	sst s24  }
0xc1: {  	s0 =	sadd.s32 s11, s25;
	[smem:$0x768] =	sst s21  }
0xc2: {  	s25 =	sadd.s32 s11, s24;
	[smem:$0x73C] =	sst s0  }
0xc3: {  	s24 =	sadd.s32 $0x2C0, s12;
	[smem:$0x74D] =	sst s25  }
0xc4: {  	s0 =	sadd.s32 s11, s2;
	[smem:$0x76C] =	sst s24  }
0xc5: {  	s2 =	sadd.s32 $0x1F0, s12;
	[smem:$0x73E] =	sst s0  }
0xc6: {  	s25 =	sadd.s32 $0x2D0, s12;
	[smem:$0x752] =	sst s2  }
0xc7: {  	s0 =	sadd.s32 s11, s4;
	[smem:$0x76E] =	sst s25  }
0xc8: {  	s4 =	sadd.s32 s11, s2;
	[smem:$0x73F] =	sst s0  }
0xc9: {  	s2 =	sadd.s32 $0x2F0, s12;
	[smem:$0x753] =	sst s4  }
0xca: {  	s0 =	sadd.s32 s11, s7;
	[smem:$0x772] =	sst s2  }
0xcb: {  	s7 =	sadd.s32 $0x220, s12;
	[smem:$0x741] =	sst s0  }
0xcc: {  	s4 =	sadd.s32 $0x300, s12;
	[smem:$0x758] =	sst s7  }
0xcd: {  	s0 =	sadd.s32 s11, s8;
	[smem:$0x774] =	sst s4  }
0xce: {  	s8 =	sadd.s32 s11, s7;
	[smem:$0x742] =	sst s0  }
0xcf: {  	s7 =	sadd.s32 $0x320, s12;
	[smem:$0x759] =	sst s8  }
0xd0: {  	s0 =	sadd.s32 s11, s14;
	[smem:$0x778] =	sst s7  }
0xd1: {  	s14 =	sadd.s32 $0x250, s12;
	[smem:$0x744] =	sst s0  }
0xd2: {  	s8 =	sadd.s32 $0x330, s12;
	[smem:$0x75E] =	sst s14  }
0xd3: {  	s0 =	sadd.s32 s11, s15;
	[smem:$0x77A] =	sst s8  }
0xd4: {  	s15 =	sadd.s32 s11, s14;
	[smem:$0x745] =	sst s0  }
0xd5: {  	s14 =	sadd.s32 $0x350, s12;
	[smem:$0x75F] =	sst s15  }
0xd6: {  	s0 =	sadd.s32 s11, s18;
	[smem:$0x77E] =	sst s14  }
0xd7: {  	s18 =	sadd.s32 $0x280, s12;
	[smem:$0x747] =	sst s0  }
0xd8: {  	s15 =	sadd.s32 $0x360, s12;
	[smem:$0x764] =	sst s18  }
0xd9: {  	s0 =	sadd.s32 s11, s19;
	[smem:$0x780] =	sst s15  }
0xda: {  	s19 =	sadd.s32 s11, s18;
	[smem:$0x748] =	sst s0  }
0xdb: {  	s18 =	sadd.s32 $0x380, s12;
	[smem:$0x765] =	sst s19  }
0xdc: {  	s0 =	sadd.s32 s11, s22;
	[smem:$0x784] =	sst s18  }
0xdd: {  	s22 =	sadd.s32 $0x2B0, s12;
	[smem:$0x74A] =	sst s0  }
0xde: {  	s19 =	sadd.s32 $0x390, s12;
	[smem:$0x76A] =	sst s22  }
0xdf: {  	s0 =	sadd.s32 s11, s23;
	[smem:$0x786] =	sst s19  }
0xe0: {  	s23 =	sadd.s32 s11, s22;
	[smem:$0x74B] =	sst s0  }
0xe1: {  	s22 =	sadd.s32 $0x3B0, s12;
	[smem:$0x76B] =	sst s23  }
0xe2: {  	s0 =	sadd.s32 s11, s26;
	[smem:$0x78A] =	sst s22  }
0xe3: {  	s26 =	sadd.s32 $0x2E0, s12;
	[smem:$0x74F] =	sst s0  }
0xe4: {  	s23 =	sadd.s32 $0x3C0, s12;
	[smem:$0x770] =	sst s26  }
0xe5: {  	s0 =	sadd.s32 s11, s1;
	[smem:$0x78C] =	sst s23  }
0xe6: {  	s1 =	sadd.s32 s11, s26;
	[smem:$0x751] =	sst s0  }
0xe7: {  	s26 =	sadd.s32 $0x3E0, s12;
	[smem:$0x771] =	sst s1  }
0xe8: {  	s0 =	sadd.s32 s11, s5;
	[smem:$0x790] =	sst s26  }
0xe9: {  	s5 =	sadd.s32 $0x310, s12;
	[smem:$0x755] =	sst s0  }
0xea: {  	s1 =	sadd.s32 $0x3F0, s12;
	[smem:$0x776] =	sst s5  }
0xeb: {  	s0 =	sadd.s32 s11, s6;
	[smem:$0x792] =	sst s1  }
0xec: {  	s6 =	sadd.s32 s11, s5;
	[smem:$0x757] =	sst s0  }
0xed: {  	s5 =	sadd.s32 $0x410, s12;
	[smem:$0x777] =	sst s6  }
0xee: {  	s0 =	sadd.s32 s11, s10;
	[smem:$0x796] =	sst s5  }
0xef: {  	s10 =	sadd.s32 $0x340, s12;
	[smem:$0x75B] =	sst s0  }
0xf0: {  	s6 =	sadd.s32 $0x420, s12;
	[smem:$0x77C] =	sst s10  }
0xf1: {  	s0 =	sadd.s32 s11, s13;
	[smem:$0x798] =	sst s6  }
0xf2: {  	s13 =	sadd.s32 s11, s10;
	[smem:$0x75D] =	sst s0  }
0xf3: {  	s10 =	sadd.s32 $0x440, s12;
	[smem:$0x77D] =	sst s13  }
0xf4: {  	s0 =	sadd.s32 s11, s16;
	[smem:$0x79C] =	sst s10  }
0xf5: {  	s16 =	sadd.s32 $0x370, s12;
	[smem:$0x761] =	sst s0  }
0xf6: {  	s13 =	sadd.s32 $0x450, s12;
	[smem:$0x782] =	sst s16  }
0xf7: {  	s0 =	sadd.s32 s11, s17;
	[smem:$0x79E] =	sst s13  }
0xf8: {  	s17 =	sadd.s32 s11, s16;
	[smem:$0x763] =	sst s0  }
0xf9: {  	s16 =	sadd.s32 $0x470, s12;
	[smem:$0x783] =	sst s17  }
0xfa: {  	s0 =	sadd.s32 s11, s20;
	[smem:$0x7A2] =	sst s16  }
0xfb: {  	s20 =	sadd.s32 $0x3A0, s12;
	[smem:$0x767] =	sst s0  }
0xfc: {  	s17 =	sadd.s32 $0x480, s12;
	[smem:$0x788] =	sst s20  }
0xfd: {  	s0 =	sadd.s32 s11, s21;
	[smem:$0x7A4] =	sst s17  }
0xfe: {  	s21 =	sadd.s32 s11, s20;
	[smem:$0x769] =	sst s0  }
0xff: {  	s20 =	sadd.s32 $0x4A0, s12;
	[smem:$0x789] =	sst s21  }
0x100: {  	s0 =	sadd.s32 s11, s24;
	[smem:$0x7A8] =	sst s20  }
0x101: {  	s24 =	sadd.s32 $0x3D0, s12;
	[smem:$0x76D] =	sst s0  }
0x102: {  	s21 =	sadd.s32 $0x4B0, s12;
	[smem:$0x78E] =	sst s24  }
0x103: {  	s0 =	sadd.s32 s11, s25;
	[smem:$0x7AA] =	sst s21  }
0x104: {  	s25 =	sadd.s32 s11, s24;
	[smem:$0x76F] =	sst s0  }
0x105: {  	s24 =	sadd.s32 $0x4D0, s12;
	[smem:$0x78F] =	sst s25  }
0x106: {  	s0 =	sadd.s32 s11, s2;
	[smem:$0x7AE] =	sst s24  }
0x107: {  	s2 =	sadd.s32 $0x400, s12;
	[smem:$0x773] =	sst s0  }
0x108: {  	s25 =	sadd.s32 $0x4E0, s12;
	[smem:$0x794] =	sst s2  }
0x109: {  	s0 =	sadd.s32 s11, s4;
	[smem:$0x7B0] =	sst s25  }
0x10a: {  	s4 =	sadd.s32 s11, s2;
	[smem:$0x775] =	sst s0  }
0x10b: {  	s2 =	sadd.s32 $0x500, s12;
	[smem:$0x795] =	sst s4  }
0x10c: {  	s0 =	sadd.s32 s11, s7;
	[smem:$0x7B4] =	sst s2  }
0x10d: {  	s7 =	sadd.s32 $0x430, s12;
	[smem:$0x779] =	sst s0  }
0x10e: {  	s4 =	sadd.s32 $0x510, s12;
	[smem:$0x79A] =	sst s7  }
0x10f: {  	s0 =	sadd.s32 s11, s8;
	[smem:$0x7B6] =	sst s4  }
0x110: {  	s8 =	sadd.s32 s11, s7;
	[smem:$0x77B] =	sst s0  }
0x111: {  	s7 =	sadd.s32 $0x530, s12;
	[smem:$0x79B] =	sst s8  }
0x112: {  	s0 =	sadd.s32 s11, s14;
	[smem:$0x7BA] =	sst s7  }
0x113: {  	s14 =	sadd.s32 $0x460, s12;
	[smem:$0x77F] =	sst s0  }
0x114: {  	s8 =	sadd.s32 $0x540, s12;
	[smem:$0x7A0] =	sst s14  }
0x115: {  	s0 =	sadd.s32 s11, s15;
	[smem:$0x7BC] =	sst s8  }
0x116: {  	s15 =	sadd.s32 s11, s14;
	[smem:$0x781] =	sst s0  }
0x117: {  	s14 =	sadd.s32 $0x560, s12;
	[smem:$0x7A1] =	sst s15  }
0x118: {  	s0 =	sadd.s32 s11, s18;
	[smem:$0x7C0] =	sst s14  }
0x119: {  	s18 =	sadd.s32 $0x490, s12;
	[smem:$0x785] =	sst s0  }
0x11a: {  	s15 =	sadd.s32 $0x570, s12;
	[smem:$0x7A6] =	sst s18  }
0x11b: {  	s0 =	sadd.s32 s11, s19;
	[smem:$0x7C2] =	sst s15  }
0x11c: {  	s19 =	sadd.s32 s11, s18;
	[smem:$0x787] =	sst s0  }
0x11d: {  	s18 =	sadd.s32 $0x590, s12;
	[smem:$0x7A7] =	sst s19  }
0x11e: {  	s0 =	sadd.s32 s11, s22;
	[smem:$0x7C6] =	sst s18  }
0x11f: {  	s22 =	sadd.s32 $0x4C0, s12;
	[smem:$0x78B] =	sst s0  }
0x120: {  	s19 =	sadd.s32 $0x5A0, s12;
	[smem:$0x7AC] =	sst s22  }
0x121: {  	s0 =	sadd.s32 s11, s23;
	[smem:$0x7C8] =	sst s19  }
0x122: {  	s23 =	sadd.s32 s11, s22;
	[smem:$0x78D] =	sst s0  }
0x123: {  	s22 =	sadd.s32 $0x5C0, s12;
	[smem:$0x7AD] =	sst s23  }
0x124: {  	s0 =	sadd.s32 s11, s26;
	[smem:$0x7CC] =	sst s22  }
0x125: {  	s26 =	sadd.s32 $0x4F0, s12;
	[smem:$0x791] =	sst s0  }
0x126: {  	s23 =	sadd.s32 $0x5D0, s12;
	[smem:$0x7B2] =	sst s26  }
0x127: {  	s0 =	sadd.s32 s11, s1;
	[smem:$0x7CE] =	sst s23  }
0x128: {  	s1 =	sadd.s32 s11, s26;
	[smem:$0x793] =	sst s0  }
0x129: {  	s26 =	sadd.s32 $0x5F0, s12;
	[smem:$0x7B3] =	sst s1  }
0x12a: {  	s0 =	sadd.s32 s11, s5;
	[smem:$0x7D2] =	sst s26  }
0x12b: {  	s5 =	sadd.s32 $0x520, s12;
	[smem:$0x797] =	sst s0  }
0x12c: {  	s1 =	sadd.s32 $0x600, s12;
	[smem:$0x7B8] =	sst s5  }
0x12d: {  	s0 =	sadd.s32 s11, s6;
	[smem:$0x7D4] =	sst s1  }
0x12e: {  	s6 =	sadd.s32 s11, s5;
	[smem:$0x799] =	sst s0  }
0x12f: {  	s5 =	sadd.s32 $0x620, s12;
	[smem:$0x7B9] =	sst s6  }
0x130: {  	s0 =	sadd.s32 s11, s10;
	[smem:$0x7D8] =	sst s5  }
0x131: {  	s10 =	sadd.s32 $0x550, s12;
	[smem:$0x79D] =	sst s0  }
0x132: {  	s6 =	sadd.s32 $0x630, s12;
	[smem:$0x7BE] =	sst s10  }
0x133: {  	s0 =	sadd.s32 s11, s13;
	[smem:$0x7DA] =	sst s6  }
0x134: {  	s13 =	sadd.s32 s11, s10;
	[smem:$0x79F] =	sst s0  }
0x135: {  	s10 =	sadd.s32 $0x650, s12;
	[smem:$0x7BF] =	sst s13  }
0x136: {  	s0 =	sadd.s32 s11, s16;
	[smem:$0x7DE] =	sst s10  }
0x137: {  	s16 =	sadd.s32 $0x580, s12;
	[smem:$0x7A3] =	sst s0  }
0x138: {  	s13 =	sadd.s32 $0x660, s12;
	[smem:$0x7C4] =	sst s16  }
0x139: {  	s0 =	sadd.s32 s11, s17;
	[smem:$0x7E0] =	sst s13  }
0x13a: {  	s17 =	sadd.s32 s11, s16;
	[smem:$0x7A5] =	sst s0  }
0x13b: {  	s16 =	sadd.s32 $0x680, s12;
	[smem:$0x7C5] =	sst s17  }
0x13c: {  	s0 =	sadd.s32 s11, s20;
	[smem:$0x7E4] =	sst s16  }
0x13d: {  	s20 =	sadd.s32 $0x5B0, s12;
	[smem:$0x7A9] =	sst s0  }
0x13e: {  	s0 =	sadd.s32 s11, s21;
	[smem:$0x7CA] =	sst s20  }
0x13f: {  	s21 =	sadd.s32 s11, s20;
	[smem:$0x7AB] =	sst s0  }
0x140: {  	s0 =	sadd.s32 s11, s24;
	[smem:$0x7CB] =	sst s21  }
0x141: {  	s24 =	sadd.s32 $0x5E0, s12;
	[smem:$0x7AF] =	sst s0  }
0x142: {  	s0 =	sadd.s32 s11, s25;
	[smem:$0x7D0] =	sst s24  }
0x143: {  	s25 =	sadd.s32 s11, s24;
	[smem:$0x7B1] =	sst s0  }
0x144: {  	s0 =	sadd.s32 s11, s2;
	[smem:$0x7D1] =	sst s25  }
0x145: {  	s2 =	sadd.s32 $0x610, s12;
	[smem:$0x7B5] =	sst s0  }
0x146: {  	s0 =	sadd.s32 s11, s4;
	[smem:$0x7D6] =	sst s2  }
0x147: {  	s4 =	sadd.s32 s11, s2;
	[smem:$0x7B7] =	sst s0  }
0x148: {  	s0 =	sadd.s32 s11, s7;
	[smem:$0x7D7] =	sst s4  }
0x149: {  	s7 =	sadd.s32 $0x640, s12;
	[smem:$0x7BB] =	sst s0  }
0x14a: {  	s0 =	sadd.s32 s11, s8;
	[smem:$0x7DC] =	sst s7  }
0x14b: {  	s8 =	sadd.s32 s11, s7;
	[smem:$0x7BD] =	sst s0  }
0x14c: {  	s0 =	sadd.s32 s11, s14;
	[smem:$0x7DD] =	sst s8  }
0x14d: {  	s14 =	sadd.s32 $0x670, s12;
	[smem:$0x7C1] =	sst s0  }
0x14e: {  	s0 =	sadd.s32 s11, s15;
	[smem:$0x7E2] =	sst s14  }
0x14f: {  	s15 =	sadd.s32 s11, s14;
	[smem:$0x7C3] =	sst s0  }
0x150: {  	s0 =	sadd.s32 s11, s18;
	[smem:$0x7E3] =	sst s15  }
0x151: {  	s17 =	sadd.s32 $0x690, s12;
	[smem:$0x7C7] =	sst s0;
	s0 =	sadd.s32 s11, s19  }
0x152: {  	s18 =	sadd.s32 $0x6A0, s12;
	s19 =	sadd.s32 s11, s17;
	[smem:$0x7C9] =	sst s0  }
0x153: {  	s20 =	sadd.s32 s11, s18;
	[smem:$0x7E6] =	sst s19  }
0x154: {  	s31 =	sadd.s32 $0x750, s12;
	s0 =	sadd.s32 s11, s22;
	[smem:$0x7E7] =	sst s20  }
0x155: {  	s19 =	sadd.s32 $0x730, s12;
	[smem:$0x7CD] =	sst s0;
	s0 =	sadd.s32 s11, s23  }
0x156: {  	s30 =	sadd.s32 $0x760, s12;
	s15 =	sadd.s32 s11, s19;
	[smem:$0x7CF] =	sst s0  }
0x157: {  	s23 =	sadd.s32 $0x6D0, s12;
	s0 =	sadd.s32 s11, s26;
	[smem:$0x7F0] =	sst s15  }
0x158: {  	s28 =	sadd.s32 $0x7B0, s12;
	s24 =	sadd.s32 s11, s23;
	[smem:$0x7D3] =	sst s0  }
0x159: {  	s29 =	sadd.s32 $0x7C0, s12;
	s15 =	sadd.s32 s11, s28;
	[smem:$0x7EA] =	sst s24  }
0x15a: {  	s21 =	sadd.s32 $0x6B0, s12;
	s0 =	sadd.s32 s11, s1;
	[smem:$0x7F8] =	sst s15  }
0x15b: {  	s25 =	sadd.s32 $0x6E0, s12;
	s1 =	sadd.s32 s11, s10;
	[smem:$0x7D5] =	sst s0  }
0x15c: {  	s2 =	sadd.s32 $0x6F0, s12;
	s0 =	sadd.s32 s11, s5;
	[smem:$0x7DF] =	sst s1  }
0x15d: {  	s4 =	sadd.s32 $0x700, s12;
	s1 =	sadd.s32 s11, s13;
	[smem:$0x7D9] =	sst s0  }
0x15e: {  	s14 =	sadd.s32 $0x720, s12;
	s5 =	sadd.s32 s11, s4;
	[smem:$0x7E1] =	sst s1  }
0x15f: {  	s7 =	sadd.s32 $0x710, s12;
	s13 =	sadd.s32 s11, s14;
	[smem:$0x7ED] =	sst s5  }
0x160: {  	s22 =	sadd.s32 $0x6C0, s12;
	s0 =	sadd.s32 s11, s6;
	[smem:$0x7EF] =	sst s13  }
0x161: {  	s20 =	smov.u32 s22;
	s1 =	sadd.s32 s11, s16;
	[smem:$0x7DB] =	sst s0  }
0x162: {  	s26 =	smov.u32 s17;
	s6 =	sadd.s32 s11, s7;
	[smem:$0x7E5] =	sst s1  }
0x163: {  	s13 =	sadd.s32 $0x740, s12;
	s1 =	sadd.s32 s11, s21;
	[smem:$0x7EE] =	sst s6  }
0x164: {  	s8 =	smov.u32 s23;
	s17 =	sadd.s32 s11, s13;
	[smem:$0x7E8] =	sst s1  }
0x165: {  	s0 =	smov.u32 s18;
	s18 =	sadd.s32 s11, s31;
	[smem:$0x7F1] =	sst s17  }
0x166: {  	s16 =	smov.u32 s21;
	s21 =	sadd.s32 s11, s30;
	[smem:$0x7F2] =	sst s18  }
0x167: {  	s23 =	smov.u32 s25;
	s1 =	sadd.s32 s11, s22;
	[smem:$0x7F3] =	sst s21  }
0x168: {  	s10 =	smov.u32 s4;
	s17 =	sadd.s32 s11, s29;
	[smem:$0x7E9] =	sst s1  }
0x169: {  	s4 =	sadd.s32 $0x780, s12;
	s1 =	sadd.s32 s11, s25;
	[smem:$0x7F9] =	sst s17  }
0x16a: {  	s24 =	smov.u32 s2;
	s25 =	sadd.s32 s11, s4;
	[smem:$0x7EB] =	sst s1  }
0x16b: {  	s1 =	sadd.s32 s11, s2;
	s2 =	sadd.s32 $0x770, s12;
	[smem:$0x7F5] =	sst s25  }
0x16c: {  	s25 =	sadd.s32 $0x7A0, s12;
	[smem:$0x7EC] =	sst s1;
	s22 =	sadd.s32 s11, s2  }
0x16d: {  	s6 =	sadd.s32 s11, s25;
	s1 =	sadd.s32 $0x7D0, s12;
	[smem:$0x7F4] =	sst s22  }
0x16e: {  	s22 =	sadd.s32 $0x790, s12;
	[smem:$0x7F7] =	sst s6;
	s18 =	sadd.s32 s11, s1  }
0x16f: {  	s6 =	sadd.s32 $0x7E0, s12;
	s5 =	sadd.s32 s11, s22;
	[smem:$0x7FA] =	sst s18  }
0x170: {  	s21 =	sadd.s32 s11, s6;
	[smem:$0x7F6] =	sst s5;
	s5 =	sadd.s32 $0x7F0, s12  }
0x171: {  	[smem:$0x7FB] =	sst s21;
	s11 =	sadd.s32 s11, s5  }
0x172: {  	s9 =	simm.s32 $0x1;
	s12 =	simm.s32 $0x0;
	[smem:$0x7FC] =	sst s11  }
.LBB2_1:
0x173: {  	s11 =	sld [smem:$0x6AF];
	_ =	sdelay $0x1  }
0x174: {  	[smem:$0x6AE] =	sst s12;
	s17 =	simm.s32 $0x2  }
0x175: {  	[tilespmem:s3], [sflag:$0x2] =	stream.linear.gather [hbm4b:s11+s3], $0x8000, $0x38;
	[tilespmem:$0x8000] =	vst v63  }
0x176: {  	_ =	swait.ge [sflag:s17], $0x8000  }
0x177: {  	s18 =	sld [smem:$0x6B0]  }
0x178: {  	s21 =	sld [smem:$0x730]  }
0x179: {  	s15 =	sld [smem:$0x6B1]  }
0x17a: {  	[sflag:s17] =	ssyncset.done $0x0;
	s12 =	sld [smem:$0x6D7]  }
0x17b: {  	[sflag:s17] =	ssyncadd.s32 $0xFFFF8000;
	s17 =	sld [smem:$0x731]  }
0x17c: {  	[hbm4b:s21+s3] =	stream.linear.scatter [tilespmem:s18], [sflag:$0x1], $0x80, $0x38;
	[tilespmem:$0x8000] =	vst v63  }
0x17d: {  	s18 =	sld [smem:$0x6B2]  }
0x17e: {  	s21 =	sld [smem:$0x732]  }
0x17f: {  	[hbm4b:s17+s3] =	stream.linear.scatter [tilespmem:s15], [sflag:$0x1], $0x80, $0x38;
	[tilespmem:$0x8000] =	vst v63  }
0x180: {  	s15 =	sld [smem:$0x6B3]  }
0x181: {  	s17 =	sld [smem:$0x733]  }
0x182: {  	[hbm4b:s21+s3] =	stream.linear.scatter [tilespmem:s18], [sflag:$0x1], $0x80, $0x38;
	[tilespmem:$0x8000] =	vst v63  }
0x183: {  	s18 =	sld [smem:$0x6B4]  }
0x184: {  	s21 =	sld [smem:$0x734]  }
0x185: {  	[hbm4b:s17+s3] =	stream.linear.scatter [tilespmem:s15], [sflag:$0x1], $0x80, $0x38;
	[tilespmem:$0x8000] =	vst v63  }
0x186: {  	s15 =	sld [smem:$0x6B5]  }
0x187: {  	s17 =	sld [smem:$0x735]  }
0x188: {  	[hbm4b:s21+s3] =	stream.linear.scatter [tilespmem:s18], [sflag:$0x1], $0x80, $0x38;
	[tilespmem:$0x8000] =	vst v63  }
0x189: {  	s18 =	sld [smem:$0x6B6]  }
0x18a: {  	s21 =	sld [smem:$0x736]  }
0x18b: {  	[hbm4b:s17+s3] =	stream.linear.scatter [tilespmem:s15], [sflag:$0x1], $0x80, $0x38;
	[tilespmem:$0x8000] =	vst v63  }
0x18c: {  	s15 =	sld [smem:$0x6B7]  }
0x18d: {  	s17 =	sld [smem:$0x737]  }
0x18e: {  	[hbm4b:s21+s3] =	stream.linear.scatter [tilespmem:s18], [sflag:$0x1], $0x80, $0x38;
	[tilespmem:$0x8000] =	vst v63  }
0x18f: {  	s18 =	sld [smem:$0x6B8]  }
0x190: {  	s21 =	sld [smem:$0x738]  }
0x191: {  	[hbm4b:s17+s3] =	stream.linear.scatter [tilespmem:s15], [sflag:$0x1], $0x80, $0x38;
	[tilespmem:$0x8000] =	vst v63  }
0x192: {  	s15 =	sld [smem:$0x6B9]  }
0x193: {  	s17 =	sld [smem:$0x739]  }
0x194: {  	[hbm4b:s21+s3] =	stream.linear.scatter [tilespmem:s18], [sflag:$0x1], $0x80, $0x38;
	[tilespmem:$0x8000] =	vst v63  }
0x195: {  	s18 =	sld [smem:$0x6BA]  }
0x196: {  	s21 =	sld [smem:$0x73A]  }
0x197: {  	[hbm4b:s17+s3] =	stream.linear.scatter [tilespmem:s15], [sflag:$0x1], $0x80, $0x38;
	[tilespmem:$0x8000] =	vst v63  }
0x198: {  	s15 =	sld [smem:$0x6BB]  }
0x199: {  	s17 =	sld [smem:$0x73B]  }
0x19a: {  	[hbm4b:s21+s3] =	stream.linear.scatter [tilespmem:s18], [sflag:$0x1], $0x80, $0x38;
	[tilespmem:$0x8000] =	vst v63  }
0x19b: {  	s18 =	sld [smem:$0x6BC]  }
0x19c: {  	s21 =	sld [smem:$0x73C]  }
0x19d: {  	[hbm4b:s17+s3] =	stream.linear.scatter [tilespmem:s15], [sflag:$0x1], $0x80, $0x38;
	[tilespmem:$0x8000] =	vst v63  }
0x19e: {  	s15 =	sld [smem:$0x6BD]  }
0x19f: {  	s17 =	sld [smem:$0x73D]  }
0x1a0: {  	[hbm4b:s21+s3] =	stream.linear.scatter [tilespmem:s18], [sflag:$0x1], $0x80, $0x38;
	[tilespmem:$0x8000] =	vst v63  }
0x1a1: {  	s18 =	sld [smem:$0x6BE]  }
0x1a2: {  	s21 =	sld [smem:$0x73E]  }
0x1a3: {  	[hbm4b:s17+s3] =	stream.linear.scatter [tilespmem:s15], [sflag:$0x1], $0x80, $0x38;
	[tilespmem:$0x8000] =	vst v63  }
0x1a4: {  	s15 =	sld [smem:$0x6BF]  }
0x1a5: {  	s17 =	sld [smem:$0x73F]  }
0x1a6: {  	[hbm4b:s21+s3] =	stream.linear.scatter [tilespmem:s18], [sflag:$0x1], $0x80, $0x38;
	[tilespmem:$0x8000] =	vst v63  }
0x1a7: {  	s18 =	sld [smem:$0x6C0]  }
0x1a8: {  	s21 =	sld [smem:$0x740]  }
0x1a9: {  	[hbm4b:s17+s3] =	stream.linear.scatter [tilespmem:s15], [sflag:$0x1], $0x80, $0x38;
	[tilespmem:$0x8000] =	vst v63  }
0x1aa: {  	s15 =	sld [smem:$0x6C1]  }
0x1ab: {  	s17 =	sld [smem:$0x741]  }
0x1ac: {  	[hbm4b:s21+s3] =	stream.linear.scatter [tilespmem:s18], [sflag:$0x1], $0x80, $0x38;
	[tilespmem:$0x8000] =	vst v63  }
0x1ad: {  	s18 =	sld [smem:$0x6C2]  }
0x1ae: {  	s21 =	sld [smem:$0x742]  }
0x1af: {  	[hbm4b:s17+s3] =	stream.linear.scatter [tilespmem:s15], [sflag:$0x1], $0x80, $0x38;
	[tilespmem:$0x8000] =	vst v63  }
0x1b0: {  	s15 =	sld [smem:$0x6C3]  }
0x1b1: {  	s17 =	sld [smem:$0x743]  }
0x1b2: {  	[hbm4b:s21+s3] =	stream.linear.scatter [tilespmem:s18], [sflag:$0x1], $0x80, $0x38;
	[tilespmem:$0x8000] =	vst v63  }
0x1b3: {  	s18 =	sld [smem:$0x6C4]  }
0x1b4: {  	s21 =	sld [smem:$0x744]  }
0x1b5: {  	[hbm4b:s17+s3] =	stream.linear.scatter [tilespmem:s15], [sflag:$0x1], $0x80, $0x38;
	[tilespmem:$0x8000] =	vst v63  }
0x1b6: {  	s15 =	sld [smem:$0x6C5]  }
0x1b7: {  	s17 =	sld [smem:$0x745]  }
0x1b8: {  	[hbm4b:s21+s3] =	stream.linear.scatter [tilespmem:s18], [sflag:$0x1], $0x80, $0x38;
	[tilespmem:$0x8000] =	vst v63  }
0x1b9: {  	s18 =	sld [smem:$0x6C6]  }
0x1ba: {  	s21 =	sld [smem:$0x746]  }
0x1bb: {  	[hbm4b:s17+s3] =	stream.linear.scatter [tilespmem:s15], [sflag:$0x1], $0x80, $0x38;
	[tilespmem:$0x8000] =	vst v63  }
0x1bc: {  	s15 =	sld [smem:$0x6C7]  }
0x1bd: {  	s17 =	sld [smem:$0x747]  }
0x1be: {  	[hbm4b:s21+s3] =	stream.linear.scatter [tilespmem:s18], [sflag:$0x1], $0x80, $0x38;
	[tilespmem:$0x8000] =	vst v63  }
0x1bf: {  	s18 =	sld [smem:$0x6C8]  }
0x1c0: {  	s21 =	sld [smem:$0x748]  }
0x1c1: {  	[hbm4b:s17+s3] =	stream.linear.scatter [tilespmem:s15], [sflag:$0x1], $0x80, $0x38;
	[tilespmem:$0x8000] =	vst v63  }
0x1c2: {  	s15 =	sld [smem:$0x6C9]  }
0x1c3: {  	s17 =	sld [smem:$0x749]  }
0x1c4: {  	[hbm4b:s21+s3] =	stream.linear.scatter [tilespmem:s18], [sflag:$0x1], $0x80, $0x38;
	[tilespmem:$0x8000] =	vst v63  }
0x1c5: {  	s18 =	sld [smem:$0x6CA]  }
0x1c6: {  	s21 =	sld [smem:$0x74A]  }
0x1c7: {  	[hbm4b:s17+s3] =	stream.linear.scatter [tilespmem:s15], [sflag:$0x1], $0x80, $0x38;
	[tilespmem:$0x8000] =	vst v63  }
0x1c8: {  	s15 =	sld [smem:$0x6CB]  }
0x1c9: {  	s17 =	sld [smem:$0x74B]  }
0x1ca: {  	[hbm4b:s21+s3] =	stream.linear.scatter [tilespmem:s18], [sflag:$0x1], $0x80, $0x38;
	[tilespmem:$0x8000] =	vst v63  }
0x1cb: {  	s18 =	sld [smem:$0x6CC]  }
0x1cc: {  	s21 =	sld [smem:$0x74D]  }
0x1cd: {  	[hbm4b:s17+s3] =	stream.linear.scatter [tilespmem:s15], [sflag:$0x1], $0x80, $0x38;
	[tilespmem:$0x8000] =	vst v63  }
0x1ce: {  	s15 =	sld [smem:$0x6CD]  }
0x1cf: {  	s17 =	sld [smem:$0x74F]  }
0x1d0: {  	[hbm4b:s21+s3] =	stream.linear.scatter [tilespmem:s18], [sflag:$0x1], $0x80, $0x38;
	[tilespmem:$0x8000] =	vst v63  }
0x1d1: {  	s18 =	sld [smem:$0x6CE]  }
0x1d2: {  	s21 =	sld [smem:$0x751]  }
0x1d3: {  	[hbm4b:s17+s3] =	stream.linear.scatter [tilespmem:s15], [sflag:$0x1], $0x80, $0x38;
	[tilespmem:$0x8000] =	vst v63  }
0x1d4: {  	s15 =	sld [smem:$0x6CF]  }
0x1d5: {  	s17 =	sld [smem:$0x753]  }
0x1d6: {  	[hbm4b:s21+s3] =	stream.linear.scatter [tilespmem:s18], [sflag:$0x1], $0x80, $0x38;
	[tilespmem:$0x8000] =	vst v63  }
0x1d7: {  	s18 =	sld [smem:$0x6D0]  }
0x1d8: {  	s21 =	sld [smem:$0x755]  }
0x1d9: {  	[hbm4b:s17+s3] =	stream.linear.scatter [tilespmem:s15], [sflag:$0x1], $0x80, $0x38;
	[tilespmem:$0x8000] =	vst v63  }
0x1da: {  	s15 =	sld [smem:$0x6D1]  }
0x1db: {  	s17 =	sld [smem:$0x757]  }
0x1dc: {  	[hbm4b:s21+s3] =	stream.linear.scatter [tilespmem:s18], [sflag:$0x1], $0x80, $0x38;
	[tilespmem:$0x8000] =	vst v63  }
0x1dd: {  	s18 =	sld [smem:$0x6D2]  }
0x1de: {  	s21 =	sld [smem:$0x759]  }
0x1df: {  	[hbm4b:s17+s3] =	stream.linear.scatter [tilespmem:s15], [sflag:$0x1], $0x80, $0x38;
	[tilespmem:$0x8000] =	vst v63  }
0x1e0: {  	s15 =	sld [smem:$0x6D3]  }
0x1e1: {  	s17 =	sld [smem:$0x75B]  }
0x1e2: {  	[hbm4b:s21+s3] =	stream.linear.scatter [tilespmem:s18], [sflag:$0x1], $0x80, $0x38;
	[tilespmem:$0x8000] =	vst v63  }
0x1e3: {  	s18 =	sld [smem:$0x6D4]  }
0x1e4: {  	s21 =	sld [smem:$0x75D]  }
0x1e5: {  	[hbm4b:s17+s3] =	stream.linear.scatter [tilespmem:s15], [sflag:$0x1], $0x80, $0x38;
	[tilespmem:$0x8000] =	vst v63  }
0x1e6: {  	s15 =	sld [smem:$0x6D5]  }
0x1e7: {  	s17 =	sld [smem:$0x75F]  }
0x1e8: {  	[hbm4b:s21+s3] =	stream.linear.scatter [tilespmem:s18], [sflag:$0x1], $0x80, $0x38;
	[tilespmem:$0x8000] =	vst v63  }
0x1e9: {  	s18 =	sld [smem:$0x6D6]  }
0x1ea: {  	s21 =	sld [smem:$0x761]  }
0x1eb: {  	[hbm4b:s17+s3] =	stream.linear.scatter [tilespmem:s15], [sflag:$0x1], $0x80, $0x38;
	[tilespmem:$0x8000] =	vst v63  }
0x1ec: {  	s15 =	sld [smem:$0x763]  }
0x1ed: {  	[hbm4b:s21+s3] =	stream.linear.scatter [tilespmem:s18], [sflag:$0x1], $0x80, $0x38;
	[tilespmem:$0x8000] =	vst v63  }
0x1ee: {  	_ = 	snop  }
0x1ef: {  	[hbm4b:s15+s3] =	stream.linear.scatter [tilespmem:s12], [sflag:$0x1], $0x80, $0x38;
	[tilespmem:$0x8000] =	vst v63  }
0x1f0: {  	s11 =	sld [smem:$0x6D8]  }
0x1f1: {  	s17 =	sld [smem:$0x765]  }
0x1f2: {  	s18 =	sld [smem:$0x6D9]  }
0x1f3: {  	s21 =	sld [smem:$0x767]  }
0x1f4: {  	s15 =	sld [smem:$0x6DA]  }
0x1f5: {  	[hbm4b:s17+s3] =	stream.linear.scatter [tilespmem:s11], [sflag:$0x1], $0x80, $0x38;
	[tilespmem:$0x8000] =	vst v63  }
0x1f6: {  	s17 =	sld [smem:$0x769]  }
0x1f7: {  	[hbm4b:s21+s3] =	stream.linear.scatter [tilespmem:s18], [sflag:$0x1], $0x80, $0x38;
	[tilespmem:$0x8000] =	vst v63  }
0x1f8: {  	s18 =	sld [smem:$0x6DB]  }
0x1f9: {  	s21 =	sld [smem:$0x76B]  }
0x1fa: {  	[hbm4b:s17+s3] =	stream.linear.scatter [tilespmem:s15], [sflag:$0x1], $0x80, $0x38;
	[tilespmem:$0x8000] =	vst v63  }
0x1fb: {  	s15 =	sld [smem:$0x6DC]  }
0x1fc: {  	s17 =	sld [smem:$0x76D]  }
0x1fd: {  	[hbm4b:s21+s3] =	stream.linear.scatter [tilespmem:s18], [sflag:$0x1], $0x80, $0x38;
	[tilespmem:$0x8000] =	vst v63  }
0x1fe: {  	s18 =	sld [smem:$0x6DD]  }
0x1ff: {  	s21 =	sld [smem:$0x76F]  }
0x200: {  	[hbm4b:s17+s3] =	stream.linear.scatter [tilespmem:s15], [sflag:$0x1], $0x80, $0x38;
	[tilespmem:$0x8000] =	vst v63  }
0x201: {  	s15 =	sld [smem:$0x6DE]  }
0x202: {  	s17 =	sld [smem:$0x771]  }
0x203: {  	[hbm4b:s21+s3] =	stream.linear.scatter [tilespmem:s18], [sflag:$0x1], $0x80, $0x38;
	[tilespmem:$0x8000] =	vst v63  }
0x204: {  	s18 =	sld [smem:$0x6DF]  }
0x205: {  	s21 =	sld [smem:$0x773]  }
0x206: {  	[hbm4b:s17+s3] =	stream.linear.scatter [tilespmem:s15], [sflag:$0x1], $0x80, $0x38;
	[tilespmem:$0x8000] =	vst v63  }
0x207: {  	s15 =	sld [smem:$0x6E0]  }
0x208: {  	s17 =	sld [smem:$0x775]  }
0x209: {  	[hbm4b:s21+s3] =	stream.linear.scatter [tilespmem:s18], [sflag:$0x1], $0x80, $0x38;
	[tilespmem:$0x8000] =	vst v63  }
0x20a: {  	s18 =	sld [smem:$0x6E1]  }
0x20b: {  	s21 =	sld [smem:$0x777]  }
0x20c: {  	[hbm4b:s17+s3] =	stream.linear.scatter [tilespmem:s15], [sflag:$0x1], $0x80, $0x38;
	[tilespmem:$0x8000] =	vst v63  }
0x20d: {  	s15 =	sld [smem:$0x6E2]  }
0x20e: {  	s17 =	sld [smem:$0x779]  }
0x20f: {  	[hbm4b:s21+s3] =	stream.linear.scatter [tilespmem:s18], [sflag:$0x1], $0x80, $0x38;
	[tilespmem:$0x8000] =	vst v63  }
0x210: {  	s18 =	sld [smem:$0x6E3]  }
0x211: {  	s21 =	sld [smem:$0x77B]  }
0x212: {  	[hbm4b:s17+s3] =	stream.linear.scatter [tilespmem:s15], [sflag:$0x1], $0x80, $0x38;
	[tilespmem:$0x8000] =	vst v63  }
0x213: {  	s15 =	sld [smem:$0x6E4]  }
0x214: {  	s17 =	sld [smem:$0x77D]  }
0x215: {  	[hbm4b:s21+s3] =	stream.linear.scatter [tilespmem:s18], [sflag:$0x1], $0x80, $0x38;
	[tilespmem:$0x8000] =	vst v63  }
0x216: {  	s18 =	sld [smem:$0x6E5]  }
0x217: {  	s21 =	sld [smem:$0x77F]  }
0x218: {  	[hbm4b:s17+s3] =	stream.linear.scatter [tilespmem:s15], [sflag:$0x1], $0x80, $0x38;
	[tilespmem:$0x8000] =	vst v63  }
0x219: {  	s15 =	sld [smem:$0x6E6]  }
0x21a: {  	s17 =	sld [smem:$0x781]  }
0x21b: {  	[hbm4b:s21+s3] =	stream.linear.scatter [tilespmem:s18], [sflag:$0x1], $0x80, $0x38;
	[tilespmem:$0x8000] =	vst v63  }
0x21c: {  	s18 =	sld [smem:$0x6E7]  }
0x21d: {  	s21 =	sld [smem:$0x783]  }
0x21e: {  	[hbm4b:s17+s3] =	stream.linear.scatter [tilespmem:s15], [sflag:$0x1], $0x80, $0x38;
	[tilespmem:$0x8000] =	vst v63  }
0x21f: {  	s15 =	sld [smem:$0x6E8]  }
0x220: {  	s17 =	sld [smem:$0x785]  }
0x221: {  	[hbm4b:s21+s3] =	stream.linear.scatter [tilespmem:s18], [sflag:$0x1], $0x80, $0x38;
	[tilespmem:$0x8000] =	vst v63  }
0x222: {  	s18 =	sld [smem:$0x6E9]  }
0x223: {  	s21 =	sld [smem:$0x787]  }
0x224: {  	[hbm4b:s17+s3] =	stream.linear.scatter [tilespmem:s15], [sflag:$0x1], $0x80, $0x38;
	[tilespmem:$0x8000] =	vst v63  }
0x225: {  	s15 =	sld [smem:$0x6EA]  }
0x226: {  	s17 =	sld [smem:$0x789]  }
0x227: {  	[hbm4b:s21+s3] =	stream.linear.scatter [tilespmem:s18], [sflag:$0x1], $0x80, $0x38;
	[tilespmem:$0x8000] =	vst v63  }
0x228: {  	s18 =	sld [smem:$0x6EB]  }
0x229: {  	s21 =	sld [smem:$0x78B]  }
0x22a: {  	[hbm4b:s17+s3] =	stream.linear.scatter [tilespmem:s15], [sflag:$0x1], $0x80, $0x38;
	[tilespmem:$0x8000] =	vst v63  }
0x22b: {  	s15 =	sld [smem:$0x6EC]  }
0x22c: {  	s17 =	sld [smem:$0x78D]  }
0x22d: {  	[hbm4b:s21+s3] =	stream.linear.scatter [tilespmem:s18], [sflag:$0x1], $0x80, $0x38;
	[tilespmem:$0x8000] =	vst v63  }
0x22e: {  	s18 =	sld [smem:$0x6ED]  }
0x22f: {  	s21 =	sld [smem:$0x78F]  }
0x230: {  	[hbm4b:s17+s3] =	stream.linear.scatter [tilespmem:s15], [sflag:$0x1], $0x80, $0x38;
	[tilespmem:$0x8000] =	vst v63  }
0x231: {  	s15 =	sld [smem:$0x6EE]  }
0x232: {  	s17 =	sld [smem:$0x791]  }
0x233: {  	[hbm4b:s21+s3] =	stream.linear.scatter [tilespmem:s18], [sflag:$0x1], $0x80, $0x38;
	[tilespmem:$0x8000] =	vst v63  }
0x234: {  	s18 =	sld [smem:$0x6EF]  }
0x235: {  	s21 =	sld [smem:$0x793]  }
0x236: {  	[hbm4b:s17+s3] =	stream.linear.scatter [tilespmem:s15], [sflag:$0x1], $0x80, $0x38;
	[tilespmem:$0x8000] =	vst v63  }
0x237: {  	s15 =	sld [smem:$0x6F0]  }
0x238: {  	s17 =	sld [smem:$0x795]  }
0x239: {  	[hbm4b:s21+s3] =	stream.linear.scatter [tilespmem:s18], [sflag:$0x1], $0x80, $0x38;
	[tilespmem:$0x8000] =	vst v63  }
0x23a: {  	s18 =	sld [smem:$0x6F1]  }
0x23b: {  	s21 =	sld [smem:$0x797]  }
0x23c: {  	[hbm4b:s17+s3] =	stream.linear.scatter [tilespmem:s15], [sflag:$0x1], $0x80, $0x38;
	[tilespmem:$0x8000] =	vst v63  }
0x23d: {  	s15 =	sld [smem:$0x6F2]  }
0x23e: {  	s17 =	sld [smem:$0x799]  }
0x23f: {  	[hbm4b:s21+s3] =	stream.linear.scatter [tilespmem:s18], [sflag:$0x1], $0x80, $0x38;
	[tilespmem:$0x8000] =	vst v63  }
0x240: {  	s18 =	sld [smem:$0x6F3]  }
0x241: {  	s21 =	sld [smem:$0x79B]  }
0x242: {  	[hbm4b:s17+s3] =	stream.linear.scatter [tilespmem:s15], [sflag:$0x1], $0x80, $0x38;
	[tilespmem:$0x8000] =	vst v63  }
0x243: {  	s15 =	sld [smem:$0x6F4]  }
0x244: {  	s17 =	sld [smem:$0x79D]  }
0x245: {  	[hbm4b:s21+s3] =	stream.linear.scatter [tilespmem:s18], [sflag:$0x1], $0x80, $0x38;
	[tilespmem:$0x8000] =	vst v63  }
0x246: {  	s18 =	sld [smem:$0x6F5]  }
0x247: {  	s21 =	sld [smem:$0x79F]  }
0x248: {  	[hbm4b:s17+s3] =	stream.linear.scatter [tilespmem:s15], [sflag:$0x1], $0x80, $0x38;
	[tilespmem:$0x8000] =	vst v63  }
0x249: {  	s15 =	sld [smem:$0x6F6]  }
0x24a: {  	s17 =	sld [smem:$0x7A1]  }
0x24b: {  	[hbm4b:s21+s3] =	stream.linear.scatter [tilespmem:s18], [sflag:$0x1], $0x80, $0x38;
	[tilespmem:$0x8000] =	vst v63  }
0x24c: {  	s18 =	sld [smem:$0x6F7]  }
0x24d: {  	s21 =	sld [smem:$0x7A3]  }
0x24e: {  	[hbm4b:s17+s3] =	stream.linear.scatter [tilespmem:s15], [sflag:$0x1], $0x80, $0x38;
	[tilespmem:$0x8000] =	vst v63  }
0x24f: {  	s15 =	sld [smem:$0x6F8]  }
0x250: {  	s17 =	sld [smem:$0x7A5]  }
0x251: {  	[hbm4b:s21+s3] =	stream.linear.scatter [tilespmem:s18], [sflag:$0x1], $0x80, $0x38;
	[tilespmem:$0x8000] =	vst v63  }
0x252: {  	s18 =	sld [smem:$0x6F9]  }
0x253: {  	s21 =	sld [smem:$0x7A7]  }
0x254: {  	[hbm4b:s17+s3] =	stream.linear.scatter [tilespmem:s15], [sflag:$0x1], $0x80, $0x38;
	[tilespmem:$0x8000] =	vst v63  }
0x255: {  	s15 =	sld [smem:$0x6FA]  }
0x256: {  	s17 =	sld [smem:$0x7A9]  }
0x257: {  	[hbm4b:s21+s3] =	stream.linear.scatter [tilespmem:s18], [sflag:$0x1], $0x80, $0x38;
	[tilespmem:$0x8000] =	vst v63  }
0x258: {  	s18 =	sld [smem:$0x6FB]  }
0x259: {  	s21 =	sld [smem:$0x7AB]  }
0x25a: {  	[hbm4b:s17+s3] =	stream.linear.scatter [tilespmem:s15], [sflag:$0x1], $0x80, $0x38;
	[tilespmem:$0x8000] =	vst v63  }
0x25b: {  	s15 =	sld [smem:$0x6FC]  }
0x25c: {  	s17 =	sld [smem:$0x7AD]  }
0x25d: {  	[hbm4b:s21+s3] =	stream.linear.scatter [tilespmem:s18], [sflag:$0x1], $0x80, $0x38;
	[tilespmem:$0x8000] =	vst v63  }
0x25e: {  	s18 =	sld [smem:$0x6FD]  }
0x25f: {  	s21 =	sld [smem:$0x7AF]  }
0x260: {  	[hbm4b:s17+s3] =	stream.linear.scatter [tilespmem:s15], [sflag:$0x1], $0x80, $0x38;
	[tilespmem:$0x8000] =	vst v63  }
0x261: {  	s15 =	sld [smem:$0x6FE]  }
0x262: {  	s17 =	sld [smem:$0x7B1]  }
0x263: {  	[hbm4b:s21+s3] =	stream.linear.scatter [tilespmem:s18], [sflag:$0x1], $0x80, $0x38;
	[tilespmem:$0x8000] =	vst v63  }
0x264: {  	s18 =	sld [smem:$0x6FF]  }
0x265: {  	s21 =	sld [smem:$0x7B3]  }
0x266: {  	[hbm4b:s17+s3] =	stream.linear.scatter [tilespmem:s15], [sflag:$0x1], $0x80, $0x38;
	[tilespmem:$0x8000] =	vst v63  }
0x267: {  	s15 =	sld [smem:$0x700]  }
0x268: {  	s17 =	sld [smem:$0x7B5]  }
0x269: {  	[hbm4b:s21+s3] =	stream.linear.scatter [tilespmem:s18], [sflag:$0x1], $0x80, $0x38;
	[tilespmem:$0x8000] =	vst v63  }
0x26a: {  	s18 =	sld [smem:$0x701]  }
0x26b: {  	s21 =	sld [smem:$0x7B7]  }
0x26c: {  	[hbm4b:s17+s3] =	stream.linear.scatter [tilespmem:s15], [sflag:$0x1], $0x80, $0x38;
	[tilespmem:$0x8000] =	vst v63  }
0x26d: {  	s15 =	sld [smem:$0x702]  }
0x26e: {  	s17 =	sld [smem:$0x7B9]  }
0x26f: {  	[hbm4b:s21+s3] =	stream.linear.scatter [tilespmem:s18], [sflag:$0x1], $0x80, $0x38;
	[tilespmem:$0x8000] =	vst v63  }
0x270: {  	s18 =	sld [smem:$0x703]  }
0x271: {  	s21 =	sld [smem:$0x7BB]  }
0x272: {  	[hbm4b:s17+s3] =	stream.linear.scatter [tilespmem:s15], [sflag:$0x1], $0x80, $0x38;
	[tilespmem:$0x8000] =	vst v63  }
0x273: {  	s15 =	sld [smem:$0x704]  }
0x274: {  	s17 =	sld [smem:$0x7BD]  }
0x275: {  	[hbm4b:s21+s3] =	stream.linear.scatter [tilespmem:s18], [sflag:$0x1], $0x80, $0x38;
	[tilespmem:$0x8000] =	vst v63  }
0x276: {  	s18 =	sld [smem:$0x705]  }
0x277: {  	s21 =	sld [smem:$0x7BF]  }
0x278: {  	[hbm4b:s17+s3] =	stream.linear.scatter [tilespmem:s15], [sflag:$0x1], $0x80, $0x38;
	[tilespmem:$0x8000] =	vst v63  }
0x279: {  	s15 =	sld [smem:$0x706]  }
0x27a: {  	s17 =	sld [smem:$0x7C1]  }
0x27b: {  	[hbm4b:s21+s3] =	stream.linear.scatter [tilespmem:s18], [sflag:$0x1], $0x80, $0x38;
	[tilespmem:$0x8000] =	vst v63  }
0x27c: {  	s18 =	sld [smem:$0x707]  }
0x27d: {  	s21 =	sld [smem:$0x7C3]  }
0x27e: {  	[hbm4b:s17+s3] =	stream.linear.scatter [tilespmem:s15], [sflag:$0x1], $0x80, $0x38;
	[tilespmem:$0x8000] =	vst v63  }
0x27f: {  	s15 =	sld [smem:$0x708]  }
0x280: {  	s17 =	sld [smem:$0x7C5]  }
0x281: {  	[hbm4b:s21+s3] =	stream.linear.scatter [tilespmem:s18], [sflag:$0x1], $0x80, $0x38;
	[tilespmem:$0x8000] =	vst v63  }
0x282: {  	s18 =	sld [smem:$0x709]  }
0x283: {  	s21 =	sld [smem:$0x7C7]  }
0x284: {  	[hbm4b:s17+s3] =	stream.linear.scatter [tilespmem:s15], [sflag:$0x1], $0x80, $0x38;
	[tilespmem:$0x8000] =	vst v63  }
0x285: {  	s15 =	sld [smem:$0x70A]  }
0x286: {  	s17 =	sld [smem:$0x7C9]  }
0x287: {  	[hbm4b:s21+s3] =	stream.linear.scatter [tilespmem:s18], [sflag:$0x1], $0x80, $0x38;
	[tilespmem:$0x8000] =	vst v63  }
0x288: {  	s18 =	sld [smem:$0x70B]  }
0x289: {  	s21 =	sld [smem:$0x7CB]  }
0x28a: {  	[hbm4b:s17+s3] =	stream.linear.scatter [tilespmem:s15], [sflag:$0x1], $0x80, $0x38;
	[tilespmem:$0x8000] =	vst v63  }
0x28b: {  	s15 =	sld [smem:$0x70C]  }
0x28c: {  	s17 =	sld [smem:$0x7CD]  }
0x28d: {  	[hbm4b:s21+s3] =	stream.linear.scatter [tilespmem:s18], [sflag:$0x1], $0x80, $0x38;
	[tilespmem:$0x8000] =	vst v63  }
0x28e: {  	s18 =	sld [smem:$0x70D]  }
0x28f: {  	s21 =	sld [smem:$0x7CF]  }
0x290: {  	[hbm4b:s17+s3] =	stream.linear.scatter [tilespmem:s15], [sflag:$0x1], $0x80, $0x38;
	[tilespmem:$0x8000] =	vst v63  }
0x291: {  	s15 =	sld [smem:$0x70E]  }
0x292: {  	s17 =	sld [smem:$0x7D1]  }
0x293: {  	[hbm4b:s21+s3] =	stream.linear.scatter [tilespmem:s18], [sflag:$0x1], $0x80, $0x38;
	[tilespmem:$0x8000] =	vst v63  }
0x294: {  	s18 =	sld [smem:$0x70F]  }
0x295: {  	s21 =	sld [smem:$0x7D3]  }
0x296: {  	[hbm4b:s17+s3] =	stream.linear.scatter [tilespmem:s15], [sflag:$0x1], $0x80, $0x38;
	[tilespmem:$0x8000] =	vst v63  }
0x297: {  	s15 =	sld [smem:$0x710]  }
0x298: {  	s17 =	sld [smem:$0x7D5]  }
0x299: {  	[hbm4b:s21+s3] =	stream.linear.scatter [tilespmem:s18], [sflag:$0x1], $0x80, $0x38;
	[tilespmem:$0x8000] =	vst v63  }
0x29a: {  	s18 =	sld [smem:$0x711]  }
0x29b: {  	s21 =	sld [smem:$0x7D7]  }
0x29c: {  	[hbm4b:s17+s3] =	stream.linear.scatter [tilespmem:s15], [sflag:$0x1], $0x80, $0x38;
	[tilespmem:$0x8000] =	vst v63  }
0x29d: {  	s15 =	sld [smem:$0x712]  }
0x29e: {  	s17 =	sld [smem:$0x7D9]  }
0x29f: {  	[hbm4b:s21+s3] =	stream.linear.scatter [tilespmem:s18], [sflag:$0x1], $0x80, $0x38;
	[tilespmem:$0x8000] =	vst v63  }
0x2a0: {  	s18 =	sld [smem:$0x713]  }
0x2a1: {  	s21 =	sld [smem:$0x7DB]  }
0x2a2: {  	[hbm4b:s17+s3] =	stream.linear.scatter [tilespmem:s15], [sflag:$0x1], $0x80, $0x38;
	[tilespmem:$0x8000] =	vst v63  }
0x2a3: {  	s15 =	sld [smem:$0x714]  }
0x2a4: {  	s17 =	sld [smem:$0x7DD]  }
0x2a5: {  	[hbm4b:s21+s3] =	stream.linear.scatter [tilespmem:s18], [sflag:$0x1], $0x80, $0x38;
	[tilespmem:$0x8000] =	vst v63  }
0x2a6: {  	s18 =	sld [smem:$0x715]  }
0x2a7: {  	s21 =	sld [smem:$0x7DF]  }
0x2a8: {  	[hbm4b:s17+s3] =	stream.linear.scatter [tilespmem:s15], [sflag:$0x1], $0x80, $0x38;
	[tilespmem:$0x8000] =	vst v63  }
0x2a9: {  	s15 =	sld [smem:$0x716]  }
0x2aa: {  	s17 =	sld [smem:$0x7E1]  }
0x2ab: {  	[hbm4b:s21+s3] =	stream.linear.scatter [tilespmem:s18], [sflag:$0x1], $0x80, $0x38;
	[tilespmem:$0x8000] =	vst v63  }
0x2ac: {  	s18 =	sld [smem:$0x717]  }
0x2ad: {  	s21 =	sld [smem:$0x7E3]  }
0x2ae: {  	[hbm4b:s17+s3] =	stream.linear.scatter [tilespmem:s15], [sflag:$0x1], $0x80, $0x38;
	[tilespmem:$0x8000] =	vst v63  }
0x2af: {  	s15 =	sld [smem:$0x718]  }
0x2b0: {  	s17 =	sld [smem:$0x7E5]  }
0x2b1: {  	[hbm4b:s21+s3] =	stream.linear.scatter [tilespmem:s18], [sflag:$0x1], $0x80, $0x38;
	[tilespmem:$0x8000] =	vst v63  }
0x2b2: {  	s18 =	sld [smem:$0x719]  }
0x2b3: {  	s21 =	sld [smem:$0x7E6]  }
0x2b4: {  	[hbm4b:s17+s3] =	stream.linear.scatter [tilespmem:s15], [sflag:$0x1], $0x80, $0x38;
	[tilespmem:$0x8000] =	vst v63  }
0x2b5: {  	s15 =	sld [smem:$0x71A]  }
0x2b6: {  	s17 =	sld [smem:$0x7E7]  }
0x2b7: {  	[hbm4b:s21+s3] =	stream.linear.scatter [tilespmem:s18], [sflag:$0x1], $0x80, $0x38;
	[tilespmem:$0x8000] =	vst v63  }
0x2b8: {  	s18 =	sld [smem:$0x71B]  }
0x2b9: {  	s21 =	sld [smem:$0x7E8]  }
0x2ba: {  	[hbm4b:s17+s3] =	stream.linear.scatter [tilespmem:s15], [sflag:$0x1], $0x80, $0x38;
	[tilespmem:$0x8000] =	vst v63  }
0x2bb: {  	s15 =	sld [smem:$0x71C]  }
0x2bc: {  	s17 =	sld [smem:$0x7E9]  }
0x2bd: {  	[hbm4b:s21+s3] =	stream.linear.scatter [tilespmem:s18], [sflag:$0x1], $0x80, $0x38;
	[tilespmem:$0x8000] =	vst v63  }
0x2be: {  	s18 =	sld [smem:$0x71D]  }
0x2bf: {  	s21 =	sld [smem:$0x7EA]  }
0x2c0: {  	[hbm4b:s17+s3] =	stream.linear.scatter [tilespmem:s15], [sflag:$0x1], $0x80, $0x38;
	[tilespmem:$0x8000] =	vst v63  }
0x2c1: {  	s15 =	sld [smem:$0x71E]  }
0x2c2: {  	s17 =	sld [smem:$0x7EB]  }
0x2c3: {  	[hbm4b:s21+s3] =	stream.linear.scatter [tilespmem:s18], [sflag:$0x1], $0x80, $0x38;
	[tilespmem:$0x8000] =	vst v63  }
0x2c4: {  	s18 =	sld [smem:$0x71F]  }
0x2c5: {  	s21 =	sld [smem:$0x7EC]  }
0x2c6: {  	[hbm4b:s17+s3] =	stream.linear.scatter [tilespmem:s15], [sflag:$0x1], $0x80, $0x38;
	[tilespmem:$0x8000] =	vst v63  }
0x2c7: {  	s15 =	sld [smem:$0x720]  }
0x2c8: {  	s17 =	sld [smem:$0x7ED]  }
0x2c9: {  	[hbm4b:s21+s3] =	stream.linear.scatter [tilespmem:s18], [sflag:$0x1], $0x80, $0x38;
	[tilespmem:$0x8000] =	vst v63  }
0x2ca: {  	s18 =	sld [smem:$0x721]  }
0x2cb: {  	s21 =	sld [smem:$0x7EE]  }
0x2cc: {  	[hbm4b:s17+s3] =	stream.linear.scatter [tilespmem:s15], [sflag:$0x1], $0x80, $0x38;
	[tilespmem:$0x8000] =	vst v63  }
0x2cd: {  	s15 =	sld [smem:$0x722]  }
0x2ce: {  	s17 =	sld [smem:$0x7EF]  }
0x2cf: {  	[hbm4b:s21+s3] =	stream.linear.scatter [tilespmem:s18], [sflag:$0x1], $0x80, $0x38;
	[tilespmem:$0x8000] =	vst v63  }
0x2d0: {  	s18 =	sld [smem:$0x723]  }
0x2d1: {  	s21 =	sld [smem:$0x7F0]  }
0x2d2: {  	[hbm4b:s17+s3] =	stream.linear.scatter [tilespmem:s15], [sflag:$0x1], $0x80, $0x38;
	[tilespmem:$0x8000] =	vst v63  }
0x2d3: {  	s15 =	sld [smem:$0x724]  }
0x2d4: {  	s17 =	sld [smem:$0x7F1]  }
0x2d5: {  	[hbm4b:s21+s3] =	stream.linear.scatter [tilespmem:s18], [sflag:$0x1], $0x80, $0x38;
	[tilespmem:$0x8000] =	vst v63  }
0x2d6: {  	s18 =	sld [smem:$0x725]  }
0x2d7: {  	s21 =	sld [smem:$0x7F2]  }
0x2d8: {  	[hbm4b:s17+s3] =	stream.linear.scatter [tilespmem:s15], [sflag:$0x1], $0x80, $0x38;
	[tilespmem:$0x8000] =	vst v63  }
0x2d9: {  	s15 =	sld [smem:$0x726]  }
0x2da: {  	s17 =	sld [smem:$0x7F3]  }
0x2db: {  	[hbm4b:s21+s3] =	stream.linear.scatter [tilespmem:s18], [sflag:$0x1], $0x80, $0x38;
	[tilespmem:$0x8000] =	vst v63  }
0x2dc: {  	s18 =	sld [smem:$0x727]  }
0x2dd: {  	s21 =	sld [smem:$0x7F4]  }
0x2de: {  	[hbm4b:s17+s3] =	stream.linear.scatter [tilespmem:s15], [sflag:$0x1], $0x80, $0x38;
	[tilespmem:$0x8000] =	vst v63  }
0x2df: {  	s15 =	sld [smem:$0x728]  }
0x2e0: {  	s17 =	sld [smem:$0x7F5]  }
0x2e1: {  	[hbm4b:s21+s3] =	stream.linear.scatter [tilespmem:s18], [sflag:$0x1], $0x80, $0x38;
	[tilespmem:$0x8000] =	vst v63  }
0x2e2: {  	s18 =	sld [smem:$0x729]  }
0x2e3: {  	s21 =	sld [smem:$0x7F6]  }
0x2e4: {  	[hbm4b:s17+s3] =	stream.linear.scatter [tilespmem:s15], [sflag:$0x1], $0x80, $0x38;
	[tilespmem:$0x8000] =	vst v63  }
0x2e5: {  	s15 =	sld [smem:$0x72A]  }
0x2e6: {  	s17 =	sld [smem:$0x7F7]  }
0x2e7: {  	[hbm4b:s21+s3] =	stream.linear.scatter [tilespmem:s18], [sflag:$0x1], $0x80, $0x38;
	[tilespmem:$0x8000] =	vst v63  }
0x2e8: {  	s18 =	sld [smem:$0x72B]  }
0x2e9: {  	s21 =	sld [smem:$0x7F8]  }
0x2ea: {  	[hbm4b:s17+s3] =	stream.linear.scatter [tilespmem:s15], [sflag:$0x1], $0x80, $0x38;
	[tilespmem:$0x8000] =	vst v63  }
0x2eb: {  	s15 =	sld [smem:$0x72C]  }
0x2ec: {  	s17 =	sld [smem:$0x7F9]  }
0x2ed: {  	[hbm4b:s21+s3] =	stream.linear.scatter [tilespmem:s18], [sflag:$0x1], $0x80, $0x38;
	[tilespmem:$0x8000] =	vst v63  }
0x2ee: {  	s18 =	sld [smem:$0x72D]  }
0x2ef: {  	s21 =	sld [smem:$0x7FA]  }
0x2f0: {  	[hbm4b:s17+s3] =	stream.linear.scatter [tilespmem:s15], [sflag:$0x1], $0x80, $0x38;
	[tilespmem:$0x8000] =	vst v63  }
0x2f1: {  	s15 =	sld [smem:$0x72E]  }
0x2f2: {  	s17 =	sld [smem:$0x7FB]  }
0x2f3: {  	[hbm4b:s21+s3] =	stream.linear.scatter [tilespmem:s18], [sflag:$0x1], $0x80, $0x38;
	[tilespmem:$0x8000] =	vst v63  }
0x2f4: {  	s18 =	rddreg [dreg:$0x3]  }
0x2f5: {  	s21 =	sld [smem:$0x72F]  }
0x2f6: {  	s11 =	sadd.s32 $0x1, s18;
	s18 =	rddreg [dreg:$0x4]  }
0x2f7: {  	[hbm4b:s17+s3] =	stream.linear.scatter [tilespmem:s15], [sflag:$0x1], $0x80, $0x38;
	[tilespmem:$0x8000] =	vst v63  }
0x2f8: {  	s15 =	sld [smem:$0x7FC];
	s17 =	sshll.u32 s11, $0xE  }
0x2f9: {  	s12 =	sadd.s32 s18, s17  }
0x2fa: {  	s11 =	sshll.u32 s11, $0x3;
	s17 =	rddreg [dreg:$0x1];
	s12 =	sshrl.u32 s12, $0x3  }
0x2fb: {  	[hbm4b:s15+s3] =	stream.linear.scatter [tilespmem:s21], [sflag:$0x1], $0x80, $0x38;
	[tilespmem:$0x8000] =	vst v63  }
0x2fc: {  	s21 =	ssub.s32 $0x7F8, s11;
	s17 =	sadd.s32 s17, s12  }
0x2fd: {  	[hbm4b:s17+s3] =	stream.linear.scatter [tilespmem:s21], [sflag:$0x1], $0x80, $0x38;
	[tilespmem:$0x8000] =	vst v63  }
0x2fe: {  	s21 =	rddreg [dreg:$0x5]  }
0x2ff: {  	s18 =	ssub.s32 $0x17F8, s11;
	s17 =	sadd.s32 s12, s21;
	s21 =	rddreg [dreg:$0x6]  }
0x300: {  	[hbm4b:s17+s3] =	stream.linear.scatter [tilespmem:s18], [sflag:$0x1], $0x80, $0x38;
	[tilespmem:$0x8000] =	vst v63  }
0x301: {  	s18 =	ssub.s32 $0x27F8, s11;
	s17 =	sadd.s32 s12, s21;
	s21 =	rddreg [dreg:$0x7]  }
0x302: {  	[hbm4b:s17+s3] =	stream.linear.scatter [tilespmem:s18], [sflag:$0x1], $0x80, $0x38;
	[tilespmem:$0x8000] =	vst v63  }
0x303: {  	s18 =	ssub.s32 $0x37F8, s11;
	s17 =	sadd.s32 s12, s21;
	s21 =	rddreg [dreg:$0x8]  }
0x304: {  	[hbm4b:s17+s3] =	stream.linear.scatter [tilespmem:s18], [sflag:$0x1], $0x80, $0x38;
	[tilespmem:$0x8000] =	vst v63  }
0x305: {  	s18 =	ssub.s32 $0x47F8, s11;
	s17 =	sadd.s32 s12, s21;
	s21 =	rddreg [dreg:$0x9]  }
0x306: {  	[hbm4b:s17+s3] =	stream.linear.scatter [tilespmem:s18], [sflag:$0x1], $0x80, $0x38;
	[tilespmem:$0x8000] =	vst v63  }
0x307: {  	s18 =	ssub.s32 $0x57F8, s11;
	s17 =	sadd.s32 s12, s21;
	s21 =	rddreg [dreg:$0xa]  }
0x308: {  	[hbm4b:s17+s3] =	stream.linear.scatter [tilespmem:s18], [sflag:$0x1], $0x80, $0x38;
	[tilespmem:$0x8000] =	vst v63  }
0x309: {  	s18 =	ssub.s32 $0x67F8, s11;
	s17 =	sadd.s32 s12, s21;
	s21 =	rddreg [dreg:$0xb]  }
0x30a: {  	[hbm4b:s17+s3] =	stream.linear.scatter [tilespmem:s18], [sflag:$0x1], $0x80, $0x38;
	[tilespmem:$0x8000] =	vst v63  }
0x30b: {  	s18 =	ssub.s32 $0x77F8, s11;
	s17 =	sadd.s32 s12, s21;
	s21 =	rddreg [dreg:$0xc]  }
0x30c: {  	[hbm4b:s17+s3] =	stream.linear.scatter [tilespmem:s18], [sflag:$0x1], $0x80, $0x38;
	[tilespmem:$0x8000] =	vst v63  }
0x30d: {  	s18 =	ssub.s32 $0x878, s11;
	s17 =	sadd.s32 s12, s21;
	s21 =	rddreg [dreg:$0xd]  }
0x30e: {  	[hbm4b:s17+s3] =	stream.linear.scatter [tilespmem:s18], [sflag:$0x1], $0x80, $0x38;
	[tilespmem:$0x8000] =	vst v63  }
0x30f: {  	s18 =	ssub.s32 $0x1878, s11;
	s17 =	sadd.s32 s12, s21;
	s21 =	rddreg [dreg:$0xe]  }
0x310: {  	[hbm4b:s17+s3] =	stream.linear.scatter [tilespmem:s18], [sflag:$0x1], $0x80, $0x38;
	[tilespmem:$0x8000] =	vst v63  }
0x311: {  	s18 =	ssub.s32 $0x2878, s11;
	s17 =	sadd.s32 s12, s21;
	s21 =	rddreg [dreg:$0xf]  }
0x312: {  	[hbm4b:s17+s3] =	stream.linear.scatter [tilespmem:s18], [sflag:$0x1], $0x80, $0x38;
	[tilespmem:$0x8000] =	vst v63  }
0x313: {  	s18 =	ssub.s32 $0x3878, s11;
	s17 =	sadd.s32 s12, s21;
	s21 =	rddreg [dreg:$0x10]  }
0x314: {  	[hbm4b:s17+s3] =	stream.linear.scatter [tilespmem:s18], [sflag:$0x1], $0x80, $0x38;
	[tilespmem:$0x8000] =	vst v63  }
0x315: {  	s18 =	ssub.s32 $0x4878, s11;
	s17 =	sadd.s32 s12, s21;
	s21 =	rddreg [dreg:$0x11]  }
0x316: {  	[hbm4b:s17+s3] =	stream.linear.scatter [tilespmem:s18], [sflag:$0x1], $0x80, $0x38;
	[tilespmem:$0x8000] =	vst v63  }
0x317: {  	s18 =	ssub.s32 $0x5878, s11;
	s17 =	sadd.s32 s12, s21;
	s21 =	rddreg [dreg:$0x12]  }
0x318: {  	[hbm4b:s17+s3] =	stream.linear.scatter [tilespmem:s18], [sflag:$0x1], $0x80, $0x38;
	[tilespmem:$0x8000] =	vst v63  }
0x319: {  	s18 =	ssub.s32 $0x6878, s11;
	s17 =	sadd.s32 s12, s21;
	s21 =	rddreg [dreg:$0x13]  }
0x31a: {  	[hbm4b:s17+s3] =	stream.linear.scatter [tilespmem:s18], [sflag:$0x1], $0x80, $0x38;
	[tilespmem:$0x8000] =	vst v63  }
0x31b: {  	s18 =	ssub.s32 $0x7878, s11;
	s17 =	sadd.s32 s12, s21;
	s21 =	rddreg [dreg:$0x14]  }
0x31c: {  	[hbm4b:s17+s3] =	stream.linear.scatter [tilespmem:s18], [sflag:$0x1], $0x80, $0x38;
	[tilespmem:$0x8000] =	vst v63  }
0x31d: {  	s18 =	ssub.s32 $0x8F8, s11;
	s17 =	sadd.s32 s12, s21;
	s21 =	rddreg [dreg:$0x15]  }
0x31e: {  	[hbm4b:s17+s3] =	stream.linear.scatter [tilespmem:s18], [sflag:$0x1], $0x80, $0x38;
	[tilespmem:$0x8000] =	vst v63  }
0x31f: {  	s18 =	ssub.s32 $0x18F8, s11;
	s17 =	sadd.s32 s12, s21;
	s21 =	rddreg [dreg:$0x16]  }
0x320: {  	[hbm4b:s17+s3] =	stream.linear.scatter [tilespmem:s18], [sflag:$0x1], $0x80, $0x38;
	[tilespmem:$0x8000] =	vst v63  }
0x321: {  	s18 =	ssub.s32 $0x28F8, s11;
	s17 =	sadd.s32 s12, s21;
	s21 =	rddreg [dreg:$0x17]  }
0x322: {  	[hbm4b:s17+s3] =	stream.linear.scatter [tilespmem:s18], [sflag:$0x1], $0x80, $0x38;
	[tilespmem:$0x8000] =	vst v63  }
0x323: {  	s18 =	ssub.s32 $0x38F8, s11;
	s17 =	sadd.s32 s12, s21;
	s21 =	rddreg [dreg:$0x18]  }
0x324: {  	[hbm4b:s17+s3] =	stream.linear.scatter [tilespmem:s18], [sflag:$0x1], $0x80, $0x38;
	[tilespmem:$0x8000] =	vst v63  }
0x325: {  	s18 =	ssub.s32 $0x48F8, s11;
	s17 =	sadd.s32 s12, s21;
	s21 =	rddreg [dreg:$0x19]  }
0x326: {  	[hbm4b:s17+s3] =	stream.linear.scatter [tilespmem:s18], [sflag:$0x1], $0x80, $0x38;
	[tilespmem:$0x8000] =	vst v63  }
0x327: {  	s18 =	ssub.s32 $0x58F8, s11;
	s17 =	sadd.s32 s12, s21;
	s21 =	rddreg [dreg:$0x1a]  }
0x328: {  	[hbm4b:s17+s3] =	stream.linear.scatter [tilespmem:s18], [sflag:$0x1], $0x80, $0x38;
	[tilespmem:$0x8000] =	vst v63  }
0x329: {  	s18 =	ssub.s32 $0x68F8, s11;
	s17 =	sadd.s32 s12, s21;
	s21 =	rddreg [dreg:$0x1b]  }
0x32a: {  	[hbm4b:s17+s3] =	stream.linear.scatter [tilespmem:s18], [sflag:$0x1], $0x80, $0x38;
	[tilespmem:$0x8000] =	vst v63  }
0x32b: {  	s18 =	ssub.s32 $0x78F8, s11;
	s17 =	sadd.s32 s12, s21;
	s21 =	rddreg [dreg:$0x1c]  }
0x32c: {  	[hbm4b:s17+s3] =	stream.linear.scatter [tilespmem:s18], [sflag:$0x1], $0x80, $0x38;
	[tilespmem:$0x8000] =	vst v63  }
0x32d: {  	s18 =	ssub.s32 $0x978, s11;
	s17 =	sadd.s32 s12, s21;
	s21 =	rddreg [dreg:$0x1d]  }
0x32e: {  	[hbm4b:s17+s3] =	stream.linear.scatter [tilespmem:s18], [sflag:$0x1], $0x80, $0x38;
	[tilespmem:$0x8000] =	vst v63  }
0x32f: {  	s18 =	ssub.s32 $0x1978, s11;
	s17 =	sadd.s32 s12, s21;
	s21 =	rddreg [dreg:$0x1e]  }
0x330: {  	[hbm4b:s17+s3] =	stream.linear.scatter [tilespmem:s18], [sflag:$0x1], $0x80, $0x38;
	[tilespmem:$0x8000] =	vst v63  }
0x331: {  	s18 =	ssub.s32 $0x2978, s11;
	s17 =	sadd.s32 s12, s21;
	s21 =	rddreg [dreg:$0x1f]  }
0x332: {  	[hbm4b:s17+s3] =	stream.linear.scatter [tilespmem:s18], [sflag:$0x1], $0x80, $0x38;
	[tilespmem:$0x8000] =	vst v63  }
0x333: {  	s17 =	sadd.s32 s12, s21;
	s21 =	sld [smem:$0x74C]  }
0x334: {  	s18 =	ssub.s32 $0x3978, s11  }
0x335: {  	[hbm4b:s17+s3] =	stream.linear.scatter [tilespmem:s18], [sflag:$0x1], $0x80, $0x38;
	[tilespmem:$0x8000] =	vst v63  }
0x336: {  	s17 =	sadd.s32 s12, s21;
	s21 =	sld [smem:$0x74E]  }
0x337: {  	s18 =	ssub.s32 $0x4978, s11  }
0x338: {  	[hbm4b:s17+s3] =	stream.linear.scatter [tilespmem:s18], [sflag:$0x1], $0x80, $0x38;
	[tilespmem:$0x8000] =	vst v63  }
0x339: {  	s17 =	sadd.s32 s12, s21;
	s21 =	sld [smem:$0x750]  }
0x33a: {  	s18 =	ssub.s32 $0x5978, s11  }
0x33b: {  	[hbm4b:s17+s3] =	stream.linear.scatter [tilespmem:s18], [sflag:$0x1], $0x80, $0x38;
	[tilespmem:$0x8000] =	vst v63  }
0x33c: {  	s17 =	sadd.s32 s12, s21;
	s21 =	sld [smem:$0x752]  }
0x33d: {  	s18 =	ssub.s32 $0x6978, s11  }
0x33e: {  	[hbm4b:s17+s3] =	stream.linear.scatter [tilespmem:s18], [sflag:$0x1], $0x80, $0x38;
	[tilespmem:$0x8000] =	vst v63  }
0x33f: {  	s17 =	sadd.s32 s12, s21;
	s21 =	sld [smem:$0x754]  }
0x340: {  	s18 =	ssub.s32 $0x7978, s11  }
0x341: {  	[hbm4b:s17+s3] =	stream.linear.scatter [tilespmem:s18], [sflag:$0x1], $0x80, $0x38;
	[tilespmem:$0x8000] =	vst v63  }
0x342: {  	s17 =	sadd.s32 s12, s21;
	s21 =	sld [smem:$0x756]  }
0x343: {  	s18 =	ssub.s32 $0x9F8, s11  }
0x344: {  	[hbm4b:s17+s3] =	stream.linear.scatter [tilespmem:s18], [sflag:$0x1], $0x80, $0x38;
	[tilespmem:$0x8000] =	vst v63  }
0x345: {  	s17 =	sadd.s32 s12, s21;
	s21 =	sld [smem:$0x758]  }
0x346: {  	s18 =	ssub.s32 $0x19F8, s11  }
0x347: {  	[hbm4b:s17+s3] =	stream.linear.scatter [tilespmem:s18], [sflag:$0x1], $0x80, $0x38;
	[tilespmem:$0x8000] =	vst v63  }
0x348: {  	s17 =	sadd.s32 s12, s21;
	s21 =	sld [smem:$0x75A]  }
0x349: {  	s18 =	ssub.s32 $0x29F8, s11  }
0x34a: {  	[hbm4b:s17+s3] =	stream.linear.scatter [tilespmem:s18], [sflag:$0x1], $0x80, $0x38;
	[tilespmem:$0x8000] =	vst v63  }
0x34b: {  	s17 =	sadd.s32 s12, s21;
	s21 =	sld [smem:$0x75C]  }
0x34c: {  	s18 =	ssub.s32 $0x39F8, s11  }
0x34d: {  	[hbm4b:s17+s3] =	stream.linear.scatter [tilespmem:s18], [sflag:$0x1], $0x80, $0x38;
	[tilespmem:$0x8000] =	vst v63  }
0x34e: {  	s17 =	sadd.s32 s12, s21;
	s21 =	sld [smem:$0x75E]  }
0x34f: {  	s18 =	ssub.s32 $0x49F8, s11  }
0x350: {  	[hbm4b:s17+s3] =	stream.linear.scatter [tilespmem:s18], [sflag:$0x1], $0x80, $0x38;
	[tilespmem:$0x8000] =	vst v63  }
0x351: {  	s17 =	sadd.s32 s12, s21;
	s21 =	sld [smem:$0x760]  }
0x352: {  	s18 =	ssub.s32 $0x59F8, s11  }
0x353: {  	[hbm4b:s17+s3] =	stream.linear.scatter [tilespmem:s18], [sflag:$0x1], $0x80, $0x38;
	[tilespmem:$0x8000] =	vst v63  }
0x354: {  	s17 =	sadd.s32 s12, s21;
	s21 =	sld [smem:$0x762]  }
0x355: {  	s18 =	ssub.s32 $0x69F8, s11  }
0x356: {  	[hbm4b:s17+s3] =	stream.linear.scatter [tilespmem:s18], [sflag:$0x1], $0x80, $0x38;
	[tilespmem:$0x8000] =	vst v63  }
0x357: {  	s17 =	sadd.s32 s12, s21;
	s21 =	sld [smem:$0x764]  }
0x358: {  	s18 =	ssub.s32 $0x79F8, s11  }
0x359: {  	[hbm4b:s17+s3] =	stream.linear.scatter [tilespmem:s18], [sflag:$0x1], $0x80, $0x38;
	[tilespmem:$0x8000] =	vst v63  }
0x35a: {  	s17 =	sadd.s32 s12, s21;
	s21 =	sld [smem:$0x766]  }
0x35b: {  	s18 =	ssub.s32 $0xA78, s11  }
0x35c: {  	[hbm4b:s17+s3] =	stream.linear.scatter [tilespmem:s18], [sflag:$0x1], $0x80, $0x38;
	[tilespmem:$0x8000] =	vst v63  }
0x35d: {  	s17 =	sadd.s32 s12, s21;
	s21 =	sld [smem:$0x768]  }
0x35e: {  	s18 =	ssub.s32 $0x1A78, s11  }
0x35f: {  	[hbm4b:s17+s3] =	stream.linear.scatter [tilespmem:s18], [sflag:$0x1], $0x80, $0x38;
	[tilespmem:$0x8000] =	vst v63  }
0x360: {  	s17 =	sadd.s32 s12, s21;
	s21 =	sld [smem:$0x76A]  }
0x361: {  	s18 =	ssub.s32 $0x2A78, s11  }
0x362: {  	[hbm4b:s17+s3] =	stream.linear.scatter [tilespmem:s18], [sflag:$0x1], $0x80, $0x38;
	[tilespmem:$0x8000] =	vst v63  }
0x363: {  	s17 =	sadd.s32 s12, s21;
	s21 =	sld [smem:$0x76C]  }
0x364: {  	s18 =	ssub.s32 $0x3A78, s11  }
0x365: {  	[hbm4b:s17+s3] =	stream.linear.scatter [tilespmem:s18], [sflag:$0x1], $0x80, $0x38;
	[tilespmem:$0x8000] =	vst v63  }
0x366: {  	s17 =	sadd.s32 s12, s21;
	s21 =	sld [smem:$0x76E]  }
0x367: {  	s18 =	ssub.s32 $0x4A78, s11  }
0x368: {  	[hbm4b:s17+s3] =	stream.linear.scatter [tilespmem:s18], [sflag:$0x1], $0x80, $0x38;
	[tilespmem:$0x8000] =	vst v63  }
0x369: {  	s17 =	sadd.s32 s12, s21;
	s21 =	sld [smem:$0x770]  }
0x36a: {  	s18 =	ssub.s32 $0x5A78, s11  }
0x36b: {  	[hbm4b:s17+s3] =	stream.linear.scatter [tilespmem:s18], [sflag:$0x1], $0x80, $0x38;
	[tilespmem:$0x8000] =	vst v63  }
0x36c: {  	s17 =	sadd.s32 s12, s21;
	s21 =	sld [smem:$0x772]  }
0x36d: {  	s18 =	ssub.s32 $0x6A78, s11  }
0x36e: {  	[hbm4b:s17+s3] =	stream.linear.scatter [tilespmem:s18], [sflag:$0x1], $0x80, $0x38;
	[tilespmem:$0x8000] =	vst v63  }
0x36f: {  	s17 =	sadd.s32 s12, s21;
	s21 =	sld [smem:$0x774]  }
0x370: {  	s18 =	ssub.s32 $0x7A78, s11  }
0x371: {  	[hbm4b:s17+s3] =	stream.linear.scatter [tilespmem:s18], [sflag:$0x1], $0x80, $0x38;
	[tilespmem:$0x8000] =	vst v63  }
0x372: {  	s17 =	sadd.s32 s12, s21;
	s21 =	sld [smem:$0x776]  }
0x373: {  	s18 =	ssub.s32 $0xAF8, s11  }
0x374: {  	[hbm4b:s17+s3] =	stream.linear.scatter [tilespmem:s18], [sflag:$0x1], $0x80, $0x38;
	[tilespmem:$0x8000] =	vst v63  }
0x375: {  	s17 =	sadd.s32 s12, s21;
	s21 =	sld [smem:$0x778]  }
0x376: {  	s18 =	ssub.s32 $0x1AF8, s11  }
0x377: {  	[hbm4b:s17+s3] =	stream.linear.scatter [tilespmem:s18], [sflag:$0x1], $0x80, $0x38;
	[tilespmem:$0x8000] =	vst v63  }
0x378: {  	s17 =	sadd.s32 s12, s21;
	s21 =	sld [smem:$0x77A]  }
0x379: {  	s18 =	ssub.s32 $0x2AF8, s11  }
0x37a: {  	[hbm4b:s17+s3] =	stream.linear.scatter [tilespmem:s18], [sflag:$0x1], $0x80, $0x38;
	[tilespmem:$0x8000] =	vst v63  }
0x37b: {  	s17 =	sadd.s32 s12, s21;
	s21 =	sld [smem:$0x77C]  }
0x37c: {  	s18 =	ssub.s32 $0x3AF8, s11  }
0x37d: {  	[hbm4b:s17+s3] =	stream.linear.scatter [tilespmem:s18], [sflag:$0x1], $0x80, $0x38;
	[tilespmem:$0x8000] =	vst v63  }
0x37e: {  	s17 =	sadd.s32 s12, s21;
	s21 =	sld [smem:$0x77E]  }
0x37f: {  	s18 =	ssub.s32 $0x4AF8, s11  }
0x380: {  	[hbm4b:s17+s3] =	stream.linear.scatter [tilespmem:s18], [sflag:$0x1], $0x80, $0x38;
	[tilespmem:$0x8000] =	vst v63  }
0x381: {  	s17 =	sadd.s32 s12, s21;
	s21 =	sld [smem:$0x780]  }
0x382: {  	s18 =	ssub.s32 $0x5AF8, s11  }
0x383: {  	[hbm4b:s17+s3] =	stream.linear.scatter [tilespmem:s18], [sflag:$0x1], $0x80, $0x38;
	[tilespmem:$0x8000] =	vst v63  }
0x384: {  	s17 =	sadd.s32 s12, s21;
	s21 =	sld [smem:$0x782]  }
0x385: {  	s18 =	ssub.s32 $0x6AF8, s11  }
0x386: {  	[hbm4b:s17+s3] =	stream.linear.scatter [tilespmem:s18], [sflag:$0x1], $0x80, $0x38;
	[tilespmem:$0x8000] =	vst v63  }
0x387: {  	s17 =	sadd.s32 s12, s21;
	s21 =	sld [smem:$0x784]  }
0x388: {  	s18 =	ssub.s32 $0x7AF8, s11  }
0x389: {  	[hbm4b:s17+s3] =	stream.linear.scatter [tilespmem:s18], [sflag:$0x1], $0x80, $0x38;
	[tilespmem:$0x8000] =	vst v63  }
0x38a: {  	s17 =	sadd.s32 s12, s21;
	s21 =	sld [smem:$0x786]  }
0x38b: {  	s18 =	ssub.s32 $0xB78, s11  }
0x38c: {  	[hbm4b:s17+s3] =	stream.linear.scatter [tilespmem:s18], [sflag:$0x1], $0x80, $0x38;
	[tilespmem:$0x8000] =	vst v63  }
0x38d: {  	s17 =	sadd.s32 s12, s21;
	s21 =	sld [smem:$0x788]  }
0x38e: {  	s18 =	ssub.s32 $0x1B78, s11  }
0x38f: {  	[hbm4b:s17+s3] =	stream.linear.scatter [tilespmem:s18], [sflag:$0x1], $0x80, $0x38;
	[tilespmem:$0x8000] =	vst v63  }
0x390: {  	s17 =	sadd.s32 s12, s21;
	s21 =	sld [smem:$0x78A]  }
0x391: {  	s18 =	ssub.s32 $0x2B78, s11  }
0x392: {  	[hbm4b:s17+s3] =	stream.linear.scatter [tilespmem:s18], [sflag:$0x1], $0x80, $0x38;
	[tilespmem:$0x8000] =	vst v63  }
0x393: {  	s17 =	sadd.s32 s12, s21;
	s21 =	sld [smem:$0x78C]  }
0x394: {  	s18 =	ssub.s32 $0x3B78, s11  }
0x395: {  	[hbm4b:s17+s3] =	stream.linear.scatter [tilespmem:s18], [sflag:$0x1], $0x80, $0x38;
	[tilespmem:$0x8000] =	vst v63  }
0x396: {  	s17 =	sadd.s32 s12, s21;
	s21 =	sld [smem:$0x78E]  }
0x397: {  	s18 =	ssub.s32 $0x4B78, s11  }
0x398: {  	[hbm4b:s17+s3] =	stream.linear.scatter [tilespmem:s18], [sflag:$0x1], $0x80, $0x38;
	[tilespmem:$0x8000] =	vst v63  }
0x399: {  	s17 =	sadd.s32 s12, s21;
	s21 =	sld [smem:$0x790]  }
0x39a: {  	s18 =	ssub.s32 $0x5B78, s11  }
0x39b: {  	[hbm4b:s17+s3] =	stream.linear.scatter [tilespmem:s18], [sflag:$0x1], $0x80, $0x38;
	[tilespmem:$0x8000] =	vst v63  }
0x39c: {  	s17 =	sadd.s32 s12, s21;
	s21 =	sld [smem:$0x792]  }
0x39d: {  	s18 =	ssub.s32 $0x6B78, s11  }
0x39e: {  	[hbm4b:s17+s3] =	stream.linear.scatter [tilespmem:s18], [sflag:$0x1], $0x80, $0x38;
	[tilespmem:$0x8000] =	vst v63  }
0x39f: {  	s17 =	sadd.s32 s12, s21;
	s21 =	sld [smem:$0x794]  }
0x3a0: {  	s18 =	ssub.s32 $0x7B78, s11  }
0x3a1: {  	[hbm4b:s17+s3] =	stream.linear.scatter [tilespmem:s18], [sflag:$0x1], $0x80, $0x38;
	[tilespmem:$0x8000] =	vst v63  }
0x3a2: {  	s17 =	sadd.s32 s12, s21;
	s21 =	sld [smem:$0x796]  }
0x3a3: {  	s18 =	ssub.s32 $0xBF8, s11  }
0x3a4: {  	[hbm4b:s17+s3] =	stream.linear.scatter [tilespmem:s18], [sflag:$0x1], $0x80, $0x38;
	[tilespmem:$0x8000] =	vst v63  }
0x3a5: {  	s17 =	sadd.s32 s12, s21;
	s21 =	sld [smem:$0x798]  }
0x3a6: {  	s18 =	ssub.s32 $0x1BF8, s11  }
0x3a7: {  	[hbm4b:s17+s3] =	stream.linear.scatter [tilespmem:s18], [sflag:$0x1], $0x80, $0x38;
	[tilespmem:$0x8000] =	vst v63  }
0x3a8: {  	s17 =	sadd.s32 s12, s21;
	s21 =	sld [smem:$0x79A]  }
0x3a9: {  	s18 =	ssub.s32 $0x2BF8, s11  }
0x3aa: {  	[hbm4b:s17+s3] =	stream.linear.scatter [tilespmem:s18], [sflag:$0x1], $0x80, $0x38;
	[tilespmem:$0x8000] =	vst v63  }
0x3ab: {  	s17 =	sadd.s32 s12, s21;
	s21 =	sld [smem:$0x79C]  }
0x3ac: {  	s18 =	ssub.s32 $0x3BF8, s11  }
0x3ad: {  	[hbm4b:s17+s3] =	stream.linear.scatter [tilespmem:s18], [sflag:$0x1], $0x80, $0x38;
	[tilespmem:$0x8000] =	vst v63  }
0x3ae: {  	s17 =	sadd.s32 s12, s21;
	s21 =	sld [smem:$0x79E]  }
0x3af: {  	s18 =	ssub.s32 $0x4BF8, s11  }
0x3b0: {  	[hbm4b:s17+s3] =	stream.linear.scatter [tilespmem:s18], [sflag:$0x1], $0x80, $0x38;
	[tilespmem:$0x8000] =	vst v63  }
0x3b1: {  	s17 =	sadd.s32 s12, s21;
	s21 =	sld [smem:$0x7A0]  }
0x3b2: {  	s18 =	ssub.s32 $0x5BF8, s11  }
0x3b3: {  	[hbm4b:s17+s3] =	stream.linear.scatter [tilespmem:s18], [sflag:$0x1], $0x80, $0x38;
	[tilespmem:$0x8000] =	vst v63  }
0x3b4: {  	s17 =	sadd.s32 s12, s21;
	s21 =	sld [smem:$0x7A2]  }
0x3b5: {  	s18 =	ssub.s32 $0x6BF8, s11  }
0x3b6: {  	[hbm4b:s17+s3] =	stream.linear.scatter [tilespmem:s18], [sflag:$0x1], $0x80, $0x38;
	[tilespmem:$0x8000] =	vst v63  }
0x3b7: {  	s17 =	sadd.s32 s12, s21;
	s21 =	sld [smem:$0x7A4]  }
0x3b8: {  	s18 =	ssub.s32 $0x7BF8, s11  }
0x3b9: {  	[hbm4b:s17+s3] =	stream.linear.scatter [tilespmem:s18], [sflag:$0x1], $0x80, $0x38;
	[tilespmem:$0x8000] =	vst v63  }
0x3ba: {  	s17 =	sadd.s32 s12, s21;
	s21 =	sld [smem:$0x7A6]  }
0x3bb: {  	s18 =	ssub.s32 $0xC78, s11  }
0x3bc: {  	[hbm4b:s17+s3] =	stream.linear.scatter [tilespmem:s18], [sflag:$0x1], $0x80, $0x38;
	[tilespmem:$0x8000] =	vst v63  }
0x3bd: {  	s17 =	sadd.s32 s12, s21;
	s21 =	sld [smem:$0x7A8]  }
0x3be: {  	s18 =	ssub.s32 $0x1C78, s11  }
0x3bf: {  	[hbm4b:s17+s3] =	stream.linear.scatter [tilespmem:s18], [sflag:$0x1], $0x80, $0x38;
	[tilespmem:$0x8000] =	vst v63  }
0x3c0: {  	s17 =	sadd.s32 s12, s21;
	s21 =	sld [smem:$0x7AA]  }
0x3c1: {  	s18 =	ssub.s32 $0x2C78, s11  }
0x3c2: {  	[hbm4b:s17+s3] =	stream.linear.scatter [tilespmem:s18], [sflag:$0x1], $0x80, $0x38;
	[tilespmem:$0x8000] =	vst v63  }
0x3c3: {  	s17 =	sadd.s32 s12, s21;
	s21 =	sld [smem:$0x7AC]  }
0x3c4: {  	s18 =	ssub.s32 $0x3C78, s11  }
0x3c5: {  	[hbm4b:s17+s3] =	stream.linear.scatter [tilespmem:s18], [sflag:$0x1], $0x80, $0x38;
	[tilespmem:$0x8000] =	vst v63  }
0x3c6: {  	s17 =	sadd.s32 s12, s21;
	s21 =	sld [smem:$0x7AE]  }
0x3c7: {  	s18 =	ssub.s32 $0x4C78, s11  }
0x3c8: {  	[hbm4b:s17+s3] =	stream.linear.scatter [tilespmem:s18], [sflag:$0x1], $0x80, $0x38;
	[tilespmem:$0x8000] =	vst v63  }
0x3c9: {  	s17 =	sadd.s32 s12, s21;
	s21 =	sld [smem:$0x7B0]  }
0x3ca: {  	s18 =	ssub.s32 $0x5C78, s11  }
0x3cb: {  	[hbm4b:s17+s3] =	stream.linear.scatter [tilespmem:s18], [sflag:$0x1], $0x80, $0x38;
	[tilespmem:$0x8000] =	vst v63  }
0x3cc: {  	s17 =	sadd.s32 s12, s21;
	s21 =	sld [smem:$0x7B2]  }
0x3cd: {  	s18 =	ssub.s32 $0x6C78, s11  }
0x3ce: {  	[hbm4b:s17+s3] =	stream.linear.scatter [tilespmem:s18], [sflag:$0x1], $0x80, $0x38;
	[tilespmem:$0x8000] =	vst v63  }
0x3cf: {  	s17 =	sadd.s32 s12, s21;
	s21 =	sld [smem:$0x7B4]  }
0x3d0: {  	s18 =	ssub.s32 $0x7C78, s11  }
0x3d1: {  	[hbm4b:s17+s3] =	stream.linear.scatter [tilespmem:s18], [sflag:$0x1], $0x80, $0x38;
	[tilespmem:$0x8000] =	vst v63  }
0x3d2: {  	s17 =	sadd.s32 s12, s21;
	s21 =	sld [smem:$0x7B6]  }
0x3d3: {  	s18 =	ssub.s32 $0xCF8, s11  }
0x3d4: {  	[hbm4b:s17+s3] =	stream.linear.scatter [tilespmem:s18], [sflag:$0x1], $0x80, $0x38;
	[tilespmem:$0x8000] =	vst v63  }
0x3d5: {  	s17 =	sadd.s32 s12, s21;
	s21 =	sld [smem:$0x7B8]  }
0x3d6: {  	s18 =	ssub.s32 $0x1CF8, s11  }
0x3d7: {  	[hbm4b:s17+s3] =	stream.linear.scatter [tilespmem:s18], [sflag:$0x1], $0x80, $0x38;
	[tilespmem:$0x8000] =	vst v63  }
0x3d8: {  	s17 =	sadd.s32 s12, s21;
	s21 =	sld [smem:$0x7BA]  }
0x3d9: {  	s18 =	ssub.s32 $0x2CF8, s11  }
0x3da: {  	[hbm4b:s17+s3] =	stream.linear.scatter [tilespmem:s18], [sflag:$0x1], $0x80, $0x38;
	[tilespmem:$0x8000] =	vst v63  }
0x3db: {  	s17 =	sadd.s32 s12, s21;
	s21 =	sld [smem:$0x7BC]  }
0x3dc: {  	s18 =	ssub.s32 $0x3CF8, s11  }
0x3dd: {  	[hbm4b:s17+s3] =	stream.linear.scatter [tilespmem:s18], [sflag:$0x1], $0x80, $0x38;
	[tilespmem:$0x8000] =	vst v63  }
0x3de: {  	s17 =	sadd.s32 s12, s21;
	s21 =	sld [smem:$0x7BE]  }
0x3df: {  	s18 =	ssub.s32 $0x4CF8, s11  }
0x3e0: {  	[hbm4b:s17+s3] =	stream.linear.scatter [tilespmem:s18], [sflag:$0x1], $0x80, $0x38;
	[tilespmem:$0x8000] =	vst v63  }
0x3e1: {  	s17 =	sadd.s32 s12, s21;
	s21 =	sld [smem:$0x7C0]  }
0x3e2: {  	s18 =	ssub.s32 $0x5CF8, s11  }
0x3e3: {  	[hbm4b:s17+s3] =	stream.linear.scatter [tilespmem:s18], [sflag:$0x1], $0x80, $0x38;
	[tilespmem:$0x8000] =	vst v63  }
0x3e4: {  	s17 =	sadd.s32 s12, s21;
	s21 =	sld [smem:$0x7C2]  }
0x3e5: {  	s18 =	ssub.s32 $0x6CF8, s11  }
0x3e6: {  	[hbm4b:s17+s3] =	stream.linear.scatter [tilespmem:s18], [sflag:$0x1], $0x80, $0x38;
	[tilespmem:$0x8000] =	vst v63  }
0x3e7: {  	s17 =	sadd.s32 s12, s21;
	s21 =	sld [smem:$0x7C4]  }
0x3e8: {  	s18 =	ssub.s32 $0x7CF8, s11  }
0x3e9: {  	[hbm4b:s17+s3] =	stream.linear.scatter [tilespmem:s18], [sflag:$0x1], $0x80, $0x38;
	[tilespmem:$0x8000] =	vst v63  }
0x3ea: {  	s17 =	sadd.s32 s12, s21;
	s21 =	sld [smem:$0x7C6]  }
0x3eb: {  	s18 =	ssub.s32 $0xD78, s11  }
0x3ec: {  	[hbm4b:s17+s3] =	stream.linear.scatter [tilespmem:s18], [sflag:$0x1], $0x80, $0x38;
	[tilespmem:$0x8000] =	vst v63  }
0x3ed: {  	s17 =	sadd.s32 s12, s21;
	s21 =	sld [smem:$0x7C8]  }
0x3ee: {  	s18 =	ssub.s32 $0x1D78, s11  }
0x3ef: {  	[hbm4b:s17+s3] =	stream.linear.scatter [tilespmem:s18], [sflag:$0x1], $0x80, $0x38;
	[tilespmem:$0x8000] =	vst v63  }
0x3f0: {  	s17 =	sadd.s32 s12, s21;
	s21 =	sld [smem:$0x7CA]  }
0x3f1: {  	s18 =	ssub.s32 $0x2D78, s11  }
0x3f2: {  	[hbm4b:s17+s3] =	stream.linear.scatter [tilespmem:s18], [sflag:$0x1], $0x80, $0x38;
	[tilespmem:$0x8000] =	vst v63  }
0x3f3: {  	s17 =	sadd.s32 s12, s21;
	s21 =	sld [smem:$0x7CC]  }
0x3f4: {  	s18 =	ssub.s32 $0x3D78, s11  }
0x3f5: {  	[hbm4b:s17+s3] =	stream.linear.scatter [tilespmem:s18], [sflag:$0x1], $0x80, $0x38;
	[tilespmem:$0x8000] =	vst v63  }
0x3f6: {  	s17 =	sadd.s32 s12, s21;
	s21 =	sld [smem:$0x7CE]  }
0x3f7: {  	s18 =	ssub.s32 $0x4D78, s11  }
0x3f8: {  	[hbm4b:s17+s3] =	stream.linear.scatter [tilespmem:s18], [sflag:$0x1], $0x80, $0x38;
	[tilespmem:$0x8000] =	vst v63  }
0x3f9: {  	s17 =	sadd.s32 s12, s21;
	s21 =	sld [smem:$0x7D0]  }
0x3fa: {  	s18 =	ssub.s32 $0x5D78, s11  }
0x3fb: {  	[hbm4b:s17+s3] =	stream.linear.scatter [tilespmem:s18], [sflag:$0x1], $0x80, $0x38;
	[tilespmem:$0x8000] =	vst v63  }
0x3fc: {  	s17 =	sadd.s32 s12, s21;
	s21 =	sld [smem:$0x7D2]  }
0x3fd: {  	s18 =	ssub.s32 $0x6D78, s11  }
0x3fe: {  	[hbm4b:s17+s3] =	stream.linear.scatter [tilespmem:s18], [sflag:$0x1], $0x80, $0x38;
	[tilespmem:$0x8000] =	vst v63  }
0x3ff: {  	s17 =	sadd.s32 s12, s21;
	s21 =	sld [smem:$0x7D4]  }
0x400: {  	s18 =	ssub.s32 $0x7D78, s11  }
0x401: {  	[hbm4b:s17+s3] =	stream.linear.scatter [tilespmem:s18], [sflag:$0x1], $0x80, $0x38;
	[tilespmem:$0x8000] =	vst v63  }
0x402: {  	s17 =	sadd.s32 s12, s21;
	s21 =	sld [smem:$0x7D6]  }
0x403: {  	s18 =	ssub.s32 $0xDF8, s11  }
0x404: {  	[hbm4b:s17+s3] =	stream.linear.scatter [tilespmem:s18], [sflag:$0x1], $0x80, $0x38;
	[tilespmem:$0x8000] =	vst v63  }
0x405: {  	s17 =	sadd.s32 s12, s21;
	s21 =	sld [smem:$0x7D8]  }
0x406: {  	s18 =	ssub.s32 $0x1DF8, s11  }
0x407: {  	[hbm4b:s17+s3] =	stream.linear.scatter [tilespmem:s18], [sflag:$0x1], $0x80, $0x38;
	[tilespmem:$0x8000] =	vst v63  }
0x408: {  	s17 =	sadd.s32 s12, s21;
	s21 =	sld [smem:$0x7DA]  }
0x409: {  	s18 =	ssub.s32 $0x2DF8, s11  }
0x40a: {  	[hbm4b:s17+s3] =	stream.linear.scatter [tilespmem:s18], [sflag:$0x1], $0x80, $0x38;
	[tilespmem:$0x8000] =	vst v63  }
0x40b: {  	s17 =	sadd.s32 s12, s21;
	s21 =	sld [smem:$0x7DC]  }
0x40c: {  	s18 =	ssub.s32 $0x3DF8, s11  }
0x40d: {  	[hbm4b:s17+s3] =	stream.linear.scatter [tilespmem:s18], [sflag:$0x1], $0x80, $0x38;
	[tilespmem:$0x8000] =	vst v63  }
0x40e: {  	s17 =	sadd.s32 s12, s21;
	s21 =	sld [smem:$0x7DE]  }
0x40f: {  	s18 =	ssub.s32 $0x4DF8, s11  }
0x410: {  	[hbm4b:s17+s3] =	stream.linear.scatter [tilespmem:s18], [sflag:$0x1], $0x80, $0x38;
	[tilespmem:$0x8000] =	vst v63  }
0x411: {  	s17 =	sadd.s32 s12, s21;
	s21 =	sld [smem:$0x7E0]  }
0x412: {  	s18 =	ssub.s32 $0x5DF8, s11  }
0x413: {  	[hbm4b:s17+s3] =	stream.linear.scatter [tilespmem:s18], [sflag:$0x1], $0x80, $0x38;
	[tilespmem:$0x8000] =	vst v63  }
0x414: {  	s17 =	sadd.s32 s12, s21;
	s21 =	sld [smem:$0x7E2]  }
0x415: {  	s18 =	ssub.s32 $0x6DF8, s11  }
0x416: {  	[hbm4b:s17+s3] =	stream.linear.scatter [tilespmem:s18], [sflag:$0x1], $0x80, $0x38;
	[tilespmem:$0x8000] =	vst v63  }
0x417: {  	s17 =	sadd.s32 s12, s21;
	s21 =	sld [smem:$0x7E4]  }
0x418: {  	s18 =	ssub.s32 $0x7DF8, s11  }
0x419: {  	[hbm4b:s17+s3] =	stream.linear.scatter [tilespmem:s18], [sflag:$0x1], $0x80, $0x38;
	[tilespmem:$0x8000] =	vst v63  }
0x41a: {  	s18 =	ssub.s32 $0xE78, s11;
	s17 =	sadd.s32 s12, s21  }
0x41b: {  	[hbm4b:s17+s3] =	stream.linear.scatter [tilespmem:s18], [sflag:$0x1], $0x80, $0x38;
	[tilespmem:$0x8000] =	vst v63  }
0x41c: {  	s21 =	sadd.s32 s12, s26;
	s18 =	ssub.s32 $0x1E78, s11  }
0x41d: {  	[hbm4b:s21+s3] =	stream.linear.scatter [tilespmem:s18], [sflag:$0x1], $0x80, $0x38;
	[tilespmem:$0x8000] =	vst v63  }
0x41e: {  	s18 =	ssub.s32 $0x2E78, s11;
	s21 =	sadd.s32 s12, s0  }
0x41f: {  	[hbm4b:s21+s3] =	stream.linear.scatter [tilespmem:s18], [sflag:$0x1], $0x80, $0x38;
	[tilespmem:$0x8000] =	vst v63  }
0x420: {  	s18 =	ssub.s32 $0x3E78, s11;
	s21 =	sadd.s32 s12, s16  }
0x421: {  	[hbm4b:s21+s3] =	stream.linear.scatter [tilespmem:s18], [sflag:$0x1], $0x80, $0x38;
	[tilespmem:$0x8000] =	vst v63  }
0x422: {  	s18 =	ssub.s32 $0x4E78, s11;
	s21 =	sadd.s32 s12, s20  }
0x423: {  	[hbm4b:s21+s3] =	stream.linear.scatter [tilespmem:s18], [sflag:$0x1], $0x80, $0x38;
	[tilespmem:$0x8000] =	vst v63  }
0x424: {  	s18 =	ssub.s32 $0x5E78, s11;
	s21 =	sadd.s32 s12, s8  }
0x425: {  	[hbm4b:s21+s3] =	stream.linear.scatter [tilespmem:s18], [sflag:$0x1], $0x80, $0x38;
	[tilespmem:$0x8000] =	vst v63  }
0x426: {  	s18 =	ssub.s32 $0x6E78, s11;
	s21 =	sadd.s32 s12, s23  }
0x427: {  	[hbm4b:s21+s3] =	stream.linear.scatter [tilespmem:s18], [sflag:$0x1], $0x80, $0x38;
	[tilespmem:$0x8000] =	vst v63  }
0x428: {  	s18 =	ssub.s32 $0x7E78, s11;
	s21 =	sadd.s32 s12, s24  }
0x429: {  	[hbm4b:s21+s3] =	stream.linear.scatter [tilespmem:s18], [sflag:$0x1], $0x80, $0x38;
	[tilespmem:$0x8000] =	vst v63  }
0x42a: {  	s18 =	ssub.s32 $0xEF8, s11;
	s21 =	sadd.s32 s12, s10  }
0x42b: {  	[hbm4b:s21+s3] =	stream.linear.scatter [tilespmem:s18], [sflag:$0x1], $0x80, $0x38;
	[tilespmem:$0x8000] =	vst v63  }
0x42c: {  	s18 =	ssub.s32 $0x1EF8, s11;
	s21 =	sadd.s32 s12, s7  }
0x42d: {  	[hbm4b:s21+s3] =	stream.linear.scatter [tilespmem:s18], [sflag:$0x1], $0x80, $0x38;
	[tilespmem:$0x8000] =	vst v63  }
0x42e: {  	s18 =	ssub.s32 $0x2EF8, s11;
	s21 =	sadd.s32 s12, s14  }
0x42f: {  	[hbm4b:s21+s3] =	stream.linear.scatter [tilespmem:s18], [sflag:$0x1], $0x80, $0x38;
	[tilespmem:$0x8000] =	vst v63  }
0x430: {  	s18 =	ssub.s32 $0x3EF8, s11;
	s21 =	sadd.s32 s12, s19  }
0x431: {  	[hbm4b:s21+s3] =	stream.linear.scatter [tilespmem:s18], [sflag:$0x1], $0x80, $0x38;
	[tilespmem:$0x8000] =	vst v63  }
0x432: {  	s18 =	ssub.s32 $0x4EF8, s11;
	s21 =	sadd.s32 s12, s13  }
0x433: {  	[hbm4b:s21+s3] =	stream.linear.scatter [tilespmem:s18], [sflag:$0x1], $0x80, $0x38;
	[tilespmem:$0x8000] =	vst v63  }
0x434: {  	s18 =	ssub.s32 $0x5EF8, s11;
	s21 =	sadd.s32 s12, s31  }
0x435: {  	[hbm4b:s21+s3] =	stream.linear.scatter [tilespmem:s18], [sflag:$0x1], $0x80, $0x38;
	[tilespmem:$0x8000] =	vst v63  }
0x436: {  	s18 =	ssub.s32 $0x6EF8, s11;
	s21 =	sadd.s32 s12, s30  }
0x437: {  	[hbm4b:s21+s3] =	stream.linear.scatter [tilespmem:s18], [sflag:$0x1], $0x80, $0x38;
	[tilespmem:$0x8000] =	vst v63  }
0x438: {  	s18 =	ssub.s32 $0x7EF8, s11;
	s21 =	sadd.s32 s12, s2  }
0x439: {  	[hbm4b:s21+s3] =	stream.linear.scatter [tilespmem:s18], [sflag:$0x1], $0x80, $0x38;
	[tilespmem:$0x8000] =	vst v63  }
0x43a: {  	s18 =	ssub.s32 $0xF78, s11;
	s21 =	sadd.s32 s12, s4  }
0x43b: {  	[hbm4b:s21+s3] =	stream.linear.scatter [tilespmem:s18], [sflag:$0x1], $0x80, $0x38;
	[tilespmem:$0x8000] =	vst v63  }
0x43c: {  	s18 =	ssub.s32 $0x1F78, s11;
	s21 =	sadd.s32 s12, s22  }
0x43d: {  	[hbm4b:s21+s3] =	stream.linear.scatter [tilespmem:s18], [sflag:$0x1], $0x80, $0x38;
	[tilespmem:$0x8000] =	vst v63  }
0x43e: {  	s18 =	ssub.s32 $0x2F78, s11;
	s21 =	sadd.s32 s12, s25  }
0x43f: {  	[hbm4b:s21+s3] =	stream.linear.scatter [tilespmem:s18], [sflag:$0x1], $0x80, $0x38;
	[tilespmem:$0x8000] =	vst v63  }
0x440: {  	s18 =	ssub.s32 $0x3F78, s11;
	s21 =	sadd.s32 s12, s28  }
0x441: {  	[hbm4b:s21+s3] =	stream.linear.scatter [tilespmem:s18], [sflag:$0x1], $0x80, $0x38;
	[tilespmem:$0x8000] =	vst v63  }
0x442: {  	s18 =	ssub.s32 $0x4F78, s11;
	s21 =	sadd.s32 s12, s29  }
0x443: {  	[hbm4b:s21+s3] =	stream.linear.scatter [tilespmem:s18], [sflag:$0x1], $0x80, $0x38;
	[tilespmem:$0x8000] =	vst v63  }
0x444: {  	s18 =	ssub.s32 $0x5F78, s11;
	s21 =	sadd.s32 s12, s1  }
0x445: {  	[hbm4b:s21+s3] =	stream.linear.scatter [tilespmem:s18], [sflag:$0x1], $0x80, $0x38;
	[tilespmem:$0x8000] =	vst v63  }
0x446: {  	s18 =	ssub.s32 $0x6F78, s11;
	s21 =	sadd.s32 s12, s6  }
0x447: {  	[hbm4b:s21+s3] =	stream.linear.scatter [tilespmem:s18], [sflag:$0x1], $0x80, $0x38;
	[tilespmem:$0x8000] =	vst v63  }
0x448: {  	s11 =	ssub.s32 $0x7F78, s11;
	s12 =	sadd.s32 s12, s5  }
0x449: {  	[hbm4b:s12+s3] =	stream.linear.scatter [tilespmem:s11], [sflag:$0x1], $0x80, $0x38;
	[tilespmem:$0x8000] =	vst v63  }
0x44a: {  	_ =	swait.ge [sflag:s9], $0x4000  }
0x44b: {  	s11 =	simm.s32 $0x2;
	s12 =	simm.s32 $0x3;
	[sflag:s9] =	ssyncset.done $0x0  }
.LBB2_2:
0x44c: {  	s15 =	rddreg [dreg:$0x3]  }
0x44d: {  	s17 =	smov.u32 s12;
	s18 =	sadd.s32 s15, s11  }
0x44e: {  	s21 =	rddreg [dreg:$0x4];
	s15 =	sshll.u32 s18, $0x3;
	s18 =	sshll.u32 s18, $0xE  }
0x44f: {  	[sflag:s9] =	ssyncadd.s32 $0xFFFFC000;
	s11 =	smov.u32 s17;
	s17 =	sadd.s32 s21, s18  }
0x450: {  	s21 =	rddreg [dreg:$0x1];
	s17 =	sshrl.u32 s17, $0x3  }
0x451: {  	s18 =	ssub.s32 $0x7F8, s15;
	s21 =	sadd.s32 s21, s17  }
0x452: {  	[hbm4b:s21+s3] =	stream.linear.scatter [tilespmem:s18], [sflag:$0x1], $0x80, $0x38;
	[tilespmem:$0x8000] =	vst v63  }
0x453: {  	s21 =	rddreg [dreg:$0x5]  }
0x454: {  	s18 =	ssub.s32 $0x17F8, s15;
	s21 =	sadd.s32 s17, s21  }
0x455: {  	[hbm4b:s21+s3] =	stream.linear.scatter [tilespmem:s18], [sflag:$0x1], $0x80, $0x38;
	[tilespmem:$0x8000] =	vst v63  }
0x456: {  	s21 =	rddreg [dreg:$0x6]  }
0x457: {  	s18 =	ssub.s32 $0x27F8, s15;
	s21 =	sadd.s32 s17, s21  }
0x458: {  	[hbm4b:s21+s3] =	stream.linear.scatter [tilespmem:s18], [sflag:$0x1], $0x80, $0x38;
	[tilespmem:$0x8000] =	vst v63  }
0x459: {  	s21 =	rddreg [dreg:$0x7]  }
0x45a: {  	s18 =	ssub.s32 $0x37F8, s15;
	s21 =	sadd.s32 s17, s21  }
0x45b: {  	[hbm4b:s21+s3] =	stream.linear.scatter [tilespmem:s18], [sflag:$0x1], $0x80, $0x38;
	[tilespmem:$0x8000] =	vst v63  }
0x45c: {  	s21 =	rddreg [dreg:$0x8]  }
0x45d: {  	s18 =	ssub.s32 $0x47F8, s15;
	s21 =	sadd.s32 s17, s21  }
0x45e: {  	[hbm4b:s21+s3] =	stream.linear.scatter [tilespmem:s18], [sflag:$0x1], $0x80, $0x38;
	[tilespmem:$0x8000] =	vst v63  }
0x45f: {  	s21 =	rddreg [dreg:$0x9]  }
0x460: {  	s18 =	ssub.s32 $0x57F8, s15;
	s21 =	sadd.s32 s17, s21  }
0x461: {  	[hbm4b:s21+s3] =	stream.linear.scatter [tilespmem:s18], [sflag:$0x1], $0x80, $0x38;
	[tilespmem:$0x8000] =	vst v63  }
0x462: {  	s21 =	rddreg [dreg:$0xa]  }
0x463: {  	s18 =	ssub.s32 $0x67F8, s15;
	s21 =	sadd.s32 s17, s21  }
0x464: {  	[hbm4b:s21+s3] =	stream.linear.scatter [tilespmem:s18], [sflag:$0x1], $0x80, $0x38;
	[tilespmem:$0x8000] =	vst v63  }
0x465: {  	s21 =	rddreg [dreg:$0xb]  }
0x466: {  	s18 =	ssub.s32 $0x77F8, s15;
	s21 =	sadd.s32 s17, s21  }
0x467: {  	[hbm4b:s21+s3] =	stream.linear.scatter [tilespmem:s18], [sflag:$0x1], $0x80, $0x38;
	[tilespmem:$0x8000] =	vst v63  }
0x468: {  	s21 =	rddreg [dreg:$0xc]  }
0x469: {  	s18 =	ssub.s32 $0x878, s15;
	s21 =	sadd.s32 s17, s21  }
0x46a: {  	[hbm4b:s21+s3] =	stream.linear.scatter [tilespmem:s18], [sflag:$0x1], $0x80, $0x38;
	[tilespmem:$0x8000] =	vst v63  }
0x46b: {  	s21 =	rddreg [dreg:$0xd]  }
0x46c: {  	s18 =	ssub.s32 $0x1878, s15;
	s21 =	sadd.s32 s17, s21  }
0x46d: {  	[hbm4b:s21+s3] =	stream.linear.scatter [tilespmem:s18], [sflag:$0x1], $0x80, $0x38;
	[tilespmem:$0x8000] =	vst v63  }
0x46e: {  	s21 =	rddreg [dreg:$0xe]  }
0x46f: {  	s18 =	ssub.s32 $0x2878, s15;
	s21 =	sadd.s32 s17, s21  }
0x470: {  	[hbm4b:s21+s3] =	stream.linear.scatter [tilespmem:s18], [sflag:$0x1], $0x80, $0x38;
	[tilespmem:$0x8000] =	vst v63  }
0x471: {  	s21 =	rddreg [dreg:$0xf]  }
0x472: {  	s18 =	ssub.s32 $0x3878, s15;
	s21 =	sadd.s32 s17, s21  }
0x473: {  	[hbm4b:s21+s3] =	stream.linear.scatter [tilespmem:s18], [sflag:$0x1], $0x80, $0x38;
	[tilespmem:$0x8000] =	vst v63  }
0x474: {  	s21 =	rddreg [dreg:$0x10]  }
0x475: {  	s18 =	ssub.s32 $0x4878, s15;
	s21 =	sadd.s32 s17, s21  }
0x476: {  	[hbm4b:s21+s3] =	stream.linear.scatter [tilespmem:s18], [sflag:$0x1], $0x80, $0x38;
	[tilespmem:$0x8000] =	vst v63  }
0x477: {  	s21 =	rddreg [dreg:$0x11]  }
0x478: {  	s18 =	ssub.s32 $0x5878, s15;
	s21 =	sadd.s32 s17, s21  }
0x479: {  	[hbm4b:s21+s3] =	stream.linear.scatter [tilespmem:s18], [sflag:$0x1], $0x80, $0x38;
	[tilespmem:$0x8000] =	vst v63  }
0x47a: {  	s21 =	rddreg [dreg:$0x12]  }
0x47b: {  	s18 =	ssub.s32 $0x6878, s15;
	s21 =	sadd.s32 s17, s21  }
0x47c: {  	[hbm4b:s21+s3] =	stream.linear.scatter [tilespmem:s18], [sflag:$0x1], $0x80, $0x38;
	[tilespmem:$0x8000] =	vst v63  }
0x47d: {  	s21 =	rddreg [dreg:$0x13]  }
0x47e: {  	s18 =	ssub.s32 $0x7878, s15;
	s21 =	sadd.s32 s17, s21  }
0x47f: {  	[hbm4b:s21+s3] =	stream.linear.scatter [tilespmem:s18], [sflag:$0x1], $0x80, $0x38;
	[tilespmem:$0x8000] =	vst v63  }
0x480: {  	s21 =	rddreg [dreg:$0x14]  }
0x481: {  	s18 =	ssub.s32 $0x8F8, s15;
	s21 =	sadd.s32 s17, s21  }
0x482: {  	[hbm4b:s21+s3] =	stream.linear.scatter [tilespmem:s18], [sflag:$0x1], $0x80, $0x38;
	[tilespmem:$0x8000] =	vst v63  }
0x483: {  	s21 =	rddreg [dreg:$0x15]  }
0x484: {  	s18 =	ssub.s32 $0x18F8, s15;
	s21 =	sadd.s32 s17, s21  }
0x485: {  	[hbm4b:s21+s3] =	stream.linear.scatter [tilespmem:s18], [sflag:$0x1], $0x80, $0x38;
	[tilespmem:$0x8000] =	vst v63  }
0x486: {  	s21 =	rddreg [dreg:$0x16]  }
0x487: {  	s18 =	ssub.s32 $0x28F8, s15;
	s21 =	sadd.s32 s17, s21  }
0x488: {  	[hbm4b:s21+s3] =	stream.linear.scatter [tilespmem:s18], [sflag:$0x1], $0x80, $0x38;
	[tilespmem:$0x8000] =	vst v63  }
0x489: {  	s21 =	rddreg [dreg:$0x17]  }
0x48a: {  	s18 =	ssub.s32 $0x38F8, s15;
	s21 =	sadd.s32 s17, s21  }
0x48b: {  	[hbm4b:s21+s3] =	stream.linear.scatter [tilespmem:s18], [sflag:$0x1], $0x80, $0x38;
	[tilespmem:$0x8000] =	vst v63  }
0x48c: {  	s21 =	rddreg [dreg:$0x18]  }
0x48d: {  	s18 =	ssub.s32 $0x48F8, s15;
	s21 =	sadd.s32 s17, s21  }
0x48e: {  	[hbm4b:s21+s3] =	stream.linear.scatter [tilespmem:s18], [sflag:$0x1], $0x80, $0x38;
	[tilespmem:$0x8000] =	vst v63  }
0x48f: {  	s21 =	rddreg [dreg:$0x19]  }
0x490: {  	s18 =	ssub.s32 $0x58F8, s15;
	s21 =	sadd.s32 s17, s21  }
0x491: {  	[hbm4b:s21+s3] =	stream.linear.scatter [tilespmem:s18], [sflag:$0x1], $0x80, $0x38;
	[tilespmem:$0x8000] =	vst v63  }
0x492: {  	s21 =	rddreg [dreg:$0x1a]  }
0x493: {  	s18 =	ssub.s32 $0x68F8, s15;
	s21 =	sadd.s32 s17, s21  }
0x494: {  	[hbm4b:s21+s3] =	stream.linear.scatter [tilespmem:s18], [sflag:$0x1], $0x80, $0x38;
	[tilespmem:$0x8000] =	vst v63  }
0x495: {  	s21 =	rddreg [dreg:$0x1b]  }
0x496: {  	s18 =	ssub.s32 $0x78F8, s15;
	s21 =	sadd.s32 s17, s21  }
0x497: {  	[hbm4b:s21+s3] =	stream.linear.scatter [tilespmem:s18], [sflag:$0x1], $0x80, $0x38;
	[tilespmem:$0x8000] =	vst v63  }
0x498: {  	s21 =	rddreg [dreg:$0x1c]  }
0x499: {  	s18 =	ssub.s32 $0x978, s15;
	s21 =	sadd.s32 s17, s21  }
0x49a: {  	[hbm4b:s21+s3] =	stream.linear.scatter [tilespmem:s18], [sflag:$0x1], $0x80, $0x38;
	[tilespmem:$0x8000] =	vst v63  }
0x49b: {  	s21 =	rddreg [dreg:$0x1d]  }
0x49c: {  	s18 =	ssub.s32 $0x1978, s15;
	s21 =	sadd.s32 s17, s21  }
0x49d: {  	[hbm4b:s21+s3] =	stream.linear.scatter [tilespmem:s18], [sflag:$0x1], $0x80, $0x38;
	[tilespmem:$0x8000] =	vst v63  }
0x49e: {  	s21 =	rddreg [dreg:$0x1e]  }
0x49f: {  	s18 =	ssub.s32 $0x2978, s15;
	s21 =	sadd.s32 s17, s21  }
0x4a0: {  	[hbm4b:s21+s3] =	stream.linear.scatter [tilespmem:s18], [sflag:$0x1], $0x80, $0x38;
	[tilespmem:$0x8000] =	vst v63  }
0x4a1: {  	s21 =	rddreg [dreg:$0x1f]  }
0x4a2: {  	s18 =	ssub.s32 $0x3978, s15;
	s21 =	sadd.s32 s17, s21  }
0x4a3: {  	[hbm4b:s21+s3] =	stream.linear.scatter [tilespmem:s18], [sflag:$0x1], $0x80, $0x38;
	[tilespmem:$0x8000] =	vst v63  }
0x4a4: {  	s21 =	sld [smem:$0x74C];
	_ =	sdelay $0x2  }
0x4a5: {  	s18 =	ssub.s32 $0x4978, s15;
	s21 =	sadd.s32 s17, s21  }
0x4a6: {  	[hbm4b:s21+s3] =	stream.linear.scatter [tilespmem:s18], [sflag:$0x1], $0x80, $0x38;
	[tilespmem:$0x8000] =	vst v63  }
0x4a7: {  	s21 =	sld [smem:$0x74E];
	_ =	sdelay $0x2  }
0x4a8: {  	s18 =	ssub.s32 $0x5978, s15;
	s21 =	sadd.s32 s17, s21  }
0x4a9: {  	[hbm4b:s21+s3] =	stream.linear.scatter [tilespmem:s18], [sflag:$0x1], $0x80, $0x38;
	[tilespmem:$0x8000] =	vst v63  }
0x4aa: {  	s21 =	sld [smem:$0x750];
	_ =	sdelay $0x2  }
0x4ab: {  	s18 =	ssub.s32 $0x6978, s15;
	s21 =	sadd.s32 s17, s21  }
0x4ac: {  	[hbm4b:s21+s3] =	stream.linear.scatter [tilespmem:s18], [sflag:$0x1], $0x80, $0x38;
	[tilespmem:$0x8000] =	vst v63  }
0x4ad: {  	s21 =	sld [smem:$0x752];
	_ =	sdelay $0x2  }
0x4ae: {  	s18 =	ssub.s32 $0x7978, s15;
	s21 =	sadd.s32 s17, s21  }
0x4af: {  	[hbm4b:s21+s3] =	stream.linear.scatter [tilespmem:s18], [sflag:$0x1], $0x80, $0x38;
	[tilespmem:$0x8000] =	vst v63  }
0x4b0: {  	s21 =	sld [smem:$0x754];
	_ =	sdelay $0x2  }
0x4b1: {  	s18 =	ssub.s32 $0x9F8, s15;
	s21 =	sadd.s32 s17, s21  }
0x4b2: {  	[hbm4b:s21+s3] =	stream.linear.scatter [tilespmem:s18], [sflag:$0x1], $0x80, $0x38;
	[tilespmem:$0x8000] =	vst v63  }
0x4b3: {  	s21 =	sld [smem:$0x756];
	_ =	sdelay $0x2  }
0x4b4: {  	s18 =	ssub.s32 $0x19F8, s15;
	s21 =	sadd.s32 s17, s21  }
0x4b5: {  	[hbm4b:s21+s3] =	stream.linear.scatter [tilespmem:s18], [sflag:$0x1], $0x80, $0x38;
	[tilespmem:$0x8000] =	vst v63  }
0x4b6: {  	s21 =	sld [smem:$0x758];
	_ =	sdelay $0x2  }
0x4b7: {  	s18 =	ssub.s32 $0x29F8, s15;
	s21 =	sadd.s32 s17, s21  }
0x4b8: {  	[hbm4b:s21+s3] =	stream.linear.scatter [tilespmem:s18], [sflag:$0x1], $0x80, $0x38;
	[tilespmem:$0x8000] =	vst v63  }
0x4b9: {  	s21 =	sld [smem:$0x75A];
	_ =	sdelay $0x2  }
0x4ba: {  	s18 =	ssub.s32 $0x39F8, s15;
	s21 =	sadd.s32 s17, s21  }
0x4bb: {  	[hbm4b:s21+s3] =	stream.linear.scatter [tilespmem:s18], [sflag:$0x1], $0x80, $0x38;
	[tilespmem:$0x8000] =	vst v63  }
0x4bc: {  	s21 =	sld [smem:$0x75C];
	_ =	sdelay $0x2  }
0x4bd: {  	s18 =	ssub.s32 $0x49F8, s15;
	s21 =	sadd.s32 s17, s21  }
0x4be: {  	[hbm4b:s21+s3] =	stream.linear.scatter [tilespmem:s18], [sflag:$0x1], $0x80, $0x38;
	[tilespmem:$0x8000] =	vst v63  }
0x4bf: {  	s21 =	sld [smem:$0x75E];
	_ =	sdelay $0x2  }
0x4c0: {  	s18 =	ssub.s32 $0x59F8, s15;
	s21 =	sadd.s32 s17, s21  }
0x4c1: {  	[hbm4b:s21+s3] =	stream.linear.scatter [tilespmem:s18], [sflag:$0x1], $0x80, $0x38;
	[tilespmem:$0x8000] =	vst v63  }
0x4c2: {  	s21 =	sld [smem:$0x760];
	_ =	sdelay $0x2  }
0x4c3: {  	s18 =	ssub.s32 $0x69F8, s15;
	s21 =	sadd.s32 s17, s21  }
0x4c4: {  	[hbm4b:s21+s3] =	stream.linear.scatter [tilespmem:s18], [sflag:$0x1], $0x80, $0x38;
	[tilespmem:$0x8000] =	vst v63  }
0x4c5: {  	s21 =	sld [smem:$0x762];
	_ =	sdelay $0x2  }
0x4c6: {  	s18 =	ssub.s32 $0x79F8, s15;
	s21 =	sadd.s32 s17, s21  }
0x4c7: {  	[hbm4b:s21+s3] =	stream.linear.scatter [tilespmem:s18], [sflag:$0x1], $0x80, $0x38;
	[tilespmem:$0x8000] =	vst v63  }
0x4c8: {  	s21 =	sld [smem:$0x764];
	_ =	sdelay $0x2  }
0x4c9: {  	s18 =	ssub.s32 $0xA78, s15;
	s21 =	sadd.s32 s17, s21  }
0x4ca: {  	[hbm4b:s21+s3] =	stream.linear.scatter [tilespmem:s18], [sflag:$0x1], $0x80, $0x38;
	[tilespmem:$0x8000] =	vst v63  }
0x4cb: {  	s21 =	sld [smem:$0x766];
	_ =	sdelay $0x2  }
0x4cc: {  	s18 =	ssub.s32 $0x1A78, s15;
	s21 =	sadd.s32 s17, s21  }
0x4cd: {  	[hbm4b:s21+s3] =	stream.linear.scatter [tilespmem:s18], [sflag:$0x1], $0x80, $0x38;
	[tilespmem:$0x8000] =	vst v63  }
0x4ce: {  	s21 =	sld [smem:$0x768];
	_ =	sdelay $0x2  }
0x4cf: {  	s18 =	ssub.s32 $0x2A78, s15;
	s21 =	sadd.s32 s17, s21  }
0x4d0: {  	[hbm4b:s21+s3] =	stream.linear.scatter [tilespmem:s18], [sflag:$0x1], $0x80, $0x38;
	[tilespmem:$0x8000] =	vst v63  }
0x4d1: {  	s21 =	sld [smem:$0x76A];
	_ =	sdelay $0x2  }
0x4d2: {  	s18 =	ssub.s32 $0x3A78, s15;
	s21 =	sadd.s32 s17, s21  }
0x4d3: {  	[hbm4b:s21+s3] =	stream.linear.scatter [tilespmem:s18], [sflag:$0x1], $0x80, $0x38;
	[tilespmem:$0x8000] =	vst v63  }
0x4d4: {  	s21 =	sld [smem:$0x76C];
	_ =	sdelay $0x2  }
0x4d5: {  	s18 =	ssub.s32 $0x4A78, s15;
	s21 =	sadd.s32 s17, s21  }
0x4d6: {  	[hbm4b:s21+s3] =	stream.linear.scatter [tilespmem:s18], [sflag:$0x1], $0x80, $0x38;
	[tilespmem:$0x8000] =	vst v63  }
0x4d7: {  	s21 =	sld [smem:$0x76E];
	_ =	sdelay $0x2  }
0x4d8: {  	s18 =	ssub.s32 $0x5A78, s15;
	s21 =	sadd.s32 s17, s21  }
0x4d9: {  	[hbm4b:s21+s3] =	stream.linear.scatter [tilespmem:s18], [sflag:$0x1], $0x80, $0x38;
	[tilespmem:$0x8000] =	vst v63  }
0x4da: {  	s21 =	sld [smem:$0x770];
	_ =	sdelay $0x2  }
0x4db: {  	s18 =	ssub.s32 $0x6A78, s15;
	s21 =	sadd.s32 s17, s21  }
0x4dc: {  	[hbm4b:s21+s3] =	stream.linear.scatter [tilespmem:s18], [sflag:$0x1], $0x80, $0x38;
	[tilespmem:$0x8000] =	vst v63  }
0x4dd: {  	s21 =	sld [smem:$0x772];
	_ =	sdelay $0x2  }
0x4de: {  	s18 =	ssub.s32 $0x7A78, s15;
	s21 =	sadd.s32 s17, s21  }
0x4df: {  	[hbm4b:s21+s3] =	stream.linear.scatter [tilespmem:s18], [sflag:$0x1], $0x80, $0x38;
	[tilespmem:$0x8000] =	vst v63  }
0x4e0: {  	s21 =	sld [smem:$0x774];
	_ =	sdelay $0x2  }
0x4e1: {  	s18 =	ssub.s32 $0xAF8, s15;
	s21 =	sadd.s32 s17, s21  }
0x4e2: {  	[hbm4b:s21+s3] =	stream.linear.scatter [tilespmem:s18], [sflag:$0x1], $0x80, $0x38;
	[tilespmem:$0x8000] =	vst v63  }
0x4e3: {  	s21 =	sld [smem:$0x776];
	_ =	sdelay $0x2  }
0x4e4: {  	s18 =	ssub.s32 $0x1AF8, s15;
	s21 =	sadd.s32 s17, s21  }
0x4e5: {  	[hbm4b:s21+s3] =	stream.linear.scatter [tilespmem:s18], [sflag:$0x1], $0x80, $0x38;
	[tilespmem:$0x8000] =	vst v63  }
0x4e6: {  	s21 =	sld [smem:$0x778];
	_ =	sdelay $0x2  }
0x4e7: {  	s18 =	ssub.s32 $0x2AF8, s15;
	s21 =	sadd.s32 s17, s21  }
0x4e8: {  	[hbm4b:s21+s3] =	stream.linear.scatter [tilespmem:s18], [sflag:$0x1], $0x80, $0x38;
	[tilespmem:$0x8000] =	vst v63  }
0x4e9: {  	s21 =	sld [smem:$0x77A];
	_ =	sdelay $0x2  }
0x4ea: {  	s18 =	ssub.s32 $0x3AF8, s15;
	s21 =	sadd.s32 s17, s21  }
0x4eb: {  	[hbm4b:s21+s3] =	stream.linear.scatter [tilespmem:s18], [sflag:$0x1], $0x80, $0x38;
	[tilespmem:$0x8000] =	vst v63  }
0x4ec: {  	s21 =	sld [smem:$0x77C];
	_ =	sdelay $0x2  }
0x4ed: {  	s18 =	ssub.s32 $0x4AF8, s15;
	s21 =	sadd.s32 s17, s21  }
0x4ee: {  	[hbm4b:s21+s3] =	stream.linear.scatter [tilespmem:s18], [sflag:$0x1], $0x80, $0x38;
	[tilespmem:$0x8000] =	vst v63  }
0x4ef: {  	s21 =	sld [smem:$0x77E];
	_ =	sdelay $0x2  }
0x4f0: {  	s18 =	ssub.s32 $0x5AF8, s15;
	s21 =	sadd.s32 s17, s21  }
0x4f1: {  	[hbm4b:s21+s3] =	stream.linear.scatter [tilespmem:s18], [sflag:$0x1], $0x80, $0x38;
	[tilespmem:$0x8000] =	vst v63  }
0x4f2: {  	s21 =	sld [smem:$0x780];
	_ =	sdelay $0x2  }
0x4f3: {  	s18 =	ssub.s32 $0x6AF8, s15;
	s21 =	sadd.s32 s17, s21  }
0x4f4: {  	[hbm4b:s21+s3] =	stream.linear.scatter [tilespmem:s18], [sflag:$0x1], $0x80, $0x38;
	[tilespmem:$0x8000] =	vst v63  }
0x4f5: {  	s21 =	sld [smem:$0x782];
	_ =	sdelay $0x2  }
0x4f6: {  	s18 =	ssub.s32 $0x7AF8, s15;
	s21 =	sadd.s32 s17, s21  }
0x4f7: {  	[hbm4b:s21+s3] =	stream.linear.scatter [tilespmem:s18], [sflag:$0x1], $0x80, $0x38;
	[tilespmem:$0x8000] =	vst v63  }
0x4f8: {  	s21 =	sld [smem:$0x784];
	_ =	sdelay $0x2  }
0x4f9: {  	s18 =	ssub.s32 $0xB78, s15;
	s21 =	sadd.s32 s17, s21  }
0x4fa: {  	[hbm4b:s21+s3] =	stream.linear.scatter [tilespmem:s18], [sflag:$0x1], $0x80, $0x38;
	[tilespmem:$0x8000] =	vst v63  }
0x4fb: {  	s21 =	sld [smem:$0x786];
	_ =	sdelay $0x2  }
0x4fc: {  	s18 =	ssub.s32 $0x1B78, s15;
	s21 =	sadd.s32 s17, s21  }
0x4fd: {  	[hbm4b:s21+s3] =	stream.linear.scatter [tilespmem:s18], [sflag:$0x1], $0x80, $0x38;
	[tilespmem:$0x8000] =	vst v63  }
0x4fe: {  	s21 =	sld [smem:$0x788];
	_ =	sdelay $0x2  }
0x4ff: {  	s18 =	ssub.s32 $0x2B78, s15;
	s21 =	sadd.s32 s17, s21  }
0x500: {  	[hbm4b:s21+s3] =	stream.linear.scatter [tilespmem:s18], [sflag:$0x1], $0x80, $0x38;
	[tilespmem:$0x8000] =	vst v63  }
0x501: {  	s21 =	sld [smem:$0x78A];
	_ =	sdelay $0x2  }
0x502: {  	s18 =	ssub.s32 $0x3B78, s15;
	s21 =	sadd.s32 s17, s21  }
0x503: {  	[hbm4b:s21+s3] =	stream.linear.scatter [tilespmem:s18], [sflag:$0x1], $0x80, $0x38;
	[tilespmem:$0x8000] =	vst v63  }
0x504: {  	s21 =	sld [smem:$0x78C];
	_ =	sdelay $0x2  }
0x505: {  	s18 =	ssub.s32 $0x4B78, s15;
	s21 =	sadd.s32 s17, s21  }
0x506: {  	[hbm4b:s21+s3] =	stream.linear.scatter [tilespmem:s18], [sflag:$0x1], $0x80, $0x38;
	[tilespmem:$0x8000] =	vst v63  }
0x507: {  	s21 =	sld [smem:$0x78E];
	_ =	sdelay $0x2  }
0x508: {  	s18 =	ssub.s32 $0x5B78, s15;
	s21 =	sadd.s32 s17, s21  }
0x509: {  	[hbm4b:s21+s3] =	stream.linear.scatter [tilespmem:s18], [sflag:$0x1], $0x80, $0x38;
	[tilespmem:$0x8000] =	vst v63  }
0x50a: {  	s21 =	sld [smem:$0x790];
	_ =	sdelay $0x2  }
0x50b: {  	s18 =	ssub.s32 $0x6B78, s15;
	s21 =	sadd.s32 s17, s21  }
0x50c: {  	[hbm4b:s21+s3] =	stream.linear.scatter [tilespmem:s18], [sflag:$0x1], $0x80, $0x38;
	[tilespmem:$0x8000] =	vst v63  }
0x50d: {  	s21 =	sld [smem:$0x792];
	_ =	sdelay $0x2  }
0x50e: {  	s18 =	ssub.s32 $0x7B78, s15;
	s21 =	sadd.s32 s17, s21  }
0x50f: {  	[hbm4b:s21+s3] =	stream.linear.scatter [tilespmem:s18], [sflag:$0x1], $0x80, $0x38;
	[tilespmem:$0x8000] =	vst v63  }
0x510: {  	s21 =	sld [smem:$0x794];
	_ =	sdelay $0x2  }
0x511: {  	s18 =	ssub.s32 $0xBF8, s15;
	s21 =	sadd.s32 s17, s21  }
0x512: {  	[hbm4b:s21+s3] =	stream.linear.scatter [tilespmem:s18], [sflag:$0x1], $0x80, $0x38;
	[tilespmem:$0x8000] =	vst v63  }
0x513: {  	s21 =	sld [smem:$0x796];
	_ =	sdelay $0x2  }
0x514: {  	s18 =	ssub.s32 $0x1BF8, s15;
	s21 =	sadd.s32 s17, s21  }
0x515: {  	[hbm4b:s21+s3] =	stream.linear.scatter [tilespmem:s18], [sflag:$0x1], $0x80, $0x38;
	[tilespmem:$0x8000] =	vst v63  }
0x516: {  	s21 =	sld [smem:$0x798];
	_ =	sdelay $0x2  }
0x517: {  	s18 =	ssub.s32 $0x2BF8, s15;
	s21 =	sadd.s32 s17, s21  }
0x518: {  	[hbm4b:s21+s3] =	stream.linear.scatter [tilespmem:s18], [sflag:$0x1], $0x80, $0x38;
	[tilespmem:$0x8000] =	vst v63  }
0x519: {  	s21 =	sld [smem:$0x79A];
	_ =	sdelay $0x2  }
0x51a: {  	s18 =	ssub.s32 $0x3BF8, s15;
	s21 =	sadd.s32 s17, s21  }
0x51b: {  	[hbm4b:s21+s3] =	stream.linear.scatter [tilespmem:s18], [sflag:$0x1], $0x80, $0x38;
	[tilespmem:$0x8000] =	vst v63  }
0x51c: {  	s21 =	sld [smem:$0x79C];
	_ =	sdelay $0x2  }
0x51d: {  	s18 =	ssub.s32 $0x4BF8, s15;
	s21 =	sadd.s32 s17, s21  }
0x51e: {  	[hbm4b:s21+s3] =	stream.linear.scatter [tilespmem:s18], [sflag:$0x1], $0x80, $0x38;
	[tilespmem:$0x8000] =	vst v63  }
0x51f: {  	s21 =	sld [smem:$0x79E];
	_ =	sdelay $0x2  }
0x520: {  	s18 =	ssub.s32 $0x5BF8, s15;
	s21 =	sadd.s32 s17, s21  }
0x521: {  	[hbm4b:s21+s3] =	stream.linear.scatter [tilespmem:s18], [sflag:$0x1], $0x80, $0x38;
	[tilespmem:$0x8000] =	vst v63  }
0x522: {  	s21 =	sld [smem:$0x7A0];
	_ =	sdelay $0x2  }
0x523: {  	s18 =	ssub.s32 $0x6BF8, s15;
	s21 =	sadd.s32 s17, s21  }
0x524: {  	[hbm4b:s21+s3] =	stream.linear.scatter [tilespmem:s18], [sflag:$0x1], $0x80, $0x38;
	[tilespmem:$0x8000] =	vst v63  }
0x525: {  	s21 =	sld [smem:$0x7A2];
	_ =	sdelay $0x2  }
0x526: {  	s18 =	ssub.s32 $0x7BF8, s15;
	s21 =	sadd.s32 s17, s21  }
0x527: {  	[hbm4b:s21+s3] =	stream.linear.scatter [tilespmem:s18], [sflag:$0x1], $0x80, $0x38;
	[tilespmem:$0x8000] =	vst v63  }
0x528: {  	s21 =	sld [smem:$0x7A4];
	_ =	sdelay $0x2  }
0x529: {  	s18 =	ssub.s32 $0xC78, s15;
	s21 =	sadd.s32 s17, s21  }
0x52a: {  	[hbm4b:s21+s3] =	stream.linear.scatter [tilespmem:s18], [sflag:$0x1], $0x80, $0x38;
	[tilespmem:$0x8000] =	vst v63  }
0x52b: {  	s21 =	sld [smem:$0x7A6];
	_ =	sdelay $0x2  }
0x52c: {  	s18 =	ssub.s32 $0x1C78, s15;
	s21 =	sadd.s32 s17, s21  }
0x52d: {  	[hbm4b:s21+s3] =	stream.linear.scatter [tilespmem:s18], [sflag:$0x1], $0x80, $0x38;
	[tilespmem:$0x8000] =	vst v63  }
0x52e: {  	s21 =	sld [smem:$0x7A8];
	_ =	sdelay $0x2  }
0x52f: {  	s18 =	ssub.s32 $0x2C78, s15;
	s21 =	sadd.s32 s17, s21  }
0x530: {  	[hbm4b:s21+s3] =	stream.linear.scatter [tilespmem:s18], [sflag:$0x1], $0x80, $0x38;
	[tilespmem:$0x8000] =	vst v63  }
0x531: {  	s21 =	sld [smem:$0x7AA];
	_ =	sdelay $0x2  }
0x532: {  	s18 =	ssub.s32 $0x3C78, s15;
	s21 =	sadd.s32 s17, s21  }
0x533: {  	[hbm4b:s21+s3] =	stream.linear.scatter [tilespmem:s18], [sflag:$0x1], $0x80, $0x38;
	[tilespmem:$0x8000] =	vst v63  }
0x534: {  	s21 =	sld [smem:$0x7AC];
	_ =	sdelay $0x2  }
0x535: {  	s18 =	ssub.s32 $0x4C78, s15;
	s21 =	sadd.s32 s17, s21  }
0x536: {  	[hbm4b:s21+s3] =	stream.linear.scatter [tilespmem:s18], [sflag:$0x1], $0x80, $0x38;
	[tilespmem:$0x8000] =	vst v63  }
0x537: {  	s21 =	sld [smem:$0x7AE];
	_ =	sdelay $0x2  }
0x538: {  	s18 =	ssub.s32 $0x5C78, s15;
	s21 =	sadd.s32 s17, s21  }
0x539: {  	[hbm4b:s21+s3] =	stream.linear.scatter [tilespmem:s18], [sflag:$0x1], $0x80, $0x38;
	[tilespmem:$0x8000] =	vst v63  }
0x53a: {  	s21 =	sld [smem:$0x7B0];
	_ =	sdelay $0x2  }
0x53b: {  	s18 =	ssub.s32 $0x6C78, s15;
	s21 =	sadd.s32 s17, s21  }
0x53c: {  	[hbm4b:s21+s3] =	stream.linear.scatter [tilespmem:s18], [sflag:$0x1], $0x80, $0x38;
	[tilespmem:$0x8000] =	vst v63  }
0x53d: {  	s21 =	sld [smem:$0x7B2];
	_ =	sdelay $0x2  }
0x53e: {  	s18 =	ssub.s32 $0x7C78, s15;
	s21 =	sadd.s32 s17, s21  }
0x53f: {  	[hbm4b:s21+s3] =	stream.linear.scatter [tilespmem:s18], [sflag:$0x1], $0x80, $0x38;
	[tilespmem:$0x8000] =	vst v63  }
0x540: {  	s21 =	sld [smem:$0x7B4];
	_ =	sdelay $0x2  }
0x541: {  	s18 =	ssub.s32 $0xCF8, s15;
	s21 =	sadd.s32 s17, s21  }
0x542: {  	[hbm4b:s21+s3] =	stream.linear.scatter [tilespmem:s18], [sflag:$0x1], $0x80, $0x38;
	[tilespmem:$0x8000] =	vst v63  }
0x543: {  	s21 =	sld [smem:$0x7B6];
	_ =	sdelay $0x2  }
0x544: {  	s18 =	ssub.s32 $0x1CF8, s15;
	s21 =	sadd.s32 s17, s21  }
0x545: {  	[hbm4b:s21+s3] =	stream.linear.scatter [tilespmem:s18], [sflag:$0x1], $0x80, $0x38;
	[tilespmem:$0x8000] =	vst v63  }
0x546: {  	s21 =	sld [smem:$0x7B8];
	_ =	sdelay $0x2  }
0x547: {  	s18 =	ssub.s32 $0x2CF8, s15;
	s21 =	sadd.s32 s17, s21  }
0x548: {  	[hbm4b:s21+s3] =	stream.linear.scatter [tilespmem:s18], [sflag:$0x1], $0x80, $0x38;
	[tilespmem:$0x8000] =	vst v63  }
0x549: {  	s21 =	sld [smem:$0x7BA];
	_ =	sdelay $0x2  }
0x54a: {  	s18 =	ssub.s32 $0x3CF8, s15;
	s21 =	sadd.s32 s17, s21  }
0x54b: {  	[hbm4b:s21+s3] =	stream.linear.scatter [tilespmem:s18], [sflag:$0x1], $0x80, $0x38;
	[tilespmem:$0x8000] =	vst v63  }
0x54c: {  	s21 =	sld [smem:$0x7BC];
	_ =	sdelay $0x2  }
0x54d: {  	s18 =	ssub.s32 $0x4CF8, s15;
	s21 =	sadd.s32 s17, s21  }
0x54e: {  	[hbm4b:s21+s3] =	stream.linear.scatter [tilespmem:s18], [sflag:$0x1], $0x80, $0x38;
	[tilespmem:$0x8000] =	vst v63  }
0x54f: {  	s21 =	sld [smem:$0x7BE];
	_ =	sdelay $0x2  }
0x550: {  	s18 =	ssub.s32 $0x5CF8, s15;
	s21 =	sadd.s32 s17, s21  }
0x551: {  	[hbm4b:s21+s3] =	stream.linear.scatter [tilespmem:s18], [sflag:$0x1], $0x80, $0x38;
	[tilespmem:$0x8000] =	vst v63  }
0x552: {  	s21 =	sld [smem:$0x7C0];
	_ =	sdelay $0x2  }
0x553: {  	s18 =	ssub.s32 $0x6CF8, s15;
	s21 =	sadd.s32 s17, s21  }
0x554: {  	[hbm4b:s21+s3] =	stream.linear.scatter [tilespmem:s18], [sflag:$0x1], $0x80, $0x38;
	[tilespmem:$0x8000] =	vst v63  }
0x555: {  	s21 =	sld [smem:$0x7C2];
	_ =	sdelay $0x2  }
0x556: {  	s18 =	ssub.s32 $0x7CF8, s15;
	s21 =	sadd.s32 s17, s21  }
0x557: {  	[hbm4b:s21+s3] =	stream.linear.scatter [tilespmem:s18], [sflag:$0x1], $0x80, $0x38;
	[tilespmem:$0x8000] =	vst v63  }
0x558: {  	s21 =	sld [smem:$0x7C4];
	_ =	sdelay $0x2  }
0x559: {  	s18 =	ssub.s32 $0xD78, s15;
	s21 =	sadd.s32 s17, s21  }
0x55a: {  	[hbm4b:s21+s3] =	stream.linear.scatter [tilespmem:s18], [sflag:$0x1], $0x80, $0x38;
	[tilespmem:$0x8000] =	vst v63  }
0x55b: {  	s21 =	sld [smem:$0x7C6];
	_ =	sdelay $0x2  }
0x55c: {  	s18 =	ssub.s32 $0x1D78, s15;
	s21 =	sadd.s32 s17, s21  }
0x55d: {  	[hbm4b:s21+s3] =	stream.linear.scatter [tilespmem:s18], [sflag:$0x1], $0x80, $0x38;
	[tilespmem:$0x8000] =	vst v63  }
0x55e: {  	s21 =	sld [smem:$0x7C8];
	_ =	sdelay $0x2  }
0x55f: {  	s18 =	ssub.s32 $0x2D78, s15;
	s21 =	sadd.s32 s17, s21  }
0x560: {  	[hbm4b:s21+s3] =	stream.linear.scatter [tilespmem:s18], [sflag:$0x1], $0x80, $0x38;
	[tilespmem:$0x8000] =	vst v63  }
0x561: {  	s21 =	sld [smem:$0x7CA];
	_ =	sdelay $0x2  }
0x562: {  	s18 =	ssub.s32 $0x3D78, s15;
	s21 =	sadd.s32 s17, s21  }
0x563: {  	[hbm4b:s21+s3] =	stream.linear.scatter [tilespmem:s18], [sflag:$0x1], $0x80, $0x38;
	[tilespmem:$0x8000] =	vst v63  }
0x564: {  	s21 =	sld [smem:$0x7CC];
	_ =	sdelay $0x2  }
0x565: {  	s18 =	ssub.s32 $0x4D78, s15;
	s21 =	sadd.s32 s17, s21  }
0x566: {  	[hbm4b:s21+s3] =	stream.linear.scatter [tilespmem:s18], [sflag:$0x1], $0x80, $0x38;
	[tilespmem:$0x8000] =	vst v63  }
0x567: {  	s21 =	sld [smem:$0x7CE];
	_ =	sdelay $0x2  }
0x568: {  	s18 =	ssub.s32 $0x5D78, s15;
	s21 =	sadd.s32 s17, s21  }
0x569: {  	[hbm4b:s21+s3] =	stream.linear.scatter [tilespmem:s18], [sflag:$0x1], $0x80, $0x38;
	[tilespmem:$0x8000] =	vst v63  }
0x56a: {  	s21 =	sld [smem:$0x7D0];
	_ =	sdelay $0x2  }
0x56b: {  	s18 =	ssub.s32 $0x6D78, s15;
	s21 =	sadd.s32 s17, s21  }
0x56c: {  	[hbm4b:s21+s3] =	stream.linear.scatter [tilespmem:s18], [sflag:$0x1], $0x80, $0x38;
	[tilespmem:$0x8000] =	vst v63  }
0x56d: {  	s21 =	sld [smem:$0x7D2];
	_ =	sdelay $0x2  }
0x56e: {  	s18 =	ssub.s32 $0x7D78, s15;
	s21 =	sadd.s32 s17, s21  }
0x56f: {  	[hbm4b:s21+s3] =	stream.linear.scatter [tilespmem:s18], [sflag:$0x1], $0x80, $0x38;
	[tilespmem:$0x8000] =	vst v63  }
0x570: {  	s21 =	sld [smem:$0x7D4];
	_ =	sdelay $0x2  }
0x571: {  	s18 =	ssub.s32 $0xDF8, s15;
	s21 =	sadd.s32 s17, s21  }
0x572: {  	[hbm4b:s21+s3] =	stream.linear.scatter [tilespmem:s18], [sflag:$0x1], $0x80, $0x38;
	[tilespmem:$0x8000] =	vst v63  }
0x573: {  	s21 =	sld [smem:$0x7D6];
	_ =	sdelay $0x2  }
0x574: {  	s18 =	ssub.s32 $0x1DF8, s15;
	s21 =	sadd.s32 s17, s21  }
0x575: {  	[hbm4b:s21+s3] =	stream.linear.scatter [tilespmem:s18], [sflag:$0x1], $0x80, $0x38;
	[tilespmem:$0x8000] =	vst v63  }
0x576: {  	s21 =	sld [smem:$0x7D8];
	_ =	sdelay $0x2  }
0x577: {  	s18 =	ssub.s32 $0x2DF8, s15;
	s21 =	sadd.s32 s17, s21  }
0x578: {  	[hbm4b:s21+s3] =	stream.linear.scatter [tilespmem:s18], [sflag:$0x1], $0x80, $0x38;
	[tilespmem:$0x8000] =	vst v63  }
0x579: {  	s21 =	sld [smem:$0x7DA];
	_ =	sdelay $0x2  }
0x57a: {  	s18 =	ssub.s32 $0x3DF8, s15;
	s21 =	sadd.s32 s17, s21  }
0x57b: {  	[hbm4b:s21+s3] =	stream.linear.scatter [tilespmem:s18], [sflag:$0x1], $0x80, $0x38;
	[tilespmem:$0x8000] =	vst v63  }
0x57c: {  	s21 =	sld [smem:$0x7DC];
	_ =	sdelay $0x2  }
0x57d: {  	s18 =	ssub.s32 $0x4DF8, s15;
	s21 =	sadd.s32 s17, s21  }
0x57e: {  	[hbm4b:s21+s3] =	stream.linear.scatter [tilespmem:s18], [sflag:$0x1], $0x80, $0x38;
	[tilespmem:$0x8000] =	vst v63  }
0x57f: {  	s21 =	sld [smem:$0x7DE];
	_ =	sdelay $0x2  }
0x580: {  	s18 =	ssub.s32 $0x5DF8, s15;
	s21 =	sadd.s32 s17, s21  }
0x581: {  	[hbm4b:s21+s3] =	stream.linear.scatter [tilespmem:s18], [sflag:$0x1], $0x80, $0x38;
	[tilespmem:$0x8000] =	vst v63  }
0x582: {  	s21 =	sld [smem:$0x7E0];
	_ =	sdelay $0x2  }
0x583: {  	s18 =	ssub.s32 $0x6DF8, s15;
	s21 =	sadd.s32 s17, s21  }
0x584: {  	[hbm4b:s21+s3] =	stream.linear.scatter [tilespmem:s18], [sflag:$0x1], $0x80, $0x38;
	[tilespmem:$0x8000] =	vst v63  }
0x585: {  	s21 =	sld [smem:$0x7E2];
	_ =	sdelay $0x2  }
0x586: {  	s18 =	ssub.s32 $0x7DF8, s15;
	s21 =	sadd.s32 s17, s21  }
0x587: {  	[hbm4b:s21+s3] =	stream.linear.scatter [tilespmem:s18], [sflag:$0x1], $0x80, $0x38;
	[tilespmem:$0x8000] =	vst v63  }
0x588: {  	s21 =	sld [smem:$0x7E4];
	_ =	sdelay $0x2  }
0x589: {  	s18 =	ssub.s32 $0xE78, s15;
	s21 =	sadd.s32 s17, s21  }
0x58a: {  	[hbm4b:s21+s3] =	stream.linear.scatter [tilespmem:s18], [sflag:$0x1], $0x80, $0x38;
	[tilespmem:$0x8000] =	vst v63  }
0x58b: {  	s18 =	ssub.s32 $0x1E78, s15;
	s21 =	sadd.s32 s17, s26  }
0x58c: {  	[hbm4b:s21+s3] =	stream.linear.scatter [tilespmem:s18], [sflag:$0x1], $0x80, $0x38;
	[tilespmem:$0x8000] =	vst v63  }
0x58d: {  	s18 =	ssub.s32 $0x2E78, s15;
	s21 =	sadd.s32 s17, s0  }
0x58e: {  	[hbm4b:s21+s3] =	stream.linear.scatter [tilespmem:s18], [sflag:$0x1], $0x80, $0x38;
	[tilespmem:$0x8000] =	vst v63  }
0x58f: {  	s18 =	ssub.s32 $0x3E78, s15;
	s21 =	sadd.s32 s17, s16  }
0x590: {  	[hbm4b:s21+s3] =	stream.linear.scatter [tilespmem:s18], [sflag:$0x1], $0x80, $0x38;
	[tilespmem:$0x8000] =	vst v63  }
0x591: {  	s18 =	ssub.s32 $0x4E78, s15;
	s21 =	sadd.s32 s17, s20  }
0x592: {  	[hbm4b:s21+s3] =	stream.linear.scatter [tilespmem:s18], [sflag:$0x1], $0x80, $0x38;
	[tilespmem:$0x8000] =	vst v63  }
0x593: {  	s18 =	ssub.s32 $0x5E78, s15;
	s21 =	sadd.s32 s17, s8  }
0x594: {  	[hbm4b:s21+s3] =	stream.linear.scatter [tilespmem:s18], [sflag:$0x1], $0x80, $0x38;
	[tilespmem:$0x8000] =	vst v63  }
0x595: {  	s18 =	ssub.s32 $0x6E78, s15;
	s21 =	sadd.s32 s17, s23  }
0x596: {  	[hbm4b:s21+s3] =	stream.linear.scatter [tilespmem:s18], [sflag:$0x1], $0x80, $0x38;
	[tilespmem:$0x8000] =	vst v63  }
0x597: {  	s18 =	ssub.s32 $0x7E78, s15;
	s21 =	sadd.s32 s17, s24  }
0x598: {  	[hbm4b:s21+s3] =	stream.linear.scatter [tilespmem:s18], [sflag:$0x1], $0x80, $0x38;
	[tilespmem:$0x8000] =	vst v63  }
0x599: {  	s18 =	ssub.s32 $0xEF8, s15;
	s21 =	sadd.s32 s17, s10  }
0x59a: {  	[hbm4b:s21+s3] =	stream.linear.scatter [tilespmem:s18], [sflag:$0x1], $0x80, $0x38;
	[tilespmem:$0x8000] =	vst v63  }
0x59b: {  	s18 =	ssub.s32 $0x1EF8, s15;
	s21 =	sadd.s32 s17, s7  }
0x59c: {  	[hbm4b:s21+s3] =	stream.linear.scatter [tilespmem:s18], [sflag:$0x1], $0x80, $0x38;
	[tilespmem:$0x8000] =	vst v63  }
0x59d: {  	s18 =	ssub.s32 $0x2EF8, s15;
	s21 =	sadd.s32 s17, s14  }
0x59e: {  	[hbm4b:s21+s3] =	stream.linear.scatter [tilespmem:s18], [sflag:$0x1], $0x80, $0x38;
	[tilespmem:$0x8000] =	vst v63  }
0x59f: {  	s18 =	ssub.s32 $0x3EF8, s15;
	s21 =	sadd.s32 s17, s19  }
0x5a0: {  	[hbm4b:s21+s3] =	stream.linear.scatter [tilespmem:s18], [sflag:$0x1], $0x80, $0x38;
	[tilespmem:$0x8000] =	vst v63  }
0x5a1: {  	s18 =	ssub.s32 $0x4EF8, s15;
	s21 =	sadd.s32 s17, s13  }
0x5a2: {  	[hbm4b:s21+s3] =	stream.linear.scatter [tilespmem:s18], [sflag:$0x1], $0x80, $0x38;
	[tilespmem:$0x8000] =	vst v63  }
0x5a3: {  	s18 =	ssub.s32 $0x5EF8, s15;
	s21 =	sadd.s32 s17, s31  }
0x5a4: {  	[hbm4b:s21+s3] =	stream.linear.scatter [tilespmem:s18], [sflag:$0x1], $0x80, $0x38;
	[tilespmem:$0x8000] =	vst v63  }
0x5a5: {  	s18 =	ssub.s32 $0x6EF8, s15;
	s21 =	sadd.s32 s17, s30  }
0x5a6: {  	[hbm4b:s21+s3] =	stream.linear.scatter [tilespmem:s18], [sflag:$0x1], $0x80, $0x38;
	[tilespmem:$0x8000] =	vst v63  }
0x5a7: {  	s18 =	ssub.s32 $0x7EF8, s15;
	s21 =	sadd.s32 s17, s2  }
0x5a8: {  	[hbm4b:s21+s3] =	stream.linear.scatter [tilespmem:s18], [sflag:$0x1], $0x80, $0x38;
	[tilespmem:$0x8000] =	vst v63  }
0x5a9: {  	s18 =	ssub.s32 $0xF78, s15;
	s21 =	sadd.s32 s17, s4  }
0x5aa: {  	[hbm4b:s21+s3] =	stream.linear.scatter [tilespmem:s18], [sflag:$0x1], $0x80, $0x38;
	[tilespmem:$0x8000] =	vst v63  }
0x5ab: {  	s18 =	ssub.s32 $0x1F78, s15;
	s21 =	sadd.s32 s17, s22  }
0x5ac: {  	[hbm4b:s21+s3] =	stream.linear.scatter [tilespmem:s18], [sflag:$0x1], $0x80, $0x38;
	[tilespmem:$0x8000] =	vst v63  }
0x5ad: {  	s18 =	ssub.s32 $0x2F78, s15;
	s21 =	sadd.s32 s17, s25  }
0x5ae: {  	[hbm4b:s21+s3] =	stream.linear.scatter [tilespmem:s18], [sflag:$0x1], $0x80, $0x38;
	[tilespmem:$0x8000] =	vst v63  }
0x5af: {  	s18 =	ssub.s32 $0x3F78, s15;
	s21 =	sadd.s32 s17, s28  }
0x5b0: {  	[hbm4b:s21+s3] =	stream.linear.scatter [tilespmem:s18], [sflag:$0x1], $0x80, $0x38;
	[tilespmem:$0x8000] =	vst v63  }
0x5b1: {  	s18 =	ssub.s32 $0x4F78, s15;
	s21 =	sadd.s32 s17, s29  }
0x5b2: {  	[hbm4b:s21+s3] =	stream.linear.scatter [tilespmem:s18], [sflag:$0x1], $0x80, $0x38;
	[tilespmem:$0x8000] =	vst v63  }
0x5b3: {  	s18 =	ssub.s32 $0x5F78, s15;
	s21 =	sadd.s32 s17, s1  }
0x5b4: {  	[hbm4b:s21+s3] =	stream.linear.scatter [tilespmem:s18], [sflag:$0x1], $0x80, $0x38;
	[tilespmem:$0x8000] =	vst v63  }
0x5b5: {  	p0 =	sne.s32 s12, $0x7F;
	s18 =	ssub.s32 $0x6F78, s15;
	s21 =	sadd.s32 s17, s6  }
0x5b6: {  	[hbm4b:s21+s3] =	stream.linear.scatter [tilespmem:s18], [sflag:$0x1], $0x80, $0x38;
	[tilespmem:$0x8000] =	vst v63  }
.Ltmp0:
0x5b7: {  	_ = 	snop;
	(pc) =	sbr.rel @p0 .LBB2_2-.Ltmp0, $4  }
0x5b8: {  	s15 =	ssub.s32 $0x7F78, s15;
	s17 =	sadd.s32 s17, s5  }
0x5b9: {  	[hbm4b:s17+s3] =	stream.linear.scatter [tilespmem:s15], [sflag:$0x1], $0x80, $0x38;
	[tilespmem:$0x8000] =	vst v63  }
0x5ba: {  	_ =	swait.ge [sflag:s9], $0x4000  }
0x5bb: {  	s12 =	sadd.s32 $0x1, s12;
	[sflag:s9] =	ssyncset.done $0x0  }
0x5bc: {  	s12 =	rddreg [dreg:$0x3]  }
0x5bd: {  	s11 =	sadd.s32 s12, s11  }
0x5be: {  	s15 =	rddreg [dreg:$0x4];
	s12 =	sshll.u32 s11, $0xE  }
0x5bf: {  	[sflag:s9] =	ssyncadd.s32 $0xFFFFC000;
	s12 =	sadd.s32 s15, s12  }
0x5c0: {  	s17 =	rddreg [dreg:$0x1];
	s11 =	sshll.u32 s11, $0x3;
	s12 =	sshrl.u32 s12, $0x3  }
0x5c1: {  	s21 =	ssub.s32 $0x7F8, s11;
	s17 =	sadd.s32 s17, s12  }
0x5c2: {  	[hbm4b:s17+s3] =	stream.linear.scatter [tilespmem:s21], [sflag:$0x1], $0x80, $0x38;
	[tilespmem:$0x8000] =	vst v63  }
0x5c3: {  	s21 =	rddreg [dreg:$0x5]  }
0x5c4: {  	s18 =	ssub.s32 $0x17F8, s11;
	s17 =	sadd.s32 s12, s21;
	s21 =	rddreg [dreg:$0x6]  }
0x5c5: {  	[hbm4b:s17+s3] =	stream.linear.scatter [tilespmem:s18], [sflag:$0x1], $0x80, $0x38;
	[tilespmem:$0x8000] =	vst v63  }
0x5c6: {  	s18 =	ssub.s32 $0x27F8, s11;
	s17 =	sadd.s32 s12, s21;
	s21 =	rddreg [dreg:$0x7]  }
0x5c7: {  	[hbm4b:s17+s3] =	stream.linear.scatter [tilespmem:s18], [sflag:$0x1], $0x80, $0x38;
	[tilespmem:$0x8000] =	vst v63  }
0x5c8: {  	s18 =	ssub.s32 $0x37F8, s11;
	s17 =	sadd.s32 s12, s21;
	s21 =	rddreg [dreg:$0x8]  }
0x5c9: {  	[hbm4b:s17+s3] =	stream.linear.scatter [tilespmem:s18], [sflag:$0x1], $0x80, $0x38;
	[tilespmem:$0x8000] =	vst v63  }
0x5ca: {  	s18 =	ssub.s32 $0x47F8, s11;
	s17 =	sadd.s32 s12, s21;
	s21 =	rddreg [dreg:$0x9]  }
0x5cb: {  	[hbm4b:s17+s3] =	stream.linear.scatter [tilespmem:s18], [sflag:$0x1], $0x80, $0x38;
	[tilespmem:$0x8000] =	vst v63  }
0x5cc: {  	s18 =	ssub.s32 $0x57F8, s11;
	s17 =	sadd.s32 s12, s21;
	s21 =	rddreg [dreg:$0xa]  }
0x5cd: {  	[hbm4b:s17+s3] =	stream.linear.scatter [tilespmem:s18], [sflag:$0x1], $0x80, $0x38;
	[tilespmem:$0x8000] =	vst v63  }
0x5ce: {  	s18 =	ssub.s32 $0x67F8, s11;
	s17 =	sadd.s32 s12, s21;
	s21 =	rddreg [dreg:$0xb]  }
0x5cf: {  	[hbm4b:s17+s3] =	stream.linear.scatter [tilespmem:s18], [sflag:$0x1], $0x80, $0x38;
	[tilespmem:$0x8000] =	vst v63  }
0x5d0: {  	s18 =	ssub.s32 $0x77F8, s11;
	s17 =	sadd.s32 s12, s21;
	s21 =	rddreg [dreg:$0xc]  }
0x5d1: {  	[hbm4b:s17+s3] =	stream.linear.scatter [tilespmem:s18], [sflag:$0x1], $0x80, $0x38;
	[tilespmem:$0x8000] =	vst v63  }
0x5d2: {  	s18 =	ssub.s32 $0x878, s11;
	s17 =	sadd.s32 s12, s21;
	s21 =	rddreg [dreg:$0xd]  }
0x5d3: {  	[hbm4b:s17+s3] =	stream.linear.scatter [tilespmem:s18], [sflag:$0x1], $0x80, $0x38;
	[tilespmem:$0x8000] =	vst v63  }
0x5d4: {  	s18 =	ssub.s32 $0x1878, s11;
	s17 =	sadd.s32 s12, s21;
	s21 =	rddreg [dreg:$0xe]  }
0x5d5: {  	[hbm4b:s17+s3] =	stream.linear.scatter [tilespmem:s18], [sflag:$0x1], $0x80, $0x38;
	[tilespmem:$0x8000] =	vst v63  }
0x5d6: {  	s18 =	ssub.s32 $0x2878, s11;
	s17 =	sadd.s32 s12, s21;
	s21 =	rddreg [dreg:$0xf]  }
0x5d7: {  	[hbm4b:s17+s3] =	stream.linear.scatter [tilespmem:s18], [sflag:$0x1], $0x80, $0x38;
	[tilespmem:$0x8000] =	vst v63  }
0x5d8: {  	s18 =	ssub.s32 $0x3878, s11;
	s17 =	sadd.s32 s12, s21;
	s21 =	rddreg [dreg:$0x10]  }
0x5d9: {  	[hbm4b:s17+s3] =	stream.linear.scatter [tilespmem:s18], [sflag:$0x1], $0x80, $0x38;
	[tilespmem:$0x8000] =	vst v63  }
0x5da: {  	s18 =	ssub.s32 $0x4878, s11;
	s17 =	sadd.s32 s12, s21;
	s21 =	rddreg [dreg:$0x11]  }
0x5db: {  	[hbm4b:s17+s3] =	stream.linear.scatter [tilespmem:s18], [sflag:$0x1], $0x80, $0x38;
	[tilespmem:$0x8000] =	vst v63  }
0x5dc: {  	s18 =	ssub.s32 $0x5878, s11;
	s17 =	sadd.s32 s12, s21;
	s21 =	rddreg [dreg:$0x12]  }
0x5dd: {  	[hbm4b:s17+s3] =	stream.linear.scatter [tilespmem:s18], [sflag:$0x1], $0x80, $0x38;
	[tilespmem:$0x8000] =	vst v63  }
0x5de: {  	s18 =	ssub.s32 $0x6878, s11;
	s17 =	sadd.s32 s12, s21;
	s21 =	rddreg [dreg:$0x13]  }
0x5df: {  	[hbm4b:s17+s3] =	stream.linear.scatter [tilespmem:s18], [sflag:$0x1], $0x80, $0x38;
	[tilespmem:$0x8000] =	vst v63  }
0x5e0: {  	s18 =	ssub.s32 $0x7878, s11;
	s17 =	sadd.s32 s12, s21;
	s21 =	rddreg [dreg:$0x14]  }
0x5e1: {  	[hbm4b:s17+s3] =	stream.linear.scatter [tilespmem:s18], [sflag:$0x1], $0x80, $0x38;
	[tilespmem:$0x8000] =	vst v63  }
0x5e2: {  	s18 =	ssub.s32 $0x8F8, s11;
	s17 =	sadd.s32 s12, s21;
	s21 =	rddreg [dreg:$0x15]  }
0x5e3: {  	[hbm4b:s17+s3] =	stream.linear.scatter [tilespmem:s18], [sflag:$0x1], $0x80, $0x38;
	[tilespmem:$0x8000] =	vst v63  }
0x5e4: {  	s18 =	ssub.s32 $0x18F8, s11;
	s17 =	sadd.s32 s12, s21;
	s21 =	rddreg [dreg:$0x16]  }
0x5e5: {  	[hbm4b:s17+s3] =	stream.linear.scatter [tilespmem:s18], [sflag:$0x1], $0x80, $0x38;
	[tilespmem:$0x8000] =	vst v63  }
0x5e6: {  	s18 =	ssub.s32 $0x28F8, s11;
	s17 =	sadd.s32 s12, s21;
	s21 =	rddreg [dreg:$0x17]  }
0x5e7: {  	[hbm4b:s17+s3] =	stream.linear.scatter [tilespmem:s18], [sflag:$0x1], $0x80, $0x38;
	[tilespmem:$0x8000] =	vst v63  }
0x5e8: {  	s18 =	ssub.s32 $0x38F8, s11;
	s17 =	sadd.s32 s12, s21;
	s21 =	rddreg [dreg:$0x18]  }
0x5e9: {  	[hbm4b:s17+s3] =	stream.linear.scatter [tilespmem:s18], [sflag:$0x1], $0x80, $0x38;
	[tilespmem:$0x8000] =	vst v63  }
0x5ea: {  	s18 =	ssub.s32 $0x48F8, s11;
	s17 =	sadd.s32 s12, s21;
	s21 =	rddreg [dreg:$0x19]  }
0x5eb: {  	[hbm4b:s17+s3] =	stream.linear.scatter [tilespmem:s18], [sflag:$0x1], $0x80, $0x38;
	[tilespmem:$0x8000] =	vst v63  }
0x5ec: {  	s18 =	ssub.s32 $0x58F8, s11;
	s17 =	sadd.s32 s12, s21;
	s21 =	rddreg [dreg:$0x1a]  }
0x5ed: {  	[hbm4b:s17+s3] =	stream.linear.scatter [tilespmem:s18], [sflag:$0x1], $0x80, $0x38;
	[tilespmem:$0x8000] =	vst v63  }
0x5ee: {  	s18 =	ssub.s32 $0x68F8, s11;
	s17 =	sadd.s32 s12, s21;
	s21 =	rddreg [dreg:$0x1b]  }
0x5ef: {  	[hbm4b:s17+s3] =	stream.linear.scatter [tilespmem:s18], [sflag:$0x1], $0x80, $0x38;
	[tilespmem:$0x8000] =	vst v63  }
0x5f0: {  	s18 =	ssub.s32 $0x78F8, s11;
	s17 =	sadd.s32 s12, s21;
	s21 =	rddreg [dreg:$0x1c]  }
0x5f1: {  	[hbm4b:s17+s3] =	stream.linear.scatter [tilespmem:s18], [sflag:$0x1], $0x80, $0x38;
	[tilespmem:$0x8000] =	vst v63  }
0x5f2: {  	s18 =	ssub.s32 $0x978, s11;
	s17 =	sadd.s32 s12, s21;
	s21 =	rddreg [dreg:$0x1d]  }
0x5f3: {  	[hbm4b:s17+s3] =	stream.linear.scatter [tilespmem:s18], [sflag:$0x1], $0x80, $0x38;
	[tilespmem:$0x8000] =	vst v63  }
0x5f4: {  	s18 =	ssub.s32 $0x1978, s11;
	s17 =	sadd.s32 s12, s21;
	s21 =	rddreg [dreg:$0x1e]  }
0x5f5: {  	[hbm4b:s17+s3] =	stream.linear.scatter [tilespmem:s18], [sflag:$0x1], $0x80, $0x38;
	[tilespmem:$0x8000] =	vst v63  }
0x5f6: {  	s18 =	ssub.s32 $0x2978, s11;
	s17 =	sadd.s32 s12, s21;
	s21 =	rddreg [dreg:$0x1f]  }
0x5f7: {  	[hbm4b:s17+s3] =	stream.linear.scatter [tilespmem:s18], [sflag:$0x1], $0x80, $0x38;
	[tilespmem:$0x8000] =	vst v63  }
0x5f8: {  	s17 =	sadd.s32 s12, s21;
	s21 =	sld [smem:$0x74C]  }
0x5f9: {  	s18 =	ssub.s32 $0x3978, s11  }
0x5fa: {  	[hbm4b:s17+s3] =	stream.linear.scatter [tilespmem:s18], [sflag:$0x1], $0x80, $0x38;
	[tilespmem:$0x8000] =	vst v63  }
0x5fb: {  	s17 =	sadd.s32 s12, s21;
	s21 =	sld [smem:$0x74E]  }
0x5fc: {  	s18 =	ssub.s32 $0x4978, s11  }
0x5fd: {  	[hbm4b:s17+s3] =	stream.linear.scatter [tilespmem:s18], [sflag:$0x1], $0x80, $0x38;
	[tilespmem:$0x8000] =	vst v63  }
0x5fe: {  	s17 =	sadd.s32 s12, s21;
	s21 =	sld [smem:$0x750]  }
0x5ff: {  	s18 =	ssub.s32 $0x5978, s11  }
0x600: {  	[hbm4b:s17+s3] =	stream.linear.scatter [tilespmem:s18], [sflag:$0x1], $0x80, $0x38;
	[tilespmem:$0x8000] =	vst v63  }
0x601: {  	s17 =	sadd.s32 s12, s21;
	s21 =	sld [smem:$0x752]  }
0x602: {  	s18 =	ssub.s32 $0x6978, s11  }
0x603: {  	[hbm4b:s17+s3] =	stream.linear.scatter [tilespmem:s18], [sflag:$0x1], $0x80, $0x38;
	[tilespmem:$0x8000] =	vst v63  }
0x604: {  	s17 =	sadd.s32 s12, s21;
	s21 =	sld [smem:$0x754]  }
0x605: {  	s18 =	ssub.s32 $0x7978, s11  }
0x606: {  	[hbm4b:s17+s3] =	stream.linear.scatter [tilespmem:s18], [sflag:$0x1], $0x80, $0x38;
	[tilespmem:$0x8000] =	vst v63  }
0x607: {  	s17 =	sadd.s32 s12, s21;
	s21 =	sld [smem:$0x756]  }
0x608: {  	s18 =	ssub.s32 $0x9F8, s11  }
0x609: {  	[hbm4b:s17+s3] =	stream.linear.scatter [tilespmem:s18], [sflag:$0x1], $0x80, $0x38;
	[tilespmem:$0x8000] =	vst v63  }
0x60a: {  	s17 =	sadd.s32 s12, s21;
	s21 =	sld [smem:$0x758]  }
0x60b: {  	s18 =	ssub.s32 $0x19F8, s11  }
0x60c: {  	[hbm4b:s17+s3] =	stream.linear.scatter [tilespmem:s18], [sflag:$0x1], $0x80, $0x38;
	[tilespmem:$0x8000] =	vst v63  }
0x60d: {  	s17 =	sadd.s32 s12, s21;
	s21 =	sld [smem:$0x75A]  }
0x60e: {  	s18 =	ssub.s32 $0x29F8, s11  }
0x60f: {  	[hbm4b:s17+s3] =	stream.linear.scatter [tilespmem:s18], [sflag:$0x1], $0x80, $0x38;
	[tilespmem:$0x8000] =	vst v63  }
0x610: {  	s17 =	sadd.s32 s12, s21;
	s21 =	sld [smem:$0x75C]  }
0x611: {  	s18 =	ssub.s32 $0x39F8, s11  }
0x612: {  	[hbm4b:s17+s3] =	stream.linear.scatter [tilespmem:s18], [sflag:$0x1], $0x80, $0x38;
	[tilespmem:$0x8000] =	vst v63  }
0x613: {  	s17 =	sadd.s32 s12, s21;
	s21 =	sld [smem:$0x75E]  }
0x614: {  	s18 =	ssub.s32 $0x49F8, s11  }
0x615: {  	[hbm4b:s17+s3] =	stream.linear.scatter [tilespmem:s18], [sflag:$0x1], $0x80, $0x38;
	[tilespmem:$0x8000] =	vst v63  }
0x616: {  	s17 =	sadd.s32 s12, s21;
	s21 =	sld [smem:$0x760]  }
0x617: {  	s18 =	ssub.s32 $0x59F8, s11  }
0x618: {  	[hbm4b:s17+s3] =	stream.linear.scatter [tilespmem:s18], [sflag:$0x1], $0x80, $0x38;
	[tilespmem:$0x8000] =	vst v63  }
0x619: {  	s17 =	sadd.s32 s12, s21;
	s21 =	sld [smem:$0x762]  }
0x61a: {  	s18 =	ssub.s32 $0x69F8, s11  }
0x61b: {  	[hbm4b:s17+s3] =	stream.linear.scatter [tilespmem:s18], [sflag:$0x1], $0x80, $0x38;
	[tilespmem:$0x8000] =	vst v63  }
0x61c: {  	s17 =	sadd.s32 s12, s21;
	s21 =	sld [smem:$0x764]  }
0x61d: {  	s18 =	ssub.s32 $0x79F8, s11  }
0x61e: {  	[hbm4b:s17+s3] =	stream.linear.scatter [tilespmem:s18], [sflag:$0x1], $0x80, $0x38;
	[tilespmem:$0x8000] =	vst v63  }
0x61f: {  	s17 =	sadd.s32 s12, s21;
	s21 =	sld [smem:$0x766]  }
0x620: {  	s18 =	ssub.s32 $0xA78, s11  }
0x621: {  	[hbm4b:s17+s3] =	stream.linear.scatter [tilespmem:s18], [sflag:$0x1], $0x80, $0x38;
	[tilespmem:$0x8000] =	vst v63  }
0x622: {  	s17 =	sadd.s32 s12, s21;
	s21 =	sld [smem:$0x768]  }
0x623: {  	s18 =	ssub.s32 $0x1A78, s11  }
0x624: {  	[hbm4b:s17+s3] =	stream.linear.scatter [tilespmem:s18], [sflag:$0x1], $0x80, $0x38;
	[tilespmem:$0x8000] =	vst v63  }
0x625: {  	s17 =	sadd.s32 s12, s21;
	s21 =	sld [smem:$0x76A]  }
0x626: {  	s18 =	ssub.s32 $0x2A78, s11  }
0x627: {  	[hbm4b:s17+s3] =	stream.linear.scatter [tilespmem:s18], [sflag:$0x1], $0x80, $0x38;
	[tilespmem:$0x8000] =	vst v63  }
0x628: {  	s17 =	sadd.s32 s12, s21;
	s21 =	sld [smem:$0x76C]  }
0x629: {  	s18 =	ssub.s32 $0x3A78, s11  }
0x62a: {  	[hbm4b:s17+s3] =	stream.linear.scatter [tilespmem:s18], [sflag:$0x1], $0x80, $0x38;
	[tilespmem:$0x8000] =	vst v63  }
0x62b: {  	s17 =	sadd.s32 s12, s21;
	s21 =	sld [smem:$0x76E]  }
0x62c: {  	s18 =	ssub.s32 $0x4A78, s11  }
0x62d: {  	[hbm4b:s17+s3] =	stream.linear.scatter [tilespmem:s18], [sflag:$0x1], $0x80, $0x38;
	[tilespmem:$0x8000] =	vst v63  }
0x62e: {  	s17 =	sadd.s32 s12, s21;
	s21 =	sld [smem:$0x770]  }
0x62f: {  	s18 =	ssub.s32 $0x5A78, s11  }
0x630: {  	[hbm4b:s17+s3] =	stream.linear.scatter [tilespmem:s18], [sflag:$0x1], $0x80, $0x38;
	[tilespmem:$0x8000] =	vst v63  }
0x631: {  	s17 =	sadd.s32 s12, s21;
	s21 =	sld [smem:$0x772]  }
0x632: {  	s18 =	ssub.s32 $0x6A78, s11  }
0x633: {  	[hbm4b:s17+s3] =	stream.linear.scatter [tilespmem:s18], [sflag:$0x1], $0x80, $0x38;
	[tilespmem:$0x8000] =	vst v63  }
0x634: {  	s17 =	sadd.s32 s12, s21;
	s21 =	sld [smem:$0x774]  }
0x635: {  	s18 =	ssub.s32 $0x7A78, s11  }
0x636: {  	[hbm4b:s17+s3] =	stream.linear.scatter [tilespmem:s18], [sflag:$0x1], $0x80, $0x38;
	[tilespmem:$0x8000] =	vst v63  }
0x637: {  	s17 =	sadd.s32 s12, s21;
	s21 =	sld [smem:$0x776]  }
0x638: {  	s18 =	ssub.s32 $0xAF8, s11  }
0x639: {  	[hbm4b:s17+s3] =	stream.linear.scatter [tilespmem:s18], [sflag:$0x1], $0x80, $0x38;
	[tilespmem:$0x8000] =	vst v63  }
0x63a: {  	s17 =	sadd.s32 s12, s21;
	s21 =	sld [smem:$0x778]  }
0x63b: {  	s18 =	ssub.s32 $0x1AF8, s11  }
0x63c: {  	[hbm4b:s17+s3] =	stream.linear.scatter [tilespmem:s18], [sflag:$0x1], $0x80, $0x38;
	[tilespmem:$0x8000] =	vst v63  }
0x63d: {  	s17 =	sadd.s32 s12, s21;
	s21 =	sld [smem:$0x77A]  }
0x63e: {  	s18 =	ssub.s32 $0x2AF8, s11  }
0x63f: {  	[hbm4b:s17+s3] =	stream.linear.scatter [tilespmem:s18], [sflag:$0x1], $0x80, $0x38;
	[tilespmem:$0x8000] =	vst v63  }
0x640: {  	s17 =	sadd.s32 s12, s21;
	s21 =	sld [smem:$0x77C]  }
0x641: {  	s18 =	ssub.s32 $0x3AF8, s11  }
0x642: {  	[hbm4b:s17+s3] =	stream.linear.scatter [tilespmem:s18], [sflag:$0x1], $0x80, $0x38;
	[tilespmem:$0x8000] =	vst v63  }
0x643: {  	s17 =	sadd.s32 s12, s21;
	s21 =	sld [smem:$0x77E]  }
0x644: {  	s18 =	ssub.s32 $0x4AF8, s11  }
0x645: {  	[hbm4b:s17+s3] =	stream.linear.scatter [tilespmem:s18], [sflag:$0x1], $0x80, $0x38;
	[tilespmem:$0x8000] =	vst v63  }
0x646: {  	s17 =	sadd.s32 s12, s21;
	s21 =	sld [smem:$0x780]  }
0x647: {  	s18 =	ssub.s32 $0x5AF8, s11  }
0x648: {  	[hbm4b:s17+s3] =	stream.linear.scatter [tilespmem:s18], [sflag:$0x1], $0x80, $0x38;
	[tilespmem:$0x8000] =	vst v63  }
0x649: {  	s17 =	sadd.s32 s12, s21;
	s21 =	sld [smem:$0x782]  }
0x64a: {  	s18 =	ssub.s32 $0x6AF8, s11  }
0x64b: {  	[hbm4b:s17+s3] =	stream.linear.scatter [tilespmem:s18], [sflag:$0x1], $0x80, $0x38;
	[tilespmem:$0x8000] =	vst v63  }
0x64c: {  	s17 =	sadd.s32 s12, s21;
	s21 =	sld [smem:$0x784]  }
0x64d: {  	s18 =	ssub.s32 $0x7AF8, s11  }
0x64e: {  	[hbm4b:s17+s3] =	stream.linear.scatter [tilespmem:s18], [sflag:$0x1], $0x80, $0x38;
	[tilespmem:$0x8000] =	vst v63  }
0x64f: {  	s17 =	sadd.s32 s12, s21;
	s21 =	sld [smem:$0x786]  }
0x650: {  	s18 =	ssub.s32 $0xB78, s11  }
0x651: {  	[hbm4b:s17+s3] =	stream.linear.scatter [tilespmem:s18], [sflag:$0x1], $0x80, $0x38;
	[tilespmem:$0x8000] =	vst v63  }
0x652: {  	s17 =	sadd.s32 s12, s21;
	s21 =	sld [smem:$0x788]  }
0x653: {  	s18 =	ssub.s32 $0x1B78, s11  }
0x654: {  	[hbm4b:s17+s3] =	stream.linear.scatter [tilespmem:s18], [sflag:$0x1], $0x80, $0x38;
	[tilespmem:$0x8000] =	vst v63  }
0x655: {  	s17 =	sadd.s32 s12, s21;
	s21 =	sld [smem:$0x78A]  }
0x656: {  	s18 =	ssub.s32 $0x2B78, s11  }
0x657: {  	[hbm4b:s17+s3] =	stream.linear.scatter [tilespmem:s18], [sflag:$0x1], $0x80, $0x38;
	[tilespmem:$0x8000] =	vst v63  }
0x658: {  	s17 =	sadd.s32 s12, s21;
	s21 =	sld [smem:$0x78C]  }
0x659: {  	s18 =	ssub.s32 $0x3B78, s11  }
0x65a: {  	[hbm4b:s17+s3] =	stream.linear.scatter [tilespmem:s18], [sflag:$0x1], $0x80, $0x38;
	[tilespmem:$0x8000] =	vst v63  }
0x65b: {  	s17 =	sadd.s32 s12, s21;
	s21 =	sld [smem:$0x78E]  }
0x65c: {  	s18 =	ssub.s32 $0x4B78, s11  }
0x65d: {  	[hbm4b:s17+s3] =	stream.linear.scatter [tilespmem:s18], [sflag:$0x1], $0x80, $0x38;
	[tilespmem:$0x8000] =	vst v63  }
0x65e: {  	s17 =	sadd.s32 s12, s21;
	s21 =	sld [smem:$0x790]  }
0x65f: {  	s18 =	ssub.s32 $0x5B78, s11  }
0x660: {  	[hbm4b:s17+s3] =	stream.linear.scatter [tilespmem:s18], [sflag:$0x1], $0x80, $0x38;
	[tilespmem:$0x8000] =	vst v63  }
0x661: {  	s17 =	sadd.s32 s12, s21;
	s21 =	sld [smem:$0x792]  }
0x662: {  	s18 =	ssub.s32 $0x6B78, s11  }
0x663: {  	[hbm4b:s17+s3] =	stream.linear.scatter [tilespmem:s18], [sflag:$0x1], $0x80, $0x38;
	[tilespmem:$0x8000] =	vst v63  }
0x664: {  	s17 =	sadd.s32 s12, s21;
	s21 =	sld [smem:$0x794]  }
0x665: {  	s18 =	ssub.s32 $0x7B78, s11  }
0x666: {  	[hbm4b:s17+s3] =	stream.linear.scatter [tilespmem:s18], [sflag:$0x1], $0x80, $0x38;
	[tilespmem:$0x8000] =	vst v63  }
0x667: {  	s17 =	sadd.s32 s12, s21;
	s21 =	sld [smem:$0x796]  }
0x668: {  	s18 =	ssub.s32 $0xBF8, s11  }
0x669: {  	[hbm4b:s17+s3] =	stream.linear.scatter [tilespmem:s18], [sflag:$0x1], $0x80, $0x38;
	[tilespmem:$0x8000] =	vst v63  }
0x66a: {  	s17 =	sadd.s32 s12, s21;
	s21 =	sld [smem:$0x798]  }
0x66b: {  	s18 =	ssub.s32 $0x1BF8, s11  }
0x66c: {  	[hbm4b:s17+s3] =	stream.linear.scatter [tilespmem:s18], [sflag:$0x1], $0x80, $0x38;
	[tilespmem:$0x8000] =	vst v63  }
0x66d: {  	s17 =	sadd.s32 s12, s21;
	s21 =	sld [smem:$0x79A]  }
0x66e: {  	s18 =	ssub.s32 $0x2BF8, s11  }
0x66f: {  	[hbm4b:s17+s3] =	stream.linear.scatter [tilespmem:s18], [sflag:$0x1], $0x80, $0x38;
	[tilespmem:$0x8000] =	vst v63  }
0x670: {  	s17 =	sadd.s32 s12, s21;
	s21 =	sld [smem:$0x79C]  }
0x671: {  	s18 =	ssub.s32 $0x3BF8, s11  }
0x672: {  	[hbm4b:s17+s3] =	stream.linear.scatter [tilespmem:s18], [sflag:$0x1], $0x80, $0x38;
	[tilespmem:$0x8000] =	vst v63  }
0x673: {  	s17 =	sadd.s32 s12, s21;
	s21 =	sld [smem:$0x79E]  }
0x674: {  	s18 =	ssub.s32 $0x4BF8, s11  }
0x675: {  	[hbm4b:s17+s3] =	stream.linear.scatter [tilespmem:s18], [sflag:$0x1], $0x80, $0x38;
	[tilespmem:$0x8000] =	vst v63  }
0x676: {  	s17 =	sadd.s32 s12, s21;
	s21 =	sld [smem:$0x7A0]  }
0x677: {  	s18 =	ssub.s32 $0x5BF8, s11  }
0x678: {  	[hbm4b:s17+s3] =	stream.linear.scatter [tilespmem:s18], [sflag:$0x1], $0x80, $0x38;
	[tilespmem:$0x8000] =	vst v63  }
0x679: {  	s17 =	sadd.s32 s12, s21;
	s21 =	sld [smem:$0x7A2]  }
0x67a: {  	s18 =	ssub.s32 $0x6BF8, s11  }
0x67b: {  	[hbm4b:s17+s3] =	stream.linear.scatter [tilespmem:s18], [sflag:$0x1], $0x80, $0x38;
	[tilespmem:$0x8000] =	vst v63  }
0x67c: {  	s17 =	sadd.s32 s12, s21;
	s21 =	sld [smem:$0x7A4]  }
0x67d: {  	s18 =	ssub.s32 $0x7BF8, s11  }
0x67e: {  	[hbm4b:s17+s3] =	stream.linear.scatter [tilespmem:s18], [sflag:$0x1], $0x80, $0x38;
	[tilespmem:$0x8000] =	vst v63  }
0x67f: {  	s17 =	sadd.s32 s12, s21;
	s21 =	sld [smem:$0x7A6]  }
0x680: {  	s18 =	ssub.s32 $0xC78, s11  }
0x681: {  	[hbm4b:s17+s3] =	stream.linear.scatter [tilespmem:s18], [sflag:$0x1], $0x80, $0x38;
	[tilespmem:$0x8000] =	vst v63  }
0x682: {  	s17 =	sadd.s32 s12, s21;
	s21 =	sld [smem:$0x7A8]  }
0x683: {  	s18 =	ssub.s32 $0x1C78, s11  }
0x684: {  	[hbm4b:s17+s3] =	stream.linear.scatter [tilespmem:s18], [sflag:$0x1], $0x80, $0x38;
	[tilespmem:$0x8000] =	vst v63  }
0x685: {  	s17 =	sadd.s32 s12, s21;
	s21 =	sld [smem:$0x7AA]  }
0x686: {  	s18 =	ssub.s32 $0x2C78, s11  }
0x687: {  	[hbm4b:s17+s3] =	stream.linear.scatter [tilespmem:s18], [sflag:$0x1], $0x80, $0x38;
	[tilespmem:$0x8000] =	vst v63  }
0x688: {  	s17 =	sadd.s32 s12, s21;
	s21 =	sld [smem:$0x7AC]  }
0x689: {  	s18 =	ssub.s32 $0x3C78, s11  }
0x68a: {  	[hbm4b:s17+s3] =	stream.linear.scatter [tilespmem:s18], [sflag:$0x1], $0x80, $0x38;
	[tilespmem:$0x8000] =	vst v63  }
0x68b: {  	s17 =	sadd.s32 s12, s21;
	s21 =	sld [smem:$0x7AE]  }
0x68c: {  	s18 =	ssub.s32 $0x4C78, s11  }
0x68d: {  	[hbm4b:s17+s3] =	stream.linear.scatter [tilespmem:s18], [sflag:$0x1], $0x80, $0x38;
	[tilespmem:$0x8000] =	vst v63  }
0x68e: {  	s17 =	sadd.s32 s12, s21;
	s21 =	sld [smem:$0x7B0]  }
0x68f: {  	s18 =	ssub.s32 $0x5C78, s11  }
0x690: {  	[hbm4b:s17+s3] =	stream.linear.scatter [tilespmem:s18], [sflag:$0x1], $0x80, $0x38;
	[tilespmem:$0x8000] =	vst v63  }
0x691: {  	s17 =	sadd.s32 s12, s21;
	s21 =	sld [smem:$0x7B2]  }
0x692: {  	s18 =	ssub.s32 $0x6C78, s11  }
0x693: {  	[hbm4b:s17+s3] =	stream.linear.scatter [tilespmem:s18], [sflag:$0x1], $0x80, $0x38;
	[tilespmem:$0x8000] =	vst v63  }
0x694: {  	s17 =	sadd.s32 s12, s21;
	s21 =	sld [smem:$0x7B4]  }
0x695: {  	s18 =	ssub.s32 $0x7C78, s11  }
0x696: {  	[hbm4b:s17+s3] =	stream.linear.scatter [tilespmem:s18], [sflag:$0x1], $0x80, $0x38;
	[tilespmem:$0x8000] =	vst v63  }
0x697: {  	s17 =	sadd.s32 s12, s21;
	s21 =	sld [smem:$0x7B6]  }
0x698: {  	s18 =	ssub.s32 $0xCF8, s11  }
0x699: {  	[hbm4b:s17+s3] =	stream.linear.scatter [tilespmem:s18], [sflag:$0x1], $0x80, $0x38;
	[tilespmem:$0x8000] =	vst v63  }
0x69a: {  	s17 =	sadd.s32 s12, s21;
	s21 =	sld [smem:$0x7B8]  }
0x69b: {  	s18 =	ssub.s32 $0x1CF8, s11  }
0x69c: {  	[hbm4b:s17+s3] =	stream.linear.scatter [tilespmem:s18], [sflag:$0x1], $0x80, $0x38;
	[tilespmem:$0x8000] =	vst v63  }
0x69d: {  	s17 =	sadd.s32 s12, s21;
	s21 =	sld [smem:$0x7BA]  }
0x69e: {  	s18 =	ssub.s32 $0x2CF8, s11  }
0x69f: {  	[hbm4b:s17+s3] =	stream.linear.scatter [tilespmem:s18], [sflag:$0x1], $0x80, $0x38;
	[tilespmem:$0x8000] =	vst v63  }
0x6a0: {  	s17 =	sadd.s32 s12, s21;
	s21 =	sld [smem:$0x7BC]  }
0x6a1: {  	s18 =	ssub.s32 $0x3CF8, s11  }
0x6a2: {  	[hbm4b:s17+s3] =	stream.linear.scatter [tilespmem:s18], [sflag:$0x1], $0x80, $0x38;
	[tilespmem:$0x8000] =	vst v63  }
0x6a3: {  	s17 =	sadd.s32 s12, s21;
	s21 =	sld [smem:$0x7BE]  }
0x6a4: {  	s18 =	ssub.s32 $0x4CF8, s11  }
0x6a5: {  	[hbm4b:s17+s3] =	stream.linear.scatter [tilespmem:s18], [sflag:$0x1], $0x80, $0x38;
	[tilespmem:$0x8000] =	vst v63  }
0x6a6: {  	s17 =	sadd.s32 s12, s21;
	s21 =	sld [smem:$0x7C0]  }
0x6a7: {  	s18 =	ssub.s32 $0x5CF8, s11  }
0x6a8: {  	[hbm4b:s17+s3] =	stream.linear.scatter [tilespmem:s18], [sflag:$0x1], $0x80, $0x38;
	[tilespmem:$0x8000] =	vst v63  }
0x6a9: {  	s17 =	sadd.s32 s12, s21;
	s21 =	sld [smem:$0x7C2]  }
0x6aa: {  	s18 =	ssub.s32 $0x6CF8, s11  }
0x6ab: {  	[hbm4b:s17+s3] =	stream.linear.scatter [tilespmem:s18], [sflag:$0x1], $0x80, $0x38;
	[tilespmem:$0x8000] =	vst v63  }
0x6ac: {  	s17 =	sadd.s32 s12, s21;
	s21 =	sld [smem:$0x7C4]  }
0x6ad: {  	s18 =	ssub.s32 $0x7CF8, s11  }
0x6ae: {  	[hbm4b:s17+s3] =	stream.linear.scatter [tilespmem:s18], [sflag:$0x1], $0x80, $0x38;
	[tilespmem:$0x8000] =	vst v63  }
0x6af: {  	s17 =	sadd.s32 s12, s21;
	s21 =	sld [smem:$0x7C6]  }
0x6b0: {  	s18 =	ssub.s32 $0xD78, s11  }
0x6b1: {  	[hbm4b:s17+s3] =	stream.linear.scatter [tilespmem:s18], [sflag:$0x1], $0x80, $0x38;
	[tilespmem:$0x8000] =	vst v63  }
0x6b2: {  	s17 =	sadd.s32 s12, s21;
	s21 =	sld [smem:$0x7C8]  }
0x6b3: {  	s18 =	ssub.s32 $0x1D78, s11  }
0x6b4: {  	[hbm4b:s17+s3] =	stream.linear.scatter [tilespmem:s18], [sflag:$0x1], $0x80, $0x38;
	[tilespmem:$0x8000] =	vst v63  }
0x6b5: {  	s17 =	sadd.s32 s12, s21;
	s21 =	sld [smem:$0x7CA]  }
0x6b6: {  	s18 =	ssub.s32 $0x2D78, s11  }
0x6b7: {  	[hbm4b:s17+s3] =	stream.linear.scatter [tilespmem:s18], [sflag:$0x1], $0x80, $0x38;
	[tilespmem:$0x8000] =	vst v63  }
0x6b8: {  	s17 =	sadd.s32 s12, s21;
	s21 =	sld [smem:$0x7CC]  }
0x6b9: {  	s18 =	ssub.s32 $0x3D78, s11  }
0x6ba: {  	[hbm4b:s17+s3] =	stream.linear.scatter [tilespmem:s18], [sflag:$0x1], $0x80, $0x38;
	[tilespmem:$0x8000] =	vst v63  }
0x6bb: {  	s17 =	sadd.s32 s12, s21;
	s21 =	sld [smem:$0x7CE]  }
0x6bc: {  	s18 =	ssub.s32 $0x4D78, s11  }
0x6bd: {  	[hbm4b:s17+s3] =	stream.linear.scatter [tilespmem:s18], [sflag:$0x1], $0x80, $0x38;
	[tilespmem:$0x8000] =	vst v63  }
0x6be: {  	s17 =	sadd.s32 s12, s21;
	s21 =	sld [smem:$0x7D0]  }
0x6bf: {  	s18 =	ssub.s32 $0x5D78, s11  }
0x6c0: {  	[hbm4b:s17+s3] =	stream.linear.scatter [tilespmem:s18], [sflag:$0x1], $0x80, $0x38;
	[tilespmem:$0x8000] =	vst v63  }
0x6c1: {  	s17 =	sadd.s32 s12, s21;
	s21 =	sld [smem:$0x7D2]  }
0x6c2: {  	s18 =	ssub.s32 $0x6D78, s11  }
0x6c3: {  	[hbm4b:s17+s3] =	stream.linear.scatter [tilespmem:s18], [sflag:$0x1], $0x80, $0x38;
	[tilespmem:$0x8000] =	vst v63  }
0x6c4: {  	s17 =	sadd.s32 s12, s21;
	s21 =	sld [smem:$0x7D4]  }
0x6c5: {  	s18 =	ssub.s32 $0x7D78, s11  }
0x6c6: {  	[hbm4b:s17+s3] =	stream.linear.scatter [tilespmem:s18], [sflag:$0x1], $0x80, $0x38;
	[tilespmem:$0x8000] =	vst v63  }
0x6c7: {  	s17 =	sadd.s32 s12, s21;
	s21 =	sld [smem:$0x7D6]  }
0x6c8: {  	s18 =	ssub.s32 $0xDF8, s11  }
0x6c9: {  	[hbm4b:s17+s3] =	stream.linear.scatter [tilespmem:s18], [sflag:$0x1], $0x80, $0x38;
	[tilespmem:$0x8000] =	vst v63  }
0x6ca: {  	s17 =	sadd.s32 s12, s21;
	s21 =	sld [smem:$0x7D8]  }
0x6cb: {  	s18 =	ssub.s32 $0x1DF8, s11  }
0x6cc: {  	[hbm4b:s17+s3] =	stream.linear.scatter [tilespmem:s18], [sflag:$0x1], $0x80, $0x38;
	[tilespmem:$0x8000] =	vst v63  }
0x6cd: {  	s17 =	sadd.s32 s12, s21;
	s21 =	sld [smem:$0x7DA]  }
0x6ce: {  	s18 =	ssub.s32 $0x2DF8, s11  }
0x6cf: {  	[hbm4b:s17+s3] =	stream.linear.scatter [tilespmem:s18], [sflag:$0x1], $0x80, $0x38;
	[tilespmem:$0x8000] =	vst v63  }
0x6d0: {  	s17 =	sadd.s32 s12, s21;
	s21 =	sld [smem:$0x7DC]  }
0x6d1: {  	s18 =	ssub.s32 $0x3DF8, s11  }
0x6d2: {  	[hbm4b:s17+s3] =	stream.linear.scatter [tilespmem:s18], [sflag:$0x1], $0x80, $0x38;
	[tilespmem:$0x8000] =	vst v63  }
0x6d3: {  	s17 =	sadd.s32 s12, s21;
	s21 =	sld [smem:$0x7DE]  }
0x6d4: {  	s18 =	ssub.s32 $0x4DF8, s11  }
0x6d5: {  	[hbm4b:s17+s3] =	stream.linear.scatter [tilespmem:s18], [sflag:$0x1], $0x80, $0x38;
	[tilespmem:$0x8000] =	vst v63  }
0x6d6: {  	s17 =	sadd.s32 s12, s21;
	s21 =	sld [smem:$0x7E0]  }
0x6d7: {  	s18 =	ssub.s32 $0x5DF8, s11  }
0x6d8: {  	[hbm4b:s17+s3] =	stream.linear.scatter [tilespmem:s18], [sflag:$0x1], $0x80, $0x38;
	[tilespmem:$0x8000] =	vst v63  }
0x6d9: {  	s17 =	sadd.s32 s12, s21;
	s21 =	sld [smem:$0x7E2]  }
0x6da: {  	s18 =	ssub.s32 $0x6DF8, s11  }
0x6db: {  	[hbm4b:s17+s3] =	stream.linear.scatter [tilespmem:s18], [sflag:$0x1], $0x80, $0x38;
	[tilespmem:$0x8000] =	vst v63  }
0x6dc: {  	s17 =	sadd.s32 s12, s21;
	s21 =	sld [smem:$0x7E4]  }
0x6dd: {  	s18 =	ssub.s32 $0x7DF8, s11  }
0x6de: {  	[hbm4b:s17+s3] =	stream.linear.scatter [tilespmem:s18], [sflag:$0x1], $0x80, $0x38;
	[tilespmem:$0x8000] =	vst v63  }
0x6df: {  	s18 =	ssub.s32 $0xE78, s11;
	s17 =	sadd.s32 s12, s21  }
0x6e0: {  	[hbm4b:s17+s3] =	stream.linear.scatter [tilespmem:s18], [sflag:$0x1], $0x80, $0x38;
	[tilespmem:$0x8000] =	vst v63  }
0x6e1: {  	s21 =	sadd.s32 s12, s26;
	s18 =	ssub.s32 $0x1E78, s11  }
0x6e2: {  	[hbm4b:s21+s3] =	stream.linear.scatter [tilespmem:s18], [sflag:$0x1], $0x80, $0x38;
	[tilespmem:$0x8000] =	vst v63  }
0x6e3: {  	s18 =	ssub.s32 $0x2E78, s11;
	s21 =	sadd.s32 s12, s0  }
0x6e4: {  	[hbm4b:s21+s3] =	stream.linear.scatter [tilespmem:s18], [sflag:$0x1], $0x80, $0x38;
	[tilespmem:$0x8000] =	vst v63  }
0x6e5: {  	s18 =	ssub.s32 $0x3E78, s11;
	s21 =	sadd.s32 s12, s16  }
0x6e6: {  	[hbm4b:s21+s3] =	stream.linear.scatter [tilespmem:s18], [sflag:$0x1], $0x80, $0x38;
	[tilespmem:$0x8000] =	vst v63  }
0x6e7: {  	s18 =	ssub.s32 $0x4E78, s11;
	s21 =	sadd.s32 s12, s20  }
0x6e8: {  	[hbm4b:s21+s3] =	stream.linear.scatter [tilespmem:s18], [sflag:$0x1], $0x80, $0x38;
	[tilespmem:$0x8000] =	vst v63  }
0x6e9: {  	s18 =	ssub.s32 $0x5E78, s11;
	s21 =	sadd.s32 s12, s8  }
0x6ea: {  	[hbm4b:s21+s3] =	stream.linear.scatter [tilespmem:s18], [sflag:$0x1], $0x80, $0x38;
	[tilespmem:$0x8000] =	vst v63  }
0x6eb: {  	s18 =	ssub.s32 $0x6E78, s11;
	s21 =	sadd.s32 s12, s23  }
0x6ec: {  	[hbm4b:s21+s3] =	stream.linear.scatter [tilespmem:s18], [sflag:$0x1], $0x80, $0x38;
	[tilespmem:$0x8000] =	vst v63  }
0x6ed: {  	s18 =	ssub.s32 $0x7E78, s11;
	s21 =	sadd.s32 s12, s24  }
0x6ee: {  	[hbm4b:s21+s3] =	stream.linear.scatter [tilespmem:s18], [sflag:$0x1], $0x80, $0x38;
	[tilespmem:$0x8000] =	vst v63  }
0x6ef: {  	s18 =	ssub.s32 $0xEF8, s11;
	s21 =	sadd.s32 s12, s10  }
0x6f0: {  	[hbm4b:s21+s3] =	stream.linear.scatter [tilespmem:s18], [sflag:$0x1], $0x80, $0x38;
	[tilespmem:$0x8000] =	vst v63  }
0x6f1: {  	s18 =	ssub.s32 $0x1EF8, s11;
	s21 =	sadd.s32 s12, s7  }
0x6f2: {  	[hbm4b:s21+s3] =	stream.linear.scatter [tilespmem:s18], [sflag:$0x1], $0x80, $0x38;
	[tilespmem:$0x8000] =	vst v63  }
0x6f3: {  	s18 =	ssub.s32 $0x2EF8, s11;
	s21 =	sadd.s32 s12, s14  }
0x6f4: {  	[hbm4b:s21+s3] =	stream.linear.scatter [tilespmem:s18], [sflag:$0x1], $0x80, $0x38;
	[tilespmem:$0x8000] =	vst v63  }
0x6f5: {  	s18 =	ssub.s32 $0x3EF8, s11;
	s21 =	sadd.s32 s12, s19  }
0x6f6: {  	[hbm4b:s21+s3] =	stream.linear.scatter [tilespmem:s18], [sflag:$0x1], $0x80, $0x38;
	[tilespmem:$0x8000] =	vst v63  }
0x6f7: {  	s18 =	ssub.s32 $0x4EF8, s11;
	s21 =	sadd.s32 s12, s13  }
0x6f8: {  	[hbm4b:s21+s3] =	stream.linear.scatter [tilespmem:s18], [sflag:$0x1], $0x80, $0x38;
	[tilespmem:$0x8000] =	vst v63  }
0x6f9: {  	s18 =	ssub.s32 $0x5EF8, s11;
	s21 =	sadd.s32 s12, s31  }
0x6fa: {  	[hbm4b:s21+s3] =	stream.linear.scatter [tilespmem:s18], [sflag:$0x1], $0x80, $0x38;
	[tilespmem:$0x8000] =	vst v63  }
0x6fb: {  	s18 =	ssub.s32 $0x6EF8, s11;
	s21 =	sadd.s32 s12, s30  }
0x6fc: {  	[hbm4b:s21+s3] =	stream.linear.scatter [tilespmem:s18], [sflag:$0x1], $0x80, $0x38;
	[tilespmem:$0x8000] =	vst v63  }
0x6fd: {  	s18 =	ssub.s32 $0x7EF8, s11;
	s21 =	sadd.s32 s12, s2  }
0x6fe: {  	[hbm4b:s21+s3] =	stream.linear.scatter [tilespmem:s18], [sflag:$0x1], $0x80, $0x38;
	[tilespmem:$0x8000] =	vst v63  }
0x6ff: {  	s18 =	ssub.s32 $0xF78, s11;
	s21 =	sadd.s32 s12, s4  }
0x700: {  	[hbm4b:s21+s3] =	stream.linear.scatter [tilespmem:s18], [sflag:$0x1], $0x80, $0x38;
	[tilespmem:$0x8000] =	vst v63  }
0x701: {  	s18 =	ssub.s32 $0x1F78, s11;
	s21 =	sadd.s32 s12, s22  }
0x702: {  	[hbm4b:s21+s3] =	stream.linear.scatter [tilespmem:s18], [sflag:$0x1], $0x80, $0x38;
	[tilespmem:$0x8000] =	vst v63  }
0x703: {  	s18 =	ssub.s32 $0x2F78, s11;
	s21 =	sadd.s32 s12, s25  }
0x704: {  	[hbm4b:s21+s3] =	stream.linear.scatter [tilespmem:s18], [sflag:$0x1], $0x80, $0x38;
	[tilespmem:$0x8000] =	vst v63  }
0x705: {  	s18 =	ssub.s32 $0x3F78, s11;
	s21 =	sadd.s32 s12, s28  }
0x706: {  	[hbm4b:s21+s3] =	stream.linear.scatter [tilespmem:s18], [sflag:$0x1], $0x80, $0x38;
	[tilespmem:$0x8000] =	vst v63  }
0x707: {  	s18 =	ssub.s32 $0x4F78, s11;
	s21 =	sadd.s32 s12, s29  }
0x708: {  	[hbm4b:s21+s3] =	stream.linear.scatter [tilespmem:s18], [sflag:$0x1], $0x80, $0x38;
	[tilespmem:$0x8000] =	vst v63  }
0x709: {  	s18 =	ssub.s32 $0x5F78, s11;
	s21 =	sadd.s32 s12, s1  }
0x70a: {  	[hbm4b:s21+s3] =	stream.linear.scatter [tilespmem:s18], [sflag:$0x1], $0x80, $0x38;
	[tilespmem:$0x8000] =	vst v63  }
0x70b: {  	s18 =	ssub.s32 $0x6F78, s11;
	s21 =	sadd.s32 s12, s6  }
0x70c: {  	[hbm4b:s21+s3] =	stream.linear.scatter [tilespmem:s18], [sflag:$0x1], $0x80, $0x38;
	[tilespmem:$0x8000] =	vst v63  }
0x70d: {  	s11 =	ssub.s32 $0x7F78, s11;
	s12 =	sadd.s32 s12, s5  }
0x70e: {  	[hbm4b:s12+s3] =	stream.linear.scatter [tilespmem:s11], [sflag:$0x1], $0x80, $0x38;
	[tilespmem:$0x8000] =	vst v63  }
0x70f: {  	_ =	swait.ge [sflag:s9], $0x4000  }
0x710: {  	[sflag:s9] =	ssyncset.done $0x0  }
0x711: {  	[sflag:s9] =	ssyncadd.s32 $0xFFFFC000  }
0x712: {  	_ =	swait.ge [sflag:s9], $0x4000  }
0x713: {  	s18 =	sld [smem:$0x6AE]  }
0x714: {  	s21 =	sld [smem:$0x7FD];
	_ =	sdelay $0x1  }
0x715: {  	s12 =	sadd.s32 $0x1, s18  }
0x716: {  	p0 =	sne.s32 s12, s21  }
.Ltmp1:
0x717: {  	_ = 	snop;
	(pc) =	sbr.rel @p0 .LBB2_1-.Ltmp1, $3  }
0x718: {  	_ =	sdelay $0x1  }
0x719: {  	[sflag:s9] =	ssyncset.done $0x0  }
0x71a: {  	[sflag:s9] =	ssyncadd.s32 $0xFFFFC000  }
0x71b: {  	_ =	sfence.sel $0x180000  }
0x71c: {  	[bflag:$0x0] =	sbarrier.arrive $0xFFFF  }
0x71d: {  	_ =	strace $0x90000047  }
0x71e: {  	s0 =	stileid.u32;
	[bflag:$0x2] =	sbarrier.arrive $0xFFFF  }
0x71f: {  	p0 =	sne.s32 s0, $0x0;
	s0 =	rddreg [dreg:$0x2]  }
0x720: {  	s0 =	sadd.s32 @!p0 $0x100000, s0  }
0x721: {  	[sflag:s0] =	ssyncadd.tile.s32 @!p0 $0x1;
	_ =	shalt  }
.Lfunc_end2:
_tile_overlayer_lowered:
.L_overlay_start_2:
0x722: {  	(tag) =	ssettag $0x2  }
0x723: {  	s0 =	rddreg [dreg:$0x0];
	s2 =	stileid.u32  }
0x724: {  	s1 =	rddreg [dreg:$0x1];
	p0 =	sne.s32 s2, $0x0  }
0x725: {  	s3 =	rddreg [dreg:$0x2];
	[bflag:$0x3] =	sbarrier.arrive $0xFFFF;
	s2 =	simm.s32 @!p0 $0x1C02  }
0x726: {  	[timem:s3], [sflag:s2] =	dma.local @!p0 [hbm:s0], s1  }
0x727: {  	s0 =	simm.s32 @!p0 $0x2  }
0x728: {  	_ =	swait.ge @!p0 [sflag:s0], s1  }
0x729: {  	s1 =	ssub.s32 @!p0 $0x0, s1;
	[sflag:s0] =	ssyncset.done @!p0 $0x0  }
0x72a: {  	[sflag:s0] =	ssyncadd.s32 @!p0 s1  }
0x72b: {  	[bflag:$0x3] =	sbarrier.arrive $0xFFFF  }
0x72c: {  	_ =	shalt  }

</sc_bundles>
